<compile_context>
chip_gen: v7x
topology: tpu7x:2x2x1
jax: 0.10.2.dev20260603
libtpu: 0.0.44.dev20260713+nightly
codegen_flags: <defaults>
</compile_context>

<pallas_src>
import functools

import jax
import jax.numpy as jnp
from jax import lax
from jax.experimental import pallas as pl
from jax.experimental.pallas import tpu as pltpu
from jax.experimental.pallas import tpu_sc as plsc

_N = 10000
_E = 320000
_DIN = 128
_H = 32
_G = 128
_C = 10

_NS = 16
_NC = 2
_NW = _NC * _NS
_NP = 10112
_R = _NP // 4
_RN = _N // 4
_ROWS_PER_SUB = _NP // _NS
_CHUNK = 128
_CHUNKS_PER_TILE = 80
_EPT = _CHUNK * _CHUNKS_PER_TILE
_EPAD = _EPT * _NW
_NBUF = 8


def _sc_agg(z_pad, es3, zeros_np):

    @functools.partial(
        pl.kernel,
        mesh=plsc.VectorSubcoreMesh(core_axis_name="c", subcore_axis_name="s"),
        out_type=jax.ShapeDtypeStruct((_NC, _NP, _H), jnp.float32),
        scratch_types=[
            pltpu.VMEM((_CHUNKS_PER_TILE, _CHUNK), jnp.int32),
            pltpu.VMEM((_CHUNKS_PER_TILE, _CHUNK), jnp.int32),
            pltpu.VMEM((_NBUF, _CHUNK, _H), jnp.float32),
            pltpu.VMEM_SHARED((_NP, _H), jnp.float32),
            pltpu.SemaphoreType.DMA((_NBUF,)),
        ],
        compiler_params=pltpu.CompilerParams(use_tc_tiling_on_sc=False),
    )
    def agg(z_hbm, es_hbm, zero_hbm, out_hbm,
            src_v, dst_v, rows_v, acc_sh, sem):
        c = lax.axis_index("c")
        s = lax.axis_index("s")
        t = c * _NS + s
        def fire(j, b):
            pltpu.async_copy(z_hbm.at[src_v.at[j]], rows_v.at[b], sem.at[b])

        def drain_scatter(j, b):
            pltpu.make_async_copy(z_hbm.at[src_v.at[j]], rows_v.at[b],
                                  sem.at[b]).wait()
            pltpu.sync_copy(rows_v.at[b], acc_sh.at[dst_v.at[j]], add=True)

        pltpu.sync_copy(es_hbm.at[0, t], src_v)
        for b in range(_NBUF):
            fire(b, b)
        pltpu.sync_copy(es_hbm.at[1, t], dst_v)
        pltpu.sync_copy(zero_hbm.at[pl.ds(s * _ROWS_PER_SUB, _ROWS_PER_SUB)],
                        acc_sh.at[pl.ds(s * _ROWS_PER_SUB, _ROWS_PER_SUB)])
        plsc.subcore_barrier()

        def outer(g, carry):
            for b in range(_NBUF):
                j = g * _NBUF + b
                drain_scatter(j, b)
                fire(j + _NBUF, b)
            return carry

        lax.fori_loop(0, (_CHUNKS_PER_TILE - _NBUF) // _NBUF, outer, 0)
        for b in range(_NBUF):
            drain_scatter(_CHUNKS_PER_TILE - _NBUF + b, b)
        plsc.subcore_barrier()
        pltpu.sync_copy(acc_sh.at[pl.ds(s * _ROWS_PER_SUB, _ROWS_PER_SUB)],
                        out_hbm.at[c, pl.ds(s * _ROWS_PER_SUB, _ROWS_PER_SUB)])

    return agg(z_pad, es3, zeros_np)


def _cat4(v):
    return jnp.concatenate([v, v, v, v], axis=1)


def _blockdiag(w):
    z = jnp.zeros((_H, _H), jnp.float32)
    return jnp.concatenate([
        jnp.concatenate([w, z, z, z], axis=1),
        jnp.concatenate([z, w, z, z], axis=1),
        jnp.concatenate([z, z, w, z], axis=1),
        jnp.concatenate([z, z, z, w], axis=1),
    ], axis=0)


def _proj_body(x_ref, w_ref, y_ref):
    for k in range(4):
        y_ref[:_RN, 32 * k:32 * (k + 1)] = jnp.dot(
            x_ref[k::4, :], w_ref[...], preferred_element_type=jnp.float32)
    y_ref[_RN:, :] = jnp.zeros((_R - _RN, 128), jnp.float32)


def _fold4(s):
    return s[:, 0:32] + s[:, 32:64] + s[:, 64:96] + s[:, 96:128]


def _post_bn_mlp(y_ref, ap_ref, g_ref, be_ref, w2_ref, b2_ref):
    pre = y_ref[...] + ap_ref[:_R, :] + ap_ref[_R:, :]
    s = jnp.sum(pre, axis=0, keepdims=True)
    m = _fold4(s) * (1.0 / _N)
    d = pre - _cat4(m)
    s2 = _fold4(jnp.sum(d * d, axis=0, keepdims=True))
    var = (s2 - float(_NP - _N) * m * m) * (1.0 / _N)
    rs = lax.rsqrt(var + 1e-5)
    hb = _cat4(g_ref[...]) * d * _cat4(rs) + _cat4(be_ref[...])
    hb = jnp.maximum(hb, 0.0)
    h = jnp.dot(hb, _blockdiag(w2_ref[...]),
                preferred_element_type=jnp.float32)
    return jnp.maximum(h + _cat4(b2_ref[...]), 0.0)


def _mid_body(y_ref, ap_ref, g_ref, be_ref, w2_ref, b2_ref, wn_ref,
              h_ref, zn_ref):
    h = _post_bn_mlp(y_ref, ap_ref, g_ref, be_ref, w2_ref, b2_ref)
    h_ref[...] = h
    zn_ref[:_RN, :] = jnp.dot(h[:_RN, :], _blockdiag(wn_ref[...]),
                              preferred_element_type=jnp.float32)
    zn_ref[_RN:, :] = jnp.zeros((_R - _RN, 128), jnp.float32)


def _fin_body(y_ref, ap_ref, g_ref, be_ref, w2_ref, b2_ref,
              h1_ref, h2_ref, fcw_ref, fcb_ref, batchi_ref, out_ref):
    h3 = _post_bn_mlp(y_ref, ap_ref, g_ref, be_ref, w2_ref, b2_ref)
    acc = jnp.broadcast_to(fcb_ref[...], (_G, _C))
    for k in range(4):
        blk = slice(32 * k, 32 * (k + 1))
        qk = (jnp.dot(h1_ref[:, blk], fcw_ref[0:_H, :],
                      preferred_element_type=jnp.float32)
              + jnp.dot(h2_ref[:, blk], fcw_ref[_H:2 * _H, :],
                        preferred_element_type=jnp.float32)
              + jnp.dot(h3[:, blk], fcw_ref[2 * _H:3 * _H, :],
                        preferred_element_type=jnp.float32))
        seg = lax.broadcasted_iota(jnp.int32, (_G, _R), 0)
        mask = (seg == batchi_ref[k:k + 1, :]).astype(jnp.float32)
        acc = acc + jnp.dot(mask, qk, preferred_element_type=jnp.float32)
    out_ref[...] = acc


def kernel(x, edge_index, batch,
           c1_W1, c1_b1, c1_gamma, c1_beta, c1_W2, c1_b2,
           c2_W1, c2_b1, c2_gamma, c2_beta, c2_W2, c2_b2,
           c3_W1, c3_b1, c3_gamma, c3_beta, c3_W2, c3_b2,
           fc_W, fc_b):
    f32 = jnp.float32
    src = edge_index[0]
    dst = edge_index[1]
    pad_idx = _N + (jnp.arange(_EPAD - _E, dtype=jnp.int32) % (_NP - _N))
    es3 = jnp.concatenate(
        [edge_index, jnp.broadcast_to(pad_idx[None, :], (2, _EPAD - _E))],
        axis=1).reshape(2, _NW, _CHUNKS_PER_TILE, _CHUNK)
    zeros_np = jnp.zeros((_NP, _H), f32)
    batchi = jnp.concatenate(
        [batch, jnp.full((_NP - _N,), -1, jnp.int32)]).reshape(_R, 4).T

    gm = [c1_gamma.reshape(1, _H), c2_gamma.reshape(1, _H), c3_gamma.reshape(1, _H)]
    bt = [c1_beta.reshape(1, _H), c2_beta.reshape(1, _H), c3_beta.reshape(1, _H)]
    w2 = [c1_W2, c2_W2, c3_W2]
    b2 = [c1_b2.reshape(1, _H), c2_b2.reshape(1, _H), c3_b2.reshape(1, _H)]
    fcb = fc_b.reshape(1, _C)

    sds = jax.ShapeDtypeStruct
    y1 = pl.pallas_call(_proj_body, out_shape=sds((_R, 128), f32))(x, c1_W1)
    a1 = _sc_agg(y1.reshape(_NP, _H), es3, zeros_np)
    h1, z2 = pl.pallas_call(
        _mid_body, out_shape=(sds((_R, 128), f32), sds((_R, 128), f32)))(
        y1, a1.reshape(2 * _R, 128), gm[0], bt[0], w2[0], b2[0], c2_W1)
    a2 = _sc_agg(z2.reshape(_NP, _H), es3, zeros_np)
    h2, z3 = pl.pallas_call(
        _mid_body, out_shape=(sds((_R, 128), f32), sds((_R, 128), f32)))(
        z2, a2.reshape(2 * _R, 128), gm[1], bt[1], w2[1], b2[1], c3_W1)
    a3 = _sc_agg(z3.reshape(_NP, _H), es3, zeros_np)
    out = pl.pallas_call(
        _fin_body, out_shape=sds((_G, _C), f32))(
        z3, a3.reshape(2 * _R, 128), gm[2], bt[2], w2[2], b2[2],
        h1, h2, fc_W, fcb, batchi)
    return out

# --- scband reference (transcript-rebuilt; emitter-appended) ---
"""Pipeline reference for scband-ginbi-lstm-5403068858441 (READ-ONLY COPY).

The authoritative reference and input builder live on the scoring server;
editing this copy changes nothing except your own understanding.
"""

import jax, jax.numpy as jnp
import numpy as np

N = 10000
E = 320000
D_IN = 128
H = 32
NUM_GRAPHS = 128
NUM_CLASSES = 10


def setup_inputs(seed: int = 0) -> dict:
    key = jax.random.key(seed)
    ks = jax.random.split(key, 24)
    inp = {}
    inp['x'] = jax.random.normal(ks[0], (N, D_IN), dtype=jnp.float32)
    inp['edge_index'] = jax.random.randint(ks[1], (2, E), 0, N, dtype=jnp.int32)
    inp['batch'] = jnp.sort(jax.random.randint(ks[2], (N,), 0, NUM_GRAPHS, dtype=jnp.int32))
    dims = [D_IN, H, H]
    k = 3
    for i in range(3):
        din = dims[i]
        inp[f'c{i+1}_W1'] = jax.random.normal(ks[k], (din, H), dtype=jnp.float32) * 0.05; k += 1
        inp[f'c{i+1}_b1'] = jnp.zeros((H,), dtype=jnp.float32)
        inp[f'c{i+1}_gamma'] = jnp.ones((H,), dtype=jnp.float32)
        inp[f'c{i+1}_beta'] = jnp.zeros((H,), dtype=jnp.float32)
        inp[f'c{i+1}_W2'] = jax.random.normal(ks[k], (H, H), dtype=jnp.float32) * 0.05; k += 1
        inp[f'c{i+1}_b2'] = jnp.zeros((H,), dtype=jnp.float32)
    inp['fc_W'] = jax.random.normal(ks[k], (3 * H, NUM_CLASSES), dtype=jnp.float32) * 0.05
    inp['fc_b'] = jnp.zeros((NUM_CLASSES,), dtype=jnp.float32)
    return inp


def _gin_conv(x, src, dst, W1, b1, gamma, beta, W2, b2):
    # GINConv with eps=0 (PyG default, train_eps=False): mlp((1+eps)*x + sum_{j in N(i)} x_j)
    agg = jnp.zeros_like(x).at[dst].add(x[src])
    h = x + agg
    h = h @ W1 + b1
    # BatchNorm1d in training mode (batch statistics), eps=1e-5
    mean = jnp.mean(h, axis=0)
    var = jnp.var(h, axis=0)
    h = gamma * (h - mean) * jax.lax.rsqrt(var + 1e-5) + beta
    h = jax.nn.relu(h)
    h = h @ W2 + b2
    h = jax.nn.relu(h)
    return h


def reference(x, edge_index, batch, c1_W1, c1_b1, c1_gamma, c1_beta, c1_W2, c1_b2, c2_W1, c2_b1, c2_gamma, c2_beta, c2_W2, c2_b2, c3_W1, c3_b1, c3_gamma, c3_beta, c3_W2, c3_b2, fc_W, fc_b):
    src = edge_index[0]
    dst = edge_index[1]
    h1 = _gin_conv(x, src, dst, c1_W1, c1_b1, c1_gamma, c1_beta, c1_W2, c1_b2)
    h2 = _gin_conv(h1, src, dst, c2_W1, c2_b1, c2_gamma, c2_beta, c2_W2, c2_b2)
    h3 = _gin_conv(h2, src, dst, c3_W1, c3_b1, c3_gamma, c3_beta, c3_W2, c3_b2)
    p1 = jax.ops.segment_sum(h1, batch, num_segments=NUM_GRAPHS)
    p2 = jax.ops.segment_sum(h2, batch, num_segments=NUM_GRAPHS)
    p3 = jax.ops.segment_sum(h3, batch, num_segments=NUM_GRAPHS)
    gin_h = jnp.concatenate([p1, p2, p3], axis=1)
    out = gin_h @ fc_W + fc_b
    return out

if __name__ == "__main__":
    import jax
    _d = setup_inputs()
    print(jax.jit(kernel)(*tuple(_d.values())))

</pallas_src>

<mosaic_0001>
#map = affine_map<(d0, d1) -> (0, 0)>
#map1 = affine_map<(d0, d1) -> (0, 0, 0, 0)>
#map2 = affine_map<(d0, d1) -> (0, 0, 0)>
module attributes {stable_mosaic.version = 14 : i64} {
  func.func @agg(%arg0: i32, %arg1: i32, %arg2: memref<10112x32xf32, #tpu.memory_space<hbm>>, %arg3: memref<2x32x80x128xi32, #tpu.memory_space<hbm>>, %arg4: memref<10112x32xf32, #tpu.memory_space<hbm>>, %arg5: memref<2x10112x32xf32, #tpu.memory_space<hbm>>, %arg6: memref<80x128xi32, #tpu.memory_space<vmem>>, %arg7: memref<80x128xi32, #tpu.memory_space<vmem>>, %arg8: memref<8x128x32xf32, #tpu.memory_space<vmem>>, %arg9: memref<10112x32xf32, #tpu.memory_space<vmem_shared>>, %arg10: memref<8x!tpu.dma_semaphore, #tpu.memory_space<semaphore_mem>>) attributes {dimension_semantics = [#tpu.dimension_semantics<core_parallel>, #tpu.dimension_semantics<subcore_parallel>], iteration_bounds = array<i64: 2, 16>, scalar_prefetch = 0 : i64, scratch_operands = 5 : i64, tpu.core_type = #tpu.core_type<sc_vector_subcore>, window_params = [{transform_indices = #map}, {transform_indices = #map1}, {transform_indices = #map}, {transform_indices = #map2}]} {
    %mul3A = arith.constant 16 : i32
    %mul3A_0 = arith.muli %arg0, %mul3A : i32
    %add3A = arith.addi %mul3A_0, %arg1 : i32
    %run_scoped3A = arith.constant 0 : i32
    "tpu.region"() ({
      %run_scoped3A_270 = tpu.sem_alloc : memref<!tpu.dma_semaphore, #tpu.memory_space<semaphore_mem>>
      %dma_start3A_271 = arith.constant 0 : i32
      %dma_start3A_272 = arith.constant 0 : i32
      %dma_start3A_273 = tpu.memref_slice %arg3[%run_scoped3A, %add3A, %dma_start3A_271, %dma_start3A_272] : memref<2x32x80x128xi32, #tpu.memory_space<hbm>> -> memref<1x1x80x128xi32, #tpu.memory_space<hbm>>
      %dma_start3A_274 = tpu.memref_squeeze %dma_start3A_273 : memref<1x1x80x128xi32, #tpu.memory_space<hbm>> -> memref<80x128xi32, #tpu.memory_space<hbm>>
      %dma_start3A_275 = arith.constant 0 : i32
      %dma_start3A_276 = arith.constant 0 : i32
      %dma_start3A_277 = tpu.memref_slice %arg3[%run_scoped3A, %add3A, %dma_start3A_275, %dma_start3A_276] : memref<2x32x80x128xi32, #tpu.memory_space<hbm>> -> memref<1x1x80x128xi32, #tpu.memory_space<hbm>>
      %dma_start3A_278 = tpu.memref_squeeze %dma_start3A_277 : memref<1x1x80x128xi32, #tpu.memory_space<hbm>> -> memref<80x128xi32, #tpu.memory_space<hbm>>
      tpu.enqueue_dma source(%dma_start3A_278 : memref<80x128xi32, #tpu.memory_space<hbm>>) target(%arg6 : memref<80x128xi32, #tpu.memory_space<vmem>>) target_semaphore(%run_scoped3A_270 : memref<!tpu.dma_semaphore, #tpu.memory_space<semaphore_mem>>)
      %dma_wait3A_279 = arith.constant 0 : i32
      %dma_wait3A_280 = arith.constant 0 : i32
      %dma_wait3A_281 = tpu.memref_slice %arg3[%run_scoped3A, %add3A, %dma_wait3A_279, %dma_wait3A_280] : memref<2x32x80x128xi32, #tpu.memory_space<hbm>> -> memref<1x1x80x128xi32, #tpu.memory_space<hbm>>
      %dma_wait3A_282 = tpu.memref_squeeze %dma_wait3A_281 : memref<1x1x80x128xi32, #tpu.memory_space<hbm>> -> memref<80x128xi32, #tpu.memory_space<hbm>>
      %dma_wait3A_283 = arith.constant 0 : i32
      %dma_wait3A_284 = arith.constant 0 : i32
      %dma_wait3A_285 = tpu.memref_slice %arg3[%run_scoped3A, %add3A, %dma_wait3A_283, %dma_wait3A_284] : memref<2x32x80x128xi32, #tpu.memory_space<hbm>> -> memref<1x1x80x128xi32, #tpu.memory_space<hbm>>
      %dma_wait3A_286 = tpu.memref_squeeze %dma_wait3A_285 : memref<1x1x80x128xi32, #tpu.memory_space<hbm>> -> memref<80x128xi32, #tpu.memory_space<hbm>>
      tpu.wait_dma2 semaphore(%run_scoped3A_270 : memref<!tpu.dma_semaphore, #tpu.memory_space<semaphore_mem>>) src(%dma_wait3A_286 : memref<80x128xi32, #tpu.memory_space<hbm>>) dst(%arg6 : memref<80x128xi32, #tpu.memory_space<vmem>>)
      tpu.yield
    }) : () -> ()
    %dma_start3A = arith.constant 0 : i32
    %dma_start3A_1 = arith.constant 0 : i32
    %dma_start3A_2 = arith.constant 0 : i32
    %dma_start3A_3 = arith.constant 0 : i32
    %dma_start3A_4 = arith.constant 0 : i32
    %dma_start3A_5 = tpu.memref_slice %arg8[%dma_start3A_1, %dma_start3A_3, %dma_start3A_4] : memref<8x128x32xf32, #tpu.memory_space<vmem>> -> memref<1x128x32xf32, #tpu.memory_space<vmem>>
    %dma_start3A_6 = tpu.memref_squeeze %dma_start3A_5 : memref<1x128x32xf32, #tpu.memory_space<vmem>> -> memref<128x32xf32, #tpu.memory_space<vmem>>
    %dma_start3A_7 = arith.constant 0 : i32
    %dma_start3A_8 = tpu.memref_slice %arg6[%dma_start3A, %dma_start3A_7] : memref<80x128xi32, #tpu.memory_space<vmem>> -> memref<1x128xi32, #tpu.memory_space<vmem>>
    %dma_start3A_9 = tpu.memref_squeeze %dma_start3A_8 : memref<1x128xi32, #tpu.memory_space<vmem>> -> memref<128xi32, #tpu.memory_space<vmem>>
    %dma_start3A_10 = arith.constant 0 : i32
    %dma_start3A_11 = arith.constant 0 : i32
    %dma_start3A_12 = tpu.memref_slice %arg2[%dma_start3A_10, %dma_start3A_11] : memref<10112x32xf32, #tpu.memory_space<hbm>> -> memref<10112x32xf32, #tpu.memory_space<hbm>>
    %dma_start3A_13 = tpu.memref_slice %arg10[%dma_start3A_2] : memref<8x!tpu.dma_semaphore, #tpu.memory_space<semaphore_mem>> -> memref<1x!tpu.dma_semaphore, #tpu.memory_space<semaphore_mem>>
    %dma_start3A_14 = tpu.memref_squeeze %dma_start3A_13 : memref<1x!tpu.dma_semaphore, #tpu.memory_space<semaphore_mem>> -> memref<!tpu.dma_semaphore, #tpu.memory_space<semaphore_mem>>
    tpu.enqueue_indirect_dma source(%dma_start3A_12 : memref<10112x32xf32, #tpu.memory_space<hbm>>) target(%dma_start3A_6 : memref<128x32xf32, #tpu.memory_space<vmem>>) offsets(%dma_start3A_9 : memref<128xi32, #tpu.memory_space<vmem>>) semaphore(%dma_start3A_14 : memref<!tpu.dma_semaphore, #tpu.memory_space<semaphore_mem>>)
    %dma_start3A_15 = arith.constant 1 : i32
    %dma_start3A_16 = arith.constant 1 : i32
    %dma_start3A_17 = arith.constant 1 : i32
    %dma_start3A_18 = arith.constant 0 : i32
    %dma_start3A_19 = arith.constant 0 : i32
    %dma_start3A_20 = tpu.memref_slice %arg8[%dma_start3A_16, %dma_start3A_18, %dma_start3A_19] : memref<8x128x32xf32, #tpu.memory_space<vmem>> -> memref<1x128x32xf32, #tpu.memory_space<vmem>>
    %dma_start3A_21 = tpu.memref_squeeze %dma_start3A_20 : memref<1x128x32xf32, #tpu.memory_space<vmem>> -> memref<128x32xf32, #tpu.memory_space<vmem>>
    %dma_start3A_22 = arith.constant 0 : i32
    %dma_start3A_23 = tpu.memref_slice %arg6[%dma_start3A_15, %dma_start3A_22] : memref<80x128xi32, #tpu.memory_space<vmem>> -> memref<1x128xi32, #tpu.memory_space<vmem>>
    %dma_start3A_24 = tpu.memref_squeeze %dma_start3A_23 : memref<1x128xi32, #tpu.memory_space<vmem>> -> memref<128xi32, #tpu.memory_space<vmem>>
    %dma_start3A_25 = arith.constant 0 : i32
    %dma_start3A_26 = arith.constant 0 : i32
    %dma_start3A_27 = tpu.memref_slice %arg2[%dma_start3A_25, %dma_start3A_26] : memref<10112x32xf32, #tpu.memory_space<hbm>> -> memref<10112x32xf32, #tpu.memory_space<hbm>>
    %dma_start3A_28 = tpu.memref_slice %arg10[%dma_start3A_17] : memref<8x!tpu.dma_semaphore, #tpu.memory_space<semaphore_mem>> -> memref<1x!tpu.dma_semaphore, #tpu.memory_space<semaphore_mem>>
    %dma_start3A_29 = tpu.memref_squeeze %dma_start3A_28 : memref<1x!tpu.dma_semaphore, #tpu.memory_space<semaphore_mem>> -> memref<!tpu.dma_semaphore, #tpu.memory_space<semaphore_mem>>
    tpu.enqueue_indirect_dma source(%dma_start3A_27 : memref<10112x32xf32, #tpu.memory_space<hbm>>) target(%dma_start3A_21 : memref<128x32xf32, #tpu.memory_space<vmem>>) offsets(%dma_start3A_24 : memref<128xi32, #tpu.memory_space<vmem>>) semaphore(%dma_start3A_29 : memref<!tpu.dma_semaphore, #tpu.memory_space<semaphore_mem>>)
    %dma_start3A_30 = arith.constant 2 : i32
    %dma_start3A_31 = arith.constant 2 : i32
    %dma_start3A_32 = arith.constant 2 : i32
    %dma_start3A_33 = arith.constant 0 : i32
    %dma_start3A_34 = arith.constant 0 : i32
    %dma_start3A_35 = tpu.memref_slice %arg8[%dma_start3A_31, %dma_start3A_33, %dma_start3A_34] : memref<8x128x32xf32, #tpu.memory_space<vmem>> -> memref<1x128x32xf32, #tpu.memory_space<vmem>>
    %dma_start3A_36 = tpu.memref_squeeze %dma_start3A_35 : memref<1x128x32xf32, #tpu.memory_space<vmem>> -> memref<128x32xf32, #tpu.memory_space<vmem>>
    %dma_start3A_37 = arith.constant 0 : i32
    %dma_start3A_38 = tpu.memref_slice %arg6[%dma_start3A_30, %dma_start3A_37] : memref<80x128xi32, #tpu.memory_space<vmem>> -> memref<1x128xi32, #tpu.memory_space<vmem>>
    %dma_start3A_39 = tpu.memref_squeeze %dma_start3A_38 : memref<1x128xi32, #tpu.memory_space<vmem>> -> memref<128xi32, #tpu.memory_space<vmem>>
    %dma_start3A_40 = arith.constant 0 : i32
    %dma_start3A_41 = arith.constant 0 : i32
    %dma_start3A_42 = tpu.memref_slice %arg2[%dma_start3A_40, %dma_start3A_41] : memref<10112x32xf32, #tpu.memory_space<hbm>> -> memref<10112x32xf32, #tpu.memory_space<hbm>>
    %dma_start3A_43 = tpu.memref_slice %arg10[%dma_start3A_32] : memref<8x!tpu.dma_semaphore, #tpu.memory_space<semaphore_mem>> -> memref<1x!tpu.dma_semaphore, #tpu.memory_space<semaphore_mem>>
    %dma_start3A_44 = tpu.memref_squeeze %dma_start3A_43 : memref<1x!tpu.dma_semaphore, #tpu.memory_space<semaphore_mem>> -> memref<!tpu.dma_semaphore, #tpu.memory_space<semaphore_mem>>
    tpu.enqueue_indirect_dma source(%dma_start3A_42 : memref<10112x32xf32, #tpu.memory_space<hbm>>) target(%dma_start3A_36 : memref<128x32xf32, #tpu.memory_space<vmem>>) offsets(%dma_start3A_39 : memref<128xi32, #tpu.memory_space<vmem>>) semaphore(%dma_start3A_44 : memref<!tpu.dma_semaphore, #tpu.memory_space<semaphore_mem>>)
    %dma_start3A_45 = arith.constant 3 : i32
    %dma_start3A_46 = arith.constant 3 : i32
    %dma_start3A_47 = arith.constant 3 : i32
    %dma_start3A_48 = arith.constant 0 : i32
    %dma_start3A_49 = arith.constant 0 : i32
    %dma_start3A_50 = tpu.memref_slice %arg8[%dma_start3A_46, %dma_start3A_48, %dma_start3A_49] : memref<8x128x32xf32, #tpu.memory_space<vmem>> -> memref<1x128x32xf32, #tpu.memory_space<vmem>>
    %dma_start3A_51 = tpu.memref_squeeze %dma_start3A_50 : memref<1x128x32xf32, #tpu.memory_space<vmem>> -> memref<128x32xf32, #tpu.memory_space<vmem>>
    %dma_start3A_52 = arith.constant 0 : i32
    %dma_start3A_53 = tpu.memref_slice %arg6[%dma_start3A_45, %dma_start3A_52] : memref<80x128xi32, #tpu.memory_space<vmem>> -> memref<1x128xi32, #tpu.memory_space<vmem>>
    %dma_start3A_54 = tpu.memref_squeeze %dma_start3A_53 : memref<1x128xi32, #tpu.memory_space<vmem>> -> memref<128xi32, #tpu.memory_space<vmem>>
    %dma_start3A_55 = arith.constant 0 : i32
    %dma_start3A_56 = arith.constant 0 : i32
    %dma_start3A_57 = tpu.memref_slice %arg2[%dma_start3A_55, %dma_start3A_56] : memref<10112x32xf32, #tpu.memory_space<hbm>> -> memref<10112x32xf32, #tpu.memory_space<hbm>>
    %dma_start3A_58 = tpu.memref_slice %arg10[%dma_start3A_47] : memref<8x!tpu.dma_semaphore, #tpu.memory_space<semaphore_mem>> -> memref<1x!tpu.dma_semaphore, #tpu.memory_space<semaphore_mem>>
    %dma_start3A_59 = tpu.memref_squeeze %dma_start3A_58 : memref<1x!tpu.dma_semaphore, #tpu.memory_space<semaphore_mem>> -> memref<!tpu.dma_semaphore, #tpu.memory_space<semaphore_mem>>
    tpu.enqueue_indirect_dma source(%dma_start3A_57 : memref<10112x32xf32, #tpu.memory_space<hbm>>) target(%dma_start3A_51 : memref<128x32xf32, #tpu.memory_space<vmem>>) offsets(%dma_start3A_54 : memref<128xi32, #tpu.memory_space<vmem>>) semaphore(%dma_start3A_59 : memref<!tpu.dma_semaphore, #tpu.memory_space<semaphore_mem>>)
    %dma_start3A_60 = arith.constant 4 : i32
    %dma_start3A_61 = arith.constant 4 : i32
    %dma_start3A_62 = arith.constant 4 : i32
    %dma_start3A_63 = arith.constant 0 : i32
    %dma_start3A_64 = arith.constant 0 : i32
    %dma_start3A_65 = tpu.memref_slice %arg8[%dma_start3A_61, %dma_start3A_63, %dma_start3A_64] : memref<8x128x32xf32, #tpu.memory_space<vmem>> -> memref<1x128x32xf32, #tpu.memory_space<vmem>>
    %dma_start3A_66 = tpu.memref_squeeze %dma_start3A_65 : memref<1x128x32xf32, #tpu.memory_space<vmem>> -> memref<128x32xf32, #tpu.memory_space<vmem>>
    %dma_start3A_67 = arith.constant 0 : i32
    %dma_start3A_68 = tpu.memref_slice %arg6[%dma_start3A_60, %dma_start3A_67] : memref<80x128xi32, #tpu.memory_space<vmem>> -> memref<1x128xi32, #tpu.memory_space<vmem>>
    %dma_start3A_69 = tpu.memref_squeeze %dma_start3A_68 : memref<1x128xi32, #tpu.memory_space<vmem>> -> memref<128xi32, #tpu.memory_space<vmem>>
    %dma_start3A_70 = arith.constant 0 : i32
    %dma_start3A_71 = arith.constant 0 : i32
    %dma_start3A_72 = tpu.memref_slice %arg2[%dma_start3A_70, %dma_start3A_71] : memref<10112x32xf32, #tpu.memory_space<hbm>> -> memref<10112x32xf32, #tpu.memory_space<hbm>>
    %dma_start3A_73 = tpu.memref_slice %arg10[%dma_start3A_62] : memref<8x!tpu.dma_semaphore, #tpu.memory_space<semaphore_mem>> -> memref<1x!tpu.dma_semaphore, #tpu.memory_space<semaphore_mem>>
    %dma_start3A_74 = tpu.memref_squeeze %dma_start3A_73 : memref<1x!tpu.dma_semaphore, #tpu.memory_space<semaphore_mem>> -> memref<!tpu.dma_semaphore, #tpu.memory_space<semaphore_mem>>
    tpu.enqueue_indirect_dma source(%dma_start3A_72 : memref<10112x32xf32, #tpu.memory_space<hbm>>) target(%dma_start3A_66 : memref<128x32xf32, #tpu.memory_space<vmem>>) offsets(%dma_start3A_69 : memref<128xi32, #tpu.memory_space<vmem>>) semaphore(%dma_start3A_74 : memref<!tpu.dma_semaphore, #tpu.memory_space<semaphore_mem>>)
    %dma_start3A_75 = arith.constant 5 : i32
    %dma_start3A_76 = arith.constant 5 : i32
    %dma_start3A_77 = arith.constant 5 : i32
    %dma_start3A_78 = arith.constant 0 : i32
    %dma_start3A_79 = arith.constant 0 : i32
    %dma_start3A_80 = tpu.memref_slice %arg8[%dma_start3A_76, %dma_start3A_78, %dma_start3A_79] : memref<8x128x32xf32, #tpu.memory_space<vmem>> -> memref<1x128x32xf32, #tpu.memory_space<vmem>>
    %dma_start3A_81 = tpu.memref_squeeze %dma_start3A_80 : memref<1x128x32xf32, #tpu.memory_space<vmem>> -> memref<128x32xf32, #tpu.memory_space<vmem>>
    %dma_start3A_82 = arith.constant 0 : i32
    %dma_start3A_83 = tpu.memref_slice %arg6[%dma_start3A_75, %dma_start3A_82] : memref<80x128xi32, #tpu.memory_space<vmem>> -> memref<1x128xi32, #tpu.memory_space<vmem>>
    %dma_start3A_84 = tpu.memref_squeeze %dma_start3A_83 : memref<1x128xi32, #tpu.memory_space<vmem>> -> memref<128xi32, #tpu.memory_space<vmem>>
    %dma_start3A_85 = arith.constant 0 : i32
    %dma_start3A_86 = arith.constant 0 : i32
    %dma_start3A_87 = tpu.memref_slice %arg2[%dma_start3A_85, %dma_start3A_86] : memref<10112x32xf32, #tpu.memory_space<hbm>> -> memref<10112x32xf32, #tpu.memory_space<hbm>>
    %dma_start3A_88 = tpu.memref_slice %arg10[%dma_start3A_77] : memref<8x!tpu.dma_semaphore, #tpu.memory_space<semaphore_mem>> -> memref<1x!tpu.dma_semaphore, #tpu.memory_space<semaphore_mem>>
    %dma_start3A_89 = tpu.memref_squeeze %dma_start3A_88 : memref<1x!tpu.dma_semaphore, #tpu.memory_space<semaphore_mem>> -> memref<!tpu.dma_semaphore, #tpu.memory_space<semaphore_mem>>
    tpu.enqueue_indirect_dma source(%dma_start3A_87 : memref<10112x32xf32, #tpu.memory_space<hbm>>) target(%dma_start3A_81 : memref<128x32xf32, #tpu.memory_space<vmem>>) offsets(%dma_start3A_84 : memref<128xi32, #tpu.memory_space<vmem>>) semaphore(%dma_start3A_89 : memref<!tpu.dma_semaphore, #tpu.memory_space<semaphore_mem>>)
    %dma_start3A_90 = arith.constant 6 : i32
    %dma_start3A_91 = arith.constant 6 : i32
    %dma_start3A_92 = arith.constant 6 : i32
    %dma_start3A_93 = arith.constant 0 : i32
    %dma_start3A_94 = arith.constant 0 : i32
    %dma_start3A_95 = tpu.memref_slice %arg8[%dma_start3A_91, %dma_start3A_93, %dma_start3A_94] : memref<8x128x32xf32, #tpu.memory_space<vmem>> -> memref<1x128x32xf32, #tpu.memory_space<vmem>>
    %dma_start3A_96 = tpu.memref_squeeze %dma_start3A_95 : memref<1x128x32xf32, #tpu.memory_space<vmem>> -> memref<128x32xf32, #tpu.memory_space<vmem>>
    %dma_start3A_97 = arith.constant 0 : i32
    %dma_start3A_98 = tpu.memref_slice %arg6[%dma_start3A_90, %dma_start3A_97] : memref<80x128xi32, #tpu.memory_space<vmem>> -> memref<1x128xi32, #tpu.memory_space<vmem>>
    %dma_start3A_99 = tpu.memref_squeeze %dma_start3A_98 : memref<1x128xi32, #tpu.memory_space<vmem>> -> memref<128xi32, #tpu.memory_space<vmem>>
    %dma_start3A_100 = arith.constant 0 : i32
    %dma_start3A_101 = arith.constant 0 : i32
    %dma_start3A_102 = tpu.memref_slice %arg2[%dma_start3A_100, %dma_start3A_101] : memref<10112x32xf32, #tpu.memory_space<hbm>> -> memref<10112x32xf32, #tpu.memory_space<hbm>>
    %dma_start3A_103 = tpu.memref_slice %arg10[%dma_start3A_92] : memref<8x!tpu.dma_semaphore, #tpu.memory_space<semaphore_mem>> -> memref<1x!tpu.dma_semaphore, #tpu.memory_space<semaphore_mem>>
    %dma_start3A_104 = tpu.memref_squeeze %dma_start3A_103 : memref<1x!tpu.dma_semaphore, #tpu.memory_space<semaphore_mem>> -> memref<!tpu.dma_semaphore, #tpu.memory_space<semaphore_mem>>
    tpu.enqueue_indirect_dma source(%dma_start3A_102 : memref<10112x32xf32, #tpu.memory_space<hbm>>) target(%dma_start3A_96 : memref<128x32xf32, #tpu.memory_space<vmem>>) offsets(%dma_start3A_99 : memref<128xi32, #tpu.memory_space<vmem>>) semaphore(%dma_start3A_104 : memref<!tpu.dma_semaphore, #tpu.memory_space<semaphore_mem>>)
    %dma_start3A_105 = arith.constant 7 : i32
    %dma_start3A_106 = arith.constant 7 : i32
    %dma_start3A_107 = arith.constant 7 : i32
    %dma_start3A_108 = arith.constant 0 : i32
    %dma_start3A_109 = arith.constant 0 : i32
    %dma_start3A_110 = tpu.memref_slice %arg8[%dma_start3A_106, %dma_start3A_108, %dma_start3A_109] : memref<8x128x32xf32, #tpu.memory_space<vmem>> -> memref<1x128x32xf32, #tpu.memory_space<vmem>>
    %dma_start3A_111 = tpu.memref_squeeze %dma_start3A_110 : memref<1x128x32xf32, #tpu.memory_space<vmem>> -> memref<128x32xf32, #tpu.memory_space<vmem>>
    %dma_start3A_112 = arith.constant 0 : i32
    %dma_start3A_113 = tpu.memref_slice %arg6[%dma_start3A_105, %dma_start3A_112] : memref<80x128xi32, #tpu.memory_space<vmem>> -> memref<1x128xi32, #tpu.memory_space<vmem>>
    %dma_start3A_114 = tpu.memref_squeeze %dma_start3A_113 : memref<1x128xi32, #tpu.memory_space<vmem>> -> memref<128xi32, #tpu.memory_space<vmem>>
    %dma_start3A_115 = arith.constant 0 : i32
    %dma_start3A_116 = arith.constant 0 : i32
    %dma_start3A_117 = tpu.memref_slice %arg2[%dma_start3A_115, %dma_start3A_116] : memref<10112x32xf32, #tpu.memory_space<hbm>> -> memref<10112x32xf32, #tpu.memory_space<hbm>>
    %dma_start3A_118 = tpu.memref_slice %arg10[%dma_start3A_107] : memref<8x!tpu.dma_semaphore, #tpu.memory_space<semaphore_mem>> -> memref<1x!tpu.dma_semaphore, #tpu.memory_space<semaphore_mem>>
    %dma_start3A_119 = tpu.memref_squeeze %dma_start3A_118 : memref<1x!tpu.dma_semaphore, #tpu.memory_space<semaphore_mem>> -> memref<!tpu.dma_semaphore, #tpu.memory_space<semaphore_mem>>
    tpu.enqueue_indirect_dma source(%dma_start3A_117 : memref<10112x32xf32, #tpu.memory_space<hbm>>) target(%dma_start3A_111 : memref<128x32xf32, #tpu.memory_space<vmem>>) offsets(%dma_start3A_114 : memref<128xi32, #tpu.memory_space<vmem>>) semaphore(%dma_start3A_119 : memref<!tpu.dma_semaphore, #tpu.memory_space<semaphore_mem>>)
    %run_scoped3A_120 = arith.constant 1 : i32
    "tpu.region"() ({
      %run_scoped3A_270 = tpu.sem_alloc : memref<!tpu.dma_semaphore, #tpu.memory_space<semaphore_mem>>
      %dma_start3A_271 = arith.constant 0 : i32
      %dma_start3A_272 = arith.constant 0 : i32
      %dma_start3A_273 = tpu.memref_slice %arg3[%run_scoped3A_120, %add3A, %dma_start3A_271, %dma_start3A_272] : memref<2x32x80x128xi32, #tpu.memory_space<hbm>> -> memref<1x1x80x128xi32, #tpu.memory_space<hbm>>
      %dma_start3A_274 = tpu.memref_squeeze %dma_start3A_273 : memref<1x1x80x128xi32, #tpu.memory_space<hbm>> -> memref<80x128xi32, #tpu.memory_space<hbm>>
      %dma_start3A_275 = arith.constant 0 : i32
      %dma_start3A_276 = arith.constant 0 : i32
      %dma_start3A_277 = tpu.memref_slice %arg3[%run_scoped3A_120, %add3A, %dma_start3A_275, %dma_start3A_276] : memref<2x32x80x128xi32, #tpu.memory_space<hbm>> -> memref<1x1x80x128xi32, #tpu.memory_space<hbm>>
      %dma_start3A_278 = tpu.memref_squeeze %dma_start3A_277 : memref<1x1x80x128xi32, #tpu.memory_space<hbm>> -> memref<80x128xi32, #tpu.memory_space<hbm>>
      tpu.enqueue_dma source(%dma_start3A_278 : memref<80x128xi32, #tpu.memory_space<hbm>>) target(%arg7 : memref<80x128xi32, #tpu.memory_space<vmem>>) target_semaphore(%run_scoped3A_270 : memref<!tpu.dma_semaphore, #tpu.memory_space<semaphore_mem>>)
      %dma_wait3A_279 = arith.constant 0 : i32
      %dma_wait3A_280 = arith.constant 0 : i32
      %dma_wait3A_281 = tpu.memref_slice %arg3[%run_scoped3A_120, %add3A, %dma_wait3A_279, %dma_wait3A_280] : memref<2x32x80x128xi32, #tpu.memory_space<hbm>> -> memref<1x1x80x128xi32, #tpu.memory_space<hbm>>
      %dma_wait3A_282 = tpu.memref_squeeze %dma_wait3A_281 : memref<1x1x80x128xi32, #tpu.memory_space<hbm>> -> memref<80x128xi32, #tpu.memory_space<hbm>>
      %dma_wait3A_283 = arith.constant 0 : i32
      %dma_wait3A_284 = arith.constant 0 : i32
      %dma_wait3A_285 = tpu.memref_slice %arg3[%run_scoped3A_120, %add3A, %dma_wait3A_283, %dma_wait3A_284] : memref<2x32x80x128xi32, #tpu.memory_space<hbm>> -> memref<1x1x80x128xi32, #tpu.memory_space<hbm>>
      %dma_wait3A_286 = tpu.memref_squeeze %dma_wait3A_285 : memref<1x1x80x128xi32, #tpu.memory_space<hbm>> -> memref<80x128xi32, #tpu.memory_space<hbm>>
      tpu.wait_dma2 semaphore(%run_scoped3A_270 : memref<!tpu.dma_semaphore, #tpu.memory_space<semaphore_mem>>) src(%dma_wait3A_286 : memref<80x128xi32, #tpu.memory_space<hbm>>) dst(%arg7 : memref<80x128xi32, #tpu.memory_space<vmem>>)
      tpu.yield
    }) : () -> ()
    %mul3A_121 = arith.constant 632 : i32
    %mul3A_122 = arith.muli %arg1, %mul3A_121 : i32
    %mul3A_123 = arith.constant 632 : i32
    %mul3A_124 = arith.muli %arg1, %mul3A_123 : i32
    "tpu.region"() ({
      %run_scoped3A_270 = tpu.sem_alloc : memref<!tpu.dma_semaphore, #tpu.memory_space<semaphore_mem>>
      %dma_start3A_271 = arith.constant 0 : i32
      %dma_start3A_272 = tpu.memref_slice %arg9[%mul3A_124, %dma_start3A_271] : memref<10112x32xf32, #tpu.memory_space<vmem_shared>> -> memref<632x32xf32, #tpu.memory_space<vmem_shared>>
      %dma_start3A_273 = arith.constant 0 : i32
      %dma_start3A_274 = tpu.memref_slice %arg4[%mul3A_122, %dma_start3A_273] : memref<10112x32xf32, #tpu.memory_space<hbm>> -> memref<632x32xf32, #tpu.memory_space<hbm>>
      tpu.enqueue_dma source(%dma_start3A_274 : memref<632x32xf32, #tpu.memory_space<hbm>>) target(%dma_start3A_272 : memref<632x32xf32, #tpu.memory_space<vmem_shared>>) target_semaphore(%run_scoped3A_270 : memref<!tpu.dma_semaphore, #tpu.memory_space<semaphore_mem>>)
      %dma_wait3A_275 = arith.constant 0 : i32
      %dma_wait3A_276 = tpu.memref_slice %arg9[%mul3A_124, %dma_wait3A_275] : memref<10112x32xf32, #tpu.memory_space<vmem_shared>> -> memref<632x32xf32, #tpu.memory_space<vmem_shared>>
      %dma_wait3A_277 = arith.constant 0 : i32
      %dma_wait3A_278 = tpu.memref_slice %arg4[%mul3A_122, %dma_wait3A_277] : memref<10112x32xf32, #tpu.memory_space<hbm>> -> memref<632x32xf32, #tpu.memory_space<hbm>>
      tpu.wait_dma2 semaphore(%run_scoped3A_270 : memref<!tpu.dma_semaphore, #tpu.memory_space<semaphore_mem>>) src(%dma_wait3A_278 : memref<632x32xf32, #tpu.memory_space<hbm>>) dst(%dma_wait3A_276 : memref<632x32xf32, #tpu.memory_space<vmem_shared>>)
      tpu.yield
    }) : () -> ()
    %barrier3A = arith.constant 0 : index
    tpu.barrier barrier_id(%barrier3A)
    %scan3A = arith.constant 0 : i32
    %scan3A_125 = arith.constant 0 : i32
    %scan3A_126 = arith.constant 9 : i32
    %scan3A_127 = arith.addi %scan3A_125, %scan3A_126 : i32
    %scan3A_128 = arith.constant 1 : i32
    scf.for %scan3A_270 = %scan3A_125 to %scan3A_127 step %scan3A_128  : i32 {
      %mul3A_271 = arith.constant 8 : i32
      %mul3A_272 = arith.muli %scan3A_270, %mul3A_271 : i32
      %add3A_273 = arith.constant 0 : i32
      %add3A_274 = arith.addi %mul3A_272, %add3A_273 : i32
      %dma_wait3A_275 = arith.constant 0 : i32
      %dma_wait3A_276 = arith.constant 0 : i32
      %dma_wait3A_277 = arith.constant 0 : i32
      %dma_wait3A_278 = arith.constant 0 : i32
      %dma_wait3A_279 = tpu.memref_slice %arg8[%dma_wait3A_275, %dma_wait3A_277, %dma_wait3A_278] : memref<8x128x32xf32, #tpu.memory_space<vmem>> -> memref<1x128x32xf32, #tpu.memory_space<vmem>>
      %dma_wait3A_280 = tpu.memref_squeeze %dma_wait3A_279 : memref<1x128x32xf32, #tpu.memory_space<vmem>> -> memref<128x32xf32, #tpu.memory_space<vmem>>
      %dma_wait3A_281 = arith.constant 0 : i32
      %dma_wait3A_282 = tpu.memref_slice %arg6[%add3A_274, %dma_wait3A_281] : memref<80x128xi32, #tpu.memory_space<vmem>> -> memref<1x128xi32, #tpu.memory_space<vmem>>
      %dma_wait3A_283 = tpu.memref_squeeze %dma_wait3A_282 : memref<1x128xi32, #tpu.memory_space<vmem>> -> memref<128xi32, #tpu.memory_space<vmem>>
      %dma_wait3A_284 = arith.constant 0 : i32
      %dma_wait3A_285 = arith.constant 0 : i32
      %dma_wait3A_286 = tpu.memref_slice %arg2[%dma_wait3A_284, %dma_wait3A_285] : memref<10112x32xf32, #tpu.memory_space<hbm>> -> memref<10112x32xf32, #tpu.memory_space<hbm>>
      %dma_wait3A_287 = tpu.memref_slice %arg10[%dma_wait3A_276] : memref<8x!tpu.dma_semaphore, #tpu.memory_space<semaphore_mem>> -> memref<1x!tpu.dma_semaphore, #tpu.memory_space<semaphore_mem>>
      %dma_wait3A_288 = tpu.memref_squeeze %dma_wait3A_287 : memref<1x!tpu.dma_semaphore, #tpu.memory_space<semaphore_mem>> -> memref<!tpu.dma_semaphore, #tpu.memory_space<semaphore_mem>>
      tpu.wait_indirect_dma semaphore(%dma_wait3A_288 : memref<!tpu.dma_semaphore, #tpu.memory_space<semaphore_mem>>) src(%dma_wait3A_286 : memref<10112x32xf32, #tpu.memory_space<hbm>>) dst(%dma_wait3A_280 : memref<128x32xf32, #tpu.memory_space<vmem>>)
      %run_scoped3A_289 = arith.constant 0 : i32
      "tpu.region"() ({
        %run_scoped3A_551 = tpu.sem_alloc : memref<!tpu.dma_semaphore, #tpu.memory_space<semaphore_mem>>
        %dma_start3A_552 = arith.constant 0 : i32
        %dma_start3A_553 = arith.constant 0 : i32
        %dma_start3A_554 = tpu.memref_slice %arg8[%run_scoped3A_289, %dma_start3A_552, %dma_start3A_553] : memref<8x128x32xf32, #tpu.memory_space<vmem>> -> memref<1x128x32xf32, #tpu.memory_space<vmem>>
        %dma_start3A_555 = tpu.memref_squeeze %dma_start3A_554 : memref<1x128x32xf32, #tpu.memory_space<vmem>> -> memref<128x32xf32, #tpu.memory_space<vmem>>
        %dma_start3A_556 = arith.constant 0 : i32
        %dma_start3A_557 = tpu.memref_slice %arg7[%add3A_274, %dma_start3A_556] : memref<80x128xi32, #tpu.memory_space<vmem>> -> memref<1x128xi32, #tpu.memory_space<vmem>>
        %dma_start3A_558 = tpu.memref_squeeze %dma_start3A_557 : memref<1x128xi32, #tpu.memory_space<vmem>> -> memref<128xi32, #tpu.memory_space<vmem>>
        %dma_start3A_559 = arith.constant 0 : i32
        %dma_start3A_560 = arith.constant 0 : i32
        %dma_start3A_561 = tpu.memref_slice %arg9[%dma_start3A_559, %dma_start3A_560] : memref<10112x32xf32, #tpu.memory_space<vmem_shared>> -> memref<10112x32xf32, #tpu.memory_space<vmem_shared>>
        tpu.enqueue_indirect_dma source(%dma_start3A_555 : memref<128x32xf32, #tpu.memory_space<vmem>>) target(%dma_start3A_561 : memref<10112x32xf32, #tpu.memory_space<vmem_shared>>) offsets(%dma_start3A_558 : memref<128xi32, #tpu.memory_space<vmem>>) semaphore(%run_scoped3A_551 : memref<!tpu.dma_semaphore, #tpu.memory_space<semaphore_mem>>) {add = true}
        %dma_wait3A_562 = arith.constant 0 : i32
        %dma_wait3A_563 = arith.constant 0 : i32
        %dma_wait3A_564 = tpu.memref_slice %arg8[%run_scoped3A_289, %dma_wait3A_562, %dma_wait3A_563] : memref<8x128x32xf32, #tpu.memory_space<vmem>> -> memref<1x128x32xf32, #tpu.memory_space<vmem>>
        %dma_wait3A_565 = tpu.memref_squeeze %dma_wait3A_564 : memref<1x128x32xf32, #tpu.memory_space<vmem>> -> memref<128x32xf32, #tpu.memory_space<vmem>>
        %dma_wait3A_566 = arith.constant 0 : i32
        %dma_wait3A_567 = tpu.memref_slice %arg7[%add3A_274, %dma_wait3A_566] : memref<80x128xi32, #tpu.memory_space<vmem>> -> memref<1x128xi32, #tpu.memory_space<vmem>>
        %dma_wait3A_568 = tpu.memref_squeeze %dma_wait3A_567 : memref<1x128xi32, #tpu.memory_space<vmem>> -> memref<128xi32, #tpu.memory_space<vmem>>
        %dma_wait3A_569 = arith.constant 0 : i32
        %dma_wait3A_570 = arith.constant 0 : i32
        %dma_wait3A_571 = tpu.memref_slice %arg9[%dma_wait3A_569, %dma_wait3A_570] : memref<10112x32xf32, #tpu.memory_space<vmem_shared>> -> memref<10112x32xf32, #tpu.memory_space<vmem_shared>>
        tpu.wait_indirect_dma semaphore(%run_scoped3A_551 : memref<!tpu.dma_semaphore, #tpu.memory_space<semaphore_mem>>) src(%dma_wait3A_565 : memref<128x32xf32, #tpu.memory_space<vmem>>) dst(%dma_wait3A_571 : memref<10112x32xf32, #tpu.memory_space<vmem_shared>>)
        tpu.yield
      }) : () -> ()
      %add3A_290 = arith.constant 8 : i32
      %add3A_291 = arith.addi %add3A_274, %add3A_290 : i32
      %dma_start3A_292 = arith.constant 0 : i32
      %dma_start3A_293 = arith.constant 0 : i32
      %dma_start3A_294 = arith.constant 0 : i32
      %dma_start3A_295 = arith.constant 0 : i32
      %dma_start3A_296 = tpu.memref_slice %arg8[%dma_start3A_292, %dma_start3A_294, %dma_start3A_295] : memref<8x128x32xf32, #tpu.memory_space<vmem>> -> memref<1x128x32xf32, #tpu.memory_space<vmem>>
      %dma_start3A_297 = tpu.memref_squeeze %dma_start3A_296 : memref<1x128x32xf32, #tpu.memory_space<vmem>> -> memref<128x32xf32, #tpu.memory_space<vmem>>
      %dma_start3A_298 = arith.constant 0 : i32
      %dma_start3A_299 = tpu.memref_slice %arg6[%add3A_291, %dma_start3A_298] : memref<80x128xi32, #tpu.memory_space<vmem>> -> memref<1x128xi32, #tpu.memory_space<vmem>>
      %dma_start3A_300 = tpu.memref_squeeze %dma_start3A_299 : memref<1x128xi32, #tpu.memory_space<vmem>> -> memref<128xi32, #tpu.memory_space<vmem>>
      %dma_start3A_301 = arith.constant 0 : i32
      %dma_start3A_302 = arith.constant 0 : i32
      %dma_start3A_303 = tpu.memref_slice %arg2[%dma_start3A_301, %dma_start3A_302] : memref<10112x32xf32, #tpu.memory_space<hbm>> -> memref<10112x32xf32, #tpu.memory_space<hbm>>
      %dma_start3A_304 = tpu.memref_slice %arg10[%dma_start3A_293] : memref<8x!tpu.dma_semaphore, #tpu.memory_space<semaphore_mem>> -> memref<1x!tpu.dma_semaphore, #tpu.memory_space<semaphore_mem>>
      %dma_start3A_305 = tpu.memref_squeeze %dma_start3A_304 : memref<1x!tpu.dma_semaphore, #tpu.memory_space<semaphore_mem>> -> memref<!tpu.dma_semaphore, #tpu.memory_space<semaphore_mem>>
      tpu.enqueue_indirect_dma source(%dma_start3A_303 : memref<10112x32xf32, #tpu.memory_space<hbm>>) target(%dma_start3A_297 : memref<128x32xf32, #tpu.memory_space<vmem>>) offsets(%dma_start3A_300 : memref<128xi32, #tpu.memory_space<vmem>>) semaphore(%dma_start3A_305 : memref<!tpu.dma_semaphore, #tpu.memory_space<semaphore_mem>>)
      %mul3A_306 = arith.constant 8 : i32
      %mul3A_307 = arith.muli %scan3A_270, %mul3A_306 : i32
      %add3A_308 = arith.constant 1 : i32
      %add3A_309 = arith.addi %mul3A_307, %add3A_308 : i32
      %dma_wait3A_310 = arith.constant 1 : i32
      %dma_wait3A_311 = arith.constant 1 : i32
      %dma_wait3A_312 = arith.constant 0 : i32
      %dma_wait3A_313 = arith.constant 0 : i32
      %dma_wait3A_314 = tpu.memref_slice %arg8[%dma_wait3A_310, %dma_wait3A_312, %dma_wait3A_313] : memref<8x128x32xf32, #tpu.memory_space<vmem>> -> memref<1x128x32xf32, #tpu.memory_space<vmem>>
      %dma_wait3A_315 = tpu.memref_squeeze %dma_wait3A_314 : memref<1x128x32xf32, #tpu.memory_space<vmem>> -> memref<128x32xf32, #tpu.memory_space<vmem>>
      %dma_wait3A_316 = arith.constant 0 : i32
      %dma_wait3A_317 = tpu.memref_slice %arg6[%add3A_309, %dma_wait3A_316] : memref<80x128xi32, #tpu.memory_space<vmem>> -> memref<1x128xi32, #tpu.memory_space<vmem>>
      %dma_wait3A_318 = tpu.memref_squeeze %dma_wait3A_317 : memref<1x128xi32, #tpu.memory_space<vmem>> -> memref<128xi32, #tpu.memory_space<vmem>>
      %dma_wait3A_319 = arith.constant 0 : i32
      %dma_wait3A_320 = arith.constant 0 : i32
      %dma_wait3A_321 = tpu.memref_slice %arg2[%dma_wait3A_319, %dma_wait3A_320] : memref<10112x32xf32, #tpu.memory_space<hbm>> -> memref<10112x32xf32, #tpu.memory_space<hbm>>
      %dma_wait3A_322 = tpu.memref_slice %arg10[%dma_wait3A_311] : memref<8x!tpu.dma_semaphore, #tpu.memory_space<semaphore_mem>> -> memref<1x!tpu.dma_semaphore, #tpu.memory_space<semaphore_mem>>
      %dma_wait3A_323 = tpu.memref_squeeze %dma_wait3A_322 : memref<1x!tpu.dma_semaphore, #tpu.memory_space<semaphore_mem>> -> memref<!tpu.dma_semaphore, #tpu.memory_space<semaphore_mem>>
      tpu.wait_indirect_dma semaphore(%dma_wait3A_323 : memref<!tpu.dma_semaphore, #tpu.memory_space<semaphore_mem>>) src(%dma_wait3A_321 : memref<10112x32xf32, #tpu.memory_space<hbm>>) dst(%dma_wait3A_315 : memref<128x32xf32, #tpu.memory_space<vmem>>)
      %run_scoped3A_324 = arith.constant 1 : i32
      "tpu.region"() ({
        %run_scoped3A_551 = tpu.sem_alloc : memref<!tpu.dma_semaphore, #tpu.memory_space<semaphore_mem>>
        %dma_start3A_552 = arith.constant 0 : i32
        %dma_start3A_553 = arith.constant 0 : i32
        %dma_start3A_554 = tpu.memref_slice %arg8[%run_scoped3A_324, %dma_start3A_552, %dma_start3A_553] : memref<8x128x32xf32, #tpu.memory_space<vmem>> -> memref<1x128x32xf32, #tpu.memory_space<vmem>>
        %dma_start3A_555 = tpu.memref_squeeze %dma_start3A_554 : memref<1x128x32xf32, #tpu.memory_space<vmem>> -> memref<128x32xf32, #tpu.memory_space<vmem>>
        %dma_start3A_556 = arith.constant 0 : i32
        %dma_start3A_557 = tpu.memref_slice %arg7[%add3A_309, %dma_start3A_556] : memref<80x128xi32, #tpu.memory_space<vmem>> -> memref<1x128xi32, #tpu.memory_space<vmem>>
        %dma_start3A_558 = tpu.memref_squeeze %dma_start3A_557 : memref<1x128xi32, #tpu.memory_space<vmem>> -> memref<128xi32, #tpu.memory_space<vmem>>
        %dma_start3A_559 = arith.constant 0 : i32
        %dma_start3A_560 = arith.constant 0 : i32
        %dma_start3A_561 = tpu.memref_slice %arg9[%dma_start3A_559, %dma_start3A_560] : memref<10112x32xf32, #tpu.memory_space<vmem_shared>> -> memref<10112x32xf32, #tpu.memory_space<vmem_shared>>
        tpu.enqueue_indirect_dma source(%dma_start3A_555 : memref<128x32xf32, #tpu.memory_space<vmem>>) target(%dma_start3A_561 : memref<10112x32xf32, #tpu.memory_space<vmem_shared>>) offsets(%dma_start3A_558 : memref<128xi32, #tpu.memory_space<vmem>>) semaphore(%run_scoped3A_551 : memref<!tpu.dma_semaphore, #tpu.memory_space<semaphore_mem>>) {add = true}
        %dma_wait3A_562 = arith.constant 0 : i32
        %dma_wait3A_563 = arith.constant 0 : i32
        %dma_wait3A_564 = tpu.memref_slice %arg8[%run_scoped3A_324, %dma_wait3A_562, %dma_wait3A_563] : memref<8x128x32xf32, #tpu.memory_space<vmem>> -> memref<1x128x32xf32, #tpu.memory_space<vmem>>
        %dma_wait3A_565 = tpu.memref_squeeze %dma_wait3A_564 : memref<1x128x32xf32, #tpu.memory_space<vmem>> -> memref<128x32xf32, #tpu.memory_space<vmem>>
        %dma_wait3A_566 = arith.constant 0 : i32
        %dma_wait3A_567 = tpu.memref_slice %arg7[%add3A_309, %dma_wait3A_566] : memref<80x128xi32, #tpu.memory_space<vmem>> -> memref<1x128xi32, #tpu.memory_space<vmem>>
        %dma_wait3A_568 = tpu.memref_squeeze %dma_wait3A_567 : memref<1x128xi32, #tpu.memory_space<vmem>> -> memref<128xi32, #tpu.memory_space<vmem>>
        %dma_wait3A_569 = arith.constant 0 : i32
        %dma_wait3A_570 = arith.constant 0 : i32
        %dma_wait3A_571 = tpu.memref_slice %arg9[%dma_wait3A_569, %dma_wait3A_570] : memref<10112x32xf32, #tpu.memory_space<vmem_shared>> -> memref<10112x32xf32, #tpu.memory_space<vmem_shared>>
        tpu.wait_indirect_dma semaphore(%run_scoped3A_551 : memref<!tpu.dma_semaphore, #tpu.memory_space<semaphore_mem>>) src(%dma_wait3A_565 : memref<128x32xf32, #tpu.memory_space<vmem>>) dst(%dma_wait3A_571 : memref<10112x32xf32, #tpu.memory_space<vmem_shared>>)
        tpu.yield
      }) : () -> ()
      %add3A_325 = arith.constant 8 : i32
      %add3A_326 = arith.addi %add3A_309, %add3A_325 : i32
      %dma_start3A_327 = arith.constant 1 : i32
      %dma_start3A_328 = arith.constant 1 : i32
      %dma_start3A_329 = arith.constant 0 : i32
      %dma_start3A_330 = arith.constant 0 : i32
      %dma_start3A_331 = tpu.memref_slice %arg8[%dma_start3A_327, %dma_start3A_329, %dma_start3A_330] : memref<8x128x32xf32, #tpu.memory_space<vmem>> -> memref<1x128x32xf32, #tpu.memory_space<vmem>>
      %dma_start3A_332 = tpu.memref_squeeze %dma_start3A_331 : memref<1x128x32xf32, #tpu.memory_space<vmem>> -> memref<128x32xf32, #tpu.memory_space<vmem>>
      %dma_start3A_333 = arith.constant 0 : i32
      %dma_start3A_334 = tpu.memref_slice %arg6[%add3A_326, %dma_start3A_333] : memref<80x128xi32, #tpu.memory_space<vmem>> -> memref<1x128xi32, #tpu.memory_space<vmem>>
      %dma_start3A_335 = tpu.memref_squeeze %dma_start3A_334 : memref<1x128xi32, #tpu.memory_space<vmem>> -> memref<128xi32, #tpu.memory_space<vmem>>
      %dma_start3A_336 = arith.constant 0 : i32
      %dma_start3A_337 = arith.constant 0 : i32
      %dma_start3A_338 = tpu.memref_slice %arg2[%dma_start3A_336, %dma_start3A_337] : memref<10112x32xf32, #tpu.memory_space<hbm>> -> memref<10112x32xf32, #tpu.memory_space<hbm>>
      %dma_start3A_339 = tpu.memref_slice %arg10[%dma_start3A_328] : memref<8x!tpu.dma_semaphore, #tpu.memory_space<semaphore_mem>> -> memref<1x!tpu.dma_semaphore, #tpu.memory_space<semaphore_mem>>
      %dma_start3A_340 = tpu.memref_squeeze %dma_start3A_339 : memref<1x!tpu.dma_semaphore, #tpu.memory_space<semaphore_mem>> -> memref<!tpu.dma_semaphore, #tpu.memory_space<semaphore_mem>>
      tpu.enqueue_indirect_dma source(%dma_start3A_338 : memref<10112x32xf32, #tpu.memory_space<hbm>>) target(%dma_start3A_332 : memref<128x32xf32, #tpu.memory_space<vmem>>) offsets(%dma_start3A_335 : memref<128xi32, #tpu.memory_space<vmem>>) semaphore(%dma_start3A_340 : memref<!tpu.dma_semaphore, #tpu.memory_space<semaphore_mem>>)
      %mul3A_341 = arith.constant 8 : i32
      %mul3A_342 = arith.muli %scan3A_270, %mul3A_341 : i32
      %add3A_343 = arith.constant 2 : i32
      %add3A_344 = arith.addi %mul3A_342, %add3A_343 : i32
      %dma_wait3A_345 = arith.constant 2 : i32
      %dma_wait3A_346 = arith.constant 2 : i32
      %dma_wait3A_347 = arith.constant 0 : i32
      %dma_wait3A_348 = arith.constant 0 : i32
      %dma_wait3A_349 = tpu.memref_slice %arg8[%dma_wait3A_345, %dma_wait3A_347, %dma_wait3A_348] : memref<8x128x32xf32, #tpu.memory_space<vmem>> -> memref<1x128x32xf32, #tpu.memory_space<vmem>>
      %dma_wait3A_350 = tpu.memref_squeeze %dma_wait3A_349 : memref<1x128x32xf32, #tpu.memory_space<vmem>> -> memref<128x32xf32, #tpu.memory_space<vmem>>
      %dma_wait3A_351 = arith.constant 0 : i32
      %dma_wait3A_352 = tpu.memref_slice %arg6[%add3A_344, %dma_wait3A_351] : memref<80x128xi32, #tpu.memory_space<vmem>> -> memref<1x128xi32, #tpu.memory_space<vmem>>
      %dma_wait3A_353 = tpu.memref_squeeze %dma_wait3A_352 : memref<1x128xi32, #tpu.memory_space<vmem>> -> memref<128xi32, #tpu.memory_space<vmem>>
      %dma_wait3A_354 = arith.constant 0 : i32
      %dma_wait3A_355 = arith.constant 0 : i32
      %dma_wait3A_356 = tpu.memref_slice %arg2[%dma_wait3A_354, %dma_wait3A_355] : memref<10112x32xf32, #tpu.memory_space<hbm>> -> memref<10112x32xf32, #tpu.memory_space<hbm>>
      %dma_wait3A_357 = tpu.memref_slice %arg10[%dma_wait3A_346] : memref<8x!tpu.dma_semaphore, #tpu.memory_space<semaphore_mem>> -> memref<1x!tpu.dma_semaphore, #tpu.memory_space<semaphore_mem>>
      %dma_wait3A_358 = tpu.memref_squeeze %dma_wait3A_357 : memref<1x!tpu.dma_semaphore, #tpu.memory_space<semaphore_mem>> -> memref<!tpu.dma_semaphore, #tpu.memory_space<semaphore_mem>>
      tpu.wait_indirect_dma semaphore(%dma_wait3A_358 : memref<!tpu.dma_semaphore, #tpu.memory_space<semaphore_mem>>) src(%dma_wait3A_356 : memref<10112x32xf32, #tpu.memory_space<hbm>>) dst(%dma_wait3A_350 : memref<128x32xf32, #tpu.memory_space<vmem>>)
      %run_scoped3A_359 = arith.constant 2 : i32
      "tpu.region"() ({
        %run_scoped3A_551 = tpu.sem_alloc : memref<!tpu.dma_semaphore, #tpu.memory_space<semaphore_mem>>
        %dma_start3A_552 = arith.constant 0 : i32
        %dma_start3A_553 = arith.constant 0 : i32
        %dma_start3A_554 = tpu.memref_slice %arg8[%run_scoped3A_359, %dma_start3A_552, %dma_start3A_553] : memref<8x128x32xf32, #tpu.memory_space<vmem>> -> memref<1x128x32xf32, #tpu.memory_space<vmem>>
        %dma_start3A_555 = tpu.memref_squeeze %dma_start3A_554 : memref<1x128x32xf32, #tpu.memory_space<vmem>> -> memref<128x32xf32, #tpu.memory_space<vmem>>
        %dma_start3A_556 = arith.constant 0 : i32
        %dma_start3A_557 = tpu.memref_slice %arg7[%add3A_344, %dma_start3A_556] : memref<80x128xi32, #tpu.memory_space<vmem>> -> memref<1x128xi32, #tpu.memory_space<vmem>>
        %dma_start3A_558 = tpu.memref_squeeze %dma_start3A_557 : memref<1x128xi32, #tpu.memory_space<vmem>> -> memref<128xi32, #tpu.memory_space<vmem>>
        %dma_start3A_559 = arith.constant 0 : i32
        %dma_start3A_560 = arith.constant 0 : i32
        %dma_start3A_561 = tpu.memref_slice %arg9[%dma_start3A_559, %dma_start3A_560] : memref<10112x32xf32, #tpu.memory_space<vmem_shared>> -> memref<10112x32xf32, #tpu.memory_space<vmem_shared>>
        tpu.enqueue_indirect_dma source(%dma_start3A_555 : memref<128x32xf32, #tpu.memory_space<vmem>>) target(%dma_start3A_561 : memref<10112x32xf32, #tpu.memory_space<vmem_shared>>) offsets(%dma_start3A_558 : memref<128xi32, #tpu.memory_space<vmem>>) semaphore(%run_scoped3A_551 : memref<!tpu.dma_semaphore, #tpu.memory_space<semaphore_mem>>) {add = true}
        %dma_wait3A_562 = arith.constant 0 : i32
        %dma_wait3A_563 = arith.constant 0 : i32
        %dma_wait3A_564 = tpu.memref_slice %arg8[%run_scoped3A_359, %dma_wait3A_562, %dma_wait3A_563] : memref<8x128x32xf32, #tpu.memory_space<vmem>> -> memref<1x128x32xf32, #tpu.memory_space<vmem>>
        %dma_wait3A_565 = tpu.memref_squeeze %dma_wait3A_564 : memref<1x128x32xf32, #tpu.memory_space<vmem>> -> memref<128x32xf32, #tpu.memory_space<vmem>>
        %dma_wait3A_566 = arith.constant 0 : i32
        %dma_wait3A_567 = tpu.memref_slice %arg7[%add3A_344, %dma_wait3A_566] : memref<80x128xi32, #tpu.memory_space<vmem>> -> memref<1x128xi32, #tpu.memory_space<vmem>>
        %dma_wait3A_568 = tpu.memref_squeeze %dma_wait3A_567 : memref<1x128xi32, #tpu.memory_space<vmem>> -> memref<128xi32, #tpu.memory_space<vmem>>
        %dma_wait3A_569 = arith.constant 0 : i32
        %dma_wait3A_570 = arith.constant 0 : i32
        %dma_wait3A_571 = tpu.memref_slice %arg9[%dma_wait3A_569, %dma_wait3A_570] : memref<10112x32xf32, #tpu.memory_space<vmem_shared>> -> memref<10112x32xf32, #tpu.memory_space<vmem_shared>>
        tpu.wait_indirect_dma semaphore(%run_scoped3A_551 : memref<!tpu.dma_semaphore, #tpu.memory_space<semaphore_mem>>) src(%dma_wait3A_565 : memref<128x32xf32, #tpu.memory_space<vmem>>) dst(%dma_wait3A_571 : memref<10112x32xf32, #tpu.memory_space<vmem_shared>>)
        tpu.yield
      }) : () -> ()
      %add3A_360 = arith.constant 8 : i32
      %add3A_361 = arith.addi %add3A_344, %add3A_360 : i32
      %dma_start3A_362 = arith.constant 2 : i32
      %dma_start3A_363 = arith.constant 2 : i32
      %dma_start3A_364 = arith.constant 0 : i32
      %dma_start3A_365 = arith.constant 0 : i32
      %dma_start3A_366 = tpu.memref_slice %arg8[%dma_start3A_362, %dma_start3A_364, %dma_start3A_365] : memref<8x128x32xf32, #tpu.memory_space<vmem>> -> memref<1x128x32xf32, #tpu.memory_space<vmem>>
      %dma_start3A_367 = tpu.memref_squeeze %dma_start3A_366 : memref<1x128x32xf32, #tpu.memory_space<vmem>> -> memref<128x32xf32, #tpu.memory_space<vmem>>
      %dma_start3A_368 = arith.constant 0 : i32
      %dma_start3A_369 = tpu.memref_slice %arg6[%add3A_361, %dma_start3A_368] : memref<80x128xi32, #tpu.memory_space<vmem>> -> memref<1x128xi32, #tpu.memory_space<vmem>>
      %dma_start3A_370 = tpu.memref_squeeze %dma_start3A_369 : memref<1x128xi32, #tpu.memory_space<vmem>> -> memref<128xi32, #tpu.memory_space<vmem>>
      %dma_start3A_371 = arith.constant 0 : i32
      %dma_start3A_372 = arith.constant 0 : i32
      %dma_start3A_373 = tpu.memref_slice %arg2[%dma_start3A_371, %dma_start3A_372] : memref<10112x32xf32, #tpu.memory_space<hbm>> -> memref<10112x32xf32, #tpu.memory_space<hbm>>
      %dma_start3A_374 = tpu.memref_slice %arg10[%dma_start3A_363] : memref<8x!tpu.dma_semaphore, #tpu.memory_space<semaphore_mem>> -> memref<1x!tpu.dma_semaphore, #tpu.memory_space<semaphore_mem>>
      %dma_start3A_375 = tpu.memref_squeeze %dma_start3A_374 : memref<1x!tpu.dma_semaphore, #tpu.memory_space<semaphore_mem>> -> memref<!tpu.dma_semaphore, #tpu.memory_space<semaphore_mem>>
      tpu.enqueue_indirect_dma source(%dma_start3A_373 : memref<10112x32xf32, #tpu.memory_space<hbm>>) target(%dma_start3A_367 : memref<128x32xf32, #tpu.memory_space<vmem>>) offsets(%dma_start3A_370 : memref<128xi32, #tpu.memory_space<vmem>>) semaphore(%dma_start3A_375 : memref<!tpu.dma_semaphore, #tpu.memory_space<semaphore_mem>>)
      %mul3A_376 = arith.constant 8 : i32
      %mul3A_377 = arith.muli %scan3A_270, %mul3A_376 : i32
      %add3A_378 = arith.constant 3 : i32
      %add3A_379 = arith.addi %mul3A_377, %add3A_378 : i32
      %dma_wait3A_380 = arith.constant 3 : i32
      %dma_wait3A_381 = arith.constant 3 : i32
      %dma_wait3A_382 = arith.constant 0 : i32
      %dma_wait3A_383 = arith.constant 0 : i32
      %dma_wait3A_384 = tpu.memref_slice %arg8[%dma_wait3A_380, %dma_wait3A_382, %dma_wait3A_383] : memref<8x128x32xf32, #tpu.memory_space<vmem>> -> memref<1x128x32xf32, #tpu.memory_space<vmem>>
      %dma_wait3A_385 = tpu.memref_squeeze %dma_wait3A_384 : memref<1x128x32xf32, #tpu.memory_space<vmem>> -> memref<128x32xf32, #tpu.memory_space<vmem>>
      %dma_wait3A_386 = arith.constant 0 : i32
      %dma_wait3A_387 = tpu.memref_slice %arg6[%add3A_379, %dma_wait3A_386] : memref<80x128xi32, #tpu.memory_space<vmem>> -> memref<1x128xi32, #tpu.memory_space<vmem>>
      %dma_wait3A_388 = tpu.memref_squeeze %dma_wait3A_387 : memref<1x128xi32, #tpu.memory_space<vmem>> -> memref<128xi32, #tpu.memory_space<vmem>>
      %dma_wait3A_389 = arith.constant 0 : i32
      %dma_wait3A_390 = arith.constant 0 : i32
      %dma_wait3A_391 = tpu.memref_slice %arg2[%dma_wait3A_389, %dma_wait3A_390] : memref<10112x32xf32, #tpu.memory_space<hbm>> -> memref<10112x32xf32, #tpu.memory_space<hbm>>
      %dma_wait3A_392 = tpu.memref_slice %arg10[%dma_wait3A_381] : memref<8x!tpu.dma_semaphore, #tpu.memory_space<semaphore_mem>> -> memref<1x!tpu.dma_semaphore, #tpu.memory_space<semaphore_mem>>
      %dma_wait3A_393 = tpu.memref_squeeze %dma_wait3A_392 : memref<1x!tpu.dma_semaphore, #tpu.memory_space<semaphore_mem>> -> memref<!tpu.dma_semaphore, #tpu.memory_space<semaphore_mem>>
      tpu.wait_indirect_dma semaphore(%dma_wait3A_393 : memref<!tpu.dma_semaphore, #tpu.memory_space<semaphore_mem>>) src(%dma_wait3A_391 : memref<10112x32xf32, #tpu.memory_space<hbm>>) dst(%dma_wait3A_385 : memref<128x32xf32, #tpu.memory_space<vmem>>)
      %run_scoped3A_394 = arith.constant 3 : i32
      "tpu.region"() ({
        %run_scoped3A_551 = tpu.sem_alloc : memref<!tpu.dma_semaphore, #tpu.memory_space<semaphore_mem>>
        %dma_start3A_552 = arith.constant 0 : i32
        %dma_start3A_553 = arith.constant 0 : i32
        %dma_start3A_554 = tpu.memref_slice %arg8[%run_scoped3A_394, %dma_start3A_552, %dma_start3A_553] : memref<8x128x32xf32, #tpu.memory_space<vmem>> -> memref<1x128x32xf32, #tpu.memory_space<vmem>>
        %dma_start3A_555 = tpu.memref_squeeze %dma_start3A_554 : memref<1x128x32xf32, #tpu.memory_space<vmem>> -> memref<128x32xf32, #tpu.memory_space<vmem>>
        %dma_start3A_556 = arith.constant 0 : i32
        %dma_start3A_557 = tpu.memref_slice %arg7[%add3A_379, %dma_start3A_556] : memref<80x128xi32, #tpu.memory_space<vmem>> -> memref<1x128xi32, #tpu.memory_space<vmem>>
        %dma_start3A_558 = tpu.memref_squeeze %dma_start3A_557 : memref<1x128xi32, #tpu.memory_space<vmem>> -> memref<128xi32, #tpu.memory_space<vmem>>
        %dma_start3A_559 = arith.constant 0 : i32
        %dma_start3A_560 = arith.constant 0 : i32
        %dma_start3A_561 = tpu.memref_slice %arg9[%dma_start3A_559, %dma_start3A_560] : memref<10112x32xf32, #tpu.memory_space<vmem_shared>> -> memref<10112x32xf32, #tpu.memory_space<vmem_shared>>
        tpu.enqueue_indirect_dma source(%dma_start3A_555 : memref<128x32xf32, #tpu.memory_space<vmem>>) target(%dma_start3A_561 : memref<10112x32xf32, #tpu.memory_space<vmem_shared>>) offsets(%dma_start3A_558 : memref<128xi32, #tpu.memory_space<vmem>>) semaphore(%run_scoped3A_551 : memref<!tpu.dma_semaphore, #tpu.memory_space<semaphore_mem>>) {add = true}
        %dma_wait3A_562 = arith.constant 0 : i32
        %dma_wait3A_563 = arith.constant 0 : i32
        %dma_wait3A_564 = tpu.memref_slice %arg8[%run_scoped3A_394, %dma_wait3A_562, %dma_wait3A_563] : memref<8x128x32xf32, #tpu.memory_space<vmem>> -> memref<1x128x32xf32, #tpu.memory_space<vmem>>
        %dma_wait3A_565 = tpu.memref_squeeze %dma_wait3A_564 : memref<1x128x32xf32, #tpu.memory_space<vmem>> -> memref<128x32xf32, #tpu.memory_space<vmem>>
        %dma_wait3A_566 = arith.constant 0 : i32
        %dma_wait3A_567 = tpu.memref_slice %arg7[%add3A_379, %dma_wait3A_566] : memref<80x128xi32, #tpu.memory_space<vmem>> -> memref<1x128xi32, #tpu.memory_space<vmem>>
        %dma_wait3A_568 = tpu.memref_squeeze %dma_wait3A_567 : memref<1x128xi32, #tpu.memory_space<vmem>> -> memref<128xi32, #tpu.memory_space<vmem>>
        %dma_wait3A_569 = arith.constant 0 : i32
        %dma_wait3A_570 = arith.constant 0 : i32
        %dma_wait3A_571 = tpu.memref_slice %arg9[%dma_wait3A_569, %dma_wait3A_570] : memref<10112x32xf32, #tpu.memory_space<vmem_shared>> -> memref<10112x32xf32, #tpu.memory_space<vmem_shared>>
        tpu.wait_indirect_dma semaphore(%run_scoped3A_551 : memref<!tpu.dma_semaphore, #tpu.memory_space<semaphore_mem>>) src(%dma_wait3A_565 : memref<128x32xf32, #tpu.memory_space<vmem>>) dst(%dma_wait3A_571 : memref<10112x32xf32, #tpu.memory_space<vmem_shared>>)
        tpu.yield
      }) : () -> ()
      %add3A_395 = arith.constant 8 : i32
      %add3A_396 = arith.addi %add3A_379, %add3A_395 : i32
      %dma_start3A_397 = arith.constant 3 : i32
      %dma_start3A_398 = arith.constant 3 : i32
      %dma_start3A_399 = arith.constant 0 : i32
      %dma_start3A_400 = arith.constant 0 : i32
      %dma_start3A_401 = tpu.memref_slice %arg8[%dma_start3A_397, %dma_start3A_399, %dma_start3A_400] : memref<8x128x32xf32, #tpu.memory_space<vmem>> -> memref<1x128x32xf32, #tpu.memory_space<vmem>>
      %dma_start3A_402 = tpu.memref_squeeze %dma_start3A_401 : memref<1x128x32xf32, #tpu.memory_space<vmem>> -> memref<128x32xf32, #tpu.memory_space<vmem>>
      %dma_start3A_403 = arith.constant 0 : i32
      %dma_start3A_404 = tpu.memref_slice %arg6[%add3A_396, %dma_start3A_403] : memref<80x128xi32, #tpu.memory_space<vmem>> -> memref<1x128xi32, #tpu.memory_space<vmem>>
      %dma_start3A_405 = tpu.memref_squeeze %dma_start3A_404 : memref<1x128xi32, #tpu.memory_space<vmem>> -> memref<128xi32, #tpu.memory_space<vmem>>
      %dma_start3A_406 = arith.constant 0 : i32
      %dma_start3A_407 = arith.constant 0 : i32
      %dma_start3A_408 = tpu.memref_slice %arg2[%dma_start3A_406, %dma_start3A_407] : memref<10112x32xf32, #tpu.memory_space<hbm>> -> memref<10112x32xf32, #tpu.memory_space<hbm>>
      %dma_start3A_409 = tpu.memref_slice %arg10[%dma_start3A_398] : memref<8x!tpu.dma_semaphore, #tpu.memory_space<semaphore_mem>> -> memref<1x!tpu.dma_semaphore, #tpu.memory_space<semaphore_mem>>
      %dma_start3A_410 = tpu.memref_squeeze %dma_start3A_409 : memref<1x!tpu.dma_semaphore, #tpu.memory_space<semaphore_mem>> -> memref<!tpu.dma_semaphore, #tpu.memory_space<semaphore_mem>>
      tpu.enqueue_indirect_dma source(%dma_start3A_408 : memref<10112x32xf32, #tpu.memory_space<hbm>>) target(%dma_start3A_402 : memref<128x32xf32, #tpu.memory_space<vmem>>) offsets(%dma_start3A_405 : memref<128xi32, #tpu.memory_space<vmem>>) semaphore(%dma_start3A_410 : memref<!tpu.dma_semaphore, #tpu.memory_space<semaphore_mem>>)
      %mul3A_411 = arith.constant 8 : i32
      %mul3A_412 = arith.muli %scan3A_270, %mul3A_411 : i32
      %add3A_413 = arith.constant 4 : i32
      %add3A_414 = arith.addi %mul3A_412, %add3A_413 : i32
      %dma_wait3A_415 = arith.constant 4 : i32
      %dma_wait3A_416 = arith.constant 4 : i32
      %dma_wait3A_417 = arith.constant 0 : i32
      %dma_wait3A_418 = arith.constant 0 : i32
      %dma_wait3A_419 = tpu.memref_slice %arg8[%dma_wait3A_415, %dma_wait3A_417, %dma_wait3A_418] : memref<8x128x32xf32, #tpu.memory_space<vmem>> -> memref<1x128x32xf32, #tpu.memory_space<vmem>>
      %dma_wait3A_420 = tpu.memref_squeeze %dma_wait3A_419 : memref<1x128x32xf32, #tpu.memory_space<vmem>> -> memref<128x32xf32, #tpu.memory_space<vmem>>
      %dma_wait3A_421 = arith.constant 0 : i32
      %dma_wait3A_422 = tpu.memref_slice %arg6[%add3A_414, %dma_wait3A_421] : memref<80x128xi32, #tpu.memory_space<vmem>> -> memref<1x128xi32, #tpu.memory_space<vmem>>
      %dma_wait3A_423 = tpu.memref_squeeze %dma_wait3A_422 : memref<1x128xi32, #tpu.memory_space<vmem>> -> memref<128xi32, #tpu.memory_space<vmem>>
      %dma_wait3A_424 = arith.constant 0 : i32
      %dma_wait3A_425 = arith.constant 0 : i32
      %dma_wait3A_426 = tpu.memref_slice %arg2[%dma_wait3A_424, %dma_wait3A_425] : memref<10112x32xf32, #tpu.memory_space<hbm>> -> memref<10112x32xf32, #tpu.memory_space<hbm>>
      %dma_wait3A_427 = tpu.memref_slice %arg10[%dma_wait3A_416] : memref<8x!tpu.dma_semaphore, #tpu.memory_space<semaphore_mem>> -> memref<1x!tpu.dma_semaphore, #tpu.memory_space<semaphore_mem>>
      %dma_wait3A_428 = tpu.memref_squeeze %dma_wait3A_427 : memref<1x!tpu.dma_semaphore, #tpu.memory_space<semaphore_mem>> -> memref<!tpu.dma_semaphore, #tpu.memory_space<semaphore_mem>>
      tpu.wait_indirect_dma semaphore(%dma_wait3A_428 : memref<!tpu.dma_semaphore, #tpu.memory_space<semaphore_mem>>) src(%dma_wait3A_426 : memref<10112x32xf32, #tpu.memory_space<hbm>>) dst(%dma_wait3A_420 : memref<128x32xf32, #tpu.memory_space<vmem>>)
      %run_scoped3A_429 = arith.constant 4 : i32
      "tpu.region"() ({
        %run_scoped3A_551 = tpu.sem_alloc : memref<!tpu.dma_semaphore, #tpu.memory_space<semaphore_mem>>
        %dma_start3A_552 = arith.constant 0 : i32
        %dma_start3A_553 = arith.constant 0 : i32
        %dma_start3A_554 = tpu.memref_slice %arg8[%run_scoped3A_429, %dma_start3A_552, %dma_start3A_553] : memref<8x128x32xf32, #tpu.memory_space<vmem>> -> memref<1x128x32xf32, #tpu.memory_space<vmem>>
        %dma_start3A_555 = tpu.memref_squeeze %dma_start3A_554 : memref<1x128x32xf32, #tpu.memory_space<vmem>> -> memref<128x32xf32, #tpu.memory_space<vmem>>
        %dma_start3A_556 = arith.constant 0 : i32
        %dma_start3A_557 = tpu.memref_slice %arg7[%add3A_414, %dma_start3A_556] : memref<80x128xi32, #tpu.memory_space<vmem>> -> memref<1x128xi32, #tpu.memory_space<vmem>>
        %dma_start3A_558 = tpu.memref_squeeze %dma_start3A_557 : memref<1x128xi32, #tpu.memory_space<vmem>> -> memref<128xi32, #tpu.memory_space<vmem>>
        %dma_start3A_559 = arith.constant 0 : i32
        %dma_start3A_560 = arith.constant 0 : i32
        %dma_start3A_561 = tpu.memref_slice %arg9[%dma_start3A_559, %dma_start3A_560] : memref<10112x32xf32, #tpu.memory_space<vmem_shared>> -> memref<10112x32xf32, #tpu.memory_space<vmem_shared>>
        tpu.enqueue_indirect_dma source(%dma_start3A_555 : memref<128x32xf32, #tpu.memory_space<vmem>>) target(%dma_start3A_561 : memref<10112x32xf32, #tpu.memory_space<vmem_shared>>) offsets(%dma_start3A_558 : memref<128xi32, #tpu.memory_space<vmem>>) semaphore(%run_scoped3A_551 : memref<!tpu.dma_semaphore, #tpu.memory_space<semaphore_mem>>) {add = true}
        %dma_wait3A_562 = arith.constant 0 : i32
        %dma_wait3A_563 = arith.constant 0 : i32
        %dma_wait3A_564 = tpu.memref_slice %arg8[%run_scoped3A_429, %dma_wait3A_562, %dma_wait3A_563] : memref<8x128x32xf32, #tpu.memory_space<vmem>> -> memref<1x128x32xf32, #tpu.memory_space<vmem>>
        %dma_wait3A_565 = tpu.memref_squeeze %dma_wait3A_564 : memref<1x128x32xf32, #tpu.memory_space<vmem>> -> memref<128x32xf32, #tpu.memory_space<vmem>>
        %dma_wait3A_566 = arith.constant 0 : i32
        %dma_wait3A_567 = tpu.memref_slice %arg7[%add3A_414, %dma_wait3A_566] : memref<80x128xi32, #tpu.memory_space<vmem>> -> memref<1x128xi32, #tpu.memory_space<vmem>>
        %dma_wait3A_568 = tpu.memref_squeeze %dma_wait3A_567 : memref<1x128xi32, #tpu.memory_space<vmem>> -> memref<128xi32, #tpu.memory_space<vmem>>
        %dma_wait3A_569 = arith.constant 0 : i32
        %dma_wait3A_570 = arith.constant 0 : i32
        %dma_wait3A_571 = tpu.memref_slice %arg9[%dma_wait3A_569, %dma_wait3A_570] : memref<10112x32xf32, #tpu.memory_space<vmem_shared>> -> memref<10112x32xf32, #tpu.memory_space<vmem_shared>>
        tpu.wait_indirect_dma semaphore(%run_scoped3A_551 : memref<!tpu.dma_semaphore, #tpu.memory_space<semaphore_mem>>) src(%dma_wait3A_565 : memref<128x32xf32, #tpu.memory_space<vmem>>) dst(%dma_wait3A_571 : memref<10112x32xf32, #tpu.memory_space<vmem_shared>>)
        tpu.yield
      }) : () -> ()
      %add3A_430 = arith.constant 8 : i32
      %add3A_431 = arith.addi %add3A_414, %add3A_430 : i32
      %dma_start3A_432 = arith.constant 4 : i32
      %dma_start3A_433 = arith.constant 4 : i32
      %dma_start3A_434 = arith.constant 0 : i32
      %dma_start3A_435 = arith.constant 0 : i32
      %dma_start3A_436 = tpu.memref_slice %arg8[%dma_start3A_432, %dma_start3A_434, %dma_start3A_435] : memref<8x128x32xf32, #tpu.memory_space<vmem>> -> memref<1x128x32xf32, #tpu.memory_space<vmem>>
      %dma_start3A_437 = tpu.memref_squeeze %dma_start3A_436 : memref<1x128x32xf32, #tpu.memory_space<vmem>> -> memref<128x32xf32, #tpu.memory_space<vmem>>
      %dma_start3A_438 = arith.constant 0 : i32
      %dma_start3A_439 = tpu.memref_slice %arg6[%add3A_431, %dma_start3A_438] : memref<80x128xi32, #tpu.memory_space<vmem>> -> memref<1x128xi32, #tpu.memory_space<vmem>>
      %dma_start3A_440 = tpu.memref_squeeze %dma_start3A_439 : memref<1x128xi32, #tpu.memory_space<vmem>> -> memref<128xi32, #tpu.memory_space<vmem>>
      %dma_start3A_441 = arith.constant 0 : i32
      %dma_start3A_442 = arith.constant 0 : i32
      %dma_start3A_443 = tpu.memref_slice %arg2[%dma_start3A_441, %dma_start3A_442] : memref<10112x32xf32, #tpu.memory_space<hbm>> -> memref<10112x32xf32, #tpu.memory_space<hbm>>
      %dma_start3A_444 = tpu.memref_slice %arg10[%dma_start3A_433] : memref<8x!tpu.dma_semaphore, #tpu.memory_space<semaphore_mem>> -> memref<1x!tpu.dma_semaphore, #tpu.memory_space<semaphore_mem>>
      %dma_start3A_445 = tpu.memref_squeeze %dma_start3A_444 : memref<1x!tpu.dma_semaphore, #tpu.memory_space<semaphore_mem>> -> memref<!tpu.dma_semaphore, #tpu.memory_space<semaphore_mem>>
      tpu.enqueue_indirect_dma source(%dma_start3A_443 : memref<10112x32xf32, #tpu.memory_space<hbm>>) target(%dma_start3A_437 : memref<128x32xf32, #tpu.memory_space<vmem>>) offsets(%dma_start3A_440 : memref<128xi32, #tpu.memory_space<vmem>>) semaphore(%dma_start3A_445 : memref<!tpu.dma_semaphore, #tpu.memory_space<semaphore_mem>>)
      %mul3A_446 = arith.constant 8 : i32
      %mul3A_447 = arith.muli %scan3A_270, %mul3A_446 : i32
      %add3A_448 = arith.constant 5 : i32
      %add3A_449 = arith.addi %mul3A_447, %add3A_448 : i32
      %dma_wait3A_450 = arith.constant 5 : i32
      %dma_wait3A_451 = arith.constant 5 : i32
      %dma_wait3A_452 = arith.constant 0 : i32
      %dma_wait3A_453 = arith.constant 0 : i32
      %dma_wait3A_454 = tpu.memref_slice %arg8[%dma_wait3A_450, %dma_wait3A_452, %dma_wait3A_453] : memref<8x128x32xf32, #tpu.memory_space<vmem>> -> memref<1x128x32xf32, #tpu.memory_space<vmem>>
      %dma_wait3A_455 = tpu.memref_squeeze %dma_wait3A_454 : memref<1x128x32xf32, #tpu.memory_space<vmem>> -> memref<128x32xf32, #tpu.memory_space<vmem>>
      %dma_wait3A_456 = arith.constant 0 : i32
      %dma_wait3A_457 = tpu.memref_slice %arg6[%add3A_449, %dma_wait3A_456] : memref<80x128xi32, #tpu.memory_space<vmem>> -> memref<1x128xi32, #tpu.memory_space<vmem>>
      %dma_wait3A_458 = tpu.memref_squeeze %dma_wait3A_457 : memref<1x128xi32, #tpu.memory_space<vmem>> -> memref<128xi32, #tpu.memory_space<vmem>>
      %dma_wait3A_459 = arith.constant 0 : i32
      %dma_wait3A_460 = arith.constant 0 : i32
      %dma_wait3A_461 = tpu.memref_slice %arg2[%dma_wait3A_459, %dma_wait3A_460] : memref<10112x32xf32, #tpu.memory_space<hbm>> -> memref<10112x32xf32, #tpu.memory_space<hbm>>
      %dma_wait3A_462 = tpu.memref_slice %arg10[%dma_wait3A_451] : memref<8x!tpu.dma_semaphore, #tpu.memory_space<semaphore_mem>> -> memref<1x!tpu.dma_semaphore, #tpu.memory_space<semaphore_mem>>
      %dma_wait3A_463 = tpu.memref_squeeze %dma_wait3A_462 : memref<1x!tpu.dma_semaphore, #tpu.memory_space<semaphore_mem>> -> memref<!tpu.dma_semaphore, #tpu.memory_space<semaphore_mem>>
      tpu.wait_indirect_dma semaphore(%dma_wait3A_463 : memref<!tpu.dma_semaphore, #tpu.memory_space<semaphore_mem>>) src(%dma_wait3A_461 : memref<10112x32xf32, #tpu.memory_space<hbm>>) dst(%dma_wait3A_455 : memref<128x32xf32, #tpu.memory_space<vmem>>)
      %run_scoped3A_464 = arith.constant 5 : i32
      "tpu.region"() ({
        %run_scoped3A_551 = tpu.sem_alloc : memref<!tpu.dma_semaphore, #tpu.memory_space<semaphore_mem>>
        %dma_start3A_552 = arith.constant 0 : i32
        %dma_start3A_553 = arith.constant 0 : i32
        %dma_start3A_554 = tpu.memref_slice %arg8[%run_scoped3A_464, %dma_start3A_552, %dma_start3A_553] : memref<8x128x32xf32, #tpu.memory_space<vmem>> -> memref<1x128x32xf32, #tpu.memory_space<vmem>>
        %dma_start3A_555 = tpu.memref_squeeze %dma_start3A_554 : memref<1x128x32xf32, #tpu.memory_space<vmem>> -> memref<128x32xf32, #tpu.memory_space<vmem>>
        %dma_start3A_556 = arith.constant 0 : i32
        %dma_start3A_557 = tpu.memref_slice %arg7[%add3A_449, %dma_start3A_556] : memref<80x128xi32, #tpu.memory_space<vmem>> -> memref<1x128xi32, #tpu.memory_space<vmem>>
        %dma_start3A_558 = tpu.memref_squeeze %dma_start3A_557 : memref<1x128xi32, #tpu.memory_space<vmem>> -> memref<128xi32, #tpu.memory_space<vmem>>
        %dma_start3A_559 = arith.constant 0 : i32
        %dma_start3A_560 = arith.constant 0 : i32
        %dma_start3A_561 = tpu.memref_slice %arg9[%dma_start3A_559, %dma_start3A_560] : memref<10112x32xf32, #tpu.memory_space<vmem_shared>> -> memref<10112x32xf32, #tpu.memory_space<vmem_shared>>
        tpu.enqueue_indirect_dma source(%dma_start3A_555 : memref<128x32xf32, #tpu.memory_space<vmem>>) target(%dma_start3A_561 : memref<10112x32xf32, #tpu.memory_space<vmem_shared>>) offsets(%dma_start3A_558 : memref<128xi32, #tpu.memory_space<vmem>>) semaphore(%run_scoped3A_551 : memref<!tpu.dma_semaphore, #tpu.memory_space<semaphore_mem>>) {add = true}
        %dma_wait3A_562 = arith.constant 0 : i32
        %dma_wait3A_563 = arith.constant 0 : i32
        %dma_wait3A_564 = tpu.memref_slice %arg8[%run_scoped3A_464, %dma_wait3A_562, %dma_wait3A_563] : memref<8x128x32xf32, #tpu.memory_space<vmem>> -> memref<1x128x32xf32, #tpu.memory_space<vmem>>
        %dma_wait3A_565 = tpu.memref_squeeze %dma_wait3A_564 : memref<1x128x32xf32, #tpu.memory_space<vmem>> -> memref<128x32xf32, #tpu.memory_space<vmem>>
        %dma_wait3A_566 = arith.constant 0 : i32
        %dma_wait3A_567 = tpu.memref_slice %arg7[%add3A_449, %dma_wait3A_566] : memref<80x128xi32, #tpu.memory_space<vmem>> -> memref<1x128xi32, #tpu.memory_space<vmem>>
        %dma_wait3A_568 = tpu.memref_squeeze %dma_wait3A_567 : memref<1x128xi32, #tpu.memory_space<vmem>> -> memref<128xi32, #tpu.memory_space<vmem>>
        %dma_wait3A_569 = arith.constant 0 : i32
        %dma_wait3A_570 = arith.constant 0 : i32
        %dma_wait3A_571 = tpu.memref_slice %arg9[%dma_wait3A_569, %dma_wait3A_570] : memref<10112x32xf32, #tpu.memory_space<vmem_shared>> -> memref<10112x32xf32, #tpu.memory_space<vmem_shared>>
        tpu.wait_indirect_dma semaphore(%run_scoped3A_551 : memref<!tpu.dma_semaphore, #tpu.memory_space<semaphore_mem>>) src(%dma_wait3A_565 : memref<128x32xf32, #tpu.memory_space<vmem>>) dst(%dma_wait3A_571 : memref<10112x32xf32, #tpu.memory_space<vmem_shared>>)
        tpu.yield
      }) : () -> ()
      %add3A_465 = arith.constant 8 : i32
      %add3A_466 = arith.addi %add3A_449, %add3A_465 : i32
      %dma_start3A_467 = arith.constant 5 : i32
      %dma_start3A_468 = arith.constant 5 : i32
      %dma_start3A_469 = arith.constant 0 : i32
      %dma_start3A_470 = arith.constant 0 : i32
      %dma_start3A_471 = tpu.memref_slice %arg8[%dma_start3A_467, %dma_start3A_469, %dma_start3A_470] : memref<8x128x32xf32, #tpu.memory_space<vmem>> -> memref<1x128x32xf32, #tpu.memory_space<vmem>>
      %dma_start3A_472 = tpu.memref_squeeze %dma_start3A_471 : memref<1x128x32xf32, #tpu.memory_space<vmem>> -> memref<128x32xf32, #tpu.memory_space<vmem>>
      %dma_start3A_473 = arith.constant 0 : i32
      %dma_start3A_474 = tpu.memref_slice %arg6[%add3A_466, %dma_start3A_473] : memref<80x128xi32, #tpu.memory_space<vmem>> -> memref<1x128xi32, #tpu.memory_space<vmem>>
      %dma_start3A_475 = tpu.memref_squeeze %dma_start3A_474 : memref<1x128xi32, #tpu.memory_space<vmem>> -> memref<128xi32, #tpu.memory_space<vmem>>
      %dma_start3A_476 = arith.constant 0 : i32
      %dma_start3A_477 = arith.constant 0 : i32
      %dma_start3A_478 = tpu.memref_slice %arg2[%dma_start3A_476, %dma_start3A_477] : memref<10112x32xf32, #tpu.memory_space<hbm>> -> memref<10112x32xf32, #tpu.memory_space<hbm>>
      %dma_start3A_479 = tpu.memref_slice %arg10[%dma_start3A_468] : memref<8x!tpu.dma_semaphore, #tpu.memory_space<semaphore_mem>> -> memref<1x!tpu.dma_semaphore, #tpu.memory_space<semaphore_mem>>
      %dma_start3A_480 = tpu.memref_squeeze %dma_start3A_479 : memref<1x!tpu.dma_semaphore, #tpu.memory_space<semaphore_mem>> -> memref<!tpu.dma_semaphore, #tpu.memory_space<semaphore_mem>>
      tpu.enqueue_indirect_dma source(%dma_start3A_478 : memref<10112x32xf32, #tpu.memory_space<hbm>>) target(%dma_start3A_472 : memref<128x32xf32, #tpu.memory_space<vmem>>) offsets(%dma_start3A_475 : memref<128xi32, #tpu.memory_space<vmem>>) semaphore(%dma_start3A_480 : memref<!tpu.dma_semaphore, #tpu.memory_space<semaphore_mem>>)
      %mul3A_481 = arith.constant 8 : i32
      %mul3A_482 = arith.muli %scan3A_270, %mul3A_481 : i32
      %add3A_483 = arith.constant 6 : i32
      %add3A_484 = arith.addi %mul3A_482, %add3A_483 : i32
      %dma_wait3A_485 = arith.constant 6 : i32
      %dma_wait3A_486 = arith.constant 6 : i32
      %dma_wait3A_487 = arith.constant 0 : i32
      %dma_wait3A_488 = arith.constant 0 : i32
      %dma_wait3A_489 = tpu.memref_slice %arg8[%dma_wait3A_485, %dma_wait3A_487, %dma_wait3A_488] : memref<8x128x32xf32, #tpu.memory_space<vmem>> -> memref<1x128x32xf32, #tpu.memory_space<vmem>>
      %dma_wait3A_490 = tpu.memref_squeeze %dma_wait3A_489 : memref<1x128x32xf32, #tpu.memory_space<vmem>> -> memref<128x32xf32, #tpu.memory_space<vmem>>
      %dma_wait3A_491 = arith.constant 0 : i32
      %dma_wait3A_492 = tpu.memref_slice %arg6[%add3A_484, %dma_wait3A_491] : memref<80x128xi32, #tpu.memory_space<vmem>> -> memref<1x128xi32, #tpu.memory_space<vmem>>
      %dma_wait3A_493 = tpu.memref_squeeze %dma_wait3A_492 : memref<1x128xi32, #tpu.memory_space<vmem>> -> memref<128xi32, #tpu.memory_space<vmem>>
      %dma_wait3A_494 = arith.constant 0 : i32
      %dma_wait3A_495 = arith.constant 0 : i32
      %dma_wait3A_496 = tpu.memref_slice %arg2[%dma_wait3A_494, %dma_wait3A_495] : memref<10112x32xf32, #tpu.memory_space<hbm>> -> memref<10112x32xf32, #tpu.memory_space<hbm>>
      %dma_wait3A_497 = tpu.memref_slice %arg10[%dma_wait3A_486] : memref<8x!tpu.dma_semaphore, #tpu.memory_space<semaphore_mem>> -> memref<1x!tpu.dma_semaphore, #tpu.memory_space<semaphore_mem>>
      %dma_wait3A_498 = tpu.memref_squeeze %dma_wait3A_497 : memref<1x!tpu.dma_semaphore, #tpu.memory_space<semaphore_mem>> -> memref<!tpu.dma_semaphore, #tpu.memory_space<semaphore_mem>>
      tpu.wait_indirect_dma semaphore(%dma_wait3A_498 : memref<!tpu.dma_semaphore, #tpu.memory_space<semaphore_mem>>) src(%dma_wait3A_496 : memref<10112x32xf32, #tpu.memory_space<hbm>>) dst(%dma_wait3A_490 : memref<128x32xf32, #tpu.memory_space<vmem>>)
      %run_scoped3A_499 = arith.constant 6 : i32
      "tpu.region"() ({
        %run_scoped3A_551 = tpu.sem_alloc : memref<!tpu.dma_semaphore, #tpu.memory_space<semaphore_mem>>
        %dma_start3A_552 = arith.constant 0 : i32
        %dma_start3A_553 = arith.constant 0 : i32
        %dma_start3A_554 = tpu.memref_slice %arg8[%run_scoped3A_499, %dma_start3A_552, %dma_start3A_553] : memref<8x128x32xf32, #tpu.memory_space<vmem>> -> memref<1x128x32xf32, #tpu.memory_space<vmem>>
        %dma_start3A_555 = tpu.memref_squeeze %dma_start3A_554 : memref<1x128x32xf32, #tpu.memory_space<vmem>> -> memref<128x32xf32, #tpu.memory_space<vmem>>
        %dma_start3A_556 = arith.constant 0 : i32
        %dma_start3A_557 = tpu.memref_slice %arg7[%add3A_484, %dma_start3A_556] : memref<80x128xi32, #tpu.memory_space<vmem>> -> memref<1x128xi32, #tpu.memory_space<vmem>>
        %dma_start3A_558 = tpu.memref_squeeze %dma_start3A_557 : memref<1x128xi32, #tpu.memory_space<vmem>> -> memref<128xi32, #tpu.memory_space<vmem>>
        %dma_start3A_559 = arith.constant 0 : i32
        %dma_start3A_560 = arith.constant 0 : i32
        %dma_start3A_561 = tpu.memref_slice %arg9[%dma_start3A_559, %dma_start3A_560] : memref<10112x32xf32, #tpu.memory_space<vmem_shared>> -> memref<10112x32xf32, #tpu.memory_space<vmem_shared>>
        tpu.enqueue_indirect_dma source(%dma_start3A_555 : memref<128x32xf32, #tpu.memory_space<vmem>>) target(%dma_start3A_561 : memref<10112x32xf32, #tpu.memory_space<vmem_shared>>) offsets(%dma_start3A_558 : memref<128xi32, #tpu.memory_space<vmem>>) semaphore(%run_scoped3A_551 : memref<!tpu.dma_semaphore, #tpu.memory_space<semaphore_mem>>) {add = true}
        %dma_wait3A_562 = arith.constant 0 : i32
        %dma_wait3A_563 = arith.constant 0 : i32
        %dma_wait3A_564 = tpu.memref_slice %arg8[%run_scoped3A_499, %dma_wait3A_562, %dma_wait3A_563] : memref<8x128x32xf32, #tpu.memory_space<vmem>> -> memref<1x128x32xf32, #tpu.memory_space<vmem>>
        %dma_wait3A_565 = tpu.memref_squeeze %dma_wait3A_564 : memref<1x128x32xf32, #tpu.memory_space<vmem>> -> memref<128x32xf32, #tpu.memory_space<vmem>>
        %dma_wait3A_566 = arith.constant 0 : i32
        %dma_wait3A_567 = tpu.memref_slice %arg7[%add3A_484, %dma_wait3A_566] : memref<80x128xi32, #tpu.memory_space<vmem>> -> memref<1x128xi32, #tpu.memory_space<vmem>>
        %dma_wait3A_568 = tpu.memref_squeeze %dma_wait3A_567 : memref<1x128xi32, #tpu.memory_space<vmem>> -> memref<128xi32, #tpu.memory_space<vmem>>
        %dma_wait3A_569 = arith.constant 0 : i32
        %dma_wait3A_570 = arith.constant 0 : i32
        %dma_wait3A_571 = tpu.memref_slice %arg9[%dma_wait3A_569, %dma_wait3A_570] : memref<10112x32xf32, #tpu.memory_space<vmem_shared>> -> memref<10112x32xf32, #tpu.memory_space<vmem_shared>>
        tpu.wait_indirect_dma semaphore(%run_scoped3A_551 : memref<!tpu.dma_semaphore, #tpu.memory_space<semaphore_mem>>) src(%dma_wait3A_565 : memref<128x32xf32, #tpu.memory_space<vmem>>) dst(%dma_wait3A_571 : memref<10112x32xf32, #tpu.memory_space<vmem_shared>>)
        tpu.yield
      }) : () -> ()
      %add3A_500 = arith.constant 8 : i32
      %add3A_501 = arith.addi %add3A_484, %add3A_500 : i32
      %dma_start3A_502 = arith.constant 6 : i32
      %dma_start3A_503 = arith.constant 6 : i32
      %dma_start3A_504 = arith.constant 0 : i32
      %dma_start3A_505 = arith.constant 0 : i32
      %dma_start3A_506 = tpu.memref_slice %arg8[%dma_start3A_502, %dma_start3A_504, %dma_start3A_505] : memref<8x128x32xf32, #tpu.memory_space<vmem>> -> memref<1x128x32xf32, #tpu.memory_space<vmem>>
      %dma_start3A_507 = tpu.memref_squeeze %dma_start3A_506 : memref<1x128x32xf32, #tpu.memory_space<vmem>> -> memref<128x32xf32, #tpu.memory_space<vmem>>
      %dma_start3A_508 = arith.constant 0 : i32
      %dma_start3A_509 = tpu.memref_slice %arg6[%add3A_501, %dma_start3A_508] : memref<80x128xi32, #tpu.memory_space<vmem>> -> memref<1x128xi32, #tpu.memory_space<vmem>>
      %dma_start3A_510 = tpu.memref_squeeze %dma_start3A_509 : memref<1x128xi32, #tpu.memory_space<vmem>> -> memref<128xi32, #tpu.memory_space<vmem>>
      %dma_start3A_511 = arith.constant 0 : i32
      %dma_start3A_512 = arith.constant 0 : i32
      %dma_start3A_513 = tpu.memref_slice %arg2[%dma_start3A_511, %dma_start3A_512] : memref<10112x32xf32, #tpu.memory_space<hbm>> -> memref<10112x32xf32, #tpu.memory_space<hbm>>
      %dma_start3A_514 = tpu.memref_slice %arg10[%dma_start3A_503] : memref<8x!tpu.dma_semaphore, #tpu.memory_space<semaphore_mem>> -> memref<1x!tpu.dma_semaphore, #tpu.memory_space<semaphore_mem>>
      %dma_start3A_515 = tpu.memref_squeeze %dma_start3A_514 : memref<1x!tpu.dma_semaphore, #tpu.memory_space<semaphore_mem>> -> memref<!tpu.dma_semaphore, #tpu.memory_space<semaphore_mem>>
      tpu.enqueue_indirect_dma source(%dma_start3A_513 : memref<10112x32xf32, #tpu.memory_space<hbm>>) target(%dma_start3A_507 : memref<128x32xf32, #tpu.memory_space<vmem>>) offsets(%dma_start3A_510 : memref<128xi32, #tpu.memory_space<vmem>>) semaphore(%dma_start3A_515 : memref<!tpu.dma_semaphore, #tpu.memory_space<semaphore_mem>>)
      %mul3A_516 = arith.constant 8 : i32
      %mul3A_517 = arith.muli %scan3A_270, %mul3A_516 : i32
      %add3A_518 = arith.constant 7 : i32
      %add3A_519 = arith.addi %mul3A_517, %add3A_518 : i32
      %dma_wait3A_520 = arith.constant 7 : i32
      %dma_wait3A_521 = arith.constant 7 : i32
      %dma_wait3A_522 = arith.constant 0 : i32
      %dma_wait3A_523 = arith.constant 0 : i32
      %dma_wait3A_524 = tpu.memref_slice %arg8[%dma_wait3A_520, %dma_wait3A_522, %dma_wait3A_523] : memref<8x128x32xf32, #tpu.memory_space<vmem>> -> memref<1x128x32xf32, #tpu.memory_space<vmem>>
      %dma_wait3A_525 = tpu.memref_squeeze %dma_wait3A_524 : memref<1x128x32xf32, #tpu.memory_space<vmem>> -> memref<128x32xf32, #tpu.memory_space<vmem>>
      %dma_wait3A_526 = arith.constant 0 : i32
      %dma_wait3A_527 = tpu.memref_slice %arg6[%add3A_519, %dma_wait3A_526] : memref<80x128xi32, #tpu.memory_space<vmem>> -> memref<1x128xi32, #tpu.memory_space<vmem>>
      %dma_wait3A_528 = tpu.memref_squeeze %dma_wait3A_527 : memref<1x128xi32, #tpu.memory_space<vmem>> -> memref<128xi32, #tpu.memory_space<vmem>>
      %dma_wait3A_529 = arith.constant 0 : i32
      %dma_wait3A_530 = arith.constant 0 : i32
      %dma_wait3A_531 = tpu.memref_slice %arg2[%dma_wait3A_529, %dma_wait3A_530] : memref<10112x32xf32, #tpu.memory_space<hbm>> -> memref<10112x32xf32, #tpu.memory_space<hbm>>
      %dma_wait3A_532 = tpu.memref_slice %arg10[%dma_wait3A_521] : memref<8x!tpu.dma_semaphore, #tpu.memory_space<semaphore_mem>> -> memref<1x!tpu.dma_semaphore, #tpu.memory_space<semaphore_mem>>
      %dma_wait3A_533 = tpu.memref_squeeze %dma_wait3A_532 : memref<1x!tpu.dma_semaphore, #tpu.memory_space<semaphore_mem>> -> memref<!tpu.dma_semaphore, #tpu.memory_space<semaphore_mem>>
      tpu.wait_indirect_dma semaphore(%dma_wait3A_533 : memref<!tpu.dma_semaphore, #tpu.memory_space<semaphore_mem>>) src(%dma_wait3A_531 : memref<10112x32xf32, #tpu.memory_space<hbm>>) dst(%dma_wait3A_525 : memref<128x32xf32, #tpu.memory_space<vmem>>)
      %run_scoped3A_534 = arith.constant 7 : i32
      "tpu.region"() ({
        %run_scoped3A_551 = tpu.sem_alloc : memref<!tpu.dma_semaphore, #tpu.memory_space<semaphore_mem>>
        %dma_start3A_552 = arith.constant 0 : i32
        %dma_start3A_553 = arith.constant 0 : i32
        %dma_start3A_554 = tpu.memref_slice %arg8[%run_scoped3A_534, %dma_start3A_552, %dma_start3A_553] : memref<8x128x32xf32, #tpu.memory_space<vmem>> -> memref<1x128x32xf32, #tpu.memory_space<vmem>>
        %dma_start3A_555 = tpu.memref_squeeze %dma_start3A_554 : memref<1x128x32xf32, #tpu.memory_space<vmem>> -> memref<128x32xf32, #tpu.memory_space<vmem>>
        %dma_start3A_556 = arith.constant 0 : i32
        %dma_start3A_557 = tpu.memref_slice %arg7[%add3A_519, %dma_start3A_556] : memref<80x128xi32, #tpu.memory_space<vmem>> -> memref<1x128xi32, #tpu.memory_space<vmem>>
        %dma_start3A_558 = tpu.memref_squeeze %dma_start3A_557 : memref<1x128xi32, #tpu.memory_space<vmem>> -> memref<128xi32, #tpu.memory_space<vmem>>
        %dma_start3A_559 = arith.constant 0 : i32
        %dma_start3A_560 = arith.constant 0 : i32
        %dma_start3A_561 = tpu.memref_slice %arg9[%dma_start3A_559, %dma_start3A_560] : memref<10112x32xf32, #tpu.memory_space<vmem_shared>> -> memref<10112x32xf32, #tpu.memory_space<vmem_shared>>
        tpu.enqueue_indirect_dma source(%dma_start3A_555 : memref<128x32xf32, #tpu.memory_space<vmem>>) target(%dma_start3A_561 : memref<10112x32xf32, #tpu.memory_space<vmem_shared>>) offsets(%dma_start3A_558 : memref<128xi32, #tpu.memory_space<vmem>>) semaphore(%run_scoped3A_551 : memref<!tpu.dma_semaphore, #tpu.memory_space<semaphore_mem>>) {add = true}
        %dma_wait3A_562 = arith.constant 0 : i32
        %dma_wait3A_563 = arith.constant 0 : i32
        %dma_wait3A_564 = tpu.memref_slice %arg8[%run_scoped3A_534, %dma_wait3A_562, %dma_wait3A_563] : memref<8x128x32xf32, #tpu.memory_space<vmem>> -> memref<1x128x32xf32, #tpu.memory_space<vmem>>
        %dma_wait3A_565 = tpu.memref_squeeze %dma_wait3A_564 : memref<1x128x32xf32, #tpu.memory_space<vmem>> -> memref<128x32xf32, #tpu.memory_space<vmem>>
        %dma_wait3A_566 = arith.constant 0 : i32
        %dma_wait3A_567 = tpu.memref_slice %arg7[%add3A_519, %dma_wait3A_566] : memref<80x128xi32, #tpu.memory_space<vmem>> -> memref<1x128xi32, #tpu.memory_space<vmem>>
        %dma_wait3A_568 = tpu.memref_squeeze %dma_wait3A_567 : memref<1x128xi32, #tpu.memory_space<vmem>> -> memref<128xi32, #tpu.memory_space<vmem>>
        %dma_wait3A_569 = arith.constant 0 : i32
        %dma_wait3A_570 = arith.constant 0 : i32
        %dma_wait3A_571 = tpu.memref_slice %arg9[%dma_wait3A_569, %dma_wait3A_570] : memref<10112x32xf32, #tpu.memory_space<vmem_shared>> -> memref<10112x32xf32, #tpu.memory_space<vmem_shared>>
        tpu.wait_indirect_dma semaphore(%run_scoped3A_551 : memref<!tpu.dma_semaphore, #tpu.memory_space<semaphore_mem>>) src(%dma_wait3A_565 : memref<128x32xf32, #tpu.memory_space<vmem>>) dst(%dma_wait3A_571 : memref<10112x32xf32, #tpu.memory_space<vmem_shared>>)
        tpu.yield
      }) : () -> ()
      %add3A_535 = arith.constant 8 : i32
      %add3A_536 = arith.addi %add3A_519, %add3A_535 : i32
      %dma_start3A_537 = arith.constant 7 : i32
      %dma_start3A_538 = arith.constant 7 : i32
      %dma_start3A_539 = arith.constant 0 : i32
      %dma_start3A_540 = arith.constant 0 : i32
      %dma_start3A_541 = tpu.memref_slice %arg8[%dma_start3A_537, %dma_start3A_539, %dma_start3A_540] : memref<8x128x32xf32, #tpu.memory_space<vmem>> -> memref<1x128x32xf32, #tpu.memory_space<vmem>>
      %dma_start3A_542 = tpu.memref_squeeze %dma_start3A_541 : memref<1x128x32xf32, #tpu.memory_space<vmem>> -> memref<128x32xf32, #tpu.memory_space<vmem>>
      %dma_start3A_543 = arith.constant 0 : i32
      %dma_start3A_544 = tpu.memref_slice %arg6[%add3A_536, %dma_start3A_543] : memref<80x128xi32, #tpu.memory_space<vmem>> -> memref<1x128xi32, #tpu.memory_space<vmem>>
      %dma_start3A_545 = tpu.memref_squeeze %dma_start3A_544 : memref<1x128xi32, #tpu.memory_space<vmem>> -> memref<128xi32, #tpu.memory_space<vmem>>
      %dma_start3A_546 = arith.constant 0 : i32
      %dma_start3A_547 = arith.constant 0 : i32
      %dma_start3A_548 = tpu.memref_slice %arg2[%dma_start3A_546, %dma_start3A_547] : memref<10112x32xf32, #tpu.memory_space<hbm>> -> memref<10112x32xf32, #tpu.memory_space<hbm>>
      %dma_start3A_549 = tpu.memref_slice %arg10[%dma_start3A_538] : memref<8x!tpu.dma_semaphore, #tpu.memory_space<semaphore_mem>> -> memref<1x!tpu.dma_semaphore, #tpu.memory_space<semaphore_mem>>
      %dma_start3A_550 = tpu.memref_squeeze %dma_start3A_549 : memref<1x!tpu.dma_semaphore, #tpu.memory_space<semaphore_mem>> -> memref<!tpu.dma_semaphore, #tpu.memory_space<semaphore_mem>>
      tpu.enqueue_indirect_dma source(%dma_start3A_548 : memref<10112x32xf32, #tpu.memory_space<hbm>>) target(%dma_start3A_542 : memref<128x32xf32, #tpu.memory_space<vmem>>) offsets(%dma_start3A_545 : memref<128xi32, #tpu.memory_space<vmem>>) semaphore(%dma_start3A_550 : memref<!tpu.dma_semaphore, #tpu.memory_space<semaphore_mem>>)
    }
    %scan3A_129 = arith.constant 9 : i32
    %dma_wait3A = arith.constant 72 : i32
    %dma_wait3A_130 = arith.constant 0 : i32
    %dma_wait3A_131 = arith.constant 0 : i32
    %dma_wait3A_132 = arith.constant 0 : i32
    %dma_wait3A_133 = arith.constant 0 : i32
    %dma_wait3A_134 = tpu.memref_slice %arg8[%dma_wait3A_130, %dma_wait3A_132, %dma_wait3A_133] : memref<8x128x32xf32, #tpu.memory_space<vmem>> -> memref<1x128x32xf32, #tpu.memory_space<vmem>>
    %dma_wait3A_135 = tpu.memref_squeeze %dma_wait3A_134 : memref<1x128x32xf32, #tpu.memory_space<vmem>> -> memref<128x32xf32, #tpu.memory_space<vmem>>
    %dma_wait3A_136 = arith.constant 0 : i32
    %dma_wait3A_137 = tpu.memref_slice %arg6[%dma_wait3A, %dma_wait3A_136] : memref<80x128xi32, #tpu.memory_space<vmem>> -> memref<1x128xi32, #tpu.memory_space<vmem>>
    %dma_wait3A_138 = tpu.memref_squeeze %dma_wait3A_137 : memref<1x128xi32, #tpu.memory_space<vmem>> -> memref<128xi32, #tpu.memory_space<vmem>>
    %dma_wait3A_139 = arith.constant 0 : i32
    %dma_wait3A_140 = arith.constant 0 : i32
    %dma_wait3A_141 = tpu.memref_slice %arg2[%dma_wait3A_139, %dma_wait3A_140] : memref<10112x32xf32, #tpu.memory_space<hbm>> -> memref<10112x32xf32, #tpu.memory_space<hbm>>
    %dma_wait3A_142 = tpu.memref_slice %arg10[%dma_wait3A_131] : memref<8x!tpu.dma_semaphore, #tpu.memory_space<semaphore_mem>> -> memref<1x!tpu.dma_semaphore, #tpu.memory_space<semaphore_mem>>
    %dma_wait3A_143 = tpu.memref_squeeze %dma_wait3A_142 : memref<1x!tpu.dma_semaphore, #tpu.memory_space<semaphore_mem>> -> memref<!tpu.dma_semaphore, #tpu.memory_space<semaphore_mem>>
    tpu.wait_indirect_dma semaphore(%dma_wait3A_143 : memref<!tpu.dma_semaphore, #tpu.memory_space<semaphore_mem>>) src(%dma_wait3A_141 : memref<10112x32xf32, #tpu.memory_space<hbm>>) dst(%dma_wait3A_135 : memref<128x32xf32, #tpu.memory_space<vmem>>)
    %run_scoped3A_144 = arith.constant 0 : i32
    %run_scoped3A_145 = arith.constant 72 : i32
    "tpu.region"() ({
      %run_scoped3A_270 = tpu.sem_alloc : memref<!tpu.dma_semaphore, #tpu.memory_space<semaphore_mem>>
      %dma_start3A_271 = arith.constant 0 : i32
      %dma_start3A_272 = arith.constant 0 : i32
      %dma_start3A_273 = tpu.memref_slice %arg8[%run_scoped3A_144, %dma_start3A_271, %dma_start3A_272] : memref<8x128x32xf32, #tpu.memory_space<vmem>> -> memref<1x128x32xf32, #tpu.memory_space<vmem>>
      %dma_start3A_274 = tpu.memref_squeeze %dma_start3A_273 : memref<1x128x32xf32, #tpu.memory_space<vmem>> -> memref<128x32xf32, #tpu.memory_space<vmem>>
      %dma_start3A_275 = arith.constant 0 : i32
      %dma_start3A_276 = tpu.memref_slice %arg7[%run_scoped3A_145, %dma_start3A_275] : memref<80x128xi32, #tpu.memory_space<vmem>> -> memref<1x128xi32, #tpu.memory_space<vmem>>
      %dma_start3A_277 = tpu.memref_squeeze %dma_start3A_276 : memref<1x128xi32, #tpu.memory_space<vmem>> -> memref<128xi32, #tpu.memory_space<vmem>>
      %dma_start3A_278 = arith.constant 0 : i32
      %dma_start3A_279 = arith.constant 0 : i32
      %dma_start3A_280 = tpu.memref_slice %arg9[%dma_start3A_278, %dma_start3A_279] : memref<10112x32xf32, #tpu.memory_space<vmem_shared>> -> memref<10112x32xf32, #tpu.memory_space<vmem_shared>>
      tpu.enqueue_indirect_dma source(%dma_start3A_274 : memref<128x32xf32, #tpu.memory_space<vmem>>) target(%dma_start3A_280 : memref<10112x32xf32, #tpu.memory_space<vmem_shared>>) offsets(%dma_start3A_277 : memref<128xi32, #tpu.memory_space<vmem>>) semaphore(%run_scoped3A_270 : memref<!tpu.dma_semaphore, #tpu.memory_space<semaphore_mem>>) {add = true}
      %dma_wait3A_281 = arith.constant 0 : i32
      %dma_wait3A_282 = arith.constant 0 : i32
      %dma_wait3A_283 = tpu.memref_slice %arg8[%run_scoped3A_144, %dma_wait3A_281, %dma_wait3A_282] : memref<8x128x32xf32, #tpu.memory_space<vmem>> -> memref<1x128x32xf32, #tpu.memory_space<vmem>>
      %dma_wait3A_284 = tpu.memref_squeeze %dma_wait3A_283 : memref<1x128x32xf32, #tpu.memory_space<vmem>> -> memref<128x32xf32, #tpu.memory_space<vmem>>
      %dma_wait3A_285 = arith.constant 0 : i32
      %dma_wait3A_286 = tpu.memref_slice %arg7[%run_scoped3A_145, %dma_wait3A_285] : memref<80x128xi32, #tpu.memory_space<vmem>> -> memref<1x128xi32, #tpu.memory_space<vmem>>
      %dma_wait3A_287 = tpu.memref_squeeze %dma_wait3A_286 : memref<1x128xi32, #tpu.memory_space<vmem>> -> memref<128xi32, #tpu.memory_space<vmem>>
      %dma_wait3A_288 = arith.constant 0 : i32
      %dma_wait3A_289 = arith.constant 0 : i32
      %dma_wait3A_290 = tpu.memref_slice %arg9[%dma_wait3A_288, %dma_wait3A_289] : memref<10112x32xf32, #tpu.memory_space<vmem_shared>> -> memref<10112x32xf32, #tpu.memory_space<vmem_shared>>
      tpu.wait_indirect_dma semaphore(%run_scoped3A_270 : memref<!tpu.dma_semaphore, #tpu.memory_space<semaphore_mem>>) src(%dma_wait3A_284 : memref<128x32xf32, #tpu.memory_space<vmem>>) dst(%dma_wait3A_290 : memref<10112x32xf32, #tpu.memory_space<vmem_shared>>)
      tpu.yield
    }) : () -> ()
    %dma_wait3A_146 = arith.constant 73 : i32
    %dma_wait3A_147 = arith.constant 1 : i32
    %dma_wait3A_148 = arith.constant 1 : i32
    %dma_wait3A_149 = arith.constant 0 : i32
    %dma_wait3A_150 = arith.constant 0 : i32
    %dma_wait3A_151 = tpu.memref_slice %arg8[%dma_wait3A_147, %dma_wait3A_149, %dma_wait3A_150] : memref<8x128x32xf32, #tpu.memory_space<vmem>> -> memref<1x128x32xf32, #tpu.memory_space<vmem>>
    %dma_wait3A_152 = tpu.memref_squeeze %dma_wait3A_151 : memref<1x128x32xf32, #tpu.memory_space<vmem>> -> memref<128x32xf32, #tpu.memory_space<vmem>>
    %dma_wait3A_153 = arith.constant 0 : i32
    %dma_wait3A_154 = tpu.memref_slice %arg6[%dma_wait3A_146, %dma_wait3A_153] : memref<80x128xi32, #tpu.memory_space<vmem>> -> memref<1x128xi32, #tpu.memory_space<vmem>>
    %dma_wait3A_155 = tpu.memref_squeeze %dma_wait3A_154 : memref<1x128xi32, #tpu.memory_space<vmem>> -> memref<128xi32, #tpu.memory_space<vmem>>
    %dma_wait3A_156 = arith.constant 0 : i32
    %dma_wait3A_157 = arith.constant 0 : i32
    %dma_wait3A_158 = tpu.memref_slice %arg2[%dma_wait3A_156, %dma_wait3A_157] : memref<10112x32xf32, #tpu.memory_space<hbm>> -> memref<10112x32xf32, #tpu.memory_space<hbm>>
    %dma_wait3A_159 = tpu.memref_slice %arg10[%dma_wait3A_148] : memref<8x!tpu.dma_semaphore, #tpu.memory_space<semaphore_mem>> -> memref<1x!tpu.dma_semaphore, #tpu.memory_space<semaphore_mem>>
    %dma_wait3A_160 = tpu.memref_squeeze %dma_wait3A_159 : memref<1x!tpu.dma_semaphore, #tpu.memory_space<semaphore_mem>> -> memref<!tpu.dma_semaphore, #tpu.memory_space<semaphore_mem>>
    tpu.wait_indirect_dma semaphore(%dma_wait3A_160 : memref<!tpu.dma_semaphore, #tpu.memory_space<semaphore_mem>>) src(%dma_wait3A_158 : memref<10112x32xf32, #tpu.memory_space<hbm>>) dst(%dma_wait3A_152 : memref<128x32xf32, #tpu.memory_space<vmem>>)
    %run_scoped3A_161 = arith.constant 1 : i32
    %run_scoped3A_162 = arith.constant 73 : i32
    "tpu.region"() ({
      %run_scoped3A_270 = tpu.sem_alloc : memref<!tpu.dma_semaphore, #tpu.memory_space<semaphore_mem>>
      %dma_start3A_271 = arith.constant 0 : i32
      %dma_start3A_272 = arith.constant 0 : i32
      %dma_start3A_273 = tpu.memref_slice %arg8[%run_scoped3A_161, %dma_start3A_271, %dma_start3A_272] : memref<8x128x32xf32, #tpu.memory_space<vmem>> -> memref<1x128x32xf32, #tpu.memory_space<vmem>>
      %dma_start3A_274 = tpu.memref_squeeze %dma_start3A_273 : memref<1x128x32xf32, #tpu.memory_space<vmem>> -> memref<128x32xf32, #tpu.memory_space<vmem>>
      %dma_start3A_275 = arith.constant 0 : i32
      %dma_start3A_276 = tpu.memref_slice %arg7[%run_scoped3A_162, %dma_start3A_275] : memref<80x128xi32, #tpu.memory_space<vmem>> -> memref<1x128xi32, #tpu.memory_space<vmem>>
      %dma_start3A_277 = tpu.memref_squeeze %dma_start3A_276 : memref<1x128xi32, #tpu.memory_space<vmem>> -> memref<128xi32, #tpu.memory_space<vmem>>
      %dma_start3A_278 = arith.constant 0 : i32
      %dma_start3A_279 = arith.constant 0 : i32
      %dma_start3A_280 = tpu.memref_slice %arg9[%dma_start3A_278, %dma_start3A_279] : memref<10112x32xf32, #tpu.memory_space<vmem_shared>> -> memref<10112x32xf32, #tpu.memory_space<vmem_shared>>
      tpu.enqueue_indirect_dma source(%dma_start3A_274 : memref<128x32xf32, #tpu.memory_space<vmem>>) target(%dma_start3A_280 : memref<10112x32xf32, #tpu.memory_space<vmem_shared>>) offsets(%dma_start3A_277 : memref<128xi32, #tpu.memory_space<vmem>>) semaphore(%run_scoped3A_270 : memref<!tpu.dma_semaphore, #tpu.memory_space<semaphore_mem>>) {add = true}
      %dma_wait3A_281 = arith.constant 0 : i32
      %dma_wait3A_282 = arith.constant 0 : i32
      %dma_wait3A_283 = tpu.memref_slice %arg8[%run_scoped3A_161, %dma_wait3A_281, %dma_wait3A_282] : memref<8x128x32xf32, #tpu.memory_space<vmem>> -> memref<1x128x32xf32, #tpu.memory_space<vmem>>
      %dma_wait3A_284 = tpu.memref_squeeze %dma_wait3A_283 : memref<1x128x32xf32, #tpu.memory_space<vmem>> -> memref<128x32xf32, #tpu.memory_space<vmem>>
      %dma_wait3A_285 = arith.constant 0 : i32
      %dma_wait3A_286 = tpu.memref_slice %arg7[%run_scoped3A_162, %dma_wait3A_285] : memref<80x128xi32, #tpu.memory_space<vmem>> -> memref<1x128xi32, #tpu.memory_space<vmem>>
      %dma_wait3A_287 = tpu.memref_squeeze %dma_wait3A_286 : memref<1x128xi32, #tpu.memory_space<vmem>> -> memref<128xi32, #tpu.memory_space<vmem>>
      %dma_wait3A_288 = arith.constant 0 : i32
      %dma_wait3A_289 = arith.constant 0 : i32
      %dma_wait3A_290 = tpu.memref_slice %arg9[%dma_wait3A_288, %dma_wait3A_289] : memref<10112x32xf32, #tpu.memory_space<vmem_shared>> -> memref<10112x32xf32, #tpu.memory_space<vmem_shared>>
      tpu.wait_indirect_dma semaphore(%run_scoped3A_270 : memref<!tpu.dma_semaphore, #tpu.memory_space<semaphore_mem>>) src(%dma_wait3A_284 : memref<128x32xf32, #tpu.memory_space<vmem>>) dst(%dma_wait3A_290 : memref<10112x32xf32, #tpu.memory_space<vmem_shared>>)
      tpu.yield
    }) : () -> ()
    %dma_wait3A_163 = arith.constant 74 : i32
    %dma_wait3A_164 = arith.constant 2 : i32
    %dma_wait3A_165 = arith.constant 2 : i32
    %dma_wait3A_166 = arith.constant 0 : i32
    %dma_wait3A_167 = arith.constant 0 : i32
    %dma_wait3A_168 = tpu.memref_slice %arg8[%dma_wait3A_164, %dma_wait3A_166, %dma_wait3A_167] : memref<8x128x32xf32, #tpu.memory_space<vmem>> -> memref<1x128x32xf32, #tpu.memory_space<vmem>>
    %dma_wait3A_169 = tpu.memref_squeeze %dma_wait3A_168 : memref<1x128x32xf32, #tpu.memory_space<vmem>> -> memref<128x32xf32, #tpu.memory_space<vmem>>
    %dma_wait3A_170 = arith.constant 0 : i32
    %dma_wait3A_171 = tpu.memref_slice %arg6[%dma_wait3A_163, %dma_wait3A_170] : memref<80x128xi32, #tpu.memory_space<vmem>> -> memref<1x128xi32, #tpu.memory_space<vmem>>
    %dma_wait3A_172 = tpu.memref_squeeze %dma_wait3A_171 : memref<1x128xi32, #tpu.memory_space<vmem>> -> memref<128xi32, #tpu.memory_space<vmem>>
    %dma_wait3A_173 = arith.constant 0 : i32
    %dma_wait3A_174 = arith.constant 0 : i32
    %dma_wait3A_175 = tpu.memref_slice %arg2[%dma_wait3A_173, %dma_wait3A_174] : memref<10112x32xf32, #tpu.memory_space<hbm>> -> memref<10112x32xf32, #tpu.memory_space<hbm>>
    %dma_wait3A_176 = tpu.memref_slice %arg10[%dma_wait3A_165] : memref<8x!tpu.dma_semaphore, #tpu.memory_space<semaphore_mem>> -> memref<1x!tpu.dma_semaphore, #tpu.memory_space<semaphore_mem>>
    %dma_wait3A_177 = tpu.memref_squeeze %dma_wait3A_176 : memref<1x!tpu.dma_semaphore, #tpu.memory_space<semaphore_mem>> -> memref<!tpu.dma_semaphore, #tpu.memory_space<semaphore_mem>>
    tpu.wait_indirect_dma semaphore(%dma_wait3A_177 : memref<!tpu.dma_semaphore, #tpu.memory_space<semaphore_mem>>) src(%dma_wait3A_175 : memref<10112x32xf32, #tpu.memory_space<hbm>>) dst(%dma_wait3A_169 : memref<128x32xf32, #tpu.memory_space<vmem>>)
    %run_scoped3A_178 = arith.constant 2 : i32
    %run_scoped3A_179 = arith.constant 74 : i32
    "tpu.region"() ({
      %run_scoped3A_270 = tpu.sem_alloc : memref<!tpu.dma_semaphore, #tpu.memory_space<semaphore_mem>>
      %dma_start3A_271 = arith.constant 0 : i32
      %dma_start3A_272 = arith.constant 0 : i32
      %dma_start3A_273 = tpu.memref_slice %arg8[%run_scoped3A_178, %dma_start3A_271, %dma_start3A_272] : memref<8x128x32xf32, #tpu.memory_space<vmem>> -> memref<1x128x32xf32, #tpu.memory_space<vmem>>
      %dma_start3A_274 = tpu.memref_squeeze %dma_start3A_273 : memref<1x128x32xf32, #tpu.memory_space<vmem>> -> memref<128x32xf32, #tpu.memory_space<vmem>>
      %dma_start3A_275 = arith.constant 0 : i32
      %dma_start3A_276 = tpu.memref_slice %arg7[%run_scoped3A_179, %dma_start3A_275] : memref<80x128xi32, #tpu.memory_space<vmem>> -> memref<1x128xi32, #tpu.memory_space<vmem>>
      %dma_start3A_277 = tpu.memref_squeeze %dma_start3A_276 : memref<1x128xi32, #tpu.memory_space<vmem>> -> memref<128xi32, #tpu.memory_space<vmem>>
      %dma_start3A_278 = arith.constant 0 : i32
      %dma_start3A_279 = arith.constant 0 : i32
      %dma_start3A_280 = tpu.memref_slice %arg9[%dma_start3A_278, %dma_start3A_279] : memref<10112x32xf32, #tpu.memory_space<vmem_shared>> -> memref<10112x32xf32, #tpu.memory_space<vmem_shared>>
      tpu.enqueue_indirect_dma source(%dma_start3A_274 : memref<128x32xf32, #tpu.memory_space<vmem>>) target(%dma_start3A_280 : memref<10112x32xf32, #tpu.memory_space<vmem_shared>>) offsets(%dma_start3A_277 : memref<128xi32, #tpu.memory_space<vmem>>) semaphore(%run_scoped3A_270 : memref<!tpu.dma_semaphore, #tpu.memory_space<semaphore_mem>>) {add = true}
      %dma_wait3A_281 = arith.constant 0 : i32
      %dma_wait3A_282 = arith.constant 0 : i32
      %dma_wait3A_283 = tpu.memref_slice %arg8[%run_scoped3A_178, %dma_wait3A_281, %dma_wait3A_282] : memref<8x128x32xf32, #tpu.memory_space<vmem>> -> memref<1x128x32xf32, #tpu.memory_space<vmem>>
      %dma_wait3A_284 = tpu.memref_squeeze %dma_wait3A_283 : memref<1x128x32xf32, #tpu.memory_space<vmem>> -> memref<128x32xf32, #tpu.memory_space<vmem>>
      %dma_wait3A_285 = arith.constant 0 : i32
      %dma_wait3A_286 = tpu.memref_slice %arg7[%run_scoped3A_179, %dma_wait3A_285] : memref<80x128xi32, #tpu.memory_space<vmem>> -> memref<1x128xi32, #tpu.memory_space<vmem>>
      %dma_wait3A_287 = tpu.memref_squeeze %dma_wait3A_286 : memref<1x128xi32, #tpu.memory_space<vmem>> -> memref<128xi32, #tpu.memory_space<vmem>>
      %dma_wait3A_288 = arith.constant 0 : i32
      %dma_wait3A_289 = arith.constant 0 : i32
      %dma_wait3A_290 = tpu.memref_slice %arg9[%dma_wait3A_288, %dma_wait3A_289] : memref<10112x32xf32, #tpu.memory_space<vmem_shared>> -> memref<10112x32xf32, #tpu.memory_space<vmem_shared>>
      tpu.wait_indirect_dma semaphore(%run_scoped3A_270 : memref<!tpu.dma_semaphore, #tpu.memory_space<semaphore_mem>>) src(%dma_wait3A_284 : memref<128x32xf32, #tpu.memory_space<vmem>>) dst(%dma_wait3A_290 : memref<10112x32xf32, #tpu.memory_space<vmem_shared>>)
      tpu.yield
    }) : () -> ()
    %dma_wait3A_180 = arith.constant 75 : i32
    %dma_wait3A_181 = arith.constant 3 : i32
    %dma_wait3A_182 = arith.constant 3 : i32
    %dma_wait3A_183 = arith.constant 0 : i32
    %dma_wait3A_184 = arith.constant 0 : i32
    %dma_wait3A_185 = tpu.memref_slice %arg8[%dma_wait3A_181, %dma_wait3A_183, %dma_wait3A_184] : memref<8x128x32xf32, #tpu.memory_space<vmem>> -> memref<1x128x32xf32, #tpu.memory_space<vmem>>
    %dma_wait3A_186 = tpu.memref_squeeze %dma_wait3A_185 : memref<1x128x32xf32, #tpu.memory_space<vmem>> -> memref<128x32xf32, #tpu.memory_space<vmem>>
    %dma_wait3A_187 = arith.constant 0 : i32
    %dma_wait3A_188 = tpu.memref_slice %arg6[%dma_wait3A_180, %dma_wait3A_187] : memref<80x128xi32, #tpu.memory_space<vmem>> -> memref<1x128xi32, #tpu.memory_space<vmem>>
    %dma_wait3A_189 = tpu.memref_squeeze %dma_wait3A_188 : memref<1x128xi32, #tpu.memory_space<vmem>> -> memref<128xi32, #tpu.memory_space<vmem>>
    %dma_wait3A_190 = arith.constant 0 : i32
    %dma_wait3A_191 = arith.constant 0 : i32
    %dma_wait3A_192 = tpu.memref_slice %arg2[%dma_wait3A_190, %dma_wait3A_191] : memref<10112x32xf32, #tpu.memory_space<hbm>> -> memref<10112x32xf32, #tpu.memory_space<hbm>>
    %dma_wait3A_193 = tpu.memref_slice %arg10[%dma_wait3A_182] : memref<8x!tpu.dma_semaphore, #tpu.memory_space<semaphore_mem>> -> memref<1x!tpu.dma_semaphore, #tpu.memory_space<semaphore_mem>>
    %dma_wait3A_194 = tpu.memref_squeeze %dma_wait3A_193 : memref<1x!tpu.dma_semaphore, #tpu.memory_space<semaphore_mem>> -> memref<!tpu.dma_semaphore, #tpu.memory_space<semaphore_mem>>
    tpu.wait_indirect_dma semaphore(%dma_wait3A_194 : memref<!tpu.dma_semaphore, #tpu.memory_space<semaphore_mem>>) src(%dma_wait3A_192 : memref<10112x32xf32, #tpu.memory_space<hbm>>) dst(%dma_wait3A_186 : memref<128x32xf32, #tpu.memory_space<vmem>>)
    %run_scoped3A_195 = arith.constant 3 : i32
    %run_scoped3A_196 = arith.constant 75 : i32
    "tpu.region"() ({
      %run_scoped3A_270 = tpu.sem_alloc : memref<!tpu.dma_semaphore, #tpu.memory_space<semaphore_mem>>
      %dma_start3A_271 = arith.constant 0 : i32
      %dma_start3A_272 = arith.constant 0 : i32
      %dma_start3A_273 = tpu.memref_slice %arg8[%run_scoped3A_195, %dma_start3A_271, %dma_start3A_272] : memref<8x128x32xf32, #tpu.memory_space<vmem>> -> memref<1x128x32xf32, #tpu.memory_space<vmem>>
      %dma_start3A_274 = tpu.memref_squeeze %dma_start3A_273 : memref<1x128x32xf32, #tpu.memory_space<vmem>> -> memref<128x32xf32, #tpu.memory_space<vmem>>
      %dma_start3A_275 = arith.constant 0 : i32
      %dma_start3A_276 = tpu.memref_slice %arg7[%run_scoped3A_196, %dma_start3A_275] : memref<80x128xi32, #tpu.memory_space<vmem>> -> memref<1x128xi32, #tpu.memory_space<vmem>>
      %dma_start3A_277 = tpu.memref_squeeze %dma_start3A_276 : memref<1x128xi32, #tpu.memory_space<vmem>> -> memref<128xi32, #tpu.memory_space<vmem>>
      %dma_start3A_278 = arith.constant 0 : i32
      %dma_start3A_279 = arith.constant 0 : i32
      %dma_start3A_280 = tpu.memref_slice %arg9[%dma_start3A_278, %dma_start3A_279] : memref<10112x32xf32, #tpu.memory_space<vmem_shared>> -> memref<10112x32xf32, #tpu.memory_space<vmem_shared>>
      tpu.enqueue_indirect_dma source(%dma_start3A_274 : memref<128x32xf32, #tpu.memory_space<vmem>>) target(%dma_start3A_280 : memref<10112x32xf32, #tpu.memory_space<vmem_shared>>) offsets(%dma_start3A_277 : memref<128xi32, #tpu.memory_space<vmem>>) semaphore(%run_scoped3A_270 : memref<!tpu.dma_semaphore, #tpu.memory_space<semaphore_mem>>) {add = true}
      %dma_wait3A_281 = arith.constant 0 : i32
      %dma_wait3A_282 = arith.constant 0 : i32
      %dma_wait3A_283 = tpu.memref_slice %arg8[%run_scoped3A_195, %dma_wait3A_281, %dma_wait3A_282] : memref<8x128x32xf32, #tpu.memory_space<vmem>> -> memref<1x128x32xf32, #tpu.memory_space<vmem>>
      %dma_wait3A_284 = tpu.memref_squeeze %dma_wait3A_283 : memref<1x128x32xf32, #tpu.memory_space<vmem>> -> memref<128x32xf32, #tpu.memory_space<vmem>>
      %dma_wait3A_285 = arith.constant 0 : i32
      %dma_wait3A_286 = tpu.memref_slice %arg7[%run_scoped3A_196, %dma_wait3A_285] : memref<80x128xi32, #tpu.memory_space<vmem>> -> memref<1x128xi32, #tpu.memory_space<vmem>>
      %dma_wait3A_287 = tpu.memref_squeeze %dma_wait3A_286 : memref<1x128xi32, #tpu.memory_space<vmem>> -> memref<128xi32, #tpu.memory_space<vmem>>
      %dma_wait3A_288 = arith.constant 0 : i32
      %dma_wait3A_289 = arith.constant 0 : i32
      %dma_wait3A_290 = tpu.memref_slice %arg9[%dma_wait3A_288, %dma_wait3A_289] : memref<10112x32xf32, #tpu.memory_space<vmem_shared>> -> memref<10112x32xf32, #tpu.memory_space<vmem_shared>>
      tpu.wait_indirect_dma semaphore(%run_scoped3A_270 : memref<!tpu.dma_semaphore, #tpu.memory_space<semaphore_mem>>) src(%dma_wait3A_284 : memref<128x32xf32, #tpu.memory_space<vmem>>) dst(%dma_wait3A_290 : memref<10112x32xf32, #tpu.memory_space<vmem_shared>>)
      tpu.yield
    }) : () -> ()
    %dma_wait3A_197 = arith.constant 76 : i32
    %dma_wait3A_198 = arith.constant 4 : i32
    %dma_wait3A_199 = arith.constant 4 : i32
    %dma_wait3A_200 = arith.constant 0 : i32
    %dma_wait3A_201 = arith.constant 0 : i32
    %dma_wait3A_202 = tpu.memref_slice %arg8[%dma_wait3A_198, %dma_wait3A_200, %dma_wait3A_201] : memref<8x128x32xf32, #tpu.memory_space<vmem>> -> memref<1x128x32xf32, #tpu.memory_space<vmem>>
    %dma_wait3A_203 = tpu.memref_squeeze %dma_wait3A_202 : memref<1x128x32xf32, #tpu.memory_space<vmem>> -> memref<128x32xf32, #tpu.memory_space<vmem>>
    %dma_wait3A_204 = arith.constant 0 : i32
    %dma_wait3A_205 = tpu.memref_slice %arg6[%dma_wait3A_197, %dma_wait3A_204] : memref<80x128xi32, #tpu.memory_space<vmem>> -> memref<1x128xi32, #tpu.memory_space<vmem>>
    %dma_wait3A_206 = tpu.memref_squeeze %dma_wait3A_205 : memref<1x128xi32, #tpu.memory_space<vmem>> -> memref<128xi32, #tpu.memory_space<vmem>>
    %dma_wait3A_207 = arith.constant 0 : i32
    %dma_wait3A_208 = arith.constant 0 : i32
    %dma_wait3A_209 = tpu.memref_slice %arg2[%dma_wait3A_207, %dma_wait3A_208] : memref<10112x32xf32, #tpu.memory_space<hbm>> -> memref<10112x32xf32, #tpu.memory_space<hbm>>
    %dma_wait3A_210 = tpu.memref_slice %arg10[%dma_wait3A_199] : memref<8x!tpu.dma_semaphore, #tpu.memory_space<semaphore_mem>> -> memref<1x!tpu.dma_semaphore, #tpu.memory_space<semaphore_mem>>
    %dma_wait3A_211 = tpu.memref_squeeze %dma_wait3A_210 : memref<1x!tpu.dma_semaphore, #tpu.memory_space<semaphore_mem>> -> memref<!tpu.dma_semaphore, #tpu.memory_space<semaphore_mem>>
    tpu.wait_indirect_dma semaphore(%dma_wait3A_211 : memref<!tpu.dma_semaphore, #tpu.memory_space<semaphore_mem>>) src(%dma_wait3A_209 : memref<10112x32xf32, #tpu.memory_space<hbm>>) dst(%dma_wait3A_203 : memref<128x32xf32, #tpu.memory_space<vmem>>)
    %run_scoped3A_212 = arith.constant 4 : i32
    %run_scoped3A_213 = arith.constant 76 : i32
    "tpu.region"() ({
      %run_scoped3A_270 = tpu.sem_alloc : memref<!tpu.dma_semaphore, #tpu.memory_space<semaphore_mem>>
      %dma_start3A_271 = arith.constant 0 : i32
      %dma_start3A_272 = arith.constant 0 : i32
      %dma_start3A_273 = tpu.memref_slice %arg8[%run_scoped3A_212, %dma_start3A_271, %dma_start3A_272] : memref<8x128x32xf32, #tpu.memory_space<vmem>> -> memref<1x128x32xf32, #tpu.memory_space<vmem>>
      %dma_start3A_274 = tpu.memref_squeeze %dma_start3A_273 : memref<1x128x32xf32, #tpu.memory_space<vmem>> -> memref<128x32xf32, #tpu.memory_space<vmem>>
      %dma_start3A_275 = arith.constant 0 : i32
      %dma_start3A_276 = tpu.memref_slice %arg7[%run_scoped3A_213, %dma_start3A_275] : memref<80x128xi32, #tpu.memory_space<vmem>> -> memref<1x128xi32, #tpu.memory_space<vmem>>
      %dma_start3A_277 = tpu.memref_squeeze %dma_start3A_276 : memref<1x128xi32, #tpu.memory_space<vmem>> -> memref<128xi32, #tpu.memory_space<vmem>>
      %dma_start3A_278 = arith.constant 0 : i32
      %dma_start3A_279 = arith.constant 0 : i32
      %dma_start3A_280 = tpu.memref_slice %arg9[%dma_start3A_278, %dma_start3A_279] : memref<10112x32xf32, #tpu.memory_space<vmem_shared>> -> memref<10112x32xf32, #tpu.memory_space<vmem_shared>>
      tpu.enqueue_indirect_dma source(%dma_start3A_274 : memref<128x32xf32, #tpu.memory_space<vmem>>) target(%dma_start3A_280 : memref<10112x32xf32, #tpu.memory_space<vmem_shared>>) offsets(%dma_start3A_277 : memref<128xi32, #tpu.memory_space<vmem>>) semaphore(%run_scoped3A_270 : memref<!tpu.dma_semaphore, #tpu.memory_space<semaphore_mem>>) {add = true}
      %dma_wait3A_281 = arith.constant 0 : i32
      %dma_wait3A_282 = arith.constant 0 : i32
      %dma_wait3A_283 = tpu.memref_slice %arg8[%run_scoped3A_212, %dma_wait3A_281, %dma_wait3A_282] : memref<8x128x32xf32, #tpu.memory_space<vmem>> -> memref<1x128x32xf32, #tpu.memory_space<vmem>>
      %dma_wait3A_284 = tpu.memref_squeeze %dma_wait3A_283 : memref<1x128x32xf32, #tpu.memory_space<vmem>> -> memref<128x32xf32, #tpu.memory_space<vmem>>
      %dma_wait3A_285 = arith.constant 0 : i32
      %dma_wait3A_286 = tpu.memref_slice %arg7[%run_scoped3A_213, %dma_wait3A_285] : memref<80x128xi32, #tpu.memory_space<vmem>> -> memref<1x128xi32, #tpu.memory_space<vmem>>
      %dma_wait3A_287 = tpu.memref_squeeze %dma_wait3A_286 : memref<1x128xi32, #tpu.memory_space<vmem>> -> memref<128xi32, #tpu.memory_space<vmem>>
      %dma_wait3A_288 = arith.constant 0 : i32
      %dma_wait3A_289 = arith.constant 0 : i32
      %dma_wait3A_290 = tpu.memref_slice %arg9[%dma_wait3A_288, %dma_wait3A_289] : memref<10112x32xf32, #tpu.memory_space<vmem_shared>> -> memref<10112x32xf32, #tpu.memory_space<vmem_shared>>
      tpu.wait_indirect_dma semaphore(%run_scoped3A_270 : memref<!tpu.dma_semaphore, #tpu.memory_space<semaphore_mem>>) src(%dma_wait3A_284 : memref<128x32xf32, #tpu.memory_space<vmem>>) dst(%dma_wait3A_290 : memref<10112x32xf32, #tpu.memory_space<vmem_shared>>)
      tpu.yield
    }) : () -> ()
    %dma_wait3A_214 = arith.constant 77 : i32
    %dma_wait3A_215 = arith.constant 5 : i32
    %dma_wait3A_216 = arith.constant 5 : i32
    %dma_wait3A_217 = arith.constant 0 : i32
    %dma_wait3A_218 = arith.constant 0 : i32
    %dma_wait3A_219 = tpu.memref_slice %arg8[%dma_wait3A_215, %dma_wait3A_217, %dma_wait3A_218] : memref<8x128x32xf32, #tpu.memory_space<vmem>> -> memref<1x128x32xf32, #tpu.memory_space<vmem>>
    %dma_wait3A_220 = tpu.memref_squeeze %dma_wait3A_219 : memref<1x128x32xf32, #tpu.memory_space<vmem>> -> memref<128x32xf32, #tpu.memory_space<vmem>>
    %dma_wait3A_221 = arith.constant 0 : i32
    %dma_wait3A_222 = tpu.memref_slice %arg6[%dma_wait3A_214, %dma_wait3A_221] : memref<80x128xi32, #tpu.memory_space<vmem>> -> memref<1x128xi32, #tpu.memory_space<vmem>>
    %dma_wait3A_223 = tpu.memref_squeeze %dma_wait3A_222 : memref<1x128xi32, #tpu.memory_space<vmem>> -> memref<128xi32, #tpu.memory_space<vmem>>
    %dma_wait3A_224 = arith.constant 0 : i32
    %dma_wait3A_225 = arith.constant 0 : i32
    %dma_wait3A_226 = tpu.memref_slice %arg2[%dma_wait3A_224, %dma_wait3A_225] : memref<10112x32xf32, #tpu.memory_space<hbm>> -> memref<10112x32xf32, #tpu.memory_space<hbm>>
    %dma_wait3A_227 = tpu.memref_slice %arg10[%dma_wait3A_216] : memref<8x!tpu.dma_semaphore, #tpu.memory_space<semaphore_mem>> -> memref<1x!tpu.dma_semaphore, #tpu.memory_space<semaphore_mem>>
    %dma_wait3A_228 = tpu.memref_squeeze %dma_wait3A_227 : memref<1x!tpu.dma_semaphore, #tpu.memory_space<semaphore_mem>> -> memref<!tpu.dma_semaphore, #tpu.memory_space<semaphore_mem>>
    tpu.wait_indirect_dma semaphore(%dma_wait3A_228 : memref<!tpu.dma_semaphore, #tpu.memory_space<semaphore_mem>>) src(%dma_wait3A_226 : memref<10112x32xf32, #tpu.memory_space<hbm>>) dst(%dma_wait3A_220 : memref<128x32xf32, #tpu.memory_space<vmem>>)
    %run_scoped3A_229 = arith.constant 5 : i32
    %run_scoped3A_230 = arith.constant 77 : i32
    "tpu.region"() ({
      %run_scoped3A_270 = tpu.sem_alloc : memref<!tpu.dma_semaphore, #tpu.memory_space<semaphore_mem>>
      %dma_start3A_271 = arith.constant 0 : i32
      %dma_start3A_272 = arith.constant 0 : i32
      %dma_start3A_273 = tpu.memref_slice %arg8[%run_scoped3A_229, %dma_start3A_271, %dma_start3A_272] : memref<8x128x32xf32, #tpu.memory_space<vmem>> -> memref<1x128x32xf32, #tpu.memory_space<vmem>>
      %dma_start3A_274 = tpu.memref_squeeze %dma_start3A_273 : memref<1x128x32xf32, #tpu.memory_space<vmem>> -> memref<128x32xf32, #tpu.memory_space<vmem>>
      %dma_start3A_275 = arith.constant 0 : i32
      %dma_start3A_276 = tpu.memref_slice %arg7[%run_scoped3A_230, %dma_start3A_275] : memref<80x128xi32, #tpu.memory_space<vmem>> -> memref<1x128xi32, #tpu.memory_space<vmem>>
      %dma_start3A_277 = tpu.memref_squeeze %dma_start3A_276 : memref<1x128xi32, #tpu.memory_space<vmem>> -> memref<128xi32, #tpu.memory_space<vmem>>
      %dma_start3A_278 = arith.constant 0 : i32
      %dma_start3A_279 = arith.constant 0 : i32
      %dma_start3A_280 = tpu.memref_slice %arg9[%dma_start3A_278, %dma_start3A_279] : memref<10112x32xf32, #tpu.memory_space<vmem_shared>> -> memref<10112x32xf32, #tpu.memory_space<vmem_shared>>
      tpu.enqueue_indirect_dma source(%dma_start3A_274 : memref<128x32xf32, #tpu.memory_space<vmem>>) target(%dma_start3A_280 : memref<10112x32xf32, #tpu.memory_space<vmem_shared>>) offsets(%dma_start3A_277 : memref<128xi32, #tpu.memory_space<vmem>>) semaphore(%run_scoped3A_270 : memref<!tpu.dma_semaphore, #tpu.memory_space<semaphore_mem>>) {add = true}
      %dma_wait3A_281 = arith.constant 0 : i32
      %dma_wait3A_282 = arith.constant 0 : i32
      %dma_wait3A_283 = tpu.memref_slice %arg8[%run_scoped3A_229, %dma_wait3A_281, %dma_wait3A_282] : memref<8x128x32xf32, #tpu.memory_space<vmem>> -> memref<1x128x32xf32, #tpu.memory_space<vmem>>
      %dma_wait3A_284 = tpu.memref_squeeze %dma_wait3A_283 : memref<1x128x32xf32, #tpu.memory_space<vmem>> -> memref<128x32xf32, #tpu.memory_space<vmem>>
      %dma_wait3A_285 = arith.constant 0 : i32
      %dma_wait3A_286 = tpu.memref_slice %arg7[%run_scoped3A_230, %dma_wait3A_285] : memref<80x128xi32, #tpu.memory_space<vmem>> -> memref<1x128xi32, #tpu.memory_space<vmem>>
      %dma_wait3A_287 = tpu.memref_squeeze %dma_wait3A_286 : memref<1x128xi32, #tpu.memory_space<vmem>> -> memref<128xi32, #tpu.memory_space<vmem>>
      %dma_wait3A_288 = arith.constant 0 : i32
      %dma_wait3A_289 = arith.constant 0 : i32
      %dma_wait3A_290 = tpu.memref_slice %arg9[%dma_wait3A_288, %dma_wait3A_289] : memref<10112x32xf32, #tpu.memory_space<vmem_shared>> -> memref<10112x32xf32, #tpu.memory_space<vmem_shared>>
      tpu.wait_indirect_dma semaphore(%run_scoped3A_270 : memref<!tpu.dma_semaphore, #tpu.memory_space<semaphore_mem>>) src(%dma_wait3A_284 : memref<128x32xf32, #tpu.memory_space<vmem>>) dst(%dma_wait3A_290 : memref<10112x32xf32, #tpu.memory_space<vmem_shared>>)
      tpu.yield
    }) : () -> ()
    %dma_wait3A_231 = arith.constant 78 : i32
    %dma_wait3A_232 = arith.constant 6 : i32
    %dma_wait3A_233 = arith.constant 6 : i32
    %dma_wait3A_234 = arith.constant 0 : i32
    %dma_wait3A_235 = arith.constant 0 : i32
    %dma_wait3A_236 = tpu.memref_slice %arg8[%dma_wait3A_232, %dma_wait3A_234, %dma_wait3A_235] : memref<8x128x32xf32, #tpu.memory_space<vmem>> -> memref<1x128x32xf32, #tpu.memory_space<vmem>>
    %dma_wait3A_237 = tpu.memref_squeeze %dma_wait3A_236 : memref<1x128x32xf32, #tpu.memory_space<vmem>> -> memref<128x32xf32, #tpu.memory_space<vmem>>
    %dma_wait3A_238 = arith.constant 0 : i32
    %dma_wait3A_239 = tpu.memref_slice %arg6[%dma_wait3A_231, %dma_wait3A_238] : memref<80x128xi32, #tpu.memory_space<vmem>> -> memref<1x128xi32, #tpu.memory_space<vmem>>
    %dma_wait3A_240 = tpu.memref_squeeze %dma_wait3A_239 : memref<1x128xi32, #tpu.memory_space<vmem>> -> memref<128xi32, #tpu.memory_space<vmem>>
    %dma_wait3A_241 = arith.constant 0 : i32
    %dma_wait3A_242 = arith.constant 0 : i32
    %dma_wait3A_243 = tpu.memref_slice %arg2[%dma_wait3A_241, %dma_wait3A_242] : memref<10112x32xf32, #tpu.memory_space<hbm>> -> memref<10112x32xf32, #tpu.memory_space<hbm>>
    %dma_wait3A_244 = tpu.memref_slice %arg10[%dma_wait3A_233] : memref<8x!tpu.dma_semaphore, #tpu.memory_space<semaphore_mem>> -> memref<1x!tpu.dma_semaphore, #tpu.memory_space<semaphore_mem>>
    %dma_wait3A_245 = tpu.memref_squeeze %dma_wait3A_244 : memref<1x!tpu.dma_semaphore, #tpu.memory_space<semaphore_mem>> -> memref<!tpu.dma_semaphore, #tpu.memory_space<semaphore_mem>>
    tpu.wait_indirect_dma semaphore(%dma_wait3A_245 : memref<!tpu.dma_semaphore, #tpu.memory_space<semaphore_mem>>) src(%dma_wait3A_243 : memref<10112x32xf32, #tpu.memory_space<hbm>>) dst(%dma_wait3A_237 : memref<128x32xf32, #tpu.memory_space<vmem>>)
    %run_scoped3A_246 = arith.constant 6 : i32
    %run_scoped3A_247 = arith.constant 78 : i32
    "tpu.region"() ({
      %run_scoped3A_270 = tpu.sem_alloc : memref<!tpu.dma_semaphore, #tpu.memory_space<semaphore_mem>>
      %dma_start3A_271 = arith.constant 0 : i32
      %dma_start3A_272 = arith.constant 0 : i32
      %dma_start3A_273 = tpu.memref_slice %arg8[%run_scoped3A_246, %dma_start3A_271, %dma_start3A_272] : memref<8x128x32xf32, #tpu.memory_space<vmem>> -> memref<1x128x32xf32, #tpu.memory_space<vmem>>
      %dma_start3A_274 = tpu.memref_squeeze %dma_start3A_273 : memref<1x128x32xf32, #tpu.memory_space<vmem>> -> memref<128x32xf32, #tpu.memory_space<vmem>>
      %dma_start3A_275 = arith.constant 0 : i32
      %dma_start3A_276 = tpu.memref_slice %arg7[%run_scoped3A_247, %dma_start3A_275] : memref<80x128xi32, #tpu.memory_space<vmem>> -> memref<1x128xi32, #tpu.memory_space<vmem>>
      %dma_start3A_277 = tpu.memref_squeeze %dma_start3A_276 : memref<1x128xi32, #tpu.memory_space<vmem>> -> memref<128xi32, #tpu.memory_space<vmem>>
      %dma_start3A_278 = arith.constant 0 : i32
      %dma_start3A_279 = arith.constant 0 : i32
      %dma_start3A_280 = tpu.memref_slice %arg9[%dma_start3A_278, %dma_start3A_279] : memref<10112x32xf32, #tpu.memory_space<vmem_shared>> -> memref<10112x32xf32, #tpu.memory_space<vmem_shared>>
      tpu.enqueue_indirect_dma source(%dma_start3A_274 : memref<128x32xf32, #tpu.memory_space<vmem>>) target(%dma_start3A_280 : memref<10112x32xf32, #tpu.memory_space<vmem_shared>>) offsets(%dma_start3A_277 : memref<128xi32, #tpu.memory_space<vmem>>) semaphore(%run_scoped3A_270 : memref<!tpu.dma_semaphore, #tpu.memory_space<semaphore_mem>>) {add = true}
      %dma_wait3A_281 = arith.constant 0 : i32
      %dma_wait3A_282 = arith.constant 0 : i32
      %dma_wait3A_283 = tpu.memref_slice %arg8[%run_scoped3A_246, %dma_wait3A_281, %dma_wait3A_282] : memref<8x128x32xf32, #tpu.memory_space<vmem>> -> memref<1x128x32xf32, #tpu.memory_space<vmem>>
      %dma_wait3A_284 = tpu.memref_squeeze %dma_wait3A_283 : memref<1x128x32xf32, #tpu.memory_space<vmem>> -> memref<128x32xf32, #tpu.memory_space<vmem>>
      %dma_wait3A_285 = arith.constant 0 : i32
      %dma_wait3A_286 = tpu.memref_slice %arg7[%run_scoped3A_247, %dma_wait3A_285] : memref<80x128xi32, #tpu.memory_space<vmem>> -> memref<1x128xi32, #tpu.memory_space<vmem>>
      %dma_wait3A_287 = tpu.memref_squeeze %dma_wait3A_286 : memref<1x128xi32, #tpu.memory_space<vmem>> -> memref<128xi32, #tpu.memory_space<vmem>>
      %dma_wait3A_288 = arith.constant 0 : i32
      %dma_wait3A_289 = arith.constant 0 : i32
      %dma_wait3A_290 = tpu.memref_slice %arg9[%dma_wait3A_288, %dma_wait3A_289] : memref<10112x32xf32, #tpu.memory_space<vmem_shared>> -> memref<10112x32xf32, #tpu.memory_space<vmem_shared>>
      tpu.wait_indirect_dma semaphore(%run_scoped3A_270 : memref<!tpu.dma_semaphore, #tpu.memory_space<semaphore_mem>>) src(%dma_wait3A_284 : memref<128x32xf32, #tpu.memory_space<vmem>>) dst(%dma_wait3A_290 : memref<10112x32xf32, #tpu.memory_space<vmem_shared>>)
      tpu.yield
    }) : () -> ()
    %dma_wait3A_248 = arith.constant 79 : i32
    %dma_wait3A_249 = arith.constant 7 : i32
    %dma_wait3A_250 = arith.constant 7 : i32
    %dma_wait3A_251 = arith.constant 0 : i32
    %dma_wait3A_252 = arith.constant 0 : i32
    %dma_wait3A_253 = tpu.memref_slice %arg8[%dma_wait3A_249, %dma_wait3A_251, %dma_wait3A_252] : memref<8x128x32xf32, #tpu.memory_space<vmem>> -> memref<1x128x32xf32, #tpu.memory_space<vmem>>
    %dma_wait3A_254 = tpu.memref_squeeze %dma_wait3A_253 : memref<1x128x32xf32, #tpu.memory_space<vmem>> -> memref<128x32xf32, #tpu.memory_space<vmem>>
    %dma_wait3A_255 = arith.constant 0 : i32
    %dma_wait3A_256 = tpu.memref_slice %arg6[%dma_wait3A_248, %dma_wait3A_255] : memref<80x128xi32, #tpu.memory_space<vmem>> -> memref<1x128xi32, #tpu.memory_space<vmem>>
    %dma_wait3A_257 = tpu.memref_squeeze %dma_wait3A_256 : memref<1x128xi32, #tpu.memory_space<vmem>> -> memref<128xi32, #tpu.memory_space<vmem>>
    %dma_wait3A_258 = arith.constant 0 : i32
    %dma_wait3A_259 = arith.constant 0 : i32
    %dma_wait3A_260 = tpu.memref_slice %arg2[%dma_wait3A_258, %dma_wait3A_259] : memref<10112x32xf32, #tpu.memory_space<hbm>> -> memref<10112x32xf32, #tpu.memory_space<hbm>>
    %dma_wait3A_261 = tpu.memref_slice %arg10[%dma_wait3A_250] : memref<8x!tpu.dma_semaphore, #tpu.memory_space<semaphore_mem>> -> memref<1x!tpu.dma_semaphore, #tpu.memory_space<semaphore_mem>>
    %dma_wait3A_262 = tpu.memref_squeeze %dma_wait3A_261 : memref<1x!tpu.dma_semaphore, #tpu.memory_space<semaphore_mem>> -> memref<!tpu.dma_semaphore, #tpu.memory_space<semaphore_mem>>
    tpu.wait_indirect_dma semaphore(%dma_wait3A_262 : memref<!tpu.dma_semaphore, #tpu.memory_space<semaphore_mem>>) src(%dma_wait3A_260 : memref<10112x32xf32, #tpu.memory_space<hbm>>) dst(%dma_wait3A_254 : memref<128x32xf32, #tpu.memory_space<vmem>>)
    %run_scoped3A_263 = arith.constant 7 : i32
    %run_scoped3A_264 = arith.constant 79 : i32
    "tpu.region"() ({
      %run_scoped3A_270 = tpu.sem_alloc : memref<!tpu.dma_semaphore, #tpu.memory_space<semaphore_mem>>
      %dma_start3A_271 = arith.constant 0 : i32
      %dma_start3A_272 = arith.constant 0 : i32
      %dma_start3A_273 = tpu.memref_slice %arg8[%run_scoped3A_263, %dma_start3A_271, %dma_start3A_272] : memref<8x128x32xf32, #tpu.memory_space<vmem>> -> memref<1x128x32xf32, #tpu.memory_space<vmem>>
      %dma_start3A_274 = tpu.memref_squeeze %dma_start3A_273 : memref<1x128x32xf32, #tpu.memory_space<vmem>> -> memref<128x32xf32, #tpu.memory_space<vmem>>
      %dma_start3A_275 = arith.constant 0 : i32
      %dma_start3A_276 = tpu.memref_slice %arg7[%run_scoped3A_264, %dma_start3A_275] : memref<80x128xi32, #tpu.memory_space<vmem>> -> memref<1x128xi32, #tpu.memory_space<vmem>>
      %dma_start3A_277 = tpu.memref_squeeze %dma_start3A_276 : memref<1x128xi32, #tpu.memory_space<vmem>> -> memref<128xi32, #tpu.memory_space<vmem>>
      %dma_start3A_278 = arith.constant 0 : i32
      %dma_start3A_279 = arith.constant 0 : i32
      %dma_start3A_280 = tpu.memref_slice %arg9[%dma_start3A_278, %dma_start3A_279] : memref<10112x32xf32, #tpu.memory_space<vmem_shared>> -> memref<10112x32xf32, #tpu.memory_space<vmem_shared>>
      tpu.enqueue_indirect_dma source(%dma_start3A_274 : memref<128x32xf32, #tpu.memory_space<vmem>>) target(%dma_start3A_280 : memref<10112x32xf32, #tpu.memory_space<vmem_shared>>) offsets(%dma_start3A_277 : memref<128xi32, #tpu.memory_space<vmem>>) semaphore(%run_scoped3A_270 : memref<!tpu.dma_semaphore, #tpu.memory_space<semaphore_mem>>) {add = true}
      %dma_wait3A_281 = arith.constant 0 : i32
      %dma_wait3A_282 = arith.constant 0 : i32
      %dma_wait3A_283 = tpu.memref_slice %arg8[%run_scoped3A_263, %dma_wait3A_281, %dma_wait3A_282] : memref<8x128x32xf32, #tpu.memory_space<vmem>> -> memref<1x128x32xf32, #tpu.memory_space<vmem>>
      %dma_wait3A_284 = tpu.memref_squeeze %dma_wait3A_283 : memref<1x128x32xf32, #tpu.memory_space<vmem>> -> memref<128x32xf32, #tpu.memory_space<vmem>>
      %dma_wait3A_285 = arith.constant 0 : i32
      %dma_wait3A_286 = tpu.memref_slice %arg7[%run_scoped3A_264, %dma_wait3A_285] : memref<80x128xi32, #tpu.memory_space<vmem>> -> memref<1x128xi32, #tpu.memory_space<vmem>>
      %dma_wait3A_287 = tpu.memref_squeeze %dma_wait3A_286 : memref<1x128xi32, #tpu.memory_space<vmem>> -> memref<128xi32, #tpu.memory_space<vmem>>
      %dma_wait3A_288 = arith.constant 0 : i32
      %dma_wait3A_289 = arith.constant 0 : i32
      %dma_wait3A_290 = tpu.memref_slice %arg9[%dma_wait3A_288, %dma_wait3A_289] : memref<10112x32xf32, #tpu.memory_space<vmem_shared>> -> memref<10112x32xf32, #tpu.memory_space<vmem_shared>>
      tpu.wait_indirect_dma semaphore(%run_scoped3A_270 : memref<!tpu.dma_semaphore, #tpu.memory_space<semaphore_mem>>) src(%dma_wait3A_284 : memref<128x32xf32, #tpu.memory_space<vmem>>) dst(%dma_wait3A_290 : memref<10112x32xf32, #tpu.memory_space<vmem_shared>>)
      tpu.yield
    }) : () -> ()
    %barrier3A_265 = arith.constant 0 : index
    tpu.barrier barrier_id(%barrier3A_265)
    %mul3A_266 = arith.constant 632 : i32
    %mul3A_267 = arith.muli %arg1, %mul3A_266 : i32
    %mul3A_268 = arith.constant 632 : i32
    %mul3A_269 = arith.muli %arg1, %mul3A_268 : i32
    "tpu.region"() ({
      %run_scoped3A_270 = tpu.sem_alloc : memref<!tpu.dma_semaphore, #tpu.memory_space<semaphore_mem>>
      %dma_start3A_271 = arith.constant 0 : i32
      %dma_start3A_272 = tpu.memref_slice %arg5[%arg0, %mul3A_269, %dma_start3A_271] : memref<2x10112x32xf32, #tpu.memory_space<hbm>> -> memref<1x632x32xf32, #tpu.memory_space<hbm>>
      %dma_start3A_273 = tpu.memref_squeeze %dma_start3A_272 : memref<1x632x32xf32, #tpu.memory_space<hbm>> -> memref<632x32xf32, #tpu.memory_space<hbm>>
      %dma_start3A_274 = arith.constant 0 : i32
      %dma_start3A_275 = tpu.memref_slice %arg9[%mul3A_267, %dma_start3A_274] : memref<10112x32xf32, #tpu.memory_space<vmem_shared>> -> memref<632x32xf32, #tpu.memory_space<vmem_shared>>
      tpu.enqueue_dma source(%dma_start3A_275 : memref<632x32xf32, #tpu.memory_space<vmem_shared>>) target(%dma_start3A_273 : memref<632x32xf32, #tpu.memory_space<hbm>>) target_semaphore(%run_scoped3A_270 : memref<!tpu.dma_semaphore, #tpu.memory_space<semaphore_mem>>)
      %dma_wait3A_276 = arith.constant 0 : i32
      %dma_wait3A_277 = tpu.memref_slice %arg5[%arg0, %mul3A_269, %dma_wait3A_276] : memref<2x10112x32xf32, #tpu.memory_space<hbm>> -> memref<1x632x32xf32, #tpu.memory_space<hbm>>
      %dma_wait3A_278 = tpu.memref_squeeze %dma_wait3A_277 : memref<1x632x32xf32, #tpu.memory_space<hbm>> -> memref<632x32xf32, #tpu.memory_space<hbm>>
      %dma_wait3A_279 = arith.constant 0 : i32
      %dma_wait3A_280 = tpu.memref_slice %arg9[%mul3A_267, %dma_wait3A_279] : memref<10112x32xf32, #tpu.memory_space<vmem_shared>> -> memref<632x32xf32, #tpu.memory_space<vmem_shared>>
      tpu.wait_dma2 semaphore(%run_scoped3A_270 : memref<!tpu.dma_semaphore, #tpu.memory_space<semaphore_mem>>) src(%dma_wait3A_280 : memref<632x32xf32, #tpu.memory_space<vmem_shared>>) dst(%dma_wait3A_278 : memref<632x32xf32, #tpu.memory_space<hbm>>)
      tpu.yield
    }) : () -> ()
    return
  }
}

#map = affine_map<(d0, d1) -> (0, 0)>
#map1 = affine_map<(d0, d1) -> (0, 0, 0, 0)>
#map2 = affine_map<(d0, d1) -> (0, 0, 0)>
module attributes {stable_mosaic.version = 14 : i64} {
  func.func @agg(%arg0: i32, %arg1: i32, %arg2: memref<10112x32xf32, #tpu.memory_space<hbm>>, %arg3: memref<2x32x80x128xi32, #tpu.memory_space<hbm>>, %arg4: memref<10112x32xf32, #tpu.memory_space<hbm>>, %arg5: memref<2x10112x32xf32, #tpu.memory_space<hbm>>, %arg6: memref<80x128xi32, #tpu.memory_space<vmem>>, %arg7: memref<80x128xi32, #tpu.memory_space<vmem>>, %arg8: memref<8x128x32xf32, #tpu.memory_space<vmem>>, %arg9: memref<10112x32xf32, #tpu.memory_space<vmem_shared>>, %arg10: memref<8x!tpu.dma_semaphore, #tpu.memory_space<semaphore_mem>>) attributes {dimension_semantics = [#tpu.dimension_semantics<core_parallel>, #tpu.dimension_semantics<subcore_parallel>], iteration_bounds = array<i64: 2, 16>, scalar_prefetch = 0 : i64, scratch_operands = 5 : i64, tpu.core_type = #tpu.core_type<sc_vector_subcore>, window_params = [{transform_indices = #map}, {transform_indices = #map1}, {transform_indices = #map}, {transform_indices = #map2}]} {
    %mul3A = arith.constant 16 : i32
    %mul3A_0 = arith.muli %arg0, %mul3A : i32
    %add3A = arith.addi %mul3A_0, %arg1 : i32
    %run_scoped3A = arith.constant 0 : i32
    "tpu.region"() ({
      %run_scoped3A_270 = tpu.sem_alloc : memref<!tpu.dma_semaphore, #tpu.memory_space<semaphore_mem>>
      %dma_start3A_271 = arith.constant 0 : i32
      %dma_start3A_272 = arith.constant 0 : i32
      %dma_start3A_273 = tpu.memref_slice %arg3[%run_scoped3A, %add3A, %dma_start3A_271, %dma_start3A_272] : memref<2x32x80x128xi32, #tpu.memory_space<hbm>> -> memref<1x1x80x128xi32, #tpu.memory_space<hbm>>
      %dma_start3A_274 = tpu.memref_squeeze %dma_start3A_273 : memref<1x1x80x128xi32, #tpu.memory_space<hbm>> -> memref<80x128xi32, #tpu.memory_space<hbm>>
      %dma_start3A_275 = arith.constant 0 : i32
      %dma_start3A_276 = arith.constant 0 : i32
      %dma_start3A_277 = tpu.memref_slice %arg3[%run_scoped3A, %add3A, %dma_start3A_275, %dma_start3A_276] : memref<2x32x80x128xi32, #tpu.memory_space<hbm>> -> memref<1x1x80x128xi32, #tpu.memory_space<hbm>>
      %dma_start3A_278 = tpu.memref_squeeze %dma_start3A_277 : memref<1x1x80x128xi32, #tpu.memory_space<hbm>> -> memref<80x128xi32, #tpu.memory_space<hbm>>
      tpu.enqueue_dma source(%dma_start3A_278 : memref<80x128xi32, #tpu.memory_space<hbm>>) target(%arg6 : memref<80x128xi32, #tpu.memory_space<vmem>>) target_semaphore(%run_scoped3A_270 : memref<!tpu.dma_semaphore, #tpu.memory_space<semaphore_mem>>)
      %dma_wait3A_279 = arith.constant 0 : i32
      %dma_wait3A_280 = arith.constant 0 : i32
      %dma_wait3A_281 = tpu.memref_slice %arg3[%run_scoped3A, %add3A, %dma_wait3A_279, %dma_wait3A_280] : memref<2x32x80x128xi32, #tpu.memory_space<hbm>> -> memref<1x1x80x128xi32, #tpu.memory_space<hbm>>
      %dma_wait3A_282 = tpu.memref_squeeze %dma_wait3A_281 : memref<1x1x80x128xi32, #tpu.memory_space<hbm>> -> memref<80x128xi32, #tpu.memory_space<hbm>>
      %dma_wait3A_283 = arith.constant 0 : i32
      %dma_wait3A_284 = arith.constant 0 : i32
      %dma_wait3A_285 = tpu.memref_slice %arg3[%run_scoped3A, %add3A, %dma_wait3A_283, %dma_wait3A_284] : memref<2x32x80x128xi32, #tpu.memory_space<hbm>> -> memref<1x1x80x128xi32, #tpu.memory_space<hbm>>
      %dma_wait3A_286 = tpu.memref_squeeze %dma_wait3A_285 : memref<1x1x80x128xi32, #tpu.memory_space<hbm>> -> memref<80x128xi32, #tpu.memory_space<hbm>>
      tpu.wait_dma2 semaphore(%run_scoped3A_270 : memref<!tpu.dma_semaphore, #tpu.memory_space<semaphore_mem>>) src(%dma_wait3A_286 : memref<80x128xi32, #tpu.memory_space<hbm>>) dst(%arg6 : memref<80x128xi32, #tpu.memory_space<vmem>>)
      tpu.yield
    }) : () -> ()
    %dma_start3A = arith.constant 0 : i32
    %dma_start3A_1 = arith.constant 0 : i32
    %dma_start3A_2 = arith.constant 0 : i32
    %dma_start3A_3 = arith.constant 0 : i32
    %dma_start3A_4 = arith.constant 0 : i32
    %dma_start3A_5 = tpu.memref_slice %arg8[%dma_start3A_1, %dma_start3A_3, %dma_start3A_4] : memref<8x128x32xf32, #tpu.memory_space<vmem>> -> memref<1x128x32xf32, #tpu.memory_space<vmem>>
    %dma_start3A_6 = tpu.memref_squeeze %dma_start3A_5 : memref<1x128x32xf32, #tpu.memory_space<vmem>> -> memref<128x32xf32, #tpu.memory_space<vmem>>
    %dma_start3A_7 = arith.constant 0 : i32
    %dma_start3A_8 = tpu.memref_slice %arg6[%dma_start3A, %dma_start3A_7] : memref<80x128xi32, #tpu.memory_space<vmem>> -> memref<1x128xi32, #tpu.memory_space<vmem>>
    %dma_start3A_9 = tpu.memref_squeeze %dma_start3A_8 : memref<1x128xi32, #tpu.memory_space<vmem>> -> memref<128xi32, #tpu.memory_space<vmem>>
    %dma_start3A_10 = arith.constant 0 : i32
    %dma_start3A_11 = arith.constant 0 : i32
    %dma_start3A_12 = tpu.memref_slice %arg2[%dma_start3A_10, %dma_start3A_11] : memref<10112x32xf32, #tpu.memory_space<hbm>> -> memref<10112x32xf32, #tpu.memory_space<hbm>>
    %dma_start3A_13 = tpu.memref_slice %arg10[%dma_start3A_2] : memref<8x!tpu.dma_semaphore, #tpu.memory_space<semaphore_mem>> -> memref<1x!tpu.dma_semaphore, #tpu.memory_space<semaphore_mem>>
    %dma_start3A_14 = tpu.memref_squeeze %dma_start3A_13 : memref<1x!tpu.dma_semaphore, #tpu.memory_space<semaphore_mem>> -> memref<!tpu.dma_semaphore, #tpu.memory_space<semaphore_mem>>
    tpu.enqueue_indirect_dma source(%dma_start3A_12 : memref<10112x32xf32, #tpu.memory_space<hbm>>) target(%dma_start3A_6 : memref<128x32xf32, #tpu.memory_space<vmem>>) offsets(%dma_start3A_9 : memref<128xi32, #tpu.memory_space<vmem>>) semaphore(%dma_start3A_14 : memref<!tpu.dma_semaphore, #tpu.memory_space<semaphore_mem>>)
    %dma_start3A_15 = arith.constant 1 : i32
    %dma_start3A_16 = arith.constant 1 : i32
    %dma_start3A_17 = arith.constant 1 : i32
    %dma_start3A_18 = arith.constant 0 : i32
    %dma_start3A_19 = arith.constant 0 : i32
    %dma_start3A_20 = tpu.memref_slice %arg8[%dma_start3A_16, %dma_start3A_18, %dma_start3A_19] : memref<8x128x32xf32, #tpu.memory_space<vmem>> -> memref<1x128x32xf32, #tpu.memory_space<vmem>>
    %dma_start3A_21 = tpu.memref_squeeze %dma_start3A_20 : memref<1x128x32xf32, #tpu.memory_space<vmem>> -> memref<128x32xf32, #tpu.memory_space<vmem>>
    %dma_start3A_22 = arith.constant 0 : i32
    %dma_start3A_23 = tpu.memref_slice %arg6[%dma_start3A_15, %dma_start3A_22] : memref<80x128xi32, #tpu.memory_space<vmem>> -> memref<1x128xi32, #tpu.memory_space<vmem>>
    %dma_start3A_24 = tpu.memref_squeeze %dma_start3A_23 : memref<1x128xi32, #tpu.memory_space<vmem>> -> memref<128xi32, #tpu.memory_space<vmem>>
    %dma_start3A_25 = arith.constant 0 : i32
    %dma_start3A_26 = arith.constant 0 : i32
    %dma_start3A_27 = tpu.memref_slice %arg2[%dma_start3A_25, %dma_start3A_26] : memref<10112x32xf32, #tpu.memory_space<hbm>> -> memref<10112x32xf32, #tpu.memory_space<hbm>>
    %dma_start3A_28 = tpu.memref_slice %arg10[%dma_start3A_17] : memref<8x!tpu.dma_semaphore, #tpu.memory_space<semaphore_mem>> -> memref<1x!tpu.dma_semaphore, #tpu.memory_space<semaphore_mem>>
    %dma_start3A_29 = tpu.memref_squeeze %dma_start3A_28 : memref<1x!tpu.dma_semaphore, #tpu.memory_space<semaphore_mem>> -> memref<!tpu.dma_semaphore, #tpu.memory_space<semaphore_mem>>
    tpu.enqueue_indirect_dma source(%dma_start3A_27 : memref<10112x32xf32, #tpu.memory_space<hbm>>) target(%dma_start3A_21 : memref<128x32xf32, #tpu.memory_space<vmem>>) offsets(%dma_start3A_24 : memref<128xi32, #tpu.memory_space<vmem>>) semaphore(%dma_start3A_29 : memref<!tpu.dma_semaphore, #tpu.memory_space<semaphore_mem>>)
    %dma_start3A_30 = arith.constant 2 : i32
    %dma_start3A_31 = arith.constant 2 : i32
    %dma_start3A_32 = arith.constant 2 : i32
    %dma_start3A_33 = arith.constant 0 : i32
    %dma_start3A_34 = arith.constant 0 : i32
    %dma_start3A_35 = tpu.memref_slice %arg8[%dma_start3A_31, %dma_start3A_33, %dma_start3A_34] : memref<8x128x32xf32, #tpu.memory_space<vmem>> -> memref<1x128x32xf32, #tpu.memory_space<vmem>>
    %dma_start3A_36 = tpu.memref_squeeze %dma_start3A_35 : memref<1x128x32xf32, #tpu.memory_space<vmem>> -> memref<128x32xf32, #tpu.memory_space<vmem>>
    %dma_start3A_37 = arith.constant 0 : i32
    %dma_start3A_38 = tpu.memref_slice %arg6[%dma_start3A_30, %dma_start3A_37] : memref<80x128xi32, #tpu.memory_space<vmem>> -> memref<1x128xi32, #tpu.memory_space<vmem>>
    %dma_start3A_39 = tpu.memref_squeeze %dma_start3A_38 : memref<1x128xi32, #tpu.memory_space<vmem>> -> memref<128xi32, #tpu.memory_space<vmem>>
    %dma_start3A_40 = arith.constant 0 : i32
    %dma_start3A_41 = arith.constant 0 : i32
    %dma_start3A_42 = tpu.memref_slice %arg2[%dma_start3A_40, %dma_start3A_41] : memref<10112x32xf32, #tpu.memory_space<hbm>> -> memref<10112x32xf32, #tpu.memory_space<hbm>>
    %dma_start3A_43 = tpu.memref_slice %arg10[%dma_start3A_32] : memref<8x!tpu.dma_semaphore, #tpu.memory_space<semaphore_mem>> -> memref<1x!tpu.dma_semaphore, #tpu.memory_space<semaphore_mem>>
    %dma_start3A_44 = tpu.memref_squeeze %dma_start3A_43 : memref<1x!tpu.dma_semaphore, #tpu.memory_space<semaphore_mem>> -> memref<!tpu.dma_semaphore, #tpu.memory_space<semaphore_mem>>
    tpu.enqueue_indirect_dma source(%dma_start3A_42 : memref<10112x32xf32, #tpu.memory_space<hbm>>) target(%dma_start3A_36 : memref<128x32xf32, #tpu.memory_space<vmem>>) offsets(%dma_start3A_39 : memref<128xi32, #tpu.memory_space<vmem>>) semaphore(%dma_start3A_44 : memref<!tpu.dma_semaphore, #tpu.memory_space<semaphore_mem>>)
    %dma_start3A_45 = arith.constant 3 : i32
    %dma_start3A_46 = arith.constant 3 : i32
    %dma_start3A_47 = arith.constant 3 : i32
    %dma_start3A_48 = arith.constant 0 : i32
    %dma_start3A_49 = arith.constant 0 : i32
    %dma_start3A_50 = tpu.memref_slice %arg8[%dma_start3A_46, %dma_start3A_48, %dma_start3A_49] : memref<8x128x32xf32, #tpu.memory_space<vmem>> -> memref<1x128x32xf32, #tpu.memory_space<vmem>>
    %dma_start3A_51 = tpu.memref_squeeze %dma_start3A_50 : memref<1x128x32xf32, #tpu.memory_space<vmem>> -> memref<128x32xf32, #tpu.memory_space<vmem>>
    %dma_start3A_52 = arith.constant 0 : i32
    %dma_start3A_53 = tpu.memref_slice %arg6[%dma_start3A_45, %dma_start3A_52] : memref<80x128xi32, #tpu.memory_space<vmem>> -> memref<1x128xi32, #tpu.memory_space<vmem>>
    %dma_start3A_54 = tpu.memref_squeeze %dma_start3A_53 : memref<1x128xi32, #tpu.memory_space<vmem>> -> memref<128xi32, #tpu.memory_space<vmem>>
    %dma_start3A_55 = arith.constant 0 : i32
    %dma_start3A_56 = arith.constant 0 : i32
    %dma_start3A_57 = tpu.memref_slice %arg2[%dma_start3A_55, %dma_start3A_56] : memref<10112x32xf32, #tpu.memory_space<hbm>> -> memref<10112x32xf32, #tpu.memory_space<hbm>>
    %dma_start3A_58 = tpu.memref_slice %arg10[%dma_start3A_47] : memref<8x!tpu.dma_semaphore, #tpu.memory_space<semaphore_mem>> -> memref<1x!tpu.dma_semaphore, #tpu.memory_space<semaphore_mem>>
    %dma_start3A_59 = tpu.memref_squeeze %dma_start3A_58 : memref<1x!tpu.dma_semaphore, #tpu.memory_space<semaphore_mem>> -> memref<!tpu.dma_semaphore, #tpu.memory_space<semaphore_mem>>
    tpu.enqueue_indirect_dma source(%dma_start3A_57 : memref<10112x32xf32, #tpu.memory_space<hbm>>) target(%dma_start3A_51 : memref<128x32xf32, #tpu.memory_space<vmem>>) offsets(%dma_start3A_54 : memref<128xi32, #tpu.memory_space<vmem>>) semaphore(%dma_start3A_59 : memref<!tpu.dma_semaphore, #tpu.memory_space<semaphore_mem>>)
    %dma_start3A_60 = arith.constant 4 : i32
    %dma_start3A_61 = arith.constant 4 : i32
    %dma_start3A_62 = arith.constant 4 : i32
    %dma_start3A_63 = arith.constant 0 : i32
    %dma_start3A_64 = arith.constant 0 : i32
    %dma_start3A_65 = tpu.memref_slice %arg8[%dma_start3A_61, %dma_start3A_63, %dma_start3A_64] : memref<8x128x32xf32, #tpu.memory_space<vmem>> -> memref<1x128x32xf32, #tpu.memory_space<vmem>>
    %dma_start3A_66 = tpu.memref_squeeze %dma_start3A_65 : memref<1x128x32xf32, #tpu.memory_space<vmem>> -> memref<128x32xf32, #tpu.memory_space<vmem>>
    %dma_start3A_67 = arith.constant 0 : i32
    %dma_start3A_68 = tpu.memref_slice %arg6[%dma_start3A_60, %dma_start3A_67] : memref<80x128xi32, #tpu.memory_space<vmem>> -> memref<1x128xi32, #tpu.memory_space<vmem>>
    %dma_start3A_69 = tpu.memref_squeeze %dma_start3A_68 : memref<1x128xi32, #tpu.memory_space<vmem>> -> memref<128xi32, #tpu.memory_space<vmem>>
    %dma_start3A_70 = arith.constant 0 : i32
    %dma_start3A_71 = arith.constant 0 : i32
    %dma_start3A_72 = tpu.memref_slice %arg2[%dma_start3A_70, %dma_start3A_71] : memref<10112x32xf32, #tpu.memory_space<hbm>> -> memref<10112x32xf32, #tpu.memory_space<hbm>>
    %dma_start3A_73 = tpu.memref_slice %arg10[%dma_start3A_62] : memref<8x!tpu.dma_semaphore, #tpu.memory_space<semaphore_mem>> -> memref<1x!tpu.dma_semaphore, #tpu.memory_space<semaphore_mem>>
    %dma_start3A_74 = tpu.memref_squeeze %dma_start3A_73 : memref<1x!tpu.dma_semaphore, #tpu.memory_space<semaphore_mem>> -> memref<!tpu.dma_semaphore, #tpu.memory_space<semaphore_mem>>
    tpu.enqueue_indirect_dma source(%dma_start3A_72 : memref<10112x32xf32, #tpu.memory_space<hbm>>) target(%dma_start3A_66 : memref<128x32xf32, #tpu.memory_space<vmem>>) offsets(%dma_start3A_69 : memref<128xi32, #tpu.memory_space<vmem>>) semaphore(%dma_start3A_74 : memref<!tpu.dma_semaphore, #tpu.memory_space<semaphore_mem>>)
    %dma_start3A_75 = arith.constant 5 : i32
    %dma_start3A_76 = arith.constant 5 : i32
    %dma_start3A_77 = arith.constant 5 : i32
    %dma_start3A_78 = arith.constant 0 : i32
    %dma_start3A_79 = arith.constant 0 : i32
    %dma_start3A_80 = tpu.memref_slice %arg8[%dma_start3A_76, %dma_start3A_78, %dma_start3A_79] : memref<8x128x32xf32, #tpu.memory_space<vmem>> -> memref<1x128x32xf32, #tpu.memory_space<vmem>>
    %dma_start3A_81 = tpu.memref_squeeze %dma_start3A_80 : memref<1x128x32xf32, #tpu.memory_space<vmem>> -> memref<128x32xf32, #tpu.memory_space<vmem>>
    %dma_start3A_82 = arith.constant 0 : i32
    %dma_start3A_83 = tpu.memref_slice %arg6[%dma_start3A_75, %dma_start3A_82] : memref<80x128xi32, #tpu.memory_space<vmem>> -> memref<1x128xi32, #tpu.memory_space<vmem>>
    %dma_start3A_84 = tpu.memref_squeeze %dma_start3A_83 : memref<1x128xi32, #tpu.memory_space<vmem>> -> memref<128xi32, #tpu.memory_space<vmem>>
    %dma_start3A_85 = arith.constant 0 : i32
    %dma_start3A_86 = arith.constant 0 : i32
    %dma_start3A_87 = tpu.memref_slice %arg2[%dma_start3A_85, %dma_start3A_86] : memref<10112x32xf32, #tpu.memory_space<hbm>> -> memref<10112x32xf32, #tpu.memory_space<hbm>>
    %dma_start3A_88 = tpu.memref_slice %arg10[%dma_start3A_77] : memref<8x!tpu.dma_semaphore, #tpu.memory_space<semaphore_mem>> -> memref<1x!tpu.dma_semaphore, #tpu.memory_space<semaphore_mem>>
    %dma_start3A_89 = tpu.memref_squeeze %dma_start3A_88 : memref<1x!tpu.dma_semaphore, #tpu.memory_space<semaphore_mem>> -> memref<!tpu.dma_semaphore, #tpu.memory_space<semaphore_mem>>
    tpu.enqueue_indirect_dma source(%dma_start3A_87 : memref<10112x32xf32, #tpu.memory_space<hbm>>) target(%dma_start3A_81 : memref<128x32xf32, #tpu.memory_space<vmem>>) offsets(%dma_start3A_84 : memref<128xi32, #tpu.memory_space<vmem>>) semaphore(%dma_start3A_89 : memref<!tpu.dma_semaphore, #tpu.memory_space<semaphore_mem>>)
    %dma_start3A_90 = arith.constant 6 : i32
    %dma_start3A_91 = arith.constant 6 : i32
    %dma_start3A_92 = arith.constant 6 : i32
    %dma_start3A_93 = arith.constant 0 : i32
    %dma_start3A_94 = arith.constant 0 : i32
    %dma_start3A_95 = tpu.memref_slice %arg8[%dma_start3A_91, %dma_start3A_93, %dma_start3A_94] : memref<8x128x32xf32, #tpu.memory_space<vmem>> -> memref<1x128x32xf32, #tpu.memory_space<vmem>>
    %dma_start3A_96 = tpu.memref_squeeze %dma_start3A_95 : memref<1x128x32xf32, #tpu.memory_space<vmem>> -> memref<128x32xf32, #tpu.memory_space<vmem>>
    %dma_start3A_97 = arith.constant 0 : i32
    %dma_start3A_98 = tpu.memref_slice %arg6[%dma_start3A_90, %dma_start3A_97] : memref<80x128xi32, #tpu.memory_space<vmem>> -> memref<1x128xi32, #tpu.memory_space<vmem>>
    %dma_start3A_99 = tpu.memref_squeeze %dma_start3A_98 : memref<1x128xi32, #tpu.memory_space<vmem>> -> memref<128xi32, #tpu.memory_space<vmem>>
    %dma_start3A_100 = arith.constant 0 : i32
    %dma_start3A_101 = arith.constant 0 : i32
    %dma_start3A_102 = tpu.memref_slice %arg2[%dma_start3A_100, %dma_start3A_101] : memref<10112x32xf32, #tpu.memory_space<hbm>> -> memref<10112x32xf32, #tpu.memory_space<hbm>>
    %dma_start3A_103 = tpu.memref_slice %arg10[%dma_start3A_92] : memref<8x!tpu.dma_semaphore, #tpu.memory_space<semaphore_mem>> -> memref<1x!tpu.dma_semaphore, #tpu.memory_space<semaphore_mem>>
    %dma_start3A_104 = tpu.memref_squeeze %dma_start3A_103 : memref<1x!tpu.dma_semaphore, #tpu.memory_space<semaphore_mem>> -> memref<!tpu.dma_semaphore, #tpu.memory_space<semaphore_mem>>
    tpu.enqueue_indirect_dma source(%dma_start3A_102 : memref<10112x32xf32, #tpu.memory_space<hbm>>) target(%dma_start3A_96 : memref<128x32xf32, #tpu.memory_space<vmem>>) offsets(%dma_start3A_99 : memref<128xi32, #tpu.memory_space<vmem>>) semaphore(%dma_start3A_104 : memref<!tpu.dma_semaphore, #tpu.memory_space<semaphore_mem>>)
    %dma_start3A_105 = arith.constant 7 : i32
    %dma_start3A_106 = arith.constant 7 : i32
    %dma_start3A_107 = arith.constant 7 : i32
    %dma_start3A_108 = arith.constant 0 : i32
    %dma_start3A_109 = arith.constant 0 : i32
    %dma_start3A_110 = tpu.memref_slice %arg8[%dma_start3A_106, %dma_start3A_108, %dma_start3A_109] : memref<8x128x32xf32, #tpu.memory_space<vmem>> -> memref<1x128x32xf32, #tpu.memory_space<vmem>>
    %dma_start3A_111 = tpu.memref_squeeze %dma_start3A_110 : memref<1x128x32xf32, #tpu.memory_space<vmem>> -> memref<128x32xf32, #tpu.memory_space<vmem>>
    %dma_start3A_112 = arith.constant 0 : i32
    %dma_start3A_113 = tpu.memref_slice %arg6[%dma_start3A_105, %dma_start3A_112] : memref<80x128xi32, #tpu.memory_space<vmem>> -> memref<1x128xi32, #tpu.memory_space<vmem>>
    %dma_start3A_114 = tpu.memref_squeeze %dma_start3A_113 : memref<1x128xi32, #tpu.memory_space<vmem>> -> memref<128xi32, #tpu.memory_space<vmem>>
    %dma_start3A_115 = arith.constant 0 : i32
    %dma_start3A_116 = arith.constant 0 : i32
    %dma_start3A_117 = tpu.memref_slice %arg2[%dma_start3A_115, %dma_start3A_116] : memref<10112x32xf32, #tpu.memory_space<hbm>> -> memref<10112x32xf32, #tpu.memory_space<hbm>>
    %dma_start3A_118 = tpu.memref_slice %arg10[%dma_start3A_107] : memref<8x!tpu.dma_semaphore, #tpu.memory_space<semaphore_mem>> -> memref<1x!tpu.dma_semaphore, #tpu.memory_space<semaphore_mem>>
    %dma_start3A_119 = tpu.memref_squeeze %dma_start3A_118 : memref<1x!tpu.dma_semaphore, #tpu.memory_space<semaphore_mem>> -> memref<!tpu.dma_semaphore, #tpu.memory_space<semaphore_mem>>
    tpu.enqueue_indirect_dma source(%dma_start3A_117 : memref<10112x32xf32, #tpu.memory_space<hbm>>) target(%dma_start3A_111 : memref<128x32xf32, #tpu.memory_space<vmem>>) offsets(%dma_start3A_114 : memref<128xi32, #tpu.memory_space<vmem>>) semaphore(%dma_start3A_119 : memref<!tpu.dma_semaphore, #tpu.memory_space<semaphore_mem>>)
    %run_scoped3A_120 = arith.constant 1 : i32
    "tpu.region"() ({
      %run_scoped3A_270 = tpu.sem_alloc : memref<!tpu.dma_semaphore, #tpu.memory_space<semaphore_mem>>
      %dma_start3A_271 = arith.constant 0 : i32
      %dma_start3A_272 = arith.constant 0 : i32
      %dma_start3A_273 = tpu.memref_slice %arg3[%run_scoped3A_120, %add3A, %dma_start3A_271, %dma_start3A_272] : memref<2x32x80x128xi32, #tpu.memory_space<hbm>> -> memref<1x1x80x128xi32, #tpu.memory_space<hbm>>
      %dma_start3A_274 = tpu.memref_squeeze %dma_start3A_273 : memref<1x1x80x128xi32, #tpu.memory_space<hbm>> -> memref<80x128xi32, #tpu.memory_space<hbm>>
      %dma_start3A_275 = arith.constant 0 : i32
      %dma_start3A_276 = arith.constant 0 : i32
      %dma_start3A_277 = tpu.memref_slice %arg3[%run_scoped3A_120, %add3A, %dma_start3A_275, %dma_start3A_276] : memref<2x32x80x128xi32, #tpu.memory_space<hbm>> -> memref<1x1x80x128xi32, #tpu.memory_space<hbm>>
      %dma_start3A_278 = tpu.memref_squeeze %dma_start3A_277 : memref<1x1x80x128xi32, #tpu.memory_space<hbm>> -> memref<80x128xi32, #tpu.memory_space<hbm>>
      tpu.enqueue_dma source(%dma_start3A_278 : memref<80x128xi32, #tpu.memory_space<hbm>>) target(%arg7 : memref<80x128xi32, #tpu.memory_space<vmem>>) target_semaphore(%run_scoped3A_270 : memref<!tpu.dma_semaphore, #tpu.memory_space<semaphore_mem>>)
      %dma_wait3A_279 = arith.constant 0 : i32
      %dma_wait3A_280 = arith.constant 0 : i32
      %dma_wait3A_281 = tpu.memref_slice %arg3[%run_scoped3A_120, %add3A, %dma_wait3A_279, %dma_wait3A_280] : memref<2x32x80x128xi32, #tpu.memory_space<hbm>> -> memref<1x1x80x128xi32, #tpu.memory_space<hbm>>
      %dma_wait3A_282 = tpu.memref_squeeze %dma_wait3A_281 : memref<1x1x80x128xi32, #tpu.memory_space<hbm>> -> memref<80x128xi32, #tpu.memory_space<hbm>>
      %dma_wait3A_283 = arith.constant 0 : i32
      %dma_wait3A_284 = arith.constant 0 : i32
      %dma_wait3A_285 = tpu.memref_slice %arg3[%run_scoped3A_120, %add3A, %dma_wait3A_283, %dma_wait3A_284] : memref<2x32x80x128xi32, #tpu.memory_space<hbm>> -> memref<1x1x80x128xi32, #tpu.memory_space<hbm>>
      %dma_wait3A_286 = tpu.memref_squeeze %dma_wait3A_285 : memref<1x1x80x128xi32, #tpu.memory_space<hbm>> -> memref<80x128xi32, #tpu.memory_space<hbm>>
      tpu.wait_dma2 semaphore(%run_scoped3A_270 : memref<!tpu.dma_semaphore, #tpu.memory_space<semaphore_mem>>) src(%dma_wait3A_286 : memref<80x128xi32, #tpu.memory_space<hbm>>) dst(%arg7 : memref<80x128xi32, #tpu.memory_space<vmem>>)
      tpu.yield
    }) : () -> ()
    %mul3A_121 = arith.constant 632 : i32
    %mul3A_122 = arith.muli %arg1, %mul3A_121 : i32
    %mul3A_123 = arith.constant 632 : i32
    %mul3A_124 = arith.muli %arg1, %mul3A_123 : i32
    "tpu.region"() ({
      %run_scoped3A_270 = tpu.sem_alloc : memref<!tpu.dma_semaphore, #tpu.memory_space<semaphore_mem>>
      %dma_start3A_271 = arith.constant 0 : i32
      %dma_start3A_272 = tpu.memref_slice %arg9[%mul3A_124, %dma_start3A_271] : memref<10112x32xf32, #tpu.memory_space<vmem_shared>> -> memref<632x32xf32, #tpu.memory_space<vmem_shared>>
      %dma_start3A_273 = arith.constant 0 : i32
      %dma_start3A_274 = tpu.memref_slice %arg4[%mul3A_122, %dma_start3A_273] : memref<10112x32xf32, #tpu.memory_space<hbm>> -> memref<632x32xf32, #tpu.memory_space<hbm>>
      tpu.enqueue_dma source(%dma_start3A_274 : memref<632x32xf32, #tpu.memory_space<hbm>>) target(%dma_start3A_272 : memref<632x32xf32, #tpu.memory_space<vmem_shared>>) target_semaphore(%run_scoped3A_270 : memref<!tpu.dma_semaphore, #tpu.memory_space<semaphore_mem>>)
      %dma_wait3A_275 = arith.constant 0 : i32
      %dma_wait3A_276 = tpu.memref_slice %arg9[%mul3A_124, %dma_wait3A_275] : memref<10112x32xf32, #tpu.memory_space<vmem_shared>> -> memref<632x32xf32, #tpu.memory_space<vmem_shared>>
      %dma_wait3A_277 = arith.constant 0 : i32
      %dma_wait3A_278 = tpu.memref_slice %arg4[%mul3A_122, %dma_wait3A_277] : memref<10112x32xf32, #tpu.memory_space<hbm>> -> memref<632x32xf32, #tpu.memory_space<hbm>>
      tpu.wait_dma2 semaphore(%run_scoped3A_270 : memref<!tpu.dma_semaphore, #tpu.memory_space<semaphore_mem>>) src(%dma_wait3A_278 : memref<632x32xf32, #tpu.memory_space<hbm>>) dst(%dma_wait3A_276 : memref<632x32xf32, #tpu.memory_space<vmem_shared>>)
      tpu.yield
    }) : () -> ()
    %barrier3A = arith.constant 0 : index
    tpu.barrier barrier_id(%barrier3A)
    %scan3A = arith.constant 0 : i32
    %scan3A_125 = arith.constant 0 : i32
    %scan3A_126 = arith.constant 9 : i32
    %scan3A_127 = arith.addi %scan3A_125, %scan3A_126 : i32
    %scan3A_128 = arith.constant 1 : i32
    scf.for %scan3A_270 = %scan3A_125 to %scan3A_127 step %scan3A_128  : i32 {
      %mul3A_271 = arith.constant 8 : i32
      %mul3A_272 = arith.muli %scan3A_270, %mul3A_271 : i32
      %add3A_273 = arith.constant 0 : i32
      %add3A_274 = arith.addi %mul3A_272, %add3A_273 : i32
      %dma_wait3A_275 = arith.constant 0 : i32
      %dma_wait3A_276 = arith.constant 0 : i32
      %dma_wait3A_277 = arith.constant 0 : i32
      %dma_wait3A_278 = arith.constant 0 : i32
      %dma_wait3A_279 = tpu.memref_slice %arg8[%dma_wait3A_275, %dma_wait3A_277, %dma_wait3A_278] : memref<8x128x32xf32, #tpu.memory_space<vmem>> -> memref<1x128x32xf32, #tpu.memory_space<vmem>>
      %dma_wait3A_280 = tpu.memref_squeeze %dma_wait3A_279 : memref<1x128x32xf32, #tpu.memory_space<vmem>> -> memref<128x32xf32, #tpu.memory_space<vmem>>
      %dma_wait3A_281 = arith.constant 0 : i32
      %dma_wait3A_282 = tpu.memref_slice %arg6[%add3A_274, %dma_wait3A_281] : memref<80x128xi32, #tpu.memory_space<vmem>> -> memref<1x128xi32, #tpu.memory_space<vmem>>
      %dma_wait3A_283 = tpu.memref_squeeze %dma_wait3A_282 : memref<1x128xi32, #tpu.memory_space<vmem>> -> memref<128xi32, #tpu.memory_space<vmem>>
      %dma_wait3A_284 = arith.constant 0 : i32
      %dma_wait3A_285 = arith.constant 0 : i32
      %dma_wait3A_286 = tpu.memref_slice %arg2[%dma_wait3A_284, %dma_wait3A_285] : memref<10112x32xf32, #tpu.memory_space<hbm>> -> memref<10112x32xf32, #tpu.memory_space<hbm>>
      %dma_wait3A_287 = tpu.memref_slice %arg10[%dma_wait3A_276] : memref<8x!tpu.dma_semaphore, #tpu.memory_space<semaphore_mem>> -> memref<1x!tpu.dma_semaphore, #tpu.memory_space<semaphore_mem>>
      %dma_wait3A_288 = tpu.memref_squeeze %dma_wait3A_287 : memref<1x!tpu.dma_semaphore, #tpu.memory_space<semaphore_mem>> -> memref<!tpu.dma_semaphore, #tpu.memory_space<semaphore_mem>>
      tpu.wait_indirect_dma semaphore(%dma_wait3A_288 : memref<!tpu.dma_semaphore, #tpu.memory_space<semaphore_mem>>) src(%dma_wait3A_286 : memref<10112x32xf32, #tpu.memory_space<hbm>>) dst(%dma_wait3A_280 : memref<128x32xf32, #tpu.memory_space<vmem>>)
      %run_scoped3A_289 = arith.constant 0 : i32
      "tpu.region"() ({
        %run_scoped3A_551 = tpu.sem_alloc : memref<!tpu.dma_semaphore, #tpu.memory_space<semaphore_mem>>
        %dma_start3A_552 = arith.constant 0 : i32
        %dma_start3A_553 = arith.constant 0 : i32
        %dma_start3A_554 = tpu.memref_slice %arg8[%run_scoped3A_289, %dma_start3A_552, %dma_start3A_553] : memref<8x128x32xf32, #tpu.memory_space<vmem>> -> memref<1x128x32xf32, #tpu.memory_space<vmem>>
        %dma_start3A_555 = tpu.memref_squeeze %dma_start3A_554 : memref<1x128x32xf32, #tpu.memory_space<vmem>> -> memref<128x32xf32, #tpu.memory_space<vmem>>
        %dma_start3A_556 = arith.constant 0 : i32
        %dma_start3A_557 = tpu.memref_slice %arg7[%add3A_274, %dma_start3A_556] : memref<80x128xi32, #tpu.memory_space<vmem>> -> memref<1x128xi32, #tpu.memory_space<vmem>>
        %dma_start3A_558 = tpu.memref_squeeze %dma_start3A_557 : memref<1x128xi32, #tpu.memory_space<vmem>> -> memref<128xi32, #tpu.memory_space<vmem>>
        %dma_start3A_559 = arith.constant 0 : i32
        %dma_start3A_560 = arith.constant 0 : i32
        %dma_start3A_561 = tpu.memref_slice %arg9[%dma_start3A_559, %dma_start3A_560] : memref<10112x32xf32, #tpu.memory_space<vmem_shared>> -> memref<10112x32xf32, #tpu.memory_space<vmem_shared>>
        tpu.enqueue_indirect_dma source(%dma_start3A_555 : memref<128x32xf32, #tpu.memory_space<vmem>>) target(%dma_start3A_561 : memref<10112x32xf32, #tpu.memory_space<vmem_shared>>) offsets(%dma_start3A_558 : memref<128xi32, #tpu.memory_space<vmem>>) semaphore(%run_scoped3A_551 : memref<!tpu.dma_semaphore, #tpu.memory_space<semaphore_mem>>) {add = true}
        %dma_wait3A_562 = arith.constant 0 : i32
        %dma_wait3A_563 = arith.constant 0 : i32
        %dma_wait3A_564 = tpu.memref_slice %arg8[%run_scoped3A_289, %dma_wait3A_562, %dma_wait3A_563] : memref<8x128x32xf32, #tpu.memory_space<vmem>> -> memref<1x128x32xf32, #tpu.memory_space<vmem>>
        %dma_wait3A_565 = tpu.memref_squeeze %dma_wait3A_564 : memref<1x128x32xf32, #tpu.memory_space<vmem>> -> memref<128x32xf32, #tpu.memory_space<vmem>>
        %dma_wait3A_566 = arith.constant 0 : i32
        %dma_wait3A_567 = tpu.memref_slice %arg7[%add3A_274, %dma_wait3A_566] : memref<80x128xi32, #tpu.memory_space<vmem>> -> memref<1x128xi32, #tpu.memory_space<vmem>>
        %dma_wait3A_568 = tpu.memref_squeeze %dma_wait3A_567 : memref<1x128xi32, #tpu.memory_space<vmem>> -> memref<128xi32, #tpu.memory_space<vmem>>
        %dma_wait3A_569 = arith.constant 0 : i32
        %dma_wait3A_570 = arith.constant 0 : i32
        %dma_wait3A_571 = tpu.memref_slice %arg9[%dma_wait3A_569, %dma_wait3A_570] : memref<10112x32xf32, #tpu.memory_space<vmem_shared>> -> memref<10112x32xf32, #tpu.memory_space<vmem_shared>>
        tpu.wait_indirect_dma semaphore(%run_scoped3A_551 : memref<!tpu.dma_semaphore, #tpu.memory_space<semaphore_mem>>) src(%dma_wait3A_565 : memref<128x32xf32, #tpu.memory_space<vmem>>) dst(%dma_wait3A_571 : memref<10112x32xf32, #tpu.memory_space<vmem_shared>>)
        tpu.yield
      }) : () -> ()
      %add3A_290 = arith.constant 8 : i32
      %add3A_291 = arith.addi %add3A_274, %add3A_290 : i32
      %dma_start3A_292 = arith.constant 0 : i32
      %dma_start3A_293 = arith.constant 0 : i32
      %dma_start3A_294 = arith.constant 0 : i32
      %dma_start3A_295 = arith.constant 0 : i32
      %dma_start3A_296 = tpu.memref_slice %arg8[%dma_start3A_292, %dma_start3A_294, %dma_start3A_295] : memref<8x128x32xf32, #tpu.memory_space<vmem>> -> memref<1x128x32xf32, #tpu.memory_space<vmem>>
      %dma_start3A_297 = tpu.memref_squeeze %dma_start3A_296 : memref<1x128x32xf32, #tpu.memory_space<vmem>> -> memref<128x32xf32, #tpu.memory_space<vmem>>
      %dma_start3A_298 = arith.constant 0 : i32
      %dma_start3A_299 = tpu.memref_slice %arg6[%add3A_291, %dma_start3A_298] : memref<80x128xi32, #tpu.memory_space<vmem>> -> memref<1x128xi32, #tpu.memory_space<vmem>>
      %dma_start3A_300 = tpu.memref_squeeze %dma_start3A_299 : memref<1x128xi32, #tpu.memory_space<vmem>> -> memref<128xi32, #tpu.memory_space<vmem>>
      %dma_start3A_301 = arith.constant 0 : i32
      %dma_start3A_302 = arith.constant 0 : i32
      %dma_start3A_303 = tpu.memref_slice %arg2[%dma_start3A_301, %dma_start3A_302] : memref<10112x32xf32, #tpu.memory_space<hbm>> -> memref<10112x32xf32, #tpu.memory_space<hbm>>
      %dma_start3A_304 = tpu.memref_slice %arg10[%dma_start3A_293] : memref<8x!tpu.dma_semaphore, #tpu.memory_space<semaphore_mem>> -> memref<1x!tpu.dma_semaphore, #tpu.memory_space<semaphore_mem>>
      %dma_start3A_305 = tpu.memref_squeeze %dma_start3A_304 : memref<1x!tpu.dma_semaphore, #tpu.memory_space<semaphore_mem>> -> memref<!tpu.dma_semaphore, #tpu.memory_space<semaphore_mem>>
      tpu.enqueue_indirect_dma source(%dma_start3A_303 : memref<10112x32xf32, #tpu.memory_space<hbm>>) target(%dma_start3A_297 : memref<128x32xf32, #tpu.memory_space<vmem>>) offsets(%dma_start3A_300 : memref<128xi32, #tpu.memory_space<vmem>>) semaphore(%dma_start3A_305 : memref<!tpu.dma_semaphore, #tpu.memory_space<semaphore_mem>>)
      %mul3A_306 = arith.constant 8 : i32
      %mul3A_307 = arith.muli %scan3A_270, %mul3A_306 : i32
      %add3A_308 = arith.constant 1 : i32
      %add3A_309 = arith.addi %mul3A_307, %add3A_308 : i32
      %dma_wait3A_310 = arith.constant 1 : i32
      %dma_wait3A_311 = arith.constant 1 : i32
      %dma_wait3A_312 = arith.constant 0 : i32
      %dma_wait3A_313 = arith.constant 0 : i32
      %dma_wait3A_314 = tpu.memref_slice %arg8[%dma_wait3A_310, %dma_wait3A_312, %dma_wait3A_313] : memref<8x128x32xf32, #tpu.memory_space<vmem>> -> memref<1x128x32xf32, #tpu.memory_space<vmem>>
      %dma_wait3A_315 = tpu.memref_squeeze %dma_wait3A_314 : memref<1x128x32xf32, #tpu.memory_space<vmem>> -> memref<128x32xf32, #tpu.memory_space<vmem>>
      %dma_wait3A_316 = arith.constant 0 : i32
      %dma_wait3A_317 = tpu.memref_slice %arg6[%add3A_309, %dma_wait3A_316] : memref<80x128xi32, #tpu.memory_space<vmem>> -> memref<1x128xi32, #tpu.memory_space<vmem>>
      %dma_wait3A_318 = tpu.memref_squeeze %dma_wait3A_317 : memref<1x128xi32, #tpu.memory_space<vmem>> -> memref<128xi32, #tpu.memory_space<vmem>>
      %dma_wait3A_319 = arith.constant 0 : i32
      %dma_wait3A_320 = arith.constant 0 : i32
      %dma_wait3A_321 = tpu.memref_slice %arg2[%dma_wait3A_319, %dma_wait3A_320] : memref<10112x32xf32, #tpu.memory_space<hbm>> -> memref<10112x32xf32, #tpu.memory_space<hbm>>
      %dma_wait3A_322 = tpu.memref_slice %arg10[%dma_wait3A_311] : memref<8x!tpu.dma_semaphore, #tpu.memory_space<semaphore_mem>> -> memref<1x!tpu.dma_semaphore, #tpu.memory_space<semaphore_mem>>
      %dma_wait3A_323 = tpu.memref_squeeze %dma_wait3A_322 : memref<1x!tpu.dma_semaphore, #tpu.memory_space<semaphore_mem>> -> memref<!tpu.dma_semaphore, #tpu.memory_space<semaphore_mem>>
      tpu.wait_indirect_dma semaphore(%dma_wait3A_323 : memref<!tpu.dma_semaphore, #tpu.memory_space<semaphore_mem>>) src(%dma_wait3A_321 : memref<10112x32xf32, #tpu.memory_space<hbm>>) dst(%dma_wait3A_315 : memref<128x32xf32, #tpu.memory_space<vmem>>)
      %run_scoped3A_324 = arith.constant 1 : i32
      "tpu.region"() ({
        %run_scoped3A_551 = tpu.sem_alloc : memref<!tpu.dma_semaphore, #tpu.memory_space<semaphore_mem>>
        %dma_start3A_552 = arith.constant 0 : i32
        %dma_start3A_553 = arith.constant 0 : i32
        %dma_start3A_554 = tpu.memref_slice %arg8[%run_scoped3A_324, %dma_start3A_552, %dma_start3A_553] : memref<8x128x32xf32, #tpu.memory_space<vmem>> -> memref<1x128x32xf32, #tpu.memory_space<vmem>>
        %dma_start3A_555 = tpu.memref_squeeze %dma_start3A_554 : memref<1x128x32xf32, #tpu.memory_space<vmem>> -> memref<128x32xf32, #tpu.memory_space<vmem>>
        %dma_start3A_556 = arith.constant 0 : i32
        %dma_start3A_557 = tpu.memref_slice %arg7[%add3A_309, %dma_start3A_556] : memref<80x128xi32, #tpu.memory_space<vmem>> -> memref<1x128xi32, #tpu.memory_space<vmem>>
        %dma_start3A_558 = tpu.memref_squeeze %dma_start3A_557 : memref<1x128xi32, #tpu.memory_space<vmem>> -> memref<128xi32, #tpu.memory_space<vmem>>
        %dma_start3A_559 = arith.constant 0 : i32
        %dma_start3A_560 = arith.constant 0 : i32
        %dma_start3A_561 = tpu.memref_slice %arg9[%dma_start3A_559, %dma_start3A_560] : memref<10112x32xf32, #tpu.memory_space<vmem_shared>> -> memref<10112x32xf32, #tpu.memory_space<vmem_shared>>
        tpu.enqueue_indirect_dma source(%dma_start3A_555 : memref<128x32xf32, #tpu.memory_space<vmem>>) target(%dma_start3A_561 : memref<10112x32xf32, #tpu.memory_space<vmem_shared>>) offsets(%dma_start3A_558 : memref<128xi32, #tpu.memory_space<vmem>>) semaphore(%run_scoped3A_551 : memref<!tpu.dma_semaphore, #tpu.memory_space<semaphore_mem>>) {add = true}
        %dma_wait3A_562 = arith.constant 0 : i32
        %dma_wait3A_563 = arith.constant 0 : i32
        %dma_wait3A_564 = tpu.memref_slice %arg8[%run_scoped3A_324, %dma_wait3A_562, %dma_wait3A_563] : memref<8x128x32xf32, #tpu.memory_space<vmem>> -> memref<1x128x32xf32, #tpu.memory_space<vmem>>
        %dma_wait3A_565 = tpu.memref_squeeze %dma_wait3A_564 : memref<1x128x32xf32, #tpu.memory_space<vmem>> -> memref<128x32xf32, #tpu.memory_space<vmem>>
        %dma_wait3A_566 = arith.constant 0 : i32
        %dma_wait3A_567 = tpu.memref_slice %arg7[%add3A_309, %dma_wait3A_566] : memref<80x128xi32, #tpu.memory_space<vmem>> -> memref<1x128xi32, #tpu.memory_space<vmem>>
        %dma_wait3A_568 = tpu.memref_squeeze %dma_wait3A_567 : memref<1x128xi32, #tpu.memory_space<vmem>> -> memref<128xi32, #tpu.memory_space<vmem>>
        %dma_wait3A_569 = arith.constant 0 : i32
        %dma_wait3A_570 = arith.constant 0 : i32
        %dma_wait3A_571 = tpu.memref_slice %arg9[%dma_wait3A_569, %dma_wait3A_570] : memref<10112x32xf32, #tpu.memory_space<vmem_shared>> -> memref<10112x32xf32, #tpu.memory_space<vmem_shared>>
        tpu.wait_indirect_dma semaphore(%run_scoped3A_551 : memref<!tpu.dma_semaphore, #tpu.memory_space<semaphore_mem>>) src(%dma_wait3A_565 : memref<128x32xf32, #tpu.memory_space<vmem>>) dst(%dma_wait3A_571 : memref<10112x32xf32, #tpu.memory_space<vmem_shared>>)
        tpu.yield
      }) : () -> ()
      %add3A_325 = arith.constant 8 : i32
      %add3A_326 = arith.addi %add3A_309, %add3A_325 : i32
      %dma_start3A_327 = arith.constant 1 : i32
      %dma_start3A_328 = arith.constant 1 : i32
      %dma_start3A_329 = arith.constant 0 : i32
      %dma_start3A_330 = arith.constant 0 : i32
      %dma_start3A_331 = tpu.memref_slice %arg8[%dma_start3A_327, %dma_start3A_329, %dma_start3A_330] : memref<8x128x32xf32, #tpu.memory_space<vmem>> -> memref<1x128x32xf32, #tpu.memory_space<vmem>>
      %dma_start3A_332 = tpu.memref_squeeze %dma_start3A_331 : memref<1x128x32xf32, #tpu.memory_space<vmem>> -> memref<128x32xf32, #tpu.memory_space<vmem>>
      %dma_start3A_333 = arith.constant 0 : i32
      %dma_start3A_334 = tpu.memref_slice %arg6[%add3A_326, %dma_start3A_333] : memref<80x128xi32, #tpu.memory_space<vmem>> -> memref<1x128xi32, #tpu.memory_space<vmem>>
      %dma_start3A_335 = tpu.memref_squeeze %dma_start3A_334 : memref<1x128xi32, #tpu.memory_space<vmem>> -> memref<128xi32, #tpu.memory_space<vmem>>
      %dma_start3A_336 = arith.constant 0 : i32
      %dma_start3A_337 = arith.constant 0 : i32
      %dma_start3A_338 = tpu.memref_slice %arg2[%dma_start3A_336, %dma_start3A_337] : memref<10112x32xf32, #tpu.memory_space<hbm>> -> memref<10112x32xf32, #tpu.memory_space<hbm>>
      %dma_start3A_339 = tpu.memref_slice %arg10[%dma_start3A_328] : memref<8x!tpu.dma_semaphore, #tpu.memory_space<semaphore_mem>> -> memref<1x!tpu.dma_semaphore, #tpu.memory_space<semaphore_mem>>
      %dma_start3A_340 = tpu.memref_squeeze %dma_start3A_339 : memref<1x!tpu.dma_semaphore, #tpu.memory_space<semaphore_mem>> -> memref<!tpu.dma_semaphore, #tpu.memory_space<semaphore_mem>>
      tpu.enqueue_indirect_dma source(%dma_start3A_338 : memref<10112x32xf32, #tpu.memory_space<hbm>>) target(%dma_start3A_332 : memref<128x32xf32, #tpu.memory_space<vmem>>) offsets(%dma_start3A_335 : memref<128xi32, #tpu.memory_space<vmem>>) semaphore(%dma_start3A_340 : memref<!tpu.dma_semaphore, #tpu.memory_space<semaphore_mem>>)
      %mul3A_341 = arith.constant 8 : i32
      %mul3A_342 = arith.muli %scan3A_270, %mul3A_341 : i32
      %add3A_343 = arith.constant 2 : i32
      %add3A_344 = arith.addi %mul3A_342, %add3A_343 : i32
      %dma_wait3A_345 = arith.constant 2 : i32
      %dma_wait3A_346 = arith.constant 2 : i32
      %dma_wait3A_347 = arith.constant 0 : i32
      %dma_wait3A_348 = arith.constant 0 : i32
      %dma_wait3A_349 = tpu.memref_slice %arg8[%dma_wait3A_345, %dma_wait3A_347, %dma_wait3A_348] : memref<8x128x32xf32, #tpu.memory_space<vmem>> -> memref<1x128x32xf32, #tpu.memory_space<vmem>>
      %dma_wait3A_350 = tpu.memref_squeeze %dma_wait3A_349 : memref<1x128x32xf32, #tpu.memory_space<vmem>> -> memref<128x32xf32, #tpu.memory_space<vmem>>
      %dma_wait3A_351 = arith.constant 0 : i32
      %dma_wait3A_352 = tpu.memref_slice %arg6[%add3A_344, %dma_wait3A_351] : memref<80x128xi32, #tpu.memory_space<vmem>> -> memref<1x128xi32, #tpu.memory_space<vmem>>
      %dma_wait3A_353 = tpu.memref_squeeze %dma_wait3A_352 : memref<1x128xi32, #tpu.memory_space<vmem>> -> memref<128xi32, #tpu.memory_space<vmem>>
      %dma_wait3A_354 = arith.constant 0 : i32
      %dma_wait3A_355 = arith.constant 0 : i32
      %dma_wait3A_356 = tpu.memref_slice %arg2[%dma_wait3A_354, %dma_wait3A_355] : memref<10112x32xf32, #tpu.memory_space<hbm>> -> memref<10112x32xf32, #tpu.memory_space<hbm>>
      %dma_wait3A_357 = tpu.memref_slice %arg10[%dma_wait3A_346] : memref<8x!tpu.dma_semaphore, #tpu.memory_space<semaphore_mem>> -> memref<1x!tpu.dma_semaphore, #tpu.memory_space<semaphore_mem>>
      %dma_wait3A_358 = tpu.memref_squeeze %dma_wait3A_357 : memref<1x!tpu.dma_semaphore, #tpu.memory_space<semaphore_mem>> -> memref<!tpu.dma_semaphore, #tpu.memory_space<semaphore_mem>>
      tpu.wait_indirect_dma semaphore(%dma_wait3A_358 : memref<!tpu.dma_semaphore, #tpu.memory_space<semaphore_mem>>) src(%dma_wait3A_356 : memref<10112x32xf32, #tpu.memory_space<hbm>>) dst(%dma_wait3A_350 : memref<128x32xf32, #tpu.memory_space<vmem>>)
      %run_scoped3A_359 = arith.constant 2 : i32
      "tpu.region"() ({
        %run_scoped3A_551 = tpu.sem_alloc : memref<!tpu.dma_semaphore, #tpu.memory_space<semaphore_mem>>
        %dma_start3A_552 = arith.constant 0 : i32
        %dma_start3A_553 = arith.constant 0 : i32
        %dma_start3A_554 = tpu.memref_slice %arg8[%run_scoped3A_359, %dma_start3A_552, %dma_start3A_553] : memref<8x128x32xf32, #tpu.memory_space<vmem>> -> memref<1x128x32xf32, #tpu.memory_space<vmem>>
        %dma_start3A_555 = tpu.memref_squeeze %dma_start3A_554 : memref<1x128x32xf32, #tpu.memory_space<vmem>> -> memref<128x32xf32, #tpu.memory_space<vmem>>
        %dma_start3A_556 = arith.constant 0 : i32
        %dma_start3A_557 = tpu.memref_slice %arg7[%add3A_344, %dma_start3A_556] : memref<80x128xi32, #tpu.memory_space<vmem>> -> memref<1x128xi32, #tpu.memory_space<vmem>>
        %dma_start3A_558 = tpu.memref_squeeze %dma_start3A_557 : memref<1x128xi32, #tpu.memory_space<vmem>> -> memref<128xi32, #tpu.memory_space<vmem>>
        %dma_start3A_559 = arith.constant 0 : i32
        %dma_start3A_560 = arith.constant 0 : i32
        %dma_start3A_561 = tpu.memref_slice %arg9[%dma_start3A_559, %dma_start3A_560] : memref<10112x32xf32, #tpu.memory_space<vmem_shared>> -> memref<10112x32xf32, #tpu.memory_space<vmem_shared>>
        tpu.enqueue_indirect_dma source(%dma_start3A_555 : memref<128x32xf32, #tpu.memory_space<vmem>>) target(%dma_start3A_561 : memref<10112x32xf32, #tpu.memory_space<vmem_shared>>) offsets(%dma_start3A_558 : memref<128xi32, #tpu.memory_space<vmem>>) semaphore(%run_scoped3A_551 : memref<!tpu.dma_semaphore, #tpu.memory_space<semaphore_mem>>) {add = true}
        %dma_wait3A_562 = arith.constant 0 : i32
        %dma_wait3A_563 = arith.constant 0 : i32
        %dma_wait3A_564 = tpu.memref_slice %arg8[%run_scoped3A_359, %dma_wait3A_562, %dma_wait3A_563] : memref<8x128x32xf32, #tpu.memory_space<vmem>> -> memref<1x128x32xf32, #tpu.memory_space<vmem>>
        %dma_wait3A_565 = tpu.memref_squeeze %dma_wait3A_564 : memref<1x128x32xf32, #tpu.memory_space<vmem>> -> memref<128x32xf32, #tpu.memory_space<vmem>>
        %dma_wait3A_566 = arith.constant 0 : i32
        %dma_wait3A_567 = tpu.memref_slice %arg7[%add3A_344, %dma_wait3A_566] : memref<80x128xi32, #tpu.memory_space<vmem>> -> memref<1x128xi32, #tpu.memory_space<vmem>>
        %dma_wait3A_568 = tpu.memref_squeeze %dma_wait3A_567 : memref<1x128xi32, #tpu.memory_space<vmem>> -> memref<128xi32, #tpu.memory_space<vmem>>
        %dma_wait3A_569 = arith.constant 0 : i32
        %dma_wait3A_570 = arith.constant 0 : i32
        %dma_wait3A_571 = tpu.memref_slice %arg9[%dma_wait3A_569, %dma_wait3A_570] : memref<10112x32xf32, #tpu.memory_space<vmem_shared>> -> memref<10112x32xf32, #tpu.memory_space<vmem_shared>>
        tpu.wait_indirect_dma semaphore(%run_scoped3A_551 : memref<!tpu.dma_semaphore, #tpu.memory_space<semaphore_mem>>) src(%dma_wait3A_565 : memref<128x32xf32, #tpu.memory_space<vmem>>) dst(%dma_wait3A_571 : memref<10112x32xf32, #tpu.memory_space<vmem_shared>>)
        tpu.yield
      }) : () -> ()
      %add3A_360 = arith.constant 8 : i32
      %add3A_361 = arith.addi %add3A_344, %add3A_360 : i32
      %dma_start3A_362 = arith.constant 2 : i32
      %dma_start3A_363 = arith.constant 2 : i32
      %dma_start3A_364 = arith.constant 0 : i32
      %dma_start3A_365 = arith.constant 0 : i32
      %dma_start3A_366 = tpu.memref_slice %arg8[%dma_start3A_362, %dma_start3A_364, %dma_start3A_365] : memref<8x128x32xf32, #tpu.memory_space<vmem>> -> memref<1x128x32xf32, #tpu.memory_space<vmem>>
      %dma_start3A_367 = tpu.memref_squeeze %dma_start3A_366 : memref<1x128x32xf32, #tpu.memory_space<vmem>> -> memref<128x32xf32, #tpu.memory_space<vmem>>
      %dma_start3A_368 = arith.constant 0 : i32
      %dma_start3A_369 = tpu.memref_slice %arg6[%add3A_361, %dma_start3A_368] : memref<80x128xi32, #tpu.memory_space<vmem>> -> memref<1x128xi32, #tpu.memory_space<vmem>>
      %dma_start3A_370 = tpu.memref_squeeze %dma_start3A_369 : memref<1x128xi32, #tpu.memory_space<vmem>> -> memref<128xi32, #tpu.memory_space<vmem>>
      %dma_start3A_371 = arith.constant 0 : i32
      %dma_start3A_372 = arith.constant 0 : i32
      %dma_start3A_373 = tpu.memref_slice %arg2[%dma_start3A_371, %dma_start3A_372] : memref<10112x32xf32, #tpu.memory_space<hbm>> -> memref<10112x32xf32, #tpu.memory_space<hbm>>
      %dma_start3A_374 = tpu.memref_slice %arg10[%dma_start3A_363] : memref<8x!tpu.dma_semaphore, #tpu.memory_space<semaphore_mem>> -> memref<1x!tpu.dma_semaphore, #tpu.memory_space<semaphore_mem>>
      %dma_start3A_375 = tpu.memref_squeeze %dma_start3A_374 : memref<1x!tpu.dma_semaphore, #tpu.memory_space<semaphore_mem>> -> memref<!tpu.dma_semaphore, #tpu.memory_space<semaphore_mem>>
      tpu.enqueue_indirect_dma source(%dma_start3A_373 : memref<10112x32xf32, #tpu.memory_space<hbm>>) target(%dma_start3A_367 : memref<128x32xf32, #tpu.memory_space<vmem>>) offsets(%dma_start3A_370 : memref<128xi32, #tpu.memory_space<vmem>>) semaphore(%dma_start3A_375 : memref<!tpu.dma_semaphore, #tpu.memory_space<semaphore_mem>>)
      %mul3A_376 = arith.constant 8 : i32
      %mul3A_377 = arith.muli %scan3A_270, %mul3A_376 : i32
      %add3A_378 = arith.constant 3 : i32
      %add3A_379 = arith.addi %mul3A_377, %add3A_378 : i32
      %dma_wait3A_380 = arith.constant 3 : i32
      %dma_wait3A_381 = arith.constant 3 : i32
      %dma_wait3A_382 = arith.constant 0 : i32
      %dma_wait3A_383 = arith.constant 0 : i32
      %dma_wait3A_384 = tpu.memref_slice %arg8[%dma_wait3A_380, %dma_wait3A_382, %dma_wait3A_383] : memref<8x128x32xf32, #tpu.memory_space<vmem>> -> memref<1x128x32xf32, #tpu.memory_space<vmem>>
      %dma_wait3A_385 = tpu.memref_squeeze %dma_wait3A_384 : memref<1x128x32xf32, #tpu.memory_space<vmem>> -> memref<128x32xf32, #tpu.memory_space<vmem>>
      %dma_wait3A_386 = arith.constant 0 : i32
      %dma_wait3A_387 = tpu.memref_slice %arg6[%add3A_379, %dma_wait3A_386] : memref<80x128xi32, #tpu.memory_space<vmem>> -> memref<1x128xi32, #tpu.memory_space<vmem>>
      %dma_wait3A_388 = tpu.memref_squeeze %dma_wait3A_387 : memref<1x128xi32, #tpu.memory_space<vmem>> -> memref<128xi32, #tpu.memory_space<vmem>>
      %dma_wait3A_389 = arith.constant 0 : i32
      %dma_wait3A_390 = arith.constant 0 : i32
      %dma_wait3A_391 = tpu.memref_slice %arg2[%dma_wait3A_389, %dma_wait3A_390] : memref<10112x32xf32, #tpu.memory_space<hbm>> -> memref<10112x32xf32, #tpu.memory_space<hbm>>
      %dma_wait3A_392 = tpu.memref_slice %arg10[%dma_wait3A_381] : memref<8x!tpu.dma_semaphore, #tpu.memory_space<semaphore_mem>> -> memref<1x!tpu.dma_semaphore, #tpu.memory_space<semaphore_mem>>
      %dma_wait3A_393 = tpu.memref_squeeze %dma_wait3A_392 : memref<1x!tpu.dma_semaphore, #tpu.memory_space<semaphore_mem>> -> memref<!tpu.dma_semaphore, #tpu.memory_space<semaphore_mem>>
      tpu.wait_indirect_dma semaphore(%dma_wait3A_393 : memref<!tpu.dma_semaphore, #tpu.memory_space<semaphore_mem>>) src(%dma_wait3A_391 : memref<10112x32xf32, #tpu.memory_space<hbm>>) dst(%dma_wait3A_385 : memref<128x32xf32, #tpu.memory_space<vmem>>)
      %run_scoped3A_394 = arith.constant 3 : i32
      "tpu.region"() ({
        %run_scoped3A_551 = tpu.sem_alloc : memref<!tpu.dma_semaphore, #tpu.memory_space<semaphore_mem>>
        %dma_start3A_552 = arith.constant 0 : i32
        %dma_start3A_553 = arith.constant 0 : i32
        %dma_start3A_554 = tpu.memref_slice %arg8[%run_scoped3A_394, %dma_start3A_552, %dma_start3A_553] : memref<8x128x32xf32, #tpu.memory_space<vmem>> -> memref<1x128x32xf32, #tpu.memory_space<vmem>>
        %dma_start3A_555 = tpu.memref_squeeze %dma_start3A_554 : memref<1x128x32xf32, #tpu.memory_space<vmem>> -> memref<128x32xf32, #tpu.memory_space<vmem>>
        %dma_start3A_556 = arith.constant 0 : i32
        %dma_start3A_557 = tpu.memref_slice %arg7[%add3A_379, %dma_start3A_556] : memref<80x128xi32, #tpu.memory_space<vmem>> -> memref<1x128xi32, #tpu.memory_space<vmem>>
        %dma_start3A_558 = tpu.memref_squeeze %dma_start3A_557 : memref<1x128xi32, #tpu.memory_space<vmem>> -> memref<128xi32, #tpu.memory_space<vmem>>
        %dma_start3A_559 = arith.constant 0 : i32
        %dma_start3A_560 = arith.constant 0 : i32
        %dma_start3A_561 = tpu.memref_slice %arg9[%dma_start3A_559, %dma_start3A_560] : memref<10112x32xf32, #tpu.memory_space<vmem_shared>> -> memref<10112x32xf32, #tpu.memory_space<vmem_shared>>
        tpu.enqueue_indirect_dma source(%dma_start3A_555 : memref<128x32xf32, #tpu.memory_space<vmem>>) target(%dma_start3A_561 : memref<10112x32xf32, #tpu.memory_space<vmem_shared>>) offsets(%dma_start3A_558 : memref<128xi32, #tpu.memory_space<vmem>>) semaphore(%run_scoped3A_551 : memref<!tpu.dma_semaphore, #tpu.memory_space<semaphore_mem>>) {add = true}
        %dma_wait3A_562 = arith.constant 0 : i32
        %dma_wait3A_563 = arith.constant 0 : i32
        %dma_wait3A_564 = tpu.memref_slice %arg8[%run_scoped3A_394, %dma_wait3A_562, %dma_wait3A_563] : memref<8x128x32xf32, #tpu.memory_space<vmem>> -> memref<1x128x32xf32, #tpu.memory_space<vmem>>
        %dma_wait3A_565 = tpu.memref_squeeze %dma_wait3A_564 : memref<1x128x32xf32, #tpu.memory_space<vmem>> -> memref<128x32xf32, #tpu.memory_space<vmem>>
        %dma_wait3A_566 = arith.constant 0 : i32
        %dma_wait3A_567 = tpu.memref_slice %arg7[%add3A_379, %dma_wait3A_566] : memref<80x128xi32, #tpu.memory_space<vmem>> -> memref<1x128xi32, #tpu.memory_space<vmem>>
        %dma_wait3A_568 = tpu.memref_squeeze %dma_wait3A_567 : memref<1x128xi32, #tpu.memory_space<vmem>> -> memref<128xi32, #tpu.memory_space<vmem>>
        %dma_wait3A_569 = arith.constant 0 : i32
        %dma_wait3A_570 = arith.constant 0 : i32
        %dma_wait3A_571 = tpu.memref_slice %arg9[%dma_wait3A_569, %dma_wait3A_570] : memref<10112x32xf32, #tpu.memory_space<vmem_shared>> -> memref<10112x32xf32, #tpu.memory_space<vmem_shared>>
        tpu.wait_indirect_dma semaphore(%run_scoped3A_551 : memref<!tpu.dma_semaphore, #tpu.memory_space<semaphore_mem>>) src(%dma_wait3A_565 : memref<128x32xf32, #tpu.memory_space<vmem>>) dst(%dma_wait3A_571 : memref<10112x32xf32, #tpu.memory_space<vmem_shared>>)
        tpu.yield
      }) : () -> ()
      %add3A_395 = arith.constant 8 : i32
      %add3A_396 = arith.addi %add3A_379, %add3A_395 : i32
      %dma_start3A_397 = arith.constant 3 : i32
      %dma_start3A_398 = arith.constant 3 : i32
      %dma_start3A_399 = arith.constant 0 : i32
      %dma_start3A_400 = arith.constant 0 : i32
      %dma_start3A_401 = tpu.memref_slice %arg8[%dma_start3A_397, %dma_start3A_399, %dma_start3A_400] : memref<8x128x32xf32, #tpu.memory_space<vmem>> -> memref<1x128x32xf32, #tpu.memory_space<vmem>>
      %dma_start3A_402 = tpu.memref_squeeze %dma_start3A_401 : memref<1x128x32xf32, #tpu.memory_space<vmem>> -> memref<128x32xf32, #tpu.memory_space<vmem>>
      %dma_start3A_403 = arith.constant 0 : i32
      %dma_start3A_404 = tpu.memref_slice %arg6[%add3A_396, %dma_start3A_403] : memref<80x128xi32, #tpu.memory_space<vmem>> -> memref<1x128xi32, #tpu.memory_space<vmem>>
      %dma_start3A_405 = tpu.memref_squeeze %dma_start3A_404 : memref<1x128xi32, #tpu.memory_space<vmem>> -> memref<128xi32, #tpu.memory_space<vmem>>
      %dma_start3A_406 = arith.constant 0 : i32
      %dma_start3A_407 = arith.constant 0 : i32
      %dma_start3A_408 = tpu.memref_slice %arg2[%dma_start3A_406, %dma_start3A_407] : memref<10112x32xf32, #tpu.memory_space<hbm>> -> memref<10112x32xf32, #tpu.memory_space<hbm>>
      %dma_start3A_409 = tpu.memref_slice %arg10[%dma_start3A_398] : memref<8x!tpu.dma_semaphore, #tpu.memory_space<semaphore_mem>> -> memref<1x!tpu.dma_semaphore, #tpu.memory_space<semaphore_mem>>
      %dma_start3A_410 = tpu.memref_squeeze %dma_start3A_409 : memref<1x!tpu.dma_semaphore, #tpu.memory_space<semaphore_mem>> -> memref<!tpu.dma_semaphore, #tpu.memory_space<semaphore_mem>>
      tpu.enqueue_indirect_dma source(%dma_start3A_408 : memref<10112x32xf32, #tpu.memory_space<hbm>>) target(%dma_start3A_402 : memref<128x32xf32, #tpu.memory_space<vmem>>) offsets(%dma_start3A_405 : memref<128xi32, #tpu.memory_space<vmem>>) semaphore(%dma_start3A_410 : memref<!tpu.dma_semaphore, #tpu.memory_space<semaphore_mem>>)
      %mul3A_411 = arith.constant 8 : i32
      %mul3A_412 = arith.muli %scan3A_270, %mul3A_411 : i32
      %add3A_413 = arith.constant 4 : i32
      %add3A_414 = arith.addi %mul3A_412, %add3A_413 : i32
      %dma_wait3A_415 = arith.constant 4 : i32
      %dma_wait3A_416 = arith.constant 4 : i32
      %dma_wait3A_417 = arith.constant 0 : i32
      %dma_wait3A_418 = arith.constant 0 : i32
      %dma_wait3A_419 = tpu.memref_slice %arg8[%dma_wait3A_415, %dma_wait3A_417, %dma_wait3A_418] : memref<8x128x32xf32, #tpu.memory_space<vmem>> -> memref<1x128x32xf32, #tpu.memory_space<vmem>>
      %dma_wait3A_420 = tpu.memref_squeeze %dma_wait3A_419 : memref<1x128x32xf32, #tpu.memory_space<vmem>> -> memref<128x32xf32, #tpu.memory_space<vmem>>
      %dma_wait3A_421 = arith.constant 0 : i32
      %dma_wait3A_422 = tpu.memref_slice %arg6[%add3A_414, %dma_wait3A_421] : memref<80x128xi32, #tpu.memory_space<vmem>> -> memref<1x128xi32, #tpu.memory_space<vmem>>
      %dma_wait3A_423 = tpu.memref_squeeze %dma_wait3A_422 : memref<1x128xi32, #tpu.memory_space<vmem>> -> memref<128xi32, #tpu.memory_space<vmem>>
      %dma_wait3A_424 = arith.constant 0 : i32
      %dma_wait3A_425 = arith.constant 0 : i32
      %dma_wait3A_426 = tpu.memref_slice %arg2[%dma_wait3A_424, %dma_wait3A_425] : memref<10112x32xf32, #tpu.memory_space<hbm>> -> memref<10112x32xf32, #tpu.memory_space<hbm>>
      %dma_wait3A_427 = tpu.memref_slice %arg10[%dma_wait3A_416] : memref<8x!tpu.dma_semaphore, #tpu.memory_space<semaphore_mem>> -> memref<1x!tpu.dma_semaphore, #tpu.memory_space<semaphore_mem>>
      %dma_wait3A_428 = tpu.memref_squeeze %dma_wait3A_427 : memref<1x!tpu.dma_semaphore, #tpu.memory_space<semaphore_mem>> -> memref<!tpu.dma_semaphore, #tpu.memory_space<semaphore_mem>>
      tpu.wait_indirect_dma semaphore(%dma_wait3A_428 : memref<!tpu.dma_semaphore, #tpu.memory_space<semaphore_mem>>) src(%dma_wait3A_426 : memref<10112x32xf32, #tpu.memory_space<hbm>>) dst(%dma_wait3A_420 : memref<128x32xf32, #tpu.memory_space<vmem>>)
      %run_scoped3A_429 = arith.constant 4 : i32
      "tpu.region"() ({
        %run_scoped3A_551 = tpu.sem_alloc : memref<!tpu.dma_semaphore, #tpu.memory_space<semaphore_mem>>
        %dma_start3A_552 = arith.constant 0 : i32
        %dma_start3A_553 = arith.constant 0 : i32
        %dma_start3A_554 = tpu.memref_slice %arg8[%run_scoped3A_429, %dma_start3A_552, %dma_start3A_553] : memref<8x128x32xf32, #tpu.memory_space<vmem>> -> memref<1x128x32xf32, #tpu.memory_space<vmem>>
        %dma_start3A_555 = tpu.memref_squeeze %dma_start3A_554 : memref<1x128x32xf32, #tpu.memory_space<vmem>> -> memref<128x32xf32, #tpu.memory_space<vmem>>
        %dma_start3A_556 = arith.constant 0 : i32
        %dma_start3A_557 = tpu.memref_slice %arg7[%add3A_414, %dma_start3A_556] : memref<80x128xi32, #tpu.memory_space<vmem>> -> memref<1x128xi32, #tpu.memory_space<vmem>>
        %dma_start3A_558 = tpu.memref_squeeze %dma_start3A_557 : memref<1x128xi32, #tpu.memory_space<vmem>> -> memref<128xi32, #tpu.memory_space<vmem>>
        %dma_start3A_559 = arith.constant 0 : i32
        %dma_start3A_560 = arith.constant 0 : i32
        %dma_start3A_561 = tpu.memref_slice %arg9[%dma_start3A_559, %dma_start3A_560] : memref<10112x32xf32, #tpu.memory_space<vmem_shared>> -> memref<10112x32xf32, #tpu.memory_space<vmem_shared>>
        tpu.enqueue_indirect_dma source(%dma_start3A_555 : memref<128x32xf32, #tpu.memory_space<vmem>>) target(%dma_start3A_561 : memref<10112x32xf32, #tpu.memory_space<vmem_shared>>) offsets(%dma_start3A_558 : memref<128xi32, #tpu.memory_space<vmem>>) semaphore(%run_scoped3A_551 : memref<!tpu.dma_semaphore, #tpu.memory_space<semaphore_mem>>) {add = true}
        %dma_wait3A_562 = arith.constant 0 : i32
        %dma_wait3A_563 = arith.constant 0 : i32
        %dma_wait3A_564 = tpu.memref_slice %arg8[%run_scoped3A_429, %dma_wait3A_562, %dma_wait3A_563] : memref<8x128x32xf32, #tpu.memory_space<vmem>> -> memref<1x128x32xf32, #tpu.memory_space<vmem>>
        %dma_wait3A_565 = tpu.memref_squeeze %dma_wait3A_564 : memref<1x128x32xf32, #tpu.memory_space<vmem>> -> memref<128x32xf32, #tpu.memory_space<vmem>>
        %dma_wait3A_566 = arith.constant 0 : i32
        %dma_wait3A_567 = tpu.memref_slice %arg7[%add3A_414, %dma_wait3A_566] : memref<80x128xi32, #tpu.memory_space<vmem>> -> memref<1x128xi32, #tpu.memory_space<vmem>>
        %dma_wait3A_568 = tpu.memref_squeeze %dma_wait3A_567 : memref<1x128xi32, #tpu.memory_space<vmem>> -> memref<128xi32, #tpu.memory_space<vmem>>
        %dma_wait3A_569 = arith.constant 0 : i32
        %dma_wait3A_570 = arith.constant 0 : i32
        %dma_wait3A_571 = tpu.memref_slice %arg9[%dma_wait3A_569, %dma_wait3A_570] : memref<10112x32xf32, #tpu.memory_space<vmem_shared>> -> memref<10112x32xf32, #tpu.memory_space<vmem_shared>>
        tpu.wait_indirect_dma semaphore(%run_scoped3A_551 : memref<!tpu.dma_semaphore, #tpu.memory_space<semaphore_mem>>) src(%dma_wait3A_565 : memref<128x32xf32, #tpu.memory_space<vmem>>) dst(%dma_wait3A_571 : memref<10112x32xf32, #tpu.memory_space<vmem_shared>>)
        tpu.yield
      }) : () -> ()
      %add3A_430 = arith.constant 8 : i32
      %add3A_431 = arith.addi %add3A_414, %add3A_430 : i32
      %dma_start3A_432 = arith.constant 4 : i32
      %dma_start3A_433 = arith.constant 4 : i32
      %dma_start3A_434 = arith.constant 0 : i32
      %dma_start3A_435 = arith.constant 0 : i32
      %dma_start3A_436 = tpu.memref_slice %arg8[%dma_start3A_432, %dma_start3A_434, %dma_start3A_435] : memref<8x128x32xf32, #tpu.memory_space<vmem>> -> memref<1x128x32xf32, #tpu.memory_space<vmem>>
      %dma_start3A_437 = tpu.memref_squeeze %dma_start3A_436 : memref<1x128x32xf32, #tpu.memory_space<vmem>> -> memref<128x32xf32, #tpu.memory_space<vmem>>
      %dma_start3A_438 = arith.constant 0 : i32
      %dma_start3A_439 = tpu.memref_slice %arg6[%add3A_431, %dma_start3A_438] : memref<80x128xi32, #tpu.memory_space<vmem>> -> memref<1x128xi32, #tpu.memory_space<vmem>>
      %dma_start3A_440 = tpu.memref_squeeze %dma_start3A_439 : memref<1x128xi32, #tpu.memory_space<vmem>> -> memref<128xi32, #tpu.memory_space<vmem>>
      %dma_start3A_441 = arith.constant 0 : i32
      %dma_start3A_442 = arith.constant 0 : i32
      %dma_start3A_443 = tpu.memref_slice %arg2[%dma_start3A_441, %dma_start3A_442] : memref<10112x32xf32, #tpu.memory_space<hbm>> -> memref<10112x32xf32, #tpu.memory_space<hbm>>
      %dma_start3A_444 = tpu.memref_slice %arg10[%dma_start3A_433] : memref<8x!tpu.dma_semaphore, #tpu.memory_space<semaphore_mem>> -> memref<1x!tpu.dma_semaphore, #tpu.memory_space<semaphore_mem>>
      %dma_start3A_445 = tpu.memref_squeeze %dma_start3A_444 : memref<1x!tpu.dma_semaphore, #tpu.memory_space<semaphore_mem>> -> memref<!tpu.dma_semaphore, #tpu.memory_space<semaphore_mem>>
      tpu.enqueue_indirect_dma source(%dma_start3A_443 : memref<10112x32xf32, #tpu.memory_space<hbm>>) target(%dma_start3A_437 : memref<128x32xf32, #tpu.memory_space<vmem>>) offsets(%dma_start3A_440 : memref<128xi32, #tpu.memory_space<vmem>>) semaphore(%dma_start3A_445 : memref<!tpu.dma_semaphore, #tpu.memory_space<semaphore_mem>>)
      %mul3A_446 = arith.constant 8 : i32
      %mul3A_447 = arith.muli %scan3A_270, %mul3A_446 : i32
      %add3A_448 = arith.constant 5 : i32
      %add3A_449 = arith.addi %mul3A_447, %add3A_448 : i32
      %dma_wait3A_450 = arith.constant 5 : i32
      %dma_wait3A_451 = arith.constant 5 : i32
      %dma_wait3A_452 = arith.constant 0 : i32
      %dma_wait3A_453 = arith.constant 0 : i32
      %dma_wait3A_454 = tpu.memref_slice %arg8[%dma_wait3A_450, %dma_wait3A_452, %dma_wait3A_453] : memref<8x128x32xf32, #tpu.memory_space<vmem>> -> memref<1x128x32xf32, #tpu.memory_space<vmem>>
      %dma_wait3A_455 = tpu.memref_squeeze %dma_wait3A_454 : memref<1x128x32xf32, #tpu.memory_space<vmem>> -> memref<128x32xf32, #tpu.memory_space<vmem>>
      %dma_wait3A_456 = arith.constant 0 : i32
      %dma_wait3A_457 = tpu.memref_slice %arg6[%add3A_449, %dma_wait3A_456] : memref<80x128xi32, #tpu.memory_space<vmem>> -> memref<1x128xi32, #tpu.memory_space<vmem>>
      %dma_wait3A_458 = tpu.memref_squeeze %dma_wait3A_457 : memref<1x128xi32, #tpu.memory_space<vmem>> -> memref<128xi32, #tpu.memory_space<vmem>>
      %dma_wait3A_459 = arith.constant 0 : i32
      %dma_wait3A_460 = arith.constant 0 : i32
      %dma_wait3A_461 = tpu.memref_slice %arg2[%dma_wait3A_459, %dma_wait3A_460] : memref<10112x32xf32, #tpu.memory_space<hbm>> -> memref<10112x32xf32, #tpu.memory_space<hbm>>
      %dma_wait3A_462 = tpu.memref_slice %arg10[%dma_wait3A_451] : memref<8x!tpu.dma_semaphore, #tpu.memory_space<semaphore_mem>> -> memref<1x!tpu.dma_semaphore, #tpu.memory_space<semaphore_mem>>
      %dma_wait3A_463 = tpu.memref_squeeze %dma_wait3A_462 : memref<1x!tpu.dma_semaphore, #tpu.memory_space<semaphore_mem>> -> memref<!tpu.dma_semaphore, #tpu.memory_space<semaphore_mem>>
      tpu.wait_indirect_dma semaphore(%dma_wait3A_463 : memref<!tpu.dma_semaphore, #tpu.memory_space<semaphore_mem>>) src(%dma_wait3A_461 : memref<10112x32xf32, #tpu.memory_space<hbm>>) dst(%dma_wait3A_455 : memref<128x32xf32, #tpu.memory_space<vmem>>)
      %run_scoped3A_464 = arith.constant 5 : i32
      "tpu.region"() ({
        %run_scoped3A_551 = tpu.sem_alloc : memref<!tpu.dma_semaphore, #tpu.memory_space<semaphore_mem>>
        %dma_start3A_552 = arith.constant 0 : i32
        %dma_start3A_553 = arith.constant 0 : i32
        %dma_start3A_554 = tpu.memref_slice %arg8[%run_scoped3A_464, %dma_start3A_552, %dma_start3A_553] : memref<8x128x32xf32, #tpu.memory_space<vmem>> -> memref<1x128x32xf32, #tpu.memory_space<vmem>>
        %dma_start3A_555 = tpu.memref_squeeze %dma_start3A_554 : memref<1x128x32xf32, #tpu.memory_space<vmem>> -> memref<128x32xf32, #tpu.memory_space<vmem>>
        %dma_start3A_556 = arith.constant 0 : i32
        %dma_start3A_557 = tpu.memref_slice %arg7[%add3A_449, %dma_start3A_556] : memref<80x128xi32, #tpu.memory_space<vmem>> -> memref<1x128xi32, #tpu.memory_space<vmem>>
        %dma_start3A_558 = tpu.memref_squeeze %dma_start3A_557 : memref<1x128xi32, #tpu.memory_space<vmem>> -> memref<128xi32, #tpu.memory_space<vmem>>
        %dma_start3A_559 = arith.constant 0 : i32
        %dma_start3A_560 = arith.constant 0 : i32
        %dma_start3A_561 = tpu.memref_slice %arg9[%dma_start3A_559, %dma_start3A_560] : memref<10112x32xf32, #tpu.memory_space<vmem_shared>> -> memref<10112x32xf32, #tpu.memory_space<vmem_shared>>
        tpu.enqueue_indirect_dma source(%dma_start3A_555 : memref<128x32xf32, #tpu.memory_space<vmem>>) target(%dma_start3A_561 : memref<10112x32xf32, #tpu.memory_space<vmem_shared>>) offsets(%dma_start3A_558 : memref<128xi32, #tpu.memory_space<vmem>>) semaphore(%run_scoped3A_551 : memref<!tpu.dma_semaphore, #tpu.memory_space<semaphore_mem>>) {add = true}
        %dma_wait3A_562 = arith.constant 0 : i32
        %dma_wait3A_563 = arith.constant 0 : i32
        %dma_wait3A_564 = tpu.memref_slice %arg8[%run_scoped3A_464, %dma_wait3A_562, %dma_wait3A_563] : memref<8x128x32xf32, #tpu.memory_space<vmem>> -> memref<1x128x32xf32, #tpu.memory_space<vmem>>
        %dma_wait3A_565 = tpu.memref_squeeze %dma_wait3A_564 : memref<1x128x32xf32, #tpu.memory_space<vmem>> -> memref<128x32xf32, #tpu.memory_space<vmem>>
        %dma_wait3A_566 = arith.constant 0 : i32
        %dma_wait3A_567 = tpu.memref_slice %arg7[%add3A_449, %dma_wait3A_566] : memref<80x128xi32, #tpu.memory_space<vmem>> -> memref<1x128xi32, #tpu.memory_space<vmem>>
        %dma_wait3A_568 = tpu.memref_squeeze %dma_wait3A_567 : memref<1x128xi32, #tpu.memory_space<vmem>> -> memref<128xi32, #tpu.memory_space<vmem>>
        %dma_wait3A_569 = arith.constant 0 : i32
        %dma_wait3A_570 = arith.constant 0 : i32
        %dma_wait3A_571 = tpu.memref_slice %arg9[%dma_wait3A_569, %dma_wait3A_570] : memref<10112x32xf32, #tpu.memory_space<vmem_shared>> -> memref<10112x32xf32, #tpu.memory_space<vmem_shared>>
        tpu.wait_indirect_dma semaphore(%run_scoped3A_551 : memref<!tpu.dma_semaphore, #tpu.memory_space<semaphore_mem>>) src(%dma_wait3A_565 : memref<128x32xf32, #tpu.memory_space<vmem>>) dst(%dma_wait3A_571 : memref<10112x32xf32, #tpu.memory_space<vmem_shared>>)
        tpu.yield
      }) : () -> ()
      %add3A_465 = arith.constant 8 : i32
      %add3A_466 = arith.addi %add3A_449, %add3A_465 : i32
      %dma_start3A_467 = arith.constant 5 : i32
      %dma_start3A_468 = arith.constant 5 : i32
      %dma_start3A_469 = arith.constant 0 : i32
      %dma_start3A_470 = arith.constant 0 : i32
      %dma_start3A_471 = tpu.memref_slice %arg8[%dma_start3A_467, %dma_start3A_469, %dma_start3A_470] : memref<8x128x32xf32, #tpu.memory_space<vmem>> -> memref<1x128x32xf32, #tpu.memory_space<vmem>>
      %dma_start3A_472 = tpu.memref_squeeze %dma_start3A_471 : memref<1x128x32xf32, #tpu.memory_space<vmem>> -> memref<128x32xf32, #tpu.memory_space<vmem>>
      %dma_start3A_473 = arith.constant 0 : i32
      %dma_start3A_474 = tpu.memref_slice %arg6[%add3A_466, %dma_start3A_473] : memref<80x128xi32, #tpu.memory_space<vmem>> -> memref<1x128xi32, #tpu.memory_space<vmem>>
      %dma_start3A_475 = tpu.memref_squeeze %dma_start3A_474 : memref<1x128xi32, #tpu.memory_space<vmem>> -> memref<128xi32, #tpu.memory_space<vmem>>
      %dma_start3A_476 = arith.constant 0 : i32
      %dma_start3A_477 = arith.constant 0 : i32
      %dma_start3A_478 = tpu.memref_slice %arg2[%dma_start3A_476, %dma_start3A_477] : memref<10112x32xf32, #tpu.memory_space<hbm>> -> memref<10112x32xf32, #tpu.memory_space<hbm>>
      %dma_start3A_479 = tpu.memref_slice %arg10[%dma_start3A_468] : memref<8x!tpu.dma_semaphore, #tpu.memory_space<semaphore_mem>> -> memref<1x!tpu.dma_semaphore, #tpu.memory_space<semaphore_mem>>
      %dma_start3A_480 = tpu.memref_squeeze %dma_start3A_479 : memref<1x!tpu.dma_semaphore, #tpu.memory_space<semaphore_mem>> -> memref<!tpu.dma_semaphore, #tpu.memory_space<semaphore_mem>>
      tpu.enqueue_indirect_dma source(%dma_start3A_478 : memref<10112x32xf32, #tpu.memory_space<hbm>>) target(%dma_start3A_472 : memref<128x32xf32, #tpu.memory_space<vmem>>) offsets(%dma_start3A_475 : memref<128xi32, #tpu.memory_space<vmem>>) semaphore(%dma_start3A_480 : memref<!tpu.dma_semaphore, #tpu.memory_space<semaphore_mem>>)
      %mul3A_481 = arith.constant 8 : i32
      %mul3A_482 = arith.muli %scan3A_270, %mul3A_481 : i32
      %add3A_483 = arith.constant 6 : i32
      %add3A_484 = arith.addi %mul3A_482, %add3A_483 : i32
      %dma_wait3A_485 = arith.constant 6 : i32
      %dma_wait3A_486 = arith.constant 6 : i32
      %dma_wait3A_487 = arith.constant 0 : i32
      %dma_wait3A_488 = arith.constant 0 : i32
      %dma_wait3A_489 = tpu.memref_slice %arg8[%dma_wait3A_485, %dma_wait3A_487, %dma_wait3A_488] : memref<8x128x32xf32, #tpu.memory_space<vmem>> -> memref<1x128x32xf32, #tpu.memory_space<vmem>>
      %dma_wait3A_490 = tpu.memref_squeeze %dma_wait3A_489 : memref<1x128x32xf32, #tpu.memory_space<vmem>> -> memref<128x32xf32, #tpu.memory_space<vmem>>
      %dma_wait3A_491 = arith.constant 0 : i32
      %dma_wait3A_492 = tpu.memref_slice %arg6[%add3A_484, %dma_wait3A_491] : memref<80x128xi32, #tpu.memory_space<vmem>> -> memref<1x128xi32, #tpu.memory_space<vmem>>
      %dma_wait3A_493 = tpu.memref_squeeze %dma_wait3A_492 : memref<1x128xi32, #tpu.memory_space<vmem>> -> memref<128xi32, #tpu.memory_space<vmem>>
      %dma_wait3A_494 = arith.constant 0 : i32
      %dma_wait3A_495 = arith.constant 0 : i32
      %dma_wait3A_496 = tpu.memref_slice %arg2[%dma_wait3A_494, %dma_wait3A_495] : memref<10112x32xf32, #tpu.memory_space<hbm>> -> memref<10112x32xf32, #tpu.memory_space<hbm>>
      %dma_wait3A_497 = tpu.memref_slice %arg10[%dma_wait3A_486] : memref<8x!tpu.dma_semaphore, #tpu.memory_space<semaphore_mem>> -> memref<1x!tpu.dma_semaphore, #tpu.memory_space<semaphore_mem>>
      %dma_wait3A_498 = tpu.memref_squeeze %dma_wait3A_497 : memref<1x!tpu.dma_semaphore, #tpu.memory_space<semaphore_mem>> -> memref<!tpu.dma_semaphore, #tpu.memory_space<semaphore_mem>>
      tpu.wait_indirect_dma semaphore(%dma_wait3A_498 : memref<!tpu.dma_semaphore, #tpu.memory_space<semaphore_mem>>) src(%dma_wait3A_496 : memref<10112x32xf32, #tpu.memory_space<hbm>>) dst(%dma_wait3A_490 : memref<128x32xf32, #tpu.memory_space<vmem>>)
      %run_scoped3A_499 = arith.constant 6 : i32
      "tpu.region"() ({
        %run_scoped3A_551 = tpu.sem_alloc : memref<!tpu.dma_semaphore, #tpu.memory_space<semaphore_mem>>
        %dma_start3A_552 = arith.constant 0 : i32
        %dma_start3A_553 = arith.constant 0 : i32
        %dma_start3A_554 = tpu.memref_slice %arg8[%run_scoped3A_499, %dma_start3A_552, %dma_start3A_553] : memref<8x128x32xf32, #tpu.memory_space<vmem>> -> memref<1x128x32xf32, #tpu.memory_space<vmem>>
        %dma_start3A_555 = tpu.memref_squeeze %dma_start3A_554 : memref<1x128x32xf32, #tpu.memory_space<vmem>> -> memref<128x32xf32, #tpu.memory_space<vmem>>
        %dma_start3A_556 = arith.constant 0 : i32
        %dma_start3A_557 = tpu.memref_slice %arg7[%add3A_484, %dma_start3A_556] : memref<80x128xi32, #tpu.memory_space<vmem>> -> memref<1x128xi32, #tpu.memory_space<vmem>>
        %dma_start3A_558 = tpu.memref_squeeze %dma_start3A_557 : memref<1x128xi32, #tpu.memory_space<vmem>> -> memref<128xi32, #tpu.memory_space<vmem>>
        %dma_start3A_559 = arith.constant 0 : i32
        %dma_start3A_560 = arith.constant 0 : i32
        %dma_start3A_561 = tpu.memref_slice %arg9[%dma_start3A_559, %dma_start3A_560] : memref<10112x32xf32, #tpu.memory_space<vmem_shared>> -> memref<10112x32xf32, #tpu.memory_space<vmem_shared>>
        tpu.enqueue_indirect_dma source(%dma_start3A_555 : memref<128x32xf32, #tpu.memory_space<vmem>>) target(%dma_start3A_561 : memref<10112x32xf32, #tpu.memory_space<vmem_shared>>) offsets(%dma_start3A_558 : memref<128xi32, #tpu.memory_space<vmem>>) semaphore(%run_scoped3A_551 : memref<!tpu.dma_semaphore, #tpu.memory_space<semaphore_mem>>) {add = true}
        %dma_wait3A_562 = arith.constant 0 : i32
        %dma_wait3A_563 = arith.constant 0 : i32
        %dma_wait3A_564 = tpu.memref_slice %arg8[%run_scoped3A_499, %dma_wait3A_562, %dma_wait3A_563] : memref<8x128x32xf32, #tpu.memory_space<vmem>> -> memref<1x128x32xf32, #tpu.memory_space<vmem>>
        %dma_wait3A_565 = tpu.memref_squeeze %dma_wait3A_564 : memref<1x128x32xf32, #tpu.memory_space<vmem>> -> memref<128x32xf32, #tpu.memory_space<vmem>>
        %dma_wait3A_566 = arith.constant 0 : i32
        %dma_wait3A_567 = tpu.memref_slice %arg7[%add3A_484, %dma_wait3A_566] : memref<80x128xi32, #tpu.memory_space<vmem>> -> memref<1x128xi32, #tpu.memory_space<vmem>>
        %dma_wait3A_568 = tpu.memref_squeeze %dma_wait3A_567 : memref<1x128xi32, #tpu.memory_space<vmem>> -> memref<128xi32, #tpu.memory_space<vmem>>
        %dma_wait3A_569 = arith.constant 0 : i32
        %dma_wait3A_570 = arith.constant 0 : i32
        %dma_wait3A_571 = tpu.memref_slice %arg9[%dma_wait3A_569, %dma_wait3A_570] : memref<10112x32xf32, #tpu.memory_space<vmem_shared>> -> memref<10112x32xf32, #tpu.memory_space<vmem_shared>>
        tpu.wait_indirect_dma semaphore(%run_scoped3A_551 : memref<!tpu.dma_semaphore, #tpu.memory_space<semaphore_mem>>) src(%dma_wait3A_565 : memref<128x32xf32, #tpu.memory_space<vmem>>) dst(%dma_wait3A_571 : memref<10112x32xf32, #tpu.memory_space<vmem_shared>>)
        tpu.yield
      }) : () -> ()
      %add3A_500 = arith.constant 8 : i32
      %add3A_501 = arith.addi %add3A_484, %add3A_500 : i32
      %dma_start3A_502 = arith.constant 6 : i32
      %dma_start3A_503 = arith.constant 6 : i32
      %dma_start3A_504 = arith.constant 0 : i32
      %dma_start3A_505 = arith.constant 0 : i32
      %dma_start3A_506 = tpu.memref_slice %arg8[%dma_start3A_502, %dma_start3A_504, %dma_start3A_505] : memref<8x128x32xf32, #tpu.memory_space<vmem>> -> memref<1x128x32xf32, #tpu.memory_space<vmem>>
      %dma_start3A_507 = tpu.memref_squeeze %dma_start3A_506 : memref<1x128x32xf32, #tpu.memory_space<vmem>> -> memref<128x32xf32, #tpu.memory_space<vmem>>
      %dma_start3A_508 = arith.constant 0 : i32
      %dma_start3A_509 = tpu.memref_slice %arg6[%add3A_501, %dma_start3A_508] : memref<80x128xi32, #tpu.memory_space<vmem>> -> memref<1x128xi32, #tpu.memory_space<vmem>>
      %dma_start3A_510 = tpu.memref_squeeze %dma_start3A_509 : memref<1x128xi32, #tpu.memory_space<vmem>> -> memref<128xi32, #tpu.memory_space<vmem>>
      %dma_start3A_511 = arith.constant 0 : i32
      %dma_start3A_512 = arith.constant 0 : i32
      %dma_start3A_513 = tpu.memref_slice %arg2[%dma_start3A_511, %dma_start3A_512] : memref<10112x32xf32, #tpu.memory_space<hbm>> -> memref<10112x32xf32, #tpu.memory_space<hbm>>
      %dma_start3A_514 = tpu.memref_slice %arg10[%dma_start3A_503] : memref<8x!tpu.dma_semaphore, #tpu.memory_space<semaphore_mem>> -> memref<1x!tpu.dma_semaphore, #tpu.memory_space<semaphore_mem>>
      %dma_start3A_515 = tpu.memref_squeeze %dma_start3A_514 : memref<1x!tpu.dma_semaphore, #tpu.memory_space<semaphore_mem>> -> memref<!tpu.dma_semaphore, #tpu.memory_space<semaphore_mem>>
      tpu.enqueue_indirect_dma source(%dma_start3A_513 : memref<10112x32xf32, #tpu.memory_space<hbm>>) target(%dma_start3A_507 : memref<128x32xf32, #tpu.memory_space<vmem>>) offsets(%dma_start3A_510 : memref<128xi32, #tpu.memory_space<vmem>>) semaphore(%dma_start3A_515 : memref<!tpu.dma_semaphore, #tpu.memory_space<semaphore_mem>>)
      %mul3A_516 = arith.constant 8 : i32
      %mul3A_517 = arith.muli %scan3A_270, %mul3A_516 : i32
      %add3A_518 = arith.constant 7 : i32
      %add3A_519 = arith.addi %mul3A_517, %add3A_518 : i32
      %dma_wait3A_520 = arith.constant 7 : i32
      %dma_wait3A_521 = arith.constant 7 : i32
      %dma_wait3A_522 = arith.constant 0 : i32
      %dma_wait3A_523 = arith.constant 0 : i32
      %dma_wait3A_524 = tpu.memref_slice %arg8[%dma_wait3A_520, %dma_wait3A_522, %dma_wait3A_523] : memref<8x128x32xf32, #tpu.memory_space<vmem>> -> memref<1x128x32xf32, #tpu.memory_space<vmem>>
      %dma_wait3A_525 = tpu.memref_squeeze %dma_wait3A_524 : memref<1x128x32xf32, #tpu.memory_space<vmem>> -> memref<128x32xf32, #tpu.memory_space<vmem>>
      %dma_wait3A_526 = arith.constant 0 : i32
      %dma_wait3A_527 = tpu.memref_slice %arg6[%add3A_519, %dma_wait3A_526] : memref<80x128xi32, #tpu.memory_space<vmem>> -> memref<1x128xi32, #tpu.memory_space<vmem>>
      %dma_wait3A_528 = tpu.memref_squeeze %dma_wait3A_527 : memref<1x128xi32, #tpu.memory_space<vmem>> -> memref<128xi32, #tpu.memory_space<vmem>>
      %dma_wait3A_529 = arith.constant 0 : i32
      %dma_wait3A_530 = arith.constant 0 : i32
      %dma_wait3A_531 = tpu.memref_slice %arg2[%dma_wait3A_529, %dma_wait3A_530] : memref<10112x32xf32, #tpu.memory_space<hbm>> -> memref<10112x32xf32, #tpu.memory_space<hbm>>
      %dma_wait3A_532 = tpu.memref_slice %arg10[%dma_wait3A_521] : memref<8x!tpu.dma_semaphore, #tpu.memory_space<semaphore_mem>> -> memref<1x!tpu.dma_semaphore, #tpu.memory_space<semaphore_mem>>
      %dma_wait3A_533 = tpu.memref_squeeze %dma_wait3A_532 : memref<1x!tpu.dma_semaphore, #tpu.memory_space<semaphore_mem>> -> memref<!tpu.dma_semaphore, #tpu.memory_space<semaphore_mem>>
      tpu.wait_indirect_dma semaphore(%dma_wait3A_533 : memref<!tpu.dma_semaphore, #tpu.memory_space<semaphore_mem>>) src(%dma_wait3A_531 : memref<10112x32xf32, #tpu.memory_space<hbm>>) dst(%dma_wait3A_525 : memref<128x32xf32, #tpu.memory_space<vmem>>)
      %run_scoped3A_534 = arith.constant 7 : i32
      "tpu.region"() ({
        %run_scoped3A_551 = tpu.sem_alloc : memref<!tpu.dma_semaphore, #tpu.memory_space<semaphore_mem>>
        %dma_start3A_552 = arith.constant 0 : i32
        %dma_start3A_553 = arith.constant 0 : i32
        %dma_start3A_554 = tpu.memref_slice %arg8[%run_scoped3A_534, %dma_start3A_552, %dma_start3A_553] : memref<8x128x32xf32, #tpu.memory_space<vmem>> -> memref<1x128x32xf32, #tpu.memory_space<vmem>>
        %dma_start3A_555 = tpu.memref_squeeze %dma_start3A_554 : memref<1x128x32xf32, #tpu.memory_space<vmem>> -> memref<128x32xf32, #tpu.memory_space<vmem>>
        %dma_start3A_556 = arith.constant 0 : i32
        %dma_start3A_557 = tpu.memref_slice %arg7[%add3A_519, %dma_start3A_556] : memref<80x128xi32, #tpu.memory_space<vmem>> -> memref<1x128xi32, #tpu.memory_space<vmem>>
        %dma_start3A_558 = tpu.memref_squeeze %dma_start3A_557 : memref<1x128xi32, #tpu.memory_space<vmem>> -> memref<128xi32, #tpu.memory_space<vmem>>
        %dma_start3A_559 = arith.constant 0 : i32
        %dma_start3A_560 = arith.constant 0 : i32
        %dma_start3A_561 = tpu.memref_slice %arg9[%dma_start3A_559, %dma_start3A_560] : memref<10112x32xf32, #tpu.memory_space<vmem_shared>> -> memref<10112x32xf32, #tpu.memory_space<vmem_shared>>
        tpu.enqueue_indirect_dma source(%dma_start3A_555 : memref<128x32xf32, #tpu.memory_space<vmem>>) target(%dma_start3A_561 : memref<10112x32xf32, #tpu.memory_space<vmem_shared>>) offsets(%dma_start3A_558 : memref<128xi32, #tpu.memory_space<vmem>>) semaphore(%run_scoped3A_551 : memref<!tpu.dma_semaphore, #tpu.memory_space<semaphore_mem>>) {add = true}
        %dma_wait3A_562 = arith.constant 0 : i32
        %dma_wait3A_563 = arith.constant 0 : i32
        %dma_wait3A_564 = tpu.memref_slice %arg8[%run_scoped3A_534, %dma_wait3A_562, %dma_wait3A_563] : memref<8x128x32xf32, #tpu.memory_space<vmem>> -> memref<1x128x32xf32, #tpu.memory_space<vmem>>
        %dma_wait3A_565 = tpu.memref_squeeze %dma_wait3A_564 : memref<1x128x32xf32, #tpu.memory_space<vmem>> -> memref<128x32xf32, #tpu.memory_space<vmem>>
        %dma_wait3A_566 = arith.constant 0 : i32
        %dma_wait3A_567 = tpu.memref_slice %arg7[%add3A_519, %dma_wait3A_566] : memref<80x128xi32, #tpu.memory_space<vmem>> -> memref<1x128xi32, #tpu.memory_space<vmem>>
        %dma_wait3A_568 = tpu.memref_squeeze %dma_wait3A_567 : memref<1x128xi32, #tpu.memory_space<vmem>> -> memref<128xi32, #tpu.memory_space<vmem>>
        %dma_wait3A_569 = arith.constant 0 : i32
        %dma_wait3A_570 = arith.constant 0 : i32
        %dma_wait3A_571 = tpu.memref_slice %arg9[%dma_wait3A_569, %dma_wait3A_570] : memref<10112x32xf32, #tpu.memory_space<vmem_shared>> -> memref<10112x32xf32, #tpu.memory_space<vmem_shared>>
        tpu.wait_indirect_dma semaphore(%run_scoped3A_551 : memref<!tpu.dma_semaphore, #tpu.memory_space<semaphore_mem>>) src(%dma_wait3A_565 : memref<128x32xf32, #tpu.memory_space<vmem>>) dst(%dma_wait3A_571 : memref<10112x32xf32, #tpu.memory_space<vmem_shared>>)
        tpu.yield
      }) : () -> ()
      %add3A_535 = arith.constant 8 : i32
      %add3A_536 = arith.addi %add3A_519, %add3A_535 : i32
      %dma_start3A_537 = arith.constant 7 : i32
      %dma_start3A_538 = arith.constant 7 : i32
      %dma_start3A_539 = arith.constant 0 : i32
      %dma_start3A_540 = arith.constant 0 : i32
      %dma_start3A_541 = tpu.memref_slice %arg8[%dma_start3A_537, %dma_start3A_539, %dma_start3A_540] : memref<8x128x32xf32, #tpu.memory_space<vmem>> -> memref<1x128x32xf32, #tpu.memory_space<vmem>>
      %dma_start3A_542 = tpu.memref_squeeze %dma_start3A_541 : memref<1x128x32xf32, #tpu.memory_space<vmem>> -> memref<128x32xf32, #tpu.memory_space<vmem>>
      %dma_start3A_543 = arith.constant 0 : i32
      %dma_start3A_544 = tpu.memref_slice %arg6[%add3A_536, %dma_start3A_543] : memref<80x128xi32, #tpu.memory_space<vmem>> -> memref<1x128xi32, #tpu.memory_space<vmem>>
      %dma_start3A_545 = tpu.memref_squeeze %dma_start3A_544 : memref<1x128xi32, #tpu.memory_space<vmem>> -> memref<128xi32, #tpu.memory_space<vmem>>
      %dma_start3A_546 = arith.constant 0 : i32
      %dma_start3A_547 = arith.constant 0 : i32
      %dma_start3A_548 = tpu.memref_slice %arg2[%dma_start3A_546, %dma_start3A_547] : memref<10112x32xf32, #tpu.memory_space<hbm>> -> memref<10112x32xf32, #tpu.memory_space<hbm>>
      %dma_start3A_549 = tpu.memref_slice %arg10[%dma_start3A_538] : memref<8x!tpu.dma_semaphore, #tpu.memory_space<semaphore_mem>> -> memref<1x!tpu.dma_semaphore, #tpu.memory_space<semaphore_mem>>
      %dma_start3A_550 = tpu.memref_squeeze %dma_start3A_549 : memref<1x!tpu.dma_semaphore, #tpu.memory_space<semaphore_mem>> -> memref<!tpu.dma_semaphore, #tpu.memory_space<semaphore_mem>>
      tpu.enqueue_indirect_dma source(%dma_start3A_548 : memref<10112x32xf32, #tpu.memory_space<hbm>>) target(%dma_start3A_542 : memref<128x32xf32, #tpu.memory_space<vmem>>) offsets(%dma_start3A_545 : memref<128xi32, #tpu.memory_space<vmem>>) semaphore(%dma_start3A_550 : memref<!tpu.dma_semaphore, #tpu.memory_space<semaphore_mem>>)
    }
    %scan3A_129 = arith.constant 9 : i32
    %dma_wait3A = arith.constant 72 : i32
    %dma_wait3A_130 = arith.constant 0 : i32
    %dma_wait3A_131 = arith.constant 0 : i32
    %dma_wait3A_132 = arith.constant 0 : i32
    %dma_wait3A_133 = arith.constant 0 : i32
    %dma_wait3A_134 = tpu.memref_slice %arg8[%dma_wait3A_130, %dma_wait3A_132, %dma_wait3A_133] : memref<8x128x32xf32, #tpu.memory_space<vmem>> -> memref<1x128x32xf32, #tpu.memory_space<vmem>>
    %dma_wait3A_135 = tpu.memref_squeeze %dma_wait3A_134 : memref<1x128x32xf32, #tpu.memory_space<vmem>> -> memref<128x32xf32, #tpu.memory_space<vmem>>
    %dma_wait3A_136 = arith.constant 0 : i32
    %dma_wait3A_137 = tpu.memref_slice %arg6[%dma_wait3A, %dma_wait3A_136] : memref<80x128xi32, #tpu.memory_space<vmem>> -> memref<1x128xi32, #tpu.memory_space<vmem>>
    %dma_wait3A_138 = tpu.memref_squeeze %dma_wait3A_137 : memref<1x128xi32, #tpu.memory_space<vmem>> -> memref<128xi32, #tpu.memory_space<vmem>>
    %dma_wait3A_139 = arith.constant 0 : i32
    %dma_wait3A_140 = arith.constant 0 : i32
    %dma_wait3A_141 = tpu.memref_slice %arg2[%dma_wait3A_139, %dma_wait3A_140] : memref<10112x32xf32, #tpu.memory_space<hbm>> -> memref<10112x32xf32, #tpu.memory_space<hbm>>
    %dma_wait3A_142 = tpu.memref_slice %arg10[%dma_wait3A_131] : memref<8x!tpu.dma_semaphore, #tpu.memory_space<semaphore_mem>> -> memref<1x!tpu.dma_semaphore, #tpu.memory_space<semaphore_mem>>
    %dma_wait3A_143 = tpu.memref_squeeze %dma_wait3A_142 : memref<1x!tpu.dma_semaphore, #tpu.memory_space<semaphore_mem>> -> memref<!tpu.dma_semaphore, #tpu.memory_space<semaphore_mem>>
    tpu.wait_indirect_dma semaphore(%dma_wait3A_143 : memref<!tpu.dma_semaphore, #tpu.memory_space<semaphore_mem>>) src(%dma_wait3A_141 : memref<10112x32xf32, #tpu.memory_space<hbm>>) dst(%dma_wait3A_135 : memref<128x32xf32, #tpu.memory_space<vmem>>)
    %run_scoped3A_144 = arith.constant 0 : i32
    %run_scoped3A_145 = arith.constant 72 : i32
    "tpu.region"() ({
      %run_scoped3A_270 = tpu.sem_alloc : memref<!tpu.dma_semaphore, #tpu.memory_space<semaphore_mem>>
      %dma_start3A_271 = arith.constant 0 : i32
      %dma_start3A_272 = arith.constant 0 : i32
      %dma_start3A_273 = tpu.memref_slice %arg8[%run_scoped3A_144, %dma_start3A_271, %dma_start3A_272] : memref<8x128x32xf32, #tpu.memory_space<vmem>> -> memref<1x128x32xf32, #tpu.memory_space<vmem>>
      %dma_start3A_274 = tpu.memref_squeeze %dma_start3A_273 : memref<1x128x32xf32, #tpu.memory_space<vmem>> -> memref<128x32xf32, #tpu.memory_space<vmem>>
      %dma_start3A_275 = arith.constant 0 : i32
      %dma_start3A_276 = tpu.memref_slice %arg7[%run_scoped3A_145, %dma_start3A_275] : memref<80x128xi32, #tpu.memory_space<vmem>> -> memref<1x128xi32, #tpu.memory_space<vmem>>
      %dma_start3A_277 = tpu.memref_squeeze %dma_start3A_276 : memref<1x128xi32, #tpu.memory_space<vmem>> -> memref<128xi32, #tpu.memory_space<vmem>>
      %dma_start3A_278 = arith.constant 0 : i32
      %dma_start3A_279 = arith.constant 0 : i32
      %dma_start3A_280 = tpu.memref_slice %arg9[%dma_start3A_278, %dma_start3A_279] : memref<10112x32xf32, #tpu.memory_space<vmem_shared>> -> memref<10112x32xf32, #tpu.memory_space<vmem_shared>>
      tpu.enqueue_indirect_dma source(%dma_start3A_274 : memref<128x32xf32, #tpu.memory_space<vmem>>) target(%dma_start3A_280 : memref<10112x32xf32, #tpu.memory_space<vmem_shared>>) offsets(%dma_start3A_277 : memref<128xi32, #tpu.memory_space<vmem>>) semaphore(%run_scoped3A_270 : memref<!tpu.dma_semaphore, #tpu.memory_space<semaphore_mem>>) {add = true}
      %dma_wait3A_281 = arith.constant 0 : i32
      %dma_wait3A_282 = arith.constant 0 : i32
      %dma_wait3A_283 = tpu.memref_slice %arg8[%run_scoped3A_144, %dma_wait3A_281, %dma_wait3A_282] : memref<8x128x32xf32, #tpu.memory_space<vmem>> -> memref<1x128x32xf32, #tpu.memory_space<vmem>>
      %dma_wait3A_284 = tpu.memref_squeeze %dma_wait3A_283 : memref<1x128x32xf32, #tpu.memory_space<vmem>> -> memref<128x32xf32, #tpu.memory_space<vmem>>
      %dma_wait3A_285 = arith.constant 0 : i32
      %dma_wait3A_286 = tpu.memref_slice %arg7[%run_scoped3A_145, %dma_wait3A_285] : memref<80x128xi32, #tpu.memory_space<vmem>> -> memref<1x128xi32, #tpu.memory_space<vmem>>
      %dma_wait3A_287 = tpu.memref_squeeze %dma_wait3A_286 : memref<1x128xi32, #tpu.memory_space<vmem>> -> memref<128xi32, #tpu.memory_space<vmem>>
      %dma_wait3A_288 = arith.constant 0 : i32
      %dma_wait3A_289 = arith.constant 0 : i32
      %dma_wait3A_290 = tpu.memref_slice %arg9[%dma_wait3A_288, %dma_wait3A_289] : memref<10112x32xf32, #tpu.memory_space<vmem_shared>> -> memref<10112x32xf32, #tpu.memory_space<vmem_shared>>
      tpu.wait_indirect_dma semaphore(%run_scoped3A_270 : memref<!tpu.dma_semaphore, #tpu.memory_space<semaphore_mem>>) src(%dma_wait3A_284 : memref<128x32xf32, #tpu.memory_space<vmem>>) dst(%dma_wait3A_290 : memref<10112x32xf32, #tpu.memory_space<vmem_shared>>)
      tpu.yield
    }) : () -> ()
    %dma_wait3A_146 = arith.constant 73 : i32
    %dma_wait3A_147 = arith.constant 1 : i32
    %dma_wait3A_148 = arith.constant 1 : i32
    %dma_wait3A_149 = arith.constant 0 : i32
    %dma_wait3A_150 = arith.constant 0 : i32
    %dma_wait3A_151 = tpu.memref_slice %arg8[%dma_wait3A_147, %dma_wait3A_149, %dma_wait3A_150] : memref<8x128x32xf32, #tpu.memory_space<vmem>> -> memref<1x128x32xf32, #tpu.memory_space<vmem>>
    %dma_wait3A_152 = tpu.memref_squeeze %dma_wait3A_151 : memref<1x128x32xf32, #tpu.memory_space<vmem>> -> memref<128x32xf32, #tpu.memory_space<vmem>>
    %dma_wait3A_153 = arith.constant 0 : i32
    %dma_wait3A_154 = tpu.memref_slice %arg6[%dma_wait3A_146, %dma_wait3A_153] : memref<80x128xi32, #tpu.memory_space<vmem>> -> memref<1x128xi32, #tpu.memory_space<vmem>>
    %dma_wait3A_155 = tpu.memref_squeeze %dma_wait3A_154 : memref<1x128xi32, #tpu.memory_space<vmem>> -> memref<128xi32, #tpu.memory_space<vmem>>
    %dma_wait3A_156 = arith.constant 0 : i32
    %dma_wait3A_157 = arith.constant 0 : i32
    %dma_wait3A_158 = tpu.memref_slice %arg2[%dma_wait3A_156, %dma_wait3A_157] : memref<10112x32xf32, #tpu.memory_space<hbm>> -> memref<10112x32xf32, #tpu.memory_space<hbm>>
    %dma_wait3A_159 = tpu.memref_slice %arg10[%dma_wait3A_148] : memref<8x!tpu.dma_semaphore, #tpu.memory_space<semaphore_mem>> -> memref<1x!tpu.dma_semaphore, #tpu.memory_space<semaphore_mem>>
    %dma_wait3A_160 = tpu.memref_squeeze %dma_wait3A_159 : memref<1x!tpu.dma_semaphore, #tpu.memory_space<semaphore_mem>> -> memref<!tpu.dma_semaphore, #tpu.memory_space<semaphore_mem>>
    tpu.wait_indirect_dma semaphore(%dma_wait3A_160 : memref<!tpu.dma_semaphore, #tpu.memory_space<semaphore_mem>>) src(%dma_wait3A_158 : memref<10112x32xf32, #tpu.memory_space<hbm>>) dst(%dma_wait3A_152 : memref<128x32xf32, #tpu.memory_space<vmem>>)
    %run_scoped3A_161 = arith.constant 1 : i32
    %run_scoped3A_162 = arith.constant 73 : i32
    "tpu.region"() ({
      %run_scoped3A_270 = tpu.sem_alloc : memref<!tpu.dma_semaphore, #tpu.memory_space<semaphore_mem>>
      %dma_start3A_271 = arith.constant 0 : i32
      %dma_start3A_272 = arith.constant 0 : i32
      %dma_start3A_273 = tpu.memref_slice %arg8[%run_scoped3A_161, %dma_start3A_271, %dma_start3A_272] : memref<8x128x32xf32, #tpu.memory_space<vmem>> -> memref<1x128x32xf32, #tpu.memory_space<vmem>>
      %dma_start3A_274 = tpu.memref_squeeze %dma_start3A_273 : memref<1x128x32xf32, #tpu.memory_space<vmem>> -> memref<128x32xf32, #tpu.memory_space<vmem>>
      %dma_start3A_275 = arith.constant 0 : i32
      %dma_start3A_276 = tpu.memref_slice %arg7[%run_scoped3A_162, %dma_start3A_275] : memref<80x128xi32, #tpu.memory_space<vmem>> -> memref<1x128xi32, #tpu.memory_space<vmem>>
      %dma_start3A_277 = tpu.memref_squeeze %dma_start3A_276 : memref<1x128xi32, #tpu.memory_space<vmem>> -> memref<128xi32, #tpu.memory_space<vmem>>
      %dma_start3A_278 = arith.constant 0 : i32
      %dma_start3A_279 = arith.constant 0 : i32
      %dma_start3A_280 = tpu.memref_slice %arg9[%dma_start3A_278, %dma_start3A_279] : memref<10112x32xf32, #tpu.memory_space<vmem_shared>> -> memref<10112x32xf32, #tpu.memory_space<vmem_shared>>
      tpu.enqueue_indirect_dma source(%dma_start3A_274 : memref<128x32xf32, #tpu.memory_space<vmem>>) target(%dma_start3A_280 : memref<10112x32xf32, #tpu.memory_space<vmem_shared>>) offsets(%dma_start3A_277 : memref<128xi32, #tpu.memory_space<vmem>>) semaphore(%run_scoped3A_270 : memref<!tpu.dma_semaphore, #tpu.memory_space<semaphore_mem>>) {add = true}
      %dma_wait3A_281 = arith.constant 0 : i32
      %dma_wait3A_282 = arith.constant 0 : i32
      %dma_wait3A_283 = tpu.memref_slice %arg8[%run_scoped3A_161, %dma_wait3A_281, %dma_wait3A_282] : memref<8x128x32xf32, #tpu.memory_space<vmem>> -> memref<1x128x32xf32, #tpu.memory_space<vmem>>
      %dma_wait3A_284 = tpu.memref_squeeze %dma_wait3A_283 : memref<1x128x32xf32, #tpu.memory_space<vmem>> -> memref<128x32xf32, #tpu.memory_space<vmem>>
      %dma_wait3A_285 = arith.constant 0 : i32
      %dma_wait3A_286 = tpu.memref_slice %arg7[%run_scoped3A_162, %dma_wait3A_285] : memref<80x128xi32, #tpu.memory_space<vmem>> -> memref<1x128xi32, #tpu.memory_space<vmem>>
      %dma_wait3A_287 = tpu.memref_squeeze %dma_wait3A_286 : memref<1x128xi32, #tpu.memory_space<vmem>> -> memref<128xi32, #tpu.memory_space<vmem>>
      %dma_wait3A_288 = arith.constant 0 : i32
      %dma_wait3A_289 = arith.constant 0 : i32
      %dma_wait3A_290 = tpu.memref_slice %arg9[%dma_wait3A_288, %dma_wait3A_289] : memref<10112x32xf32, #tpu.memory_space<vmem_shared>> -> memref<10112x32xf32, #tpu.memory_space<vmem_shared>>
      tpu.wait_indirect_dma semaphore(%run_scoped3A_270 : memref<!tpu.dma_semaphore, #tpu.memory_space<semaphore_mem>>) src(%dma_wait3A_284 : memref<128x32xf32, #tpu.memory_space<vmem>>) dst(%dma_wait3A_290 : memref<10112x32xf32, #tpu.memory_space<vmem_shared>>)
      tpu.yield
    }) : () -> ()
    %dma_wait3A_163 = arith.constant 74 : i32
    %dma_wait3A_164 = arith.constant 2 : i32
    %dma_wait3A_165 = arith.constant 2 : i32
    %dma_wait3A_166 = arith.constant 0 : i32
    %dma_wait3A_167 = arith.constant 0 : i32
    %dma_wait3A_168 = tpu.memref_slice %arg8[%dma_wait3A_164, %dma_wait3A_166, %dma_wait3A_167] : memref<8x128x32xf32, #tpu.memory_space<vmem>> -> memref<1x128x32xf32, #tpu.memory_space<vmem>>
    %dma_wait3A_169 = tpu.memref_squeeze %dma_wait3A_168 : memref<1x128x32xf32, #tpu.memory_space<vmem>> -> memref<128x32xf32, #tpu.memory_space<vmem>>
    %dma_wait3A_170 = arith.constant 0 : i32
    %dma_wait3A_171 = tpu.memref_slice %arg6[%dma_wait3A_163, %dma_wait3A_170] : memref<80x128xi32, #tpu.memory_space<vmem>> -> memref<1x128xi32, #tpu.memory_space<vmem>>
    %dma_wait3A_172 = tpu.memref_squeeze %dma_wait3A_171 : memref<1x128xi32, #tpu.memory_space<vmem>> -> memref<128xi32, #tpu.memory_space<vmem>>
    %dma_wait3A_173 = arith.constant 0 : i32
    %dma_wait3A_174 = arith.constant 0 : i32
    %dma_wait3A_175 = tpu.memref_slice %arg2[%dma_wait3A_173, %dma_wait3A_174] : memref<10112x32xf32, #tpu.memory_space<hbm>> -> memref<10112x32xf32, #tpu.memory_space<hbm>>
    %dma_wait3A_176 = tpu.memref_slice %arg10[%dma_wait3A_165] : memref<8x!tpu.dma_semaphore, #tpu.memory_space<semaphore_mem>> -> memref<1x!tpu.dma_semaphore, #tpu.memory_space<semaphore_mem>>
    %dma_wait3A_177 = tpu.memref_squeeze %dma_wait3A_176 : memref<1x!tpu.dma_semaphore, #tpu.memory_space<semaphore_mem>> -> memref<!tpu.dma_semaphore, #tpu.memory_space<semaphore_mem>>
    tpu.wait_indirect_dma semaphore(%dma_wait3A_177 : memref<!tpu.dma_semaphore, #tpu.memory_space<semaphore_mem>>) src(%dma_wait3A_175 : memref<10112x32xf32, #tpu.memory_space<hbm>>) dst(%dma_wait3A_169 : memref<128x32xf32, #tpu.memory_space<vmem>>)
    %run_scoped3A_178 = arith.constant 2 : i32
    %run_scoped3A_179 = arith.constant 74 : i32
    "tpu.region"() ({
      %run_scoped3A_270 = tpu.sem_alloc : memref<!tpu.dma_semaphore, #tpu.memory_space<semaphore_mem>>
      %dma_start3A_271 = arith.constant 0 : i32
      %dma_start3A_272 = arith.constant 0 : i32
      %dma_start3A_273 = tpu.memref_slice %arg8[%run_scoped3A_178, %dma_start3A_271, %dma_start3A_272] : memref<8x128x32xf32, #tpu.memory_space<vmem>> -> memref<1x128x32xf32, #tpu.memory_space<vmem>>
      %dma_start3A_274 = tpu.memref_squeeze %dma_start3A_273 : memref<1x128x32xf32, #tpu.memory_space<vmem>> -> memref<128x32xf32, #tpu.memory_space<vmem>>
      %dma_start3A_275 = arith.constant 0 : i32
      %dma_start3A_276 = tpu.memref_slice %arg7[%run_scoped3A_179, %dma_start3A_275] : memref<80x128xi32, #tpu.memory_space<vmem>> -> memref<1x128xi32, #tpu.memory_space<vmem>>
      %dma_start3A_277 = tpu.memref_squeeze %dma_start3A_276 : memref<1x128xi32, #tpu.memory_space<vmem>> -> memref<128xi32, #tpu.memory_space<vmem>>
      %dma_start3A_278 = arith.constant 0 : i32
      %dma_start3A_279 = arith.constant 0 : i32
      %dma_start3A_280 = tpu.memref_slice %arg9[%dma_start3A_278, %dma_start3A_279] : memref<10112x32xf32, #tpu.memory_space<vmem_shared>> -> memref<10112x32xf32, #tpu.memory_space<vmem_shared>>
      tpu.enqueue_indirect_dma source(%dma_start3A_274 : memref<128x32xf32, #tpu.memory_space<vmem>>) target(%dma_start3A_280 : memref<10112x32xf32, #tpu.memory_space<vmem_shared>>) offsets(%dma_start3A_277 : memref<128xi32, #tpu.memory_space<vmem>>) semaphore(%run_scoped3A_270 : memref<!tpu.dma_semaphore, #tpu.memory_space<semaphore_mem>>) {add = true}
      %dma_wait3A_281 = arith.constant 0 : i32
      %dma_wait3A_282 = arith.constant 0 : i32
      %dma_wait3A_283 = tpu.memref_slice %arg8[%run_scoped3A_178, %dma_wait3A_281, %dma_wait3A_282] : memref<8x128x32xf32, #tpu.memory_space<vmem>> -> memref<1x128x32xf32, #tpu.memory_space<vmem>>
      %dma_wait3A_284 = tpu.memref_squeeze %dma_wait3A_283 : memref<1x128x32xf32, #tpu.memory_space<vmem>> -> memref<128x32xf32, #tpu.memory_space<vmem>>
      %dma_wait3A_285 = arith.constant 0 : i32
      %dma_wait3A_286 = tpu.memref_slice %arg7[%run_scoped3A_179, %dma_wait3A_285] : memref<80x128xi32, #tpu.memory_space<vmem>> -> memref<1x128xi32, #tpu.memory_space<vmem>>
      %dma_wait3A_287 = tpu.memref_squeeze %dma_wait3A_286 : memref<1x128xi32, #tpu.memory_space<vmem>> -> memref<128xi32, #tpu.memory_space<vmem>>
      %dma_wait3A_288 = arith.constant 0 : i32
      %dma_wait3A_289 = arith.constant 0 : i32
      %dma_wait3A_290 = tpu.memref_slice %arg9[%dma_wait3A_288, %dma_wait3A_289] : memref<10112x32xf32, #tpu.memory_space<vmem_shared>> -> memref<10112x32xf32, #tpu.memory_space<vmem_shared>>
      tpu.wait_indirect_dma semaphore(%run_scoped3A_270 : memref<!tpu.dma_semaphore, #tpu.memory_space<semaphore_mem>>) src(%dma_wait3A_284 : memref<128x32xf32, #tpu.memory_space<vmem>>) dst(%dma_wait3A_290 : memref<10112x32xf32, #tpu.memory_space<vmem_shared>>)
      tpu.yield
    }) : () -> ()
    %dma_wait3A_180 = arith.constant 75 : i32
    %dma_wait3A_181 = arith.constant 3 : i32
    %dma_wait3A_182 = arith.constant 3 : i32
    %dma_wait3A_183 = arith.constant 0 : i32
    %dma_wait3A_184 = arith.constant 0 : i32
    %dma_wait3A_185 = tpu.memref_slice %arg8[%dma_wait3A_181, %dma_wait3A_183, %dma_wait3A_184] : memref<8x128x32xf32, #tpu.memory_space<vmem>> -> memref<1x128x32xf32, #tpu.memory_space<vmem>>
    %dma_wait3A_186 = tpu.memref_squeeze %dma_wait3A_185 : memref<1x128x32xf32, #tpu.memory_space<vmem>> -> memref<128x32xf32, #tpu.memory_space<vmem>>
    %dma_wait3A_187 = arith.constant 0 : i32
    %dma_wait3A_188 = tpu.memref_slice %arg6[%dma_wait3A_180, %dma_wait3A_187] : memref<80x128xi32, #tpu.memory_space<vmem>> -> memref<1x128xi32, #tpu.memory_space<vmem>>
    %dma_wait3A_189 = tpu.memref_squeeze %dma_wait3A_188 : memref<1x128xi32, #tpu.memory_space<vmem>> -> memref<128xi32, #tpu.memory_space<vmem>>
    %dma_wait3A_190 = arith.constant 0 : i32
    %dma_wait3A_191 = arith.constant 0 : i32
    %dma_wait3A_192 = tpu.memref_slice %arg2[%dma_wait3A_190, %dma_wait3A_191] : memref<10112x32xf32, #tpu.memory_space<hbm>> -> memref<10112x32xf32, #tpu.memory_space<hbm>>
    %dma_wait3A_193 = tpu.memref_slice %arg10[%dma_wait3A_182] : memref<8x!tpu.dma_semaphore, #tpu.memory_space<semaphore_mem>> -> memref<1x!tpu.dma_semaphore, #tpu.memory_space<semaphore_mem>>
    %dma_wait3A_194 = tpu.memref_squeeze %dma_wait3A_193 : memref<1x!tpu.dma_semaphore, #tpu.memory_space<semaphore_mem>> -> memref<!tpu.dma_semaphore, #tpu.memory_space<semaphore_mem>>
    tpu.wait_indirect_dma semaphore(%dma_wait3A_194 : memref<!tpu.dma_semaphore, #tpu.memory_space<semaphore_mem>>) src(%dma_wait3A_192 : memref<10112x32xf32, #tpu.memory_space<hbm>>) dst(%dma_wait3A_186 : memref<128x32xf32, #tpu.memory_space<vmem>>)
    %run_scoped3A_195 = arith.constant 3 : i32
    %run_scoped3A_196 = arith.constant 75 : i32
    "tpu.region"() ({
      %run_scoped3A_270 = tpu.sem_alloc : memref<!tpu.dma_semaphore, #tpu.memory_space<semaphore_mem>>
      %dma_start3A_271 = arith.constant 0 : i32
      %dma_start3A_272 = arith.constant 0 : i32
      %dma_start3A_273 = tpu.memref_slice %arg8[%run_scoped3A_195, %dma_start3A_271, %dma_start3A_272] : memref<8x128x32xf32, #tpu.memory_space<vmem>> -> memref<1x128x32xf32, #tpu.memory_space<vmem>>
      %dma_start3A_274 = tpu.memref_squeeze %dma_start3A_273 : memref<1x128x32xf32, #tpu.memory_space<vmem>> -> memref<128x32xf32, #tpu.memory_space<vmem>>
      %dma_start3A_275 = arith.constant 0 : i32
      %dma_start3A_276 = tpu.memref_slice %arg7[%run_scoped3A_196, %dma_start3A_275] : memref<80x128xi32, #tpu.memory_space<vmem>> -> memref<1x128xi32, #tpu.memory_space<vmem>>
      %dma_start3A_277 = tpu.memref_squeeze %dma_start3A_276 : memref<1x128xi32, #tpu.memory_space<vmem>> -> memref<128xi32, #tpu.memory_space<vmem>>
      %dma_start3A_278 = arith.constant 0 : i32
      %dma_start3A_279 = arith.constant 0 : i32
      %dma_start3A_280 = tpu.memref_slice %arg9[%dma_start3A_278, %dma_start3A_279] : memref<10112x32xf32, #tpu.memory_space<vmem_shared>> -> memref<10112x32xf32, #tpu.memory_space<vmem_shared>>
      tpu.enqueue_indirect_dma source(%dma_start3A_274 : memref<128x32xf32, #tpu.memory_space<vmem>>) target(%dma_start3A_280 : memref<10112x32xf32, #tpu.memory_space<vmem_shared>>) offsets(%dma_start3A_277 : memref<128xi32, #tpu.memory_space<vmem>>) semaphore(%run_scoped3A_270 : memref<!tpu.dma_semaphore, #tpu.memory_space<semaphore_mem>>) {add = true}
      %dma_wait3A_281 = arith.constant 0 : i32
      %dma_wait3A_282 = arith.constant 0 : i32
      %dma_wait3A_283 = tpu.memref_slice %arg8[%run_scoped3A_195, %dma_wait3A_281, %dma_wait3A_282] : memref<8x128x32xf32, #tpu.memory_space<vmem>> -> memref<1x128x32xf32, #tpu.memory_space<vmem>>
      %dma_wait3A_284 = tpu.memref_squeeze %dma_wait3A_283 : memref<1x128x32xf32, #tpu.memory_space<vmem>> -> memref<128x32xf32, #tpu.memory_space<vmem>>
      %dma_wait3A_285 = arith.constant 0 : i32
      %dma_wait3A_286 = tpu.memref_slice %arg7[%run_scoped3A_196, %dma_wait3A_285] : memref<80x128xi32, #tpu.memory_space<vmem>> -> memref<1x128xi32, #tpu.memory_space<vmem>>
      %dma_wait3A_287 = tpu.memref_squeeze %dma_wait3A_286 : memref<1x128xi32, #tpu.memory_space<vmem>> -> memref<128xi32, #tpu.memory_space<vmem>>
      %dma_wait3A_288 = arith.constant 0 : i32
      %dma_wait3A_289 = arith.constant 0 : i32
      %dma_wait3A_290 = tpu.memref_slice %arg9[%dma_wait3A_288, %dma_wait3A_289] : memref<10112x32xf32, #tpu.memory_space<vmem_shared>> -> memref<10112x32xf32, #tpu.memory_space<vmem_shared>>
      tpu.wait_indirect_dma semaphore(%run_scoped3A_270 : memref<!tpu.dma_semaphore, #tpu.memory_space<semaphore_mem>>) src(%dma_wait3A_284 : memref<128x32xf32, #tpu.memory_space<vmem>>) dst(%dma_wait3A_290 : memref<10112x32xf32, #tpu.memory_space<vmem_shared>>)
      tpu.yield
    }) : () -> ()
    %dma_wait3A_197 = arith.constant 76 : i32
    %dma_wait3A_198 = arith.constant 4 : i32
    %dma_wait3A_199 = arith.constant 4 : i32
    %dma_wait3A_200 = arith.constant 0 : i32
    %dma_wait3A_201 = arith.constant 0 : i32
    %dma_wait3A_202 = tpu.memref_slice %arg8[%dma_wait3A_198, %dma_wait3A_200, %dma_wait3A_201] : memref<8x128x32xf32, #tpu.memory_space<vmem>> -> memref<1x128x32xf32, #tpu.memory_space<vmem>>
    %dma_wait3A_203 = tpu.memref_squeeze %dma_wait3A_202 : memref<1x128x32xf32, #tpu.memory_space<vmem>> -> memref<128x32xf32, #tpu.memory_space<vmem>>
    %dma_wait3A_204 = arith.constant 0 : i32
    %dma_wait3A_205 = tpu.memref_slice %arg6[%dma_wait3A_197, %dma_wait3A_204] : memref<80x128xi32, #tpu.memory_space<vmem>> -> memref<1x128xi32, #tpu.memory_space<vmem>>
    %dma_wait3A_206 = tpu.memref_squeeze %dma_wait3A_205 : memref<1x128xi32, #tpu.memory_space<vmem>> -> memref<128xi32, #tpu.memory_space<vmem>>
    %dma_wait3A_207 = arith.constant 0 : i32
    %dma_wait3A_208 = arith.constant 0 : i32
    %dma_wait3A_209 = tpu.memref_slice %arg2[%dma_wait3A_207, %dma_wait3A_208] : memref<10112x32xf32, #tpu.memory_space<hbm>> -> memref<10112x32xf32, #tpu.memory_space<hbm>>
    %dma_wait3A_210 = tpu.memref_slice %arg10[%dma_wait3A_199] : memref<8x!tpu.dma_semaphore, #tpu.memory_space<semaphore_mem>> -> memref<1x!tpu.dma_semaphore, #tpu.memory_space<semaphore_mem>>
    %dma_wait3A_211 = tpu.memref_squeeze %dma_wait3A_210 : memref<1x!tpu.dma_semaphore, #tpu.memory_space<semaphore_mem>> -> memref<!tpu.dma_semaphore, #tpu.memory_space<semaphore_mem>>
    tpu.wait_indirect_dma semaphore(%dma_wait3A_211 : memref<!tpu.dma_semaphore, #tpu.memory_space<semaphore_mem>>) src(%dma_wait3A_209 : memref<10112x32xf32, #tpu.memory_space<hbm>>) dst(%dma_wait3A_203 : memref<128x32xf32, #tpu.memory_space<vmem>>)
    %run_scoped3A_212 = arith.constant 4 : i32
    %run_scoped3A_213 = arith.constant 76 : i32
    "tpu.region"() ({
      %run_scoped3A_270 = tpu.sem_alloc : memref<!tpu.dma_semaphore, #tpu.memory_space<semaphore_mem>>
      %dma_start3A_271 = arith.constant 0 : i32
      %dma_start3A_272 = arith.constant 0 : i32
      %dma_start3A_273 = tpu.memref_slice %arg8[%run_scoped3A_212, %dma_start3A_271, %dma_start3A_272] : memref<8x128x32xf32, #tpu.memory_space<vmem>> -> memref<1x128x32xf32, #tpu.memory_space<vmem>>
      %dma_start3A_274 = tpu.memref_squeeze %dma_start3A_273 : memref<1x128x32xf32, #tpu.memory_space<vmem>> -> memref<128x32xf32, #tpu.memory_space<vmem>>
      %dma_start3A_275 = arith.constant 0 : i32
      %dma_start3A_276 = tpu.memref_slice %arg7[%run_scoped3A_213, %dma_start3A_275] : memref<80x128xi32, #tpu.memory_space<vmem>> -> memref<1x128xi32, #tpu.memory_space<vmem>>
      %dma_start3A_277 = tpu.memref_squeeze %dma_start3A_276 : memref<1x128xi32, #tpu.memory_space<vmem>> -> memref<128xi32, #tpu.memory_space<vmem>>
      %dma_start3A_278 = arith.constant 0 : i32
      %dma_start3A_279 = arith.constant 0 : i32
      %dma_start3A_280 = tpu.memref_slice %arg9[%dma_start3A_278, %dma_start3A_279] : memref<10112x32xf32, #tpu.memory_space<vmem_shared>> -> memref<10112x32xf32, #tpu.memory_space<vmem_shared>>
      tpu.enqueue_indirect_dma source(%dma_start3A_274 : memref<128x32xf32, #tpu.memory_space<vmem>>) target(%dma_start3A_280 : memref<10112x32xf32, #tpu.memory_space<vmem_shared>>) offsets(%dma_start3A_277 : memref<128xi32, #tpu.memory_space<vmem>>) semaphore(%run_scoped3A_270 : memref<!tpu.dma_semaphore, #tpu.memory_space<semaphore_mem>>) {add = true}
      %dma_wait3A_281 = arith.constant 0 : i32
      %dma_wait3A_282 = arith.constant 0 : i32
      %dma_wait3A_283 = tpu.memref_slice %arg8[%run_scoped3A_212, %dma_wait3A_281, %dma_wait3A_282] : memref<8x128x32xf32, #tpu.memory_space<vmem>> -> memref<1x128x32xf32, #tpu.memory_space<vmem>>
      %dma_wait3A_284 = tpu.memref_squeeze %dma_wait3A_283 : memref<1x128x32xf32, #tpu.memory_space<vmem>> -> memref<128x32xf32, #tpu.memory_space<vmem>>
      %dma_wait3A_285 = arith.constant 0 : i32
      %dma_wait3A_286 = tpu.memref_slice %arg7[%run_scoped3A_213, %dma_wait3A_285] : memref<80x128xi32, #tpu.memory_space<vmem>> -> memref<1x128xi32, #tpu.memory_space<vmem>>
      %dma_wait3A_287 = tpu.memref_squeeze %dma_wait3A_286 : memref<1x128xi32, #tpu.memory_space<vmem>> -> memref<128xi32, #tpu.memory_space<vmem>>
      %dma_wait3A_288 = arith.constant 0 : i32
      %dma_wait3A_289 = arith.constant 0 : i32
      %dma_wait3A_290 = tpu.memref_slice %arg9[%dma_wait3A_288, %dma_wait3A_289] : memref<10112x32xf32, #tpu.memory_space<vmem_shared>> -> memref<10112x32xf32, #tpu.memory_space<vmem_shared>>
      tpu.wait_indirect_dma semaphore(%run_scoped3A_270 : memref<!tpu.dma_semaphore, #tpu.memory_space<semaphore_mem>>) src(%dma_wait3A_284 : memref<128x32xf32, #tpu.memory_space<vmem>>) dst(%dma_wait3A_290 : memref<10112x32xf32, #tpu.memory_space<vmem_shared>>)
      tpu.yield
    }) : () -> ()
    %dma_wait3A_214 = arith.constant 77 : i32
    %dma_wait3A_215 = arith.constant 5 : i32
    %dma_wait3A_216 = arith.constant 5 : i32
    %dma_wait3A_217 = arith.constant 0 : i32
    %dma_wait3A_218 = arith.constant 0 : i32
    %dma_wait3A_219 = tpu.memref_slice %arg8[%dma_wait3A_215, %dma_wait3A_217, %dma_wait3A_218] : memref<8x128x32xf32, #tpu.memory_space<vmem>> -> memref<1x128x32xf32, #tpu.memory_space<vmem>>
    %dma_wait3A_220 = tpu.memref_squeeze %dma_wait3A_219 : memref<1x128x32xf32, #tpu.memory_space<vmem>> -> memref<128x32xf32, #tpu.memory_space<vmem>>
    %dma_wait3A_221 = arith.constant 0 : i32
    %dma_wait3A_222 = tpu.memref_slice %arg6[%dma_wait3A_214, %dma_wait3A_221] : memref<80x128xi32, #tpu.memory_space<vmem>> -> memref<1x128xi32, #tpu.memory_space<vmem>>
    %dma_wait3A_223 = tpu.memref_squeeze %dma_wait3A_222 : memref<1x128xi32, #tpu.memory_space<vmem>> -> memref<128xi32, #tpu.memory_space<vmem>>
    %dma_wait3A_224 = arith.constant 0 : i32
    %dma_wait3A_225 = arith.constant 0 : i32
    %dma_wait3A_226 = tpu.memref_slice %arg2[%dma_wait3A_224, %dma_wait3A_225] : memref<10112x32xf32, #tpu.memory_space<hbm>> -> memref<10112x32xf32, #tpu.memory_space<hbm>>
    %dma_wait3A_227 = tpu.memref_slice %arg10[%dma_wait3A_216] : memref<8x!tpu.dma_semaphore, #tpu.memory_space<semaphore_mem>> -> memref<1x!tpu.dma_semaphore, #tpu.memory_space<semaphore_mem>>
    %dma_wait3A_228 = tpu.memref_squeeze %dma_wait3A_227 : memref<1x!tpu.dma_semaphore, #tpu.memory_space<semaphore_mem>> -> memref<!tpu.dma_semaphore, #tpu.memory_space<semaphore_mem>>
    tpu.wait_indirect_dma semaphore(%dma_wait3A_228 : memref<!tpu.dma_semaphore, #tpu.memory_space<semaphore_mem>>) src(%dma_wait3A_226 : memref<10112x32xf32, #tpu.memory_space<hbm>>) dst(%dma_wait3A_220 : memref<128x32xf32, #tpu.memory_space<vmem>>)
    %run_scoped3A_229 = arith.constant 5 : i32
    %run_scoped3A_230 = arith.constant 77 : i32
    "tpu.region"() ({
      %run_scoped3A_270 = tpu.sem_alloc : memref<!tpu.dma_semaphore, #tpu.memory_space<semaphore_mem>>
      %dma_start3A_271 = arith.constant 0 : i32
      %dma_start3A_272 = arith.constant 0 : i32
      %dma_start3A_273 = tpu.memref_slice %arg8[%run_scoped3A_229, %dma_start3A_271, %dma_start3A_272] : memref<8x128x32xf32, #tpu.memory_space<vmem>> -> memref<1x128x32xf32, #tpu.memory_space<vmem>>
      %dma_start3A_274 = tpu.memref_squeeze %dma_start3A_273 : memref<1x128x32xf32, #tpu.memory_space<vmem>> -> memref<128x32xf32, #tpu.memory_space<vmem>>
      %dma_start3A_275 = arith.constant 0 : i32
      %dma_start3A_276 = tpu.memref_slice %arg7[%run_scoped3A_230, %dma_start3A_275] : memref<80x128xi32, #tpu.memory_space<vmem>> -> memref<1x128xi32, #tpu.memory_space<vmem>>
      %dma_start3A_277 = tpu.memref_squeeze %dma_start3A_276 : memref<1x128xi32, #tpu.memory_space<vmem>> -> memref<128xi32, #tpu.memory_space<vmem>>
      %dma_start3A_278 = arith.constant 0 : i32
      %dma_start3A_279 = arith.constant 0 : i32
      %dma_start3A_280 = tpu.memref_slice %arg9[%dma_start3A_278, %dma_start3A_279] : memref<10112x32xf32, #tpu.memory_space<vmem_shared>> -> memref<10112x32xf32, #tpu.memory_space<vmem_shared>>
      tpu.enqueue_indirect_dma source(%dma_start3A_274 : memref<128x32xf32, #tpu.memory_space<vmem>>) target(%dma_start3A_280 : memref<10112x32xf32, #tpu.memory_space<vmem_shared>>) offsets(%dma_start3A_277 : memref<128xi32, #tpu.memory_space<vmem>>) semaphore(%run_scoped3A_270 : memref<!tpu.dma_semaphore, #tpu.memory_space<semaphore_mem>>) {add = true}
      %dma_wait3A_281 = arith.constant 0 : i32
      %dma_wait3A_282 = arith.constant 0 : i32
      %dma_wait3A_283 = tpu.memref_slice %arg8[%run_scoped3A_229, %dma_wait3A_281, %dma_wait3A_282] : memref<8x128x32xf32, #tpu.memory_space<vmem>> -> memref<1x128x32xf32, #tpu.memory_space<vmem>>
      %dma_wait3A_284 = tpu.memref_squeeze %dma_wait3A_283 : memref<1x128x32xf32, #tpu.memory_space<vmem>> -> memref<128x32xf32, #tpu.memory_space<vmem>>
      %dma_wait3A_285 = arith.constant 0 : i32
      %dma_wait3A_286 = tpu.memref_slice %arg7[%run_scoped3A_230, %dma_wait3A_285] : memref<80x128xi32, #tpu.memory_space<vmem>> -> memref<1x128xi32, #tpu.memory_space<vmem>>
      %dma_wait3A_287 = tpu.memref_squeeze %dma_wait3A_286 : memref<1x128xi32, #tpu.memory_space<vmem>> -> memref<128xi32, #tpu.memory_space<vmem>>
      %dma_wait3A_288 = arith.constant 0 : i32
      %dma_wait3A_289 = arith.constant 0 : i32
      %dma_wait3A_290 = tpu.memref_slice %arg9[%dma_wait3A_288, %dma_wait3A_289] : memref<10112x32xf32, #tpu.memory_space<vmem_shared>> -> memref<10112x32xf32, #tpu.memory_space<vmem_shared>>
      tpu.wait_indirect_dma semaphore(%run_scoped3A_270 : memref<!tpu.dma_semaphore, #tpu.memory_space<semaphore_mem>>) src(%dma_wait3A_284 : memref<128x32xf32, #tpu.memory_space<vmem>>) dst(%dma_wait3A_290 : memref<10112x32xf32, #tpu.memory_space<vmem_shared>>)
      tpu.yield
    }) : () -> ()
    %dma_wait3A_231 = arith.constant 78 : i32
    %dma_wait3A_232 = arith.constant 6 : i32
    %dma_wait3A_233 = arith.constant 6 : i32
    %dma_wait3A_234 = arith.constant 0 : i32
    %dma_wait3A_235 = arith.constant 0 : i32
    %dma_wait3A_236 = tpu.memref_slice %arg8[%dma_wait3A_232, %dma_wait3A_234, %dma_wait3A_235] : memref<8x128x32xf32, #tpu.memory_space<vmem>> -> memref<1x128x32xf32, #tpu.memory_space<vmem>>
    %dma_wait3A_237 = tpu.memref_squeeze %dma_wait3A_236 : memref<1x128x32xf32, #tpu.memory_space<vmem>> -> memref<128x32xf32, #tpu.memory_space<vmem>>
    %dma_wait3A_238 = arith.constant 0 : i32
    %dma_wait3A_239 = tpu.memref_slice %arg6[%dma_wait3A_231, %dma_wait3A_238] : memref<80x128xi32, #tpu.memory_space<vmem>> -> memref<1x128xi32, #tpu.memory_space<vmem>>
    %dma_wait3A_240 = tpu.memref_squeeze %dma_wait3A_239 : memref<1x128xi32, #tpu.memory_space<vmem>> -> memref<128xi32, #tpu.memory_space<vmem>>
    %dma_wait3A_241 = arith.constant 0 : i32
    %dma_wait3A_242 = arith.constant 0 : i32
    %dma_wait3A_243 = tpu.memref_slice %arg2[%dma_wait3A_241, %dma_wait3A_242] : memref<10112x32xf32, #tpu.memory_space<hbm>> -> memref<10112x32xf32, #tpu.memory_space<hbm>>
    %dma_wait3A_244 = tpu.memref_slice %arg10[%dma_wait3A_233] : memref<8x!tpu.dma_semaphore, #tpu.memory_space<semaphore_mem>> -> memref<1x!tpu.dma_semaphore, #tpu.memory_space<semaphore_mem>>
    %dma_wait3A_245 = tpu.memref_squeeze %dma_wait3A_244 : memref<1x!tpu.dma_semaphore, #tpu.memory_space<semaphore_mem>> -> memref<!tpu.dma_semaphore, #tpu.memory_space<semaphore_mem>>
    tpu.wait_indirect_dma semaphore(%dma_wait3A_245 : memref<!tpu.dma_semaphore, #tpu.memory_space<semaphore_mem>>) src(%dma_wait3A_243 : memref<10112x32xf32, #tpu.memory_space<hbm>>) dst(%dma_wait3A_237 : memref<128x32xf32, #tpu.memory_space<vmem>>)
    %run_scoped3A_246 = arith.constant 6 : i32
    %run_scoped3A_247 = arith.constant 78 : i32
    "tpu.region"() ({
      %run_scoped3A_270 = tpu.sem_alloc : memref<!tpu.dma_semaphore, #tpu.memory_space<semaphore_mem>>
      %dma_start3A_271 = arith.constant 0 : i32
      %dma_start3A_272 = arith.constant 0 : i32
      %dma_start3A_273 = tpu.memref_slice %arg8[%run_scoped3A_246, %dma_start3A_271, %dma_start3A_272] : memref<8x128x32xf32, #tpu.memory_space<vmem>> -> memref<1x128x32xf32, #tpu.memory_space<vmem>>
      %dma_start3A_274 = tpu.memref_squeeze %dma_start3A_273 : memref<1x128x32xf32, #tpu.memory_space<vmem>> -> memref<128x32xf32, #tpu.memory_space<vmem>>
      %dma_start3A_275 = arith.constant 0 : i32
      %dma_start3A_276 = tpu.memref_slice %arg7[%run_scoped3A_247, %dma_start3A_275] : memref<80x128xi32, #tpu.memory_space<vmem>> -> memref<1x128xi32, #tpu.memory_space<vmem>>
      %dma_start3A_277 = tpu.memref_squeeze %dma_start3A_276 : memref<1x128xi32, #tpu.memory_space<vmem>> -> memref<128xi32, #tpu.memory_space<vmem>>
      %dma_start3A_278 = arith.constant 0 : i32
      %dma_start3A_279 = arith.constant 0 : i32
      %dma_start3A_280 = tpu.memref_slice %arg9[%dma_start3A_278, %dma_start3A_279] : memref<10112x32xf32, #tpu.memory_space<vmem_shared>> -> memref<10112x32xf32, #tpu.memory_space<vmem_shared>>
      tpu.enqueue_indirect_dma source(%dma_start3A_274 : memref<128x32xf32, #tpu.memory_space<vmem>>) target(%dma_start3A_280 : memref<10112x32xf32, #tpu.memory_space<vmem_shared>>) offsets(%dma_start3A_277 : memref<128xi32, #tpu.memory_space<vmem>>) semaphore(%run_scoped3A_270 : memref<!tpu.dma_semaphore, #tpu.memory_space<semaphore_mem>>) {add = true}
      %dma_wait3A_281 = arith.constant 0 : i32
      %dma_wait3A_282 = arith.constant 0 : i32
      %dma_wait3A_283 = tpu.memref_slice %arg8[%run_scoped3A_246, %dma_wait3A_281, %dma_wait3A_282] : memref<8x128x32xf32, #tpu.memory_space<vmem>> -> memref<1x128x32xf32, #tpu.memory_space<vmem>>
      %dma_wait3A_284 = tpu.memref_squeeze %dma_wait3A_283 : memref<1x128x32xf32, #tpu.memory_space<vmem>> -> memref<128x32xf32, #tpu.memory_space<vmem>>
      %dma_wait3A_285 = arith.constant 0 : i32
      %dma_wait3A_286 = tpu.memref_slice %arg7[%run_scoped3A_247, %dma_wait3A_285] : memref<80x128xi32, #tpu.memory_space<vmem>> -> memref<1x128xi32, #tpu.memory_space<vmem>>
      %dma_wait3A_287 = tpu.memref_squeeze %dma_wait3A_286 : memref<1x128xi32, #tpu.memory_space<vmem>> -> memref<128xi32, #tpu.memory_space<vmem>>
      %dma_wait3A_288 = arith.constant 0 : i32
      %dma_wait3A_289 = arith.constant 0 : i32
      %dma_wait3A_290 = tpu.memref_slice %arg9[%dma_wait3A_288, %dma_wait3A_289] : memref<10112x32xf32, #tpu.memory_space<vmem_shared>> -> memref<10112x32xf32, #tpu.memory_space<vmem_shared>>
      tpu.wait_indirect_dma semaphore(%run_scoped3A_270 : memref<!tpu.dma_semaphore, #tpu.memory_space<semaphore_mem>>) src(%dma_wait3A_284 : memref<128x32xf32, #tpu.memory_space<vmem>>) dst(%dma_wait3A_290 : memref<10112x32xf32, #tpu.memory_space<vmem_shared>>)
      tpu.yield
    }) : () -> ()
    %dma_wait3A_248 = arith.constant 79 : i32
    %dma_wait3A_249 = arith.constant 7 : i32
    %dma_wait3A_250 = arith.constant 7 : i32
    %dma_wait3A_251 = arith.constant 0 : i32
    %dma_wait3A_252 = arith.constant 0 : i32
    %dma_wait3A_253 = tpu.memref_slice %arg8[%dma_wait3A_249, %dma_wait3A_251, %dma_wait3A_252] : memref<8x128x32xf32, #tpu.memory_space<vmem>> -> memref<1x128x32xf32, #tpu.memory_space<vmem>>
    %dma_wait3A_254 = tpu.memref_squeeze %dma_wait3A_253 : memref<1x128x32xf32, #tpu.memory_space<vmem>> -> memref<128x32xf32, #tpu.memory_space<vmem>>
    %dma_wait3A_255 = arith.constant 0 : i32
    %dma_wait3A_256 = tpu.memref_slice %arg6[%dma_wait3A_248, %dma_wait3A_255] : memref<80x128xi32, #tpu.memory_space<vmem>> -> memref<1x128xi32, #tpu.memory_space<vmem>>
    %dma_wait3A_257 = tpu.memref_squeeze %dma_wait3A_256 : memref<1x128xi32, #tpu.memory_space<vmem>> -> memref<128xi32, #tpu.memory_space<vmem>>
    %dma_wait3A_258 = arith.constant 0 : i32
    %dma_wait3A_259 = arith.constant 0 : i32
    %dma_wait3A_260 = tpu.memref_slice %arg2[%dma_wait3A_258, %dma_wait3A_259] : memref<10112x32xf32, #tpu.memory_space<hbm>> -> memref<10112x32xf32, #tpu.memory_space<hbm>>
    %dma_wait3A_261 = tpu.memref_slice %arg10[%dma_wait3A_250] : memref<8x!tpu.dma_semaphore, #tpu.memory_space<semaphore_mem>> -> memref<1x!tpu.dma_semaphore, #tpu.memory_space<semaphore_mem>>
    %dma_wait3A_262 = tpu.memref_squeeze %dma_wait3A_261 : memref<1x!tpu.dma_semaphore, #tpu.memory_space<semaphore_mem>> -> memref<!tpu.dma_semaphore, #tpu.memory_space<semaphore_mem>>
    tpu.wait_indirect_dma semaphore(%dma_wait3A_262 : memref<!tpu.dma_semaphore, #tpu.memory_space<semaphore_mem>>) src(%dma_wait3A_260 : memref<10112x32xf32, #tpu.memory_space<hbm>>) dst(%dma_wait3A_254 : memref<128x32xf32, #tpu.memory_space<vmem>>)
    %run_scoped3A_263 = arith.constant 7 : i32
    %run_scoped3A_264 = arith.constant 79 : i32
    "tpu.region"() ({
      %run_scoped3A_270 = tpu.sem_alloc : memref<!tpu.dma_semaphore, #tpu.memory_space<semaphore_mem>>
      %dma_start3A_271 = arith.constant 0 : i32
      %dma_start3A_272 = arith.constant 0 : i32
      %dma_start3A_273 = tpu.memref_slice %arg8[%run_scoped3A_263, %dma_start3A_271, %dma_start3A_272] : memref<8x128x32xf32, #tpu.memory_space<vmem>> -> memref<1x128x32xf32, #tpu.memory_space<vmem>>
      %dma_start3A_274 = tpu.memref_squeeze %dma_start3A_273 : memref<1x128x32xf32, #tpu.memory_space<vmem>> -> memref<128x32xf32, #tpu.memory_space<vmem>>
      %dma_start3A_275 = arith.constant 0 : i32
      %dma_start3A_276 = tpu.memref_slice %arg7[%run_scoped3A_264, %dma_start3A_275] : memref<80x128xi32, #tpu.memory_space<vmem>> -> memref<1x128xi32, #tpu.memory_space<vmem>>
      %dma_start3A_277 = tpu.memref_squeeze %dma_start3A_276 : memref<1x128xi32, #tpu.memory_space<vmem>> -> memref<128xi32, #tpu.memory_space<vmem>>
      %dma_start3A_278 = arith.constant 0 : i32
      %dma_start3A_279 = arith.constant 0 : i32
      %dma_start3A_280 = tpu.memref_slice %arg9[%dma_start3A_278, %dma_start3A_279] : memref<10112x32xf32, #tpu.memory_space<vmem_shared>> -> memref<10112x32xf32, #tpu.memory_space<vmem_shared>>
      tpu.enqueue_indirect_dma source(%dma_start3A_274 : memref<128x32xf32, #tpu.memory_space<vmem>>) target(%dma_start3A_280 : memref<10112x32xf32, #tpu.memory_space<vmem_shared>>) offsets(%dma_start3A_277 : memref<128xi32, #tpu.memory_space<vmem>>) semaphore(%run_scoped3A_270 : memref<!tpu.dma_semaphore, #tpu.memory_space<semaphore_mem>>) {add = true}
      %dma_wait3A_281 = arith.constant 0 : i32
      %dma_wait3A_282 = arith.constant 0 : i32
      %dma_wait3A_283 = tpu.memref_slice %arg8[%run_scoped3A_263, %dma_wait3A_281, %dma_wait3A_282] : memref<8x128x32xf32, #tpu.memory_space<vmem>> -> memref<1x128x32xf32, #tpu.memory_space<vmem>>
      %dma_wait3A_284 = tpu.memref_squeeze %dma_wait3A_283 : memref<1x128x32xf32, #tpu.memory_space<vmem>> -> memref<128x32xf32, #tpu.memory_space<vmem>>
      %dma_wait3A_285 = arith.constant 0 : i32
      %dma_wait3A_286 = tpu.memref_slice %arg7[%run_scoped3A_264, %dma_wait3A_285] : memref<80x128xi32, #tpu.memory_space<vmem>> -> memref<1x128xi32, #tpu.memory_space<vmem>>
      %dma_wait3A_287 = tpu.memref_squeeze %dma_wait3A_286 : memref<1x128xi32, #tpu.memory_space<vmem>> -> memref<128xi32, #tpu.memory_space<vmem>>
      %dma_wait3A_288 = arith.constant 0 : i32
      %dma_wait3A_289 = arith.constant 0 : i32
      %dma_wait3A_290 = tpu.memref_slice %arg9[%dma_wait3A_288, %dma_wait3A_289] : memref<10112x32xf32, #tpu.memory_space<vmem_shared>> -> memref<10112x32xf32, #tpu.memory_space<vmem_shared>>
      tpu.wait_indirect_dma semaphore(%run_scoped3A_270 : memref<!tpu.dma_semaphore, #tpu.memory_space<semaphore_mem>>) src(%dma_wait3A_284 : memref<128x32xf32, #tpu.memory_space<vmem>>) dst(%dma_wait3A_290 : memref<10112x32xf32, #tpu.memory_space<vmem_shared>>)
      tpu.yield
    }) : () -> ()
    %barrier3A_265 = arith.constant 0 : index
    tpu.barrier barrier_id(%barrier3A_265)
    %mul3A_266 = arith.constant 632 : i32
    %mul3A_267 = arith.muli %arg1, %mul3A_266 : i32
    %mul3A_268 = arith.constant 632 : i32
    %mul3A_269 = arith.muli %arg1, %mul3A_268 : i32
    "tpu.region"() ({
      %run_scoped3A_270 = tpu.sem_alloc : memref<!tpu.dma_semaphore, #tpu.memory_space<semaphore_mem>>
      %dma_start3A_271 = arith.constant 0 : i32
      %dma_start3A_272 = tpu.memref_slice %arg5[%arg0, %mul3A_269, %dma_start3A_271] : memref<2x10112x32xf32, #tpu.memory_space<hbm>> -> memref<1x632x32xf32, #tpu.memory_space<hbm>>
      %dma_start3A_273 = tpu.memref_squeeze %dma_start3A_272 : memref<1x632x32xf32, #tpu.memory_space<hbm>> -> memref<632x32xf32, #tpu.memory_space<hbm>>
      %dma_start3A_274 = arith.constant 0 : i32
      %dma_start3A_275 = tpu.memref_slice %arg9[%mul3A_267, %dma_start3A_274] : memref<10112x32xf32, #tpu.memory_space<vmem_shared>> -> memref<632x32xf32, #tpu.memory_space<vmem_shared>>
      tpu.enqueue_dma source(%dma_start3A_275 : memref<632x32xf32, #tpu.memory_space<vmem_shared>>) target(%dma_start3A_273 : memref<632x32xf32, #tpu.memory_space<hbm>>) target_semaphore(%run_scoped3A_270 : memref<!tpu.dma_semaphore, #tpu.memory_space<semaphore_mem>>)
      %dma_wait3A_276 = arith.constant 0 : i32
      %dma_wait3A_277 = tpu.memref_slice %arg5[%arg0, %mul3A_269, %dma_wait3A_276] : memref<2x10112x32xf32, #tpu.memory_space<hbm>> -> memref<1x632x32xf32, #tpu.memory_space<hbm>>
      %dma_wait3A_278 = tpu.memref_squeeze %dma_wait3A_277 : memref<1x632x32xf32, #tpu.memory_space<hbm>> -> memref<632x32xf32, #tpu.memory_space<hbm>>
      %dma_wait3A_279 = arith.constant 0 : i32
      %dma_wait3A_280 = tpu.memref_slice %arg9[%mul3A_267, %dma_wait3A_279] : memref<10112x32xf32, #tpu.memory_space<vmem_shared>> -> memref<632x32xf32, #tpu.memory_space<vmem_shared>>
      tpu.wait_dma2 semaphore(%run_scoped3A_270 : memref<!tpu.dma_semaphore, #tpu.memory_space<semaphore_mem>>) src(%dma_wait3A_280 : memref<632x32xf32, #tpu.memory_space<vmem_shared>>) dst(%dma_wait3A_278 : memref<632x32xf32, #tpu.memory_space<hbm>>)
      tpu.yield
    }) : () -> ()
    return
  }
}

#map = affine_map<(d0, d1) -> (0, 0)>
#map1 = affine_map<(d0, d1) -> (0, 0, 0, 0)>
#map2 = affine_map<(d0, d1) -> (0, 0, 0)>
module attributes {stable_mosaic.version = 14 : i64} {
  func.func @agg(%arg0: i32, %arg1: i32, %arg2: memref<10112x32xf32, #tpu.memory_space<hbm>>, %arg3: memref<2x32x80x128xi32, #tpu.memory_space<hbm>>, %arg4: memref<10112x32xf32, #tpu.memory_space<hbm>>, %arg5: memref<2x10112x32xf32, #tpu.memory_space<hbm>>, %arg6: memref<80x128xi32, #tpu.memory_space<vmem>>, %arg7: memref<80x128xi32, #tpu.memory_space<vmem>>, %arg8: memref<8x128x32xf32, #tpu.memory_space<vmem>>, %arg9: memref<10112x32xf32, #tpu.memory_space<vmem_shared>>, %arg10: memref<8x!tpu.dma_semaphore, #tpu.memory_space<semaphore_mem>>) attributes {dimension_semantics = [#tpu.dimension_semantics<core_parallel>, #tpu.dimension_semantics<subcore_parallel>], iteration_bounds = array<i64: 2, 16>, scalar_prefetch = 0 : i64, scratch_operands = 5 : i64, tpu.core_type = #tpu.core_type<sc_vector_subcore>, window_params = [{transform_indices = #map}, {transform_indices = #map1}, {transform_indices = #map}, {transform_indices = #map2}]} {
    %mul3A = arith.constant 16 : i32
    %mul3A_0 = arith.muli %arg0, %mul3A : i32
    %add3A = arith.addi %mul3A_0, %arg1 : i32
    %run_scoped3A = arith.constant 0 : i32
    "tpu.region"() ({
      %run_scoped3A_270 = tpu.sem_alloc : memref<!tpu.dma_semaphore, #tpu.memory_space<semaphore_mem>>
      %dma_start3A_271 = arith.constant 0 : i32
      %dma_start3A_272 = arith.constant 0 : i32
      %dma_start3A_273 = tpu.memref_slice %arg3[%run_scoped3A, %add3A, %dma_start3A_271, %dma_start3A_272] : memref<2x32x80x128xi32, #tpu.memory_space<hbm>> -> memref<1x1x80x128xi32, #tpu.memory_space<hbm>>
      %dma_start3A_274 = tpu.memref_squeeze %dma_start3A_273 : memref<1x1x80x128xi32, #tpu.memory_space<hbm>> -> memref<80x128xi32, #tpu.memory_space<hbm>>
      %dma_start3A_275 = arith.constant 0 : i32
      %dma_start3A_276 = arith.constant 0 : i32
      %dma_start3A_277 = tpu.memref_slice %arg3[%run_scoped3A, %add3A, %dma_start3A_275, %dma_start3A_276] : memref<2x32x80x128xi32, #tpu.memory_space<hbm>> -> memref<1x1x80x128xi32, #tpu.memory_space<hbm>>
      %dma_start3A_278 = tpu.memref_squeeze %dma_start3A_277 : memref<1x1x80x128xi32, #tpu.memory_space<hbm>> -> memref<80x128xi32, #tpu.memory_space<hbm>>
      tpu.enqueue_dma source(%dma_start3A_278 : memref<80x128xi32, #tpu.memory_space<hbm>>) target(%arg6 : memref<80x128xi32, #tpu.memory_space<vmem>>) target_semaphore(%run_scoped3A_270 : memref<!tpu.dma_semaphore, #tpu.memory_space<semaphore_mem>>)
      %dma_wait3A_279 = arith.constant 0 : i32
      %dma_wait3A_280 = arith.constant 0 : i32
      %dma_wait3A_281 = tpu.memref_slice %arg3[%run_scoped3A, %add3A, %dma_wait3A_279, %dma_wait3A_280] : memref<2x32x80x128xi32, #tpu.memory_space<hbm>> -> memref<1x1x80x128xi32, #tpu.memory_space<hbm>>
      %dma_wait3A_282 = tpu.memref_squeeze %dma_wait3A_281 : memref<1x1x80x128xi32, #tpu.memory_space<hbm>> -> memref<80x128xi32, #tpu.memory_space<hbm>>
      %dma_wait3A_283 = arith.constant 0 : i32
      %dma_wait3A_284 = arith.constant 0 : i32
      %dma_wait3A_285 = tpu.memref_slice %arg3[%run_scoped3A, %add3A, %dma_wait3A_283, %dma_wait3A_284] : memref<2x32x80x128xi32, #tpu.memory_space<hbm>> -> memref<1x1x80x128xi32, #tpu.memory_space<hbm>>
      %dma_wait3A_286 = tpu.memref_squeeze %dma_wait3A_285 : memref<1x1x80x128xi32, #tpu.memory_space<hbm>> -> memref<80x128xi32, #tpu.memory_space<hbm>>
      tpu.wait_dma2 semaphore(%run_scoped3A_270 : memref<!tpu.dma_semaphore, #tpu.memory_space<semaphore_mem>>) src(%dma_wait3A_286 : memref<80x128xi32, #tpu.memory_space<hbm>>) dst(%arg6 : memref<80x128xi32, #tpu.memory_space<vmem>>)
      tpu.yield
    }) : () -> ()
    %dma_start3A = arith.constant 0 : i32
    %dma_start3A_1 = arith.constant 0 : i32
    %dma_start3A_2 = arith.constant 0 : i32
    %dma_start3A_3 = arith.constant 0 : i32
    %dma_start3A_4 = arith.constant 0 : i32
    %dma_start3A_5 = tpu.memref_slice %arg8[%dma_start3A_1, %dma_start3A_3, %dma_start3A_4] : memref<8x128x32xf32, #tpu.memory_space<vmem>> -> memref<1x128x32xf32, #tpu.memory_space<vmem>>
    %dma_start3A_6 = tpu.memref_squeeze %dma_start3A_5 : memref<1x128x32xf32, #tpu.memory_space<vmem>> -> memref<128x32xf32, #tpu.memory_space<vmem>>
    %dma_start3A_7 = arith.constant 0 : i32
    %dma_start3A_8 = tpu.memref_slice %arg6[%dma_start3A, %dma_start3A_7] : memref<80x128xi32, #tpu.memory_space<vmem>> -> memref<1x128xi32, #tpu.memory_space<vmem>>
    %dma_start3A_9 = tpu.memref_squeeze %dma_start3A_8 : memref<1x128xi32, #tpu.memory_space<vmem>> -> memref<128xi32, #tpu.memory_space<vmem>>
    %dma_start3A_10 = arith.constant 0 : i32
    %dma_start3A_11 = arith.constant 0 : i32
    %dma_start3A_12 = tpu.memref_slice %arg2[%dma_start3A_10, %dma_start3A_11] : memref<10112x32xf32, #tpu.memory_space<hbm>> -> memref<10112x32xf32, #tpu.memory_space<hbm>>
    %dma_start3A_13 = tpu.memref_slice %arg10[%dma_start3A_2] : memref<8x!tpu.dma_semaphore, #tpu.memory_space<semaphore_mem>> -> memref<1x!tpu.dma_semaphore, #tpu.memory_space<semaphore_mem>>
    %dma_start3A_14 = tpu.memref_squeeze %dma_start3A_13 : memref<1x!tpu.dma_semaphore, #tpu.memory_space<semaphore_mem>> -> memref<!tpu.dma_semaphore, #tpu.memory_space<semaphore_mem>>
    tpu.enqueue_indirect_dma source(%dma_start3A_12 : memref<10112x32xf32, #tpu.memory_space<hbm>>) target(%dma_start3A_6 : memref<128x32xf32, #tpu.memory_space<vmem>>) offsets(%dma_start3A_9 : memref<128xi32, #tpu.memory_space<vmem>>) semaphore(%dma_start3A_14 : memref<!tpu.dma_semaphore, #tpu.memory_space<semaphore_mem>>)
    %dma_start3A_15 = arith.constant 1 : i32
    %dma_start3A_16 = arith.constant 1 : i32
    %dma_start3A_17 = arith.constant 1 : i32
    %dma_start3A_18 = arith.constant 0 : i32
    %dma_start3A_19 = arith.constant 0 : i32
    %dma_start3A_20 = tpu.memref_slice %arg8[%dma_start3A_16, %dma_start3A_18, %dma_start3A_19] : memref<8x128x32xf32, #tpu.memory_space<vmem>> -> memref<1x128x32xf32, #tpu.memory_space<vmem>>
    %dma_start3A_21 = tpu.memref_squeeze %dma_start3A_20 : memref<1x128x32xf32, #tpu.memory_space<vmem>> -> memref<128x32xf32, #tpu.memory_space<vmem>>
    %dma_start3A_22 = arith.constant 0 : i32
    %dma_start3A_23 = tpu.memref_slice %arg6[%dma_start3A_15, %dma_start3A_22] : memref<80x128xi32, #tpu.memory_space<vmem>> -> memref<1x128xi32, #tpu.memory_space<vmem>>
    %dma_start3A_24 = tpu.memref_squeeze %dma_start3A_23 : memref<1x128xi32, #tpu.memory_space<vmem>> -> memref<128xi32, #tpu.memory_space<vmem>>
    %dma_start3A_25 = arith.constant 0 : i32
    %dma_start3A_26 = arith.constant 0 : i32
    %dma_start3A_27 = tpu.memref_slice %arg2[%dma_start3A_25, %dma_start3A_26] : memref<10112x32xf32, #tpu.memory_space<hbm>> -> memref<10112x32xf32, #tpu.memory_space<hbm>>
    %dma_start3A_28 = tpu.memref_slice %arg10[%dma_start3A_17] : memref<8x!tpu.dma_semaphore, #tpu.memory_space<semaphore_mem>> -> memref<1x!tpu.dma_semaphore, #tpu.memory_space<semaphore_mem>>
    %dma_start3A_29 = tpu.memref_squeeze %dma_start3A_28 : memref<1x!tpu.dma_semaphore, #tpu.memory_space<semaphore_mem>> -> memref<!tpu.dma_semaphore, #tpu.memory_space<semaphore_mem>>
    tpu.enqueue_indirect_dma source(%dma_start3A_27 : memref<10112x32xf32, #tpu.memory_space<hbm>>) target(%dma_start3A_21 : memref<128x32xf32, #tpu.memory_space<vmem>>) offsets(%dma_start3A_24 : memref<128xi32, #tpu.memory_space<vmem>>) semaphore(%dma_start3A_29 : memref<!tpu.dma_semaphore, #tpu.memory_space<semaphore_mem>>)
    %dma_start3A_30 = arith.constant 2 : i32
    %dma_start3A_31 = arith.constant 2 : i32
    %dma_start3A_32 = arith.constant 2 : i32
    %dma_start3A_33 = arith.constant 0 : i32
    %dma_start3A_34 = arith.constant 0 : i32
    %dma_start3A_35 = tpu.memref_slice %arg8[%dma_start3A_31, %dma_start3A_33, %dma_start3A_34] : memref<8x128x32xf32, #tpu.memory_space<vmem>> -> memref<1x128x32xf32, #tpu.memory_space<vmem>>
    %dma_start3A_36 = tpu.memref_squeeze %dma_start3A_35 : memref<1x128x32xf32, #tpu.memory_space<vmem>> -> memref<128x32xf32, #tpu.memory_space<vmem>>
    %dma_start3A_37 = arith.constant 0 : i32
    %dma_start3A_38 = tpu.memref_slice %arg6[%dma_start3A_30, %dma_start3A_37] : memref<80x128xi32, #tpu.memory_space<vmem>> -> memref<1x128xi32, #tpu.memory_space<vmem>>
    %dma_start3A_39 = tpu.memref_squeeze %dma_start3A_38 : memref<1x128xi32, #tpu.memory_space<vmem>> -> memref<128xi32, #tpu.memory_space<vmem>>
    %dma_start3A_40 = arith.constant 0 : i32
    %dma_start3A_41 = arith.constant 0 : i32
    %dma_start3A_42 = tpu.memref_slice %arg2[%dma_start3A_40, %dma_start3A_41] : memref<10112x32xf32, #tpu.memory_space<hbm>> -> memref<10112x32xf32, #tpu.memory_space<hbm>>
    %dma_start3A_43 = tpu.memref_slice %arg10[%dma_start3A_32] : memref<8x!tpu.dma_semaphore, #tpu.memory_space<semaphore_mem>> -> memref<1x!tpu.dma_semaphore, #tpu.memory_space<semaphore_mem>>
    %dma_start3A_44 = tpu.memref_squeeze %dma_start3A_43 : memref<1x!tpu.dma_semaphore, #tpu.memory_space<semaphore_mem>> -> memref<!tpu.dma_semaphore, #tpu.memory_space<semaphore_mem>>
    tpu.enqueue_indirect_dma source(%dma_start3A_42 : memref<10112x32xf32, #tpu.memory_space<hbm>>) target(%dma_start3A_36 : memref<128x32xf32, #tpu.memory_space<vmem>>) offsets(%dma_start3A_39 : memref<128xi32, #tpu.memory_space<vmem>>) semaphore(%dma_start3A_44 : memref<!tpu.dma_semaphore, #tpu.memory_space<semaphore_mem>>)
    %dma_start3A_45 = arith.constant 3 : i32
    %dma_start3A_46 = arith.constant 3 : i32
    %dma_start3A_47 = arith.constant 3 : i32
    %dma_start3A_48 = arith.constant 0 : i32
    %dma_start3A_49 = arith.constant 0 : i32
    %dma_start3A_50 = tpu.memref_slice %arg8[%dma_start3A_46, %dma_start3A_48, %dma_start3A_49] : memref<8x128x32xf32, #tpu.memory_space<vmem>> -> memref<1x128x32xf32, #tpu.memory_space<vmem>>
    %dma_start3A_51 = tpu.memref_squeeze %dma_start3A_50 : memref<1x128x32xf32, #tpu.memory_space<vmem>> -> memref<128x32xf32, #tpu.memory_space<vmem>>
    %dma_start3A_52 = arith.constant 0 : i32
    %dma_start3A_53 = tpu.memref_slice %arg6[%dma_start3A_45, %dma_start3A_52] : memref<80x128xi32, #tpu.memory_space<vmem>> -> memref<1x128xi32, #tpu.memory_space<vmem>>
    %dma_start3A_54 = tpu.memref_squeeze %dma_start3A_53 : memref<1x128xi32, #tpu.memory_space<vmem>> -> memref<128xi32, #tpu.memory_space<vmem>>
    %dma_start3A_55 = arith.constant 0 : i32
    %dma_start3A_56 = arith.constant 0 : i32
    %dma_start3A_57 = tpu.memref_slice %arg2[%dma_start3A_55, %dma_start3A_56] : memref<10112x32xf32, #tpu.memory_space<hbm>> -> memref<10112x32xf32, #tpu.memory_space<hbm>>
    %dma_start3A_58 = tpu.memref_slice %arg10[%dma_start3A_47] : memref<8x!tpu.dma_semaphore, #tpu.memory_space<semaphore_mem>> -> memref<1x!tpu.dma_semaphore, #tpu.memory_space<semaphore_mem>>
    %dma_start3A_59 = tpu.memref_squeeze %dma_start3A_58 : memref<1x!tpu.dma_semaphore, #tpu.memory_space<semaphore_mem>> -> memref<!tpu.dma_semaphore, #tpu.memory_space<semaphore_mem>>
    tpu.enqueue_indirect_dma source(%dma_start3A_57 : memref<10112x32xf32, #tpu.memory_space<hbm>>) target(%dma_start3A_51 : memref<128x32xf32, #tpu.memory_space<vmem>>) offsets(%dma_start3A_54 : memref<128xi32, #tpu.memory_space<vmem>>) semaphore(%dma_start3A_59 : memref<!tpu.dma_semaphore, #tpu.memory_space<semaphore_mem>>)
    %dma_start3A_60 = arith.constant 4 : i32
    %dma_start3A_61 = arith.constant 4 : i32
    %dma_start3A_62 = arith.constant 4 : i32
    %dma_start3A_63 = arith.constant 0 : i32
    %dma_start3A_64 = arith.constant 0 : i32
    %dma_start3A_65 = tpu.memref_slice %arg8[%dma_start3A_61, %dma_start3A_63, %dma_start3A_64] : memref<8x128x32xf32, #tpu.memory_space<vmem>> -> memref<1x128x32xf32, #tpu.memory_space<vmem>>
    %dma_start3A_66 = tpu.memref_squeeze %dma_start3A_65 : memref<1x128x32xf32, #tpu.memory_space<vmem>> -> memref<128x32xf32, #tpu.memory_space<vmem>>
    %dma_start3A_67 = arith.constant 0 : i32
    %dma_start3A_68 = tpu.memref_slice %arg6[%dma_start3A_60, %dma_start3A_67] : memref<80x128xi32, #tpu.memory_space<vmem>> -> memref<1x128xi32, #tpu.memory_space<vmem>>
    %dma_start3A_69 = tpu.memref_squeeze %dma_start3A_68 : memref<1x128xi32, #tpu.memory_space<vmem>> -> memref<128xi32, #tpu.memory_space<vmem>>
    %dma_start3A_70 = arith.constant 0 : i32
    %dma_start3A_71 = arith.constant 0 : i32
    %dma_start3A_72 = tpu.memref_slice %arg2[%dma_start3A_70, %dma_start3A_71] : memref<10112x32xf32, #tpu.memory_space<hbm>> -> memref<10112x32xf32, #tpu.memory_space<hbm>>
    %dma_start3A_73 = tpu.memref_slice %arg10[%dma_start3A_62] : memref<8x!tpu.dma_semaphore, #tpu.memory_space<semaphore_mem>> -> memref<1x!tpu.dma_semaphore, #tpu.memory_space<semaphore_mem>>
    %dma_start3A_74 = tpu.memref_squeeze %dma_start3A_73 : memref<1x!tpu.dma_semaphore, #tpu.memory_space<semaphore_mem>> -> memref<!tpu.dma_semaphore, #tpu.memory_space<semaphore_mem>>
    tpu.enqueue_indirect_dma source(%dma_start3A_72 : memref<10112x32xf32, #tpu.memory_space<hbm>>) target(%dma_start3A_66 : memref<128x32xf32, #tpu.memory_space<vmem>>) offsets(%dma_start3A_69 : memref<128xi32, #tpu.memory_space<vmem>>) semaphore(%dma_start3A_74 : memref<!tpu.dma_semaphore, #tpu.memory_space<semaphore_mem>>)
    %dma_start3A_75 = arith.constant 5 : i32
    %dma_start3A_76 = arith.constant 5 : i32
    %dma_start3A_77 = arith.constant 5 : i32
    %dma_start3A_78 = arith.constant 0 : i32
    %dma_start3A_79 = arith.constant 0 : i32
    %dma_start3A_80 = tpu.memref_slice %arg8[%dma_start3A_76, %dma_start3A_78, %dma_start3A_79] : memref<8x128x32xf32, #tpu.memory_space<vmem>> -> memref<1x128x32xf32, #tpu.memory_space<vmem>>
    %dma_start3A_81 = tpu.memref_squeeze %dma_start3A_80 : memref<1x128x32xf32, #tpu.memory_space<vmem>> -> memref<128x32xf32, #tpu.memory_space<vmem>>
    %dma_start3A_82 = arith.constant 0 : i32
    %dma_start3A_83 = tpu.memref_slice %arg6[%dma_start3A_75, %dma_start3A_82] : memref<80x128xi32, #tpu.memory_space<vmem>> -> memref<1x128xi32, #tpu.memory_space<vmem>>
    %dma_start3A_84 = tpu.memref_squeeze %dma_start3A_83 : memref<1x128xi32, #tpu.memory_space<vmem>> -> memref<128xi32, #tpu.memory_space<vmem>>
    %dma_start3A_85 = arith.constant 0 : i32
    %dma_start3A_86 = arith.constant 0 : i32
    %dma_start3A_87 = tpu.memref_slice %arg2[%dma_start3A_85, %dma_start3A_86] : memref<10112x32xf32, #tpu.memory_space<hbm>> -> memref<10112x32xf32, #tpu.memory_space<hbm>>
    %dma_start3A_88 = tpu.memref_slice %arg10[%dma_start3A_77] : memref<8x!tpu.dma_semaphore, #tpu.memory_space<semaphore_mem>> -> memref<1x!tpu.dma_semaphore, #tpu.memory_space<semaphore_mem>>
    %dma_start3A_89 = tpu.memref_squeeze %dma_start3A_88 : memref<1x!tpu.dma_semaphore, #tpu.memory_space<semaphore_mem>> -> memref<!tpu.dma_semaphore, #tpu.memory_space<semaphore_mem>>
    tpu.enqueue_indirect_dma source(%dma_start3A_87 : memref<10112x32xf32, #tpu.memory_space<hbm>>) target(%dma_start3A_81 : memref<128x32xf32, #tpu.memory_space<vmem>>) offsets(%dma_start3A_84 : memref<128xi32, #tpu.memory_space<vmem>>) semaphore(%dma_start3A_89 : memref<!tpu.dma_semaphore, #tpu.memory_space<semaphore_mem>>)
    %dma_start3A_90 = arith.constant 6 : i32
    %dma_start3A_91 = arith.constant 6 : i32
    %dma_start3A_92 = arith.constant 6 : i32
    %dma_start3A_93 = arith.constant 0 : i32
    %dma_start3A_94 = arith.constant 0 : i32
    %dma_start3A_95 = tpu.memref_slice %arg8[%dma_start3A_91, %dma_start3A_93, %dma_start3A_94] : memref<8x128x32xf32, #tpu.memory_space<vmem>> -> memref<1x128x32xf32, #tpu.memory_space<vmem>>
    %dma_start3A_96 = tpu.memref_squeeze %dma_start3A_95 : memref<1x128x32xf32, #tpu.memory_space<vmem>> -> memref<128x32xf32, #tpu.memory_space<vmem>>
    %dma_start3A_97 = arith.constant 0 : i32
    %dma_start3A_98 = tpu.memref_slice %arg6[%dma_start3A_90, %dma_start3A_97] : memref<80x128xi32, #tpu.memory_space<vmem>> -> memref<1x128xi32, #tpu.memory_space<vmem>>
    %dma_start3A_99 = tpu.memref_squeeze %dma_start3A_98 : memref<1x128xi32, #tpu.memory_space<vmem>> -> memref<128xi32, #tpu.memory_space<vmem>>
    %dma_start3A_100 = arith.constant 0 : i32
    %dma_start3A_101 = arith.constant 0 : i32
    %dma_start3A_102 = tpu.memref_slice %arg2[%dma_start3A_100, %dma_start3A_101] : memref<10112x32xf32, #tpu.memory_space<hbm>> -> memref<10112x32xf32, #tpu.memory_space<hbm>>
    %dma_start3A_103 = tpu.memref_slice %arg10[%dma_start3A_92] : memref<8x!tpu.dma_semaphore, #tpu.memory_space<semaphore_mem>> -> memref<1x!tpu.dma_semaphore, #tpu.memory_space<semaphore_mem>>
    %dma_start3A_104 = tpu.memref_squeeze %dma_start3A_103 : memref<1x!tpu.dma_semaphore, #tpu.memory_space<semaphore_mem>> -> memref<!tpu.dma_semaphore, #tpu.memory_space<semaphore_mem>>
    tpu.enqueue_indirect_dma source(%dma_start3A_102 : memref<10112x32xf32, #tpu.memory_space<hbm>>) target(%dma_start3A_96 : memref<128x32xf32, #tpu.memory_space<vmem>>) offsets(%dma_start3A_99 : memref<128xi32, #tpu.memory_space<vmem>>) semaphore(%dma_start3A_104 : memref<!tpu.dma_semaphore, #tpu.memory_space<semaphore_mem>>)
    %dma_start3A_105 = arith.constant 7 : i32
    %dma_start3A_106 = arith.constant 7 : i32
    %dma_start3A_107 = arith.constant 7 : i32
    %dma_start3A_108 = arith.constant 0 : i32
    %dma_start3A_109 = arith.constant 0 : i32
    %dma_start3A_110 = tpu.memref_slice %arg8[%dma_start3A_106, %dma_start3A_108, %dma_start3A_109] : memref<8x128x32xf32, #tpu.memory_space<vmem>> -> memref<1x128x32xf32, #tpu.memory_space<vmem>>
    %dma_start3A_111 = tpu.memref_squeeze %dma_start3A_110 : memref<1x128x32xf32, #tpu.memory_space<vmem>> -> memref<128x32xf32, #tpu.memory_space<vmem>>
    %dma_start3A_112 = arith.constant 0 : i32
    %dma_start3A_113 = tpu.memref_slice %arg6[%dma_start3A_105, %dma_start3A_112] : memref<80x128xi32, #tpu.memory_space<vmem>> -> memref<1x128xi32, #tpu.memory_space<vmem>>
    %dma_start3A_114 = tpu.memref_squeeze %dma_start3A_113 : memref<1x128xi32, #tpu.memory_space<vmem>> -> memref<128xi32, #tpu.memory_space<vmem>>
    %dma_start3A_115 = arith.constant 0 : i32
    %dma_start3A_116 = arith.constant 0 : i32
    %dma_start3A_117 = tpu.memref_slice %arg2[%dma_start3A_115, %dma_start3A_116] : memref<10112x32xf32, #tpu.memory_space<hbm>> -> memref<10112x32xf32, #tpu.memory_space<hbm>>
    %dma_start3A_118 = tpu.memref_slice %arg10[%dma_start3A_107] : memref<8x!tpu.dma_semaphore, #tpu.memory_space<semaphore_mem>> -> memref<1x!tpu.dma_semaphore, #tpu.memory_space<semaphore_mem>>
    %dma_start3A_119 = tpu.memref_squeeze %dma_start3A_118 : memref<1x!tpu.dma_semaphore, #tpu.memory_space<semaphore_mem>> -> memref<!tpu.dma_semaphore, #tpu.memory_space<semaphore_mem>>
    tpu.enqueue_indirect_dma source(%dma_start3A_117 : memref<10112x32xf32, #tpu.memory_space<hbm>>) target(%dma_start3A_111 : memref<128x32xf32, #tpu.memory_space<vmem>>) offsets(%dma_start3A_114 : memref<128xi32, #tpu.memory_space<vmem>>) semaphore(%dma_start3A_119 : memref<!tpu.dma_semaphore, #tpu.memory_space<semaphore_mem>>)
    %run_scoped3A_120 = arith.constant 1 : i32
    "tpu.region"() ({
      %run_scoped3A_270 = tpu.sem_alloc : memref<!tpu.dma_semaphore, #tpu.memory_space<semaphore_mem>>
      %dma_start3A_271 = arith.constant 0 : i32
      %dma_start3A_272 = arith.constant 0 : i32
      %dma_start3A_273 = tpu.memref_slice %arg3[%run_scoped3A_120, %add3A, %dma_start3A_271, %dma_start3A_272] : memref<2x32x80x128xi32, #tpu.memory_space<hbm>> -> memref<1x1x80x128xi32, #tpu.memory_space<hbm>>
      %dma_start3A_274 = tpu.memref_squeeze %dma_start3A_273 : memref<1x1x80x128xi32, #tpu.memory_space<hbm>> -> memref<80x128xi32, #tpu.memory_space<hbm>>
      %dma_start3A_275 = arith.constant 0 : i32
      %dma_start3A_276 = arith.constant 0 : i32
      %dma_start3A_277 = tpu.memref_slice %arg3[%run_scoped3A_120, %add3A, %dma_start3A_275, %dma_start3A_276] : memref<2x32x80x128xi32, #tpu.memory_space<hbm>> -> memref<1x1x80x128xi32, #tpu.memory_space<hbm>>
      %dma_start3A_278 = tpu.memref_squeeze %dma_start3A_277 : memref<1x1x80x128xi32, #tpu.memory_space<hbm>> -> memref<80x128xi32, #tpu.memory_space<hbm>>
      tpu.enqueue_dma source(%dma_start3A_278 : memref<80x128xi32, #tpu.memory_space<hbm>>) target(%arg7 : memref<80x128xi32, #tpu.memory_space<vmem>>) target_semaphore(%run_scoped3A_270 : memref<!tpu.dma_semaphore, #tpu.memory_space<semaphore_mem>>)
      %dma_wait3A_279 = arith.constant 0 : i32
      %dma_wait3A_280 = arith.constant 0 : i32
      %dma_wait3A_281 = tpu.memref_slice %arg3[%run_scoped3A_120, %add3A, %dma_wait3A_279, %dma_wait3A_280] : memref<2x32x80x128xi32, #tpu.memory_space<hbm>> -> memref<1x1x80x128xi32, #tpu.memory_space<hbm>>
      %dma_wait3A_282 = tpu.memref_squeeze %dma_wait3A_281 : memref<1x1x80x128xi32, #tpu.memory_space<hbm>> -> memref<80x128xi32, #tpu.memory_space<hbm>>
      %dma_wait3A_283 = arith.constant 0 : i32
      %dma_wait3A_284 = arith.constant 0 : i32
      %dma_wait3A_285 = tpu.memref_slice %arg3[%run_scoped3A_120, %add3A, %dma_wait3A_283, %dma_wait3A_284] : memref<2x32x80x128xi32, #tpu.memory_space<hbm>> -> memref<1x1x80x128xi32, #tpu.memory_space<hbm>>
      %dma_wait3A_286 = tpu.memref_squeeze %dma_wait3A_285 : memref<1x1x80x128xi32, #tpu.memory_space<hbm>> -> memref<80x128xi32, #tpu.memory_space<hbm>>
      tpu.wait_dma2 semaphore(%run_scoped3A_270 : memref<!tpu.dma_semaphore, #tpu.memory_space<semaphore_mem>>) src(%dma_wait3A_286 : memref<80x128xi32, #tpu.memory_space<hbm>>) dst(%arg7 : memref<80x128xi32, #tpu.memory_space<vmem>>)
      tpu.yield
    }) : () -> ()
    %mul3A_121 = arith.constant 632 : i32
    %mul3A_122 = arith.muli %arg1, %mul3A_121 : i32
    %mul3A_123 = arith.constant 632 : i32
    %mul3A_124 = arith.muli %arg1, %mul3A_123 : i32
    "tpu.region"() ({
      %run_scoped3A_270 = tpu.sem_alloc : memref<!tpu.dma_semaphore, #tpu.memory_space<semaphore_mem>>
      %dma_start3A_271 = arith.constant 0 : i32
      %dma_start3A_272 = tpu.memref_slice %arg9[%mul3A_124, %dma_start3A_271] : memref<10112x32xf32, #tpu.memory_space<vmem_shared>> -> memref<632x32xf32, #tpu.memory_space<vmem_shared>>
      %dma_start3A_273 = arith.constant 0 : i32
      %dma_start3A_274 = tpu.memref_slice %arg4[%mul3A_122, %dma_start3A_273] : memref<10112x32xf32, #tpu.memory_space<hbm>> -> memref<632x32xf32, #tpu.memory_space<hbm>>
      tpu.enqueue_dma source(%dma_start3A_274 : memref<632x32xf32, #tpu.memory_space<hbm>>) target(%dma_start3A_272 : memref<632x32xf32, #tpu.memory_space<vmem_shared>>) target_semaphore(%run_scoped3A_270 : memref<!tpu.dma_semaphore, #tpu.memory_space<semaphore_mem>>)
      %dma_wait3A_275 = arith.constant 0 : i32
      %dma_wait3A_276 = tpu.memref_slice %arg9[%mul3A_124, %dma_wait3A_275] : memref<10112x32xf32, #tpu.memory_space<vmem_shared>> -> memref<632x32xf32, #tpu.memory_space<vmem_shared>>
      %dma_wait3A_277 = arith.constant 0 : i32
      %dma_wait3A_278 = tpu.memref_slice %arg4[%mul3A_122, %dma_wait3A_277] : memref<10112x32xf32, #tpu.memory_space<hbm>> -> memref<632x32xf32, #tpu.memory_space<hbm>>
      tpu.wait_dma2 semaphore(%run_scoped3A_270 : memref<!tpu.dma_semaphore, #tpu.memory_space<semaphore_mem>>) src(%dma_wait3A_278 : memref<632x32xf32, #tpu.memory_space<hbm>>) dst(%dma_wait3A_276 : memref<632x32xf32, #tpu.memory_space<vmem_shared>>)
      tpu.yield
    }) : () -> ()
    %barrier3A = arith.constant 0 : index
    tpu.barrier barrier_id(%barrier3A)
    %scan3A = arith.constant 0 : i32
    %scan3A_125 = arith.constant 0 : i32
    %scan3A_126 = arith.constant 9 : i32
    %scan3A_127 = arith.addi %scan3A_125, %scan3A_126 : i32
    %scan3A_128 = arith.constant 1 : i32
    scf.for %scan3A_270 = %scan3A_125 to %scan3A_127 step %scan3A_128  : i32 {
      %mul3A_271 = arith.constant 8 : i32
      %mul3A_272 = arith.muli %scan3A_270, %mul3A_271 : i32
      %add3A_273 = arith.constant 0 : i32
      %add3A_274 = arith.addi %mul3A_272, %add3A_273 : i32
      %dma_wait3A_275 = arith.constant 0 : i32
      %dma_wait3A_276 = arith.constant 0 : i32
      %dma_wait3A_277 = arith.constant 0 : i32
      %dma_wait3A_278 = arith.constant 0 : i32
      %dma_wait3A_279 = tpu.memref_slice %arg8[%dma_wait3A_275, %dma_wait3A_277, %dma_wait3A_278] : memref<8x128x32xf32, #tpu.memory_space<vmem>> -> memref<1x128x32xf32, #tpu.memory_space<vmem>>
      %dma_wait3A_280 = tpu.memref_squeeze %dma_wait3A_279 : memref<1x128x32xf32, #tpu.memory_space<vmem>> -> memref<128x32xf32, #tpu.memory_space<vmem>>
      %dma_wait3A_281 = arith.constant 0 : i32
      %dma_wait3A_282 = tpu.memref_slice %arg6[%add3A_274, %dma_wait3A_281] : memref<80x128xi32, #tpu.memory_space<vmem>> -> memref<1x128xi32, #tpu.memory_space<vmem>>
      %dma_wait3A_283 = tpu.memref_squeeze %dma_wait3A_282 : memref<1x128xi32, #tpu.memory_space<vmem>> -> memref<128xi32, #tpu.memory_space<vmem>>
      %dma_wait3A_284 = arith.constant 0 : i32
      %dma_wait3A_285 = arith.constant 0 : i32
      %dma_wait3A_286 = tpu.memref_slice %arg2[%dma_wait3A_284, %dma_wait3A_285] : memref<10112x32xf32, #tpu.memory_space<hbm>> -> memref<10112x32xf32, #tpu.memory_space<hbm>>
      %dma_wait3A_287 = tpu.memref_slice %arg10[%dma_wait3A_276] : memref<8x!tpu.dma_semaphore, #tpu.memory_space<semaphore_mem>> -> memref<1x!tpu.dma_semaphore, #tpu.memory_space<semaphore_mem>>
      %dma_wait3A_288 = tpu.memref_squeeze %dma_wait3A_287 : memref<1x!tpu.dma_semaphore, #tpu.memory_space<semaphore_mem>> -> memref<!tpu.dma_semaphore, #tpu.memory_space<semaphore_mem>>
      tpu.wait_indirect_dma semaphore(%dma_wait3A_288 : memref<!tpu.dma_semaphore, #tpu.memory_space<semaphore_mem>>) src(%dma_wait3A_286 : memref<10112x32xf32, #tpu.memory_space<hbm>>) dst(%dma_wait3A_280 : memref<128x32xf32, #tpu.memory_space<vmem>>)
      %run_scoped3A_289 = arith.constant 0 : i32
      "tpu.region"() ({
        %run_scoped3A_551 = tpu.sem_alloc : memref<!tpu.dma_semaphore, #tpu.memory_space<semaphore_mem>>
        %dma_start3A_552 = arith.constant 0 : i32
        %dma_start3A_553 = arith.constant 0 : i32
        %dma_start3A_554 = tpu.memref_slice %arg8[%run_scoped3A_289, %dma_start3A_552, %dma_start3A_553] : memref<8x128x32xf32, #tpu.memory_space<vmem>> -> memref<1x128x32xf32, #tpu.memory_space<vmem>>
        %dma_start3A_555 = tpu.memref_squeeze %dma_start3A_554 : memref<1x128x32xf32, #tpu.memory_space<vmem>> -> memref<128x32xf32, #tpu.memory_space<vmem>>
        %dma_start3A_556 = arith.constant 0 : i32
        %dma_start3A_557 = tpu.memref_slice %arg7[%add3A_274, %dma_start3A_556] : memref<80x128xi32, #tpu.memory_space<vmem>> -> memref<1x128xi32, #tpu.memory_space<vmem>>
        %dma_start3A_558 = tpu.memref_squeeze %dma_start3A_557 : memref<1x128xi32, #tpu.memory_space<vmem>> -> memref<128xi32, #tpu.memory_space<vmem>>
        %dma_start3A_559 = arith.constant 0 : i32
        %dma_start3A_560 = arith.constant 0 : i32
        %dma_start3A_561 = tpu.memref_slice %arg9[%dma_start3A_559, %dma_start3A_560] : memref<10112x32xf32, #tpu.memory_space<vmem_shared>> -> memref<10112x32xf32, #tpu.memory_space<vmem_shared>>
        tpu.enqueue_indirect_dma source(%dma_start3A_555 : memref<128x32xf32, #tpu.memory_space<vmem>>) target(%dma_start3A_561 : memref<10112x32xf32, #tpu.memory_space<vmem_shared>>) offsets(%dma_start3A_558 : memref<128xi32, #tpu.memory_space<vmem>>) semaphore(%run_scoped3A_551 : memref<!tpu.dma_semaphore, #tpu.memory_space<semaphore_mem>>) {add = true}
        %dma_wait3A_562 = arith.constant 0 : i32
        %dma_wait3A_563 = arith.constant 0 : i32
        %dma_wait3A_564 = tpu.memref_slice %arg8[%run_scoped3A_289, %dma_wait3A_562, %dma_wait3A_563] : memref<8x128x32xf32, #tpu.memory_space<vmem>> -> memref<1x128x32xf32, #tpu.memory_space<vmem>>
        %dma_wait3A_565 = tpu.memref_squeeze %dma_wait3A_564 : memref<1x128x32xf32, #tpu.memory_space<vmem>> -> memref<128x32xf32, #tpu.memory_space<vmem>>
        %dma_wait3A_566 = arith.constant 0 : i32
        %dma_wait3A_567 = tpu.memref_slice %arg7[%add3A_274, %dma_wait3A_566] : memref<80x128xi32, #tpu.memory_space<vmem>> -> memref<1x128xi32, #tpu.memory_space<vmem>>
        %dma_wait3A_568 = tpu.memref_squeeze %dma_wait3A_567 : memref<1x128xi32, #tpu.memory_space<vmem>> -> memref<128xi32, #tpu.memory_space<vmem>>
        %dma_wait3A_569 = arith.constant 0 : i32
        %dma_wait3A_570 = arith.constant 0 : i32
        %dma_wait3A_571 = tpu.memref_slice %arg9[%dma_wait3A_569, %dma_wait3A_570] : memref<10112x32xf32, #tpu.memory_space<vmem_shared>> -> memref<10112x32xf32, #tpu.memory_space<vmem_shared>>
        tpu.wait_indirect_dma semaphore(%run_scoped3A_551 : memref<!tpu.dma_semaphore, #tpu.memory_space<semaphore_mem>>) src(%dma_wait3A_565 : memref<128x32xf32, #tpu.memory_space<vmem>>) dst(%dma_wait3A_571 : memref<10112x32xf32, #tpu.memory_space<vmem_shared>>)
        tpu.yield
      }) : () -> ()
      %add3A_290 = arith.constant 8 : i32
      %add3A_291 = arith.addi %add3A_274, %add3A_290 : i32
      %dma_start3A_292 = arith.constant 0 : i32
      %dma_start3A_293 = arith.constant 0 : i32
      %dma_start3A_294 = arith.constant 0 : i32
      %dma_start3A_295 = arith.constant 0 : i32
      %dma_start3A_296 = tpu.memref_slice %arg8[%dma_start3A_292, %dma_start3A_294, %dma_start3A_295] : memref<8x128x32xf32, #tpu.memory_space<vmem>> -> memref<1x128x32xf32, #tpu.memory_space<vmem>>
      %dma_start3A_297 = tpu.memref_squeeze %dma_start3A_296 : memref<1x128x32xf32, #tpu.memory_space<vmem>> -> memref<128x32xf32, #tpu.memory_space<vmem>>
      %dma_start3A_298 = arith.constant 0 : i32
      %dma_start3A_299 = tpu.memref_slice %arg6[%add3A_291, %dma_start3A_298] : memref<80x128xi32, #tpu.memory_space<vmem>> -> memref<1x128xi32, #tpu.memory_space<vmem>>
      %dma_start3A_300 = tpu.memref_squeeze %dma_start3A_299 : memref<1x128xi32, #tpu.memory_space<vmem>> -> memref<128xi32, #tpu.memory_space<vmem>>
      %dma_start3A_301 = arith.constant 0 : i32
      %dma_start3A_302 = arith.constant 0 : i32
      %dma_start3A_303 = tpu.memref_slice %arg2[%dma_start3A_301, %dma_start3A_302] : memref<10112x32xf32, #tpu.memory_space<hbm>> -> memref<10112x32xf32, #tpu.memory_space<hbm>>
      %dma_start3A_304 = tpu.memref_slice %arg10[%dma_start3A_293] : memref<8x!tpu.dma_semaphore, #tpu.memory_space<semaphore_mem>> -> memref<1x!tpu.dma_semaphore, #tpu.memory_space<semaphore_mem>>
      %dma_start3A_305 = tpu.memref_squeeze %dma_start3A_304 : memref<1x!tpu.dma_semaphore, #tpu.memory_space<semaphore_mem>> -> memref<!tpu.dma_semaphore, #tpu.memory_space<semaphore_mem>>
      tpu.enqueue_indirect_dma source(%dma_start3A_303 : memref<10112x32xf32, #tpu.memory_space<hbm>>) target(%dma_start3A_297 : memref<128x32xf32, #tpu.memory_space<vmem>>) offsets(%dma_start3A_300 : memref<128xi32, #tpu.memory_space<vmem>>) semaphore(%dma_start3A_305 : memref<!tpu.dma_semaphore, #tpu.memory_space<semaphore_mem>>)
      %mul3A_306 = arith.constant 8 : i32
      %mul3A_307 = arith.muli %scan3A_270, %mul3A_306 : i32
      %add3A_308 = arith.constant 1 : i32
      %add3A_309 = arith.addi %mul3A_307, %add3A_308 : i32
      %dma_wait3A_310 = arith.constant 1 : i32
      %dma_wait3A_311 = arith.constant 1 : i32
      %dma_wait3A_312 = arith.constant 0 : i32
      %dma_wait3A_313 = arith.constant 0 : i32
      %dma_wait3A_314 = tpu.memref_slice %arg8[%dma_wait3A_310, %dma_wait3A_312, %dma_wait3A_313] : memref<8x128x32xf32, #tpu.memory_space<vmem>> -> memref<1x128x32xf32, #tpu.memory_space<vmem>>
      %dma_wait3A_315 = tpu.memref_squeeze %dma_wait3A_314 : memref<1x128x32xf32, #tpu.memory_space<vmem>> -> memref<128x32xf32, #tpu.memory_space<vmem>>
      %dma_wait3A_316 = arith.constant 0 : i32
      %dma_wait3A_317 = tpu.memref_slice %arg6[%add3A_309, %dma_wait3A_316] : memref<80x128xi32, #tpu.memory_space<vmem>> -> memref<1x128xi32, #tpu.memory_space<vmem>>
      %dma_wait3A_318 = tpu.memref_squeeze %dma_wait3A_317 : memref<1x128xi32, #tpu.memory_space<vmem>> -> memref<128xi32, #tpu.memory_space<vmem>>
      %dma_wait3A_319 = arith.constant 0 : i32
      %dma_wait3A_320 = arith.constant 0 : i32
      %dma_wait3A_321 = tpu.memref_slice %arg2[%dma_wait3A_319, %dma_wait3A_320] : memref<10112x32xf32, #tpu.memory_space<hbm>> -> memref<10112x32xf32, #tpu.memory_space<hbm>>
      %dma_wait3A_322 = tpu.memref_slice %arg10[%dma_wait3A_311] : memref<8x!tpu.dma_semaphore, #tpu.memory_space<semaphore_mem>> -> memref<1x!tpu.dma_semaphore, #tpu.memory_space<semaphore_mem>>
      %dma_wait3A_323 = tpu.memref_squeeze %dma_wait3A_322 : memref<1x!tpu.dma_semaphore, #tpu.memory_space<semaphore_mem>> -> memref<!tpu.dma_semaphore, #tpu.memory_space<semaphore_mem>>
      tpu.wait_indirect_dma semaphore(%dma_wait3A_323 : memref<!tpu.dma_semaphore, #tpu.memory_space<semaphore_mem>>) src(%dma_wait3A_321 : memref<10112x32xf32, #tpu.memory_space<hbm>>) dst(%dma_wait3A_315 : memref<128x32xf32, #tpu.memory_space<vmem>>)
      %run_scoped3A_324 = arith.constant 1 : i32
      "tpu.region"() ({
        %run_scoped3A_551 = tpu.sem_alloc : memref<!tpu.dma_semaphore, #tpu.memory_space<semaphore_mem>>
        %dma_start3A_552 = arith.constant 0 : i32
        %dma_start3A_553 = arith.constant 0 : i32
        %dma_start3A_554 = tpu.memref_slice %arg8[%run_scoped3A_324, %dma_start3A_552, %dma_start3A_553] : memref<8x128x32xf32, #tpu.memory_space<vmem>> -> memref<1x128x32xf32, #tpu.memory_space<vmem>>
        %dma_start3A_555 = tpu.memref_squeeze %dma_start3A_554 : memref<1x128x32xf32, #tpu.memory_space<vmem>> -> memref<128x32xf32, #tpu.memory_space<vmem>>
        %dma_start3A_556 = arith.constant 0 : i32
        %dma_start3A_557 = tpu.memref_slice %arg7[%add3A_309, %dma_start3A_556] : memref<80x128xi32, #tpu.memory_space<vmem>> -> memref<1x128xi32, #tpu.memory_space<vmem>>
        %dma_start3A_558 = tpu.memref_squeeze %dma_start3A_557 : memref<1x128xi32, #tpu.memory_space<vmem>> -> memref<128xi32, #tpu.memory_space<vmem>>
        %dma_start3A_559 = arith.constant 0 : i32
        %dma_start3A_560 = arith.constant 0 : i32
        %dma_start3A_561 = tpu.memref_slice %arg9[%dma_start3A_559, %dma_start3A_560] : memref<10112x32xf32, #tpu.memory_space<vmem_shared>> -> memref<10112x32xf32, #tpu.memory_space<vmem_shared>>
        tpu.enqueue_indirect_dma source(%dma_start3A_555 : memref<128x32xf32, #tpu.memory_space<vmem>>) target(%dma_start3A_561 : memref<10112x32xf32, #tpu.memory_space<vmem_shared>>) offsets(%dma_start3A_558 : memref<128xi32, #tpu.memory_space<vmem>>) semaphore(%run_scoped3A_551 : memref<!tpu.dma_semaphore, #tpu.memory_space<semaphore_mem>>) {add = true}
        %dma_wait3A_562 = arith.constant 0 : i32
        %dma_wait3A_563 = arith.constant 0 : i32
        %dma_wait3A_564 = tpu.memref_slice %arg8[%run_scoped3A_324, %dma_wait3A_562, %dma_wait3A_563] : memref<8x128x32xf32, #tpu.memory_space<vmem>> -> memref<1x128x32xf32, #tpu.memory_space<vmem>>
        %dma_wait3A_565 = tpu.memref_squeeze %dma_wait3A_564 : memref<1x128x32xf32, #tpu.memory_space<vmem>> -> memref<128x32xf32, #tpu.memory_space<vmem>>
        %dma_wait3A_566 = arith.constant 0 : i32
        %dma_wait3A_567 = tpu.memref_slice %arg7[%add3A_309, %dma_wait3A_566] : memref<80x128xi32, #tpu.memory_space<vmem>> -> memref<1x128xi32, #tpu.memory_space<vmem>>
        %dma_wait3A_568 = tpu.memref_squeeze %dma_wait3A_567 : memref<1x128xi32, #tpu.memory_space<vmem>> -> memref<128xi32, #tpu.memory_space<vmem>>
        %dma_wait3A_569 = arith.constant 0 : i32
        %dma_wait3A_570 = arith.constant 0 : i32
        %dma_wait3A_571 = tpu.memref_slice %arg9[%dma_wait3A_569, %dma_wait3A_570] : memref<10112x32xf32, #tpu.memory_space<vmem_shared>> -> memref<10112x32xf32, #tpu.memory_space<vmem_shared>>
        tpu.wait_indirect_dma semaphore(%run_scoped3A_551 : memref<!tpu.dma_semaphore, #tpu.memory_space<semaphore_mem>>) src(%dma_wait3A_565 : memref<128x32xf32, #tpu.memory_space<vmem>>) dst(%dma_wait3A_571 : memref<10112x32xf32, #tpu.memory_space<vmem_shared>>)
        tpu.yield
      }) : () -> ()
      %add3A_325 = arith.constant 8 : i32
      %add3A_326 = arith.addi %add3A_309, %add3A_325 : i32
      %dma_start3A_327 = arith.constant 1 : i32
      %dma_start3A_328 = arith.constant 1 : i32
      %dma_start3A_329 = arith.constant 0 : i32
      %dma_start3A_330 = arith.constant 0 : i32
      %dma_start3A_331 = tpu.memref_slice %arg8[%dma_start3A_327, %dma_start3A_329, %dma_start3A_330] : memref<8x128x32xf32, #tpu.memory_space<vmem>> -> memref<1x128x32xf32, #tpu.memory_space<vmem>>
      %dma_start3A_332 = tpu.memref_squeeze %dma_start3A_331 : memref<1x128x32xf32, #tpu.memory_space<vmem>> -> memref<128x32xf32, #tpu.memory_space<vmem>>
      %dma_start3A_333 = arith.constant 0 : i32
      %dma_start3A_334 = tpu.memref_slice %arg6[%add3A_326, %dma_start3A_333] : memref<80x128xi32, #tpu.memory_space<vmem>> -> memref<1x128xi32, #tpu.memory_space<vmem>>
      %dma_start3A_335 = tpu.memref_squeeze %dma_start3A_334 : memref<1x128xi32, #tpu.memory_space<vmem>> -> memref<128xi32, #tpu.memory_space<vmem>>
      %dma_start3A_336 = arith.constant 0 : i32
      %dma_start3A_337 = arith.constant 0 : i32
      %dma_start3A_338 = tpu.memref_slice %arg2[%dma_start3A_336, %dma_start3A_337] : memref<10112x32xf32, #tpu.memory_space<hbm>> -> memref<10112x32xf32, #tpu.memory_space<hbm>>
      %dma_start3A_339 = tpu.memref_slice %arg10[%dma_start3A_328] : memref<8x!tpu.dma_semaphore, #tpu.memory_space<semaphore_mem>> -> memref<1x!tpu.dma_semaphore, #tpu.memory_space<semaphore_mem>>
      %dma_start3A_340 = tpu.memref_squeeze %dma_start3A_339 : memref<1x!tpu.dma_semaphore, #tpu.memory_space<semaphore_mem>> -> memref<!tpu.dma_semaphore, #tpu.memory_space<semaphore_mem>>
      tpu.enqueue_indirect_dma source(%dma_start3A_338 : memref<10112x32xf32, #tpu.memory_space<hbm>>) target(%dma_start3A_332 : memref<128x32xf32, #tpu.memory_space<vmem>>) offsets(%dma_start3A_335 : memref<128xi32, #tpu.memory_space<vmem>>) semaphore(%dma_start3A_340 : memref<!tpu.dma_semaphore, #tpu.memory_space<semaphore_mem>>)
      %mul3A_341 = arith.constant 8 : i32
      %mul3A_342 = arith.muli %scan3A_270, %mul3A_341 : i32
      %add3A_343 = arith.constant 2 : i32
      %add3A_344 = arith.addi %mul3A_342, %add3A_343 : i32
      %dma_wait3A_345 = arith.constant 2 : i32
      %dma_wait3A_346 = arith.constant 2 : i32
      %dma_wait3A_347 = arith.constant 0 : i32
      %dma_wait3A_348 = arith.constant 0 : i32
      %dma_wait3A_349 = tpu.memref_slice %arg8[%dma_wait3A_345, %dma_wait3A_347, %dma_wait3A_348] : memref<8x128x32xf32, #tpu.memory_space<vmem>> -> memref<1x128x32xf32, #tpu.memory_space<vmem>>
      %dma_wait3A_350 = tpu.memref_squeeze %dma_wait3A_349 : memref<1x128x32xf32, #tpu.memory_space<vmem>> -> memref<128x32xf32, #tpu.memory_space<vmem>>
      %dma_wait3A_351 = arith.constant 0 : i32
      %dma_wait3A_352 = tpu.memref_slice %arg6[%add3A_344, %dma_wait3A_351] : memref<80x128xi32, #tpu.memory_space<vmem>> -> memref<1x128xi32, #tpu.memory_space<vmem>>
      %dma_wait3A_353 = tpu.memref_squeeze %dma_wait3A_352 : memref<1x128xi32, #tpu.memory_space<vmem>> -> memref<128xi32, #tpu.memory_space<vmem>>
      %dma_wait3A_354 = arith.constant 0 : i32
      %dma_wait3A_355 = arith.constant 0 : i32
      %dma_wait3A_356 = tpu.memref_slice %arg2[%dma_wait3A_354, %dma_wait3A_355] : memref<10112x32xf32, #tpu.memory_space<hbm>> -> memref<10112x32xf32, #tpu.memory_space<hbm>>
      %dma_wait3A_357 = tpu.memref_slice %arg10[%dma_wait3A_346] : memref<8x!tpu.dma_semaphore, #tpu.memory_space<semaphore_mem>> -> memref<1x!tpu.dma_semaphore, #tpu.memory_space<semaphore_mem>>
      %dma_wait3A_358 = tpu.memref_squeeze %dma_wait3A_357 : memref<1x!tpu.dma_semaphore, #tpu.memory_space<semaphore_mem>> -> memref<!tpu.dma_semaphore, #tpu.memory_space<semaphore_mem>>
      tpu.wait_indirect_dma semaphore(%dma_wait3A_358 : memref<!tpu.dma_semaphore, #tpu.memory_space<semaphore_mem>>) src(%dma_wait3A_356 : memref<10112x32xf32, #tpu.memory_space<hbm>>) dst(%dma_wait3A_350 : memref<128x32xf32, #tpu.memory_space<vmem>>)
      %run_scoped3A_359 = arith.constant 2 : i32
      "tpu.region"() ({
        %run_scoped3A_551 = tpu.sem_alloc : memref<!tpu.dma_semaphore, #tpu.memory_space<semaphore_mem>>
        %dma_start3A_552 = arith.constant 0 : i32
        %dma_start3A_553 = arith.constant 0 : i32
        %dma_start3A_554 = tpu.memref_slice %arg8[%run_scoped3A_359, %dma_start3A_552, %dma_start3A_553] : memref<8x128x32xf32, #tpu.memory_space<vmem>> -> memref<1x128x32xf32, #tpu.memory_space<vmem>>
        %dma_start3A_555 = tpu.memref_squeeze %dma_start3A_554 : memref<1x128x32xf32, #tpu.memory_space<vmem>> -> memref<128x32xf32, #tpu.memory_space<vmem>>
        %dma_start3A_556 = arith.constant 0 : i32
        %dma_start3A_557 = tpu.memref_slice %arg7[%add3A_344, %dma_start3A_556] : memref<80x128xi32, #tpu.memory_space<vmem>> -> memref<1x128xi32, #tpu.memory_space<vmem>>
        %dma_start3A_558 = tpu.memref_squeeze %dma_start3A_557 : memref<1x128xi32, #tpu.memory_space<vmem>> -> memref<128xi32, #tpu.memory_space<vmem>>
        %dma_start3A_559 = arith.constant 0 : i32
        %dma_start3A_560 = arith.constant 0 : i32
        %dma_start3A_561 = tpu.memref_slice %arg9[%dma_start3A_559, %dma_start3A_560] : memref<10112x32xf32, #tpu.memory_space<vmem_shared>> -> memref<10112x32xf32, #tpu.memory_space<vmem_shared>>
        tpu.enqueue_indirect_dma source(%dma_start3A_555 : memref<128x32xf32, #tpu.memory_space<vmem>>) target(%dma_start3A_561 : memref<10112x32xf32, #tpu.memory_space<vmem_shared>>) offsets(%dma_start3A_558 : memref<128xi32, #tpu.memory_space<vmem>>) semaphore(%run_scoped3A_551 : memref<!tpu.dma_semaphore, #tpu.memory_space<semaphore_mem>>) {add = true}
        %dma_wait3A_562 = arith.constant 0 : i32
        %dma_wait3A_563 = arith.constant 0 : i32
        %dma_wait3A_564 = tpu.memref_slice %arg8[%run_scoped3A_359, %dma_wait3A_562, %dma_wait3A_563] : memref<8x128x32xf32, #tpu.memory_space<vmem>> -> memref<1x128x32xf32, #tpu.memory_space<vmem>>
        %dma_wait3A_565 = tpu.memref_squeeze %dma_wait3A_564 : memref<1x128x32xf32, #tpu.memory_space<vmem>> -> memref<128x32xf32, #tpu.memory_space<vmem>>
        %dma_wait3A_566 = arith.constant 0 : i32
        %dma_wait3A_567 = tpu.memref_slice %arg7[%add3A_344, %dma_wait3A_566] : memref<80x128xi32, #tpu.memory_space<vmem>> -> memref<1x128xi32, #tpu.memory_space<vmem>>
        %dma_wait3A_568 = tpu.memref_squeeze %dma_wait3A_567 : memref<1x128xi32, #tpu.memory_space<vmem>> -> memref<128xi32, #tpu.memory_space<vmem>>
        %dma_wait3A_569 = arith.constant 0 : i32
        %dma_wait3A_570 = arith.constant 0 : i32
        %dma_wait3A_571 = tpu.memref_slice %arg9[%dma_wait3A_569, %dma_wait3A_570] : memref<10112x32xf32, #tpu.memory_space<vmem_shared>> -> memref<10112x32xf32, #tpu.memory_space<vmem_shared>>
        tpu.wait_indirect_dma semaphore(%run_scoped3A_551 : memref<!tpu.dma_semaphore, #tpu.memory_space<semaphore_mem>>) src(%dma_wait3A_565 : memref<128x32xf32, #tpu.memory_space<vmem>>) dst(%dma_wait3A_571 : memref<10112x32xf32, #tpu.memory_space<vmem_shared>>)
        tpu.yield
      }) : () -> ()
      %add3A_360 = arith.constant 8 : i32
      %add3A_361 = arith.addi %add3A_344, %add3A_360 : i32
      %dma_start3A_362 = arith.constant 2 : i32
      %dma_start3A_363 = arith.constant 2 : i32
      %dma_start3A_364 = arith.constant 0 : i32
      %dma_start3A_365 = arith.constant 0 : i32
      %dma_start3A_366 = tpu.memref_slice %arg8[%dma_start3A_362, %dma_start3A_364, %dma_start3A_365] : memref<8x128x32xf32, #tpu.memory_space<vmem>> -> memref<1x128x32xf32, #tpu.memory_space<vmem>>
      %dma_start3A_367 = tpu.memref_squeeze %dma_start3A_366 : memref<1x128x32xf32, #tpu.memory_space<vmem>> -> memref<128x32xf32, #tpu.memory_space<vmem>>
      %dma_start3A_368 = arith.constant 0 : i32
      %dma_start3A_369 = tpu.memref_slice %arg6[%add3A_361, %dma_start3A_368] : memref<80x128xi32, #tpu.memory_space<vmem>> -> memref<1x128xi32, #tpu.memory_space<vmem>>
      %dma_start3A_370 = tpu.memref_squeeze %dma_start3A_369 : memref<1x128xi32, #tpu.memory_space<vmem>> -> memref<128xi32, #tpu.memory_space<vmem>>
      %dma_start3A_371 = arith.constant 0 : i32
      %dma_start3A_372 = arith.constant 0 : i32
      %dma_start3A_373 = tpu.memref_slice %arg2[%dma_start3A_371, %dma_start3A_372] : memref<10112x32xf32, #tpu.memory_space<hbm>> -> memref<10112x32xf32, #tpu.memory_space<hbm>>
      %dma_start3A_374 = tpu.memref_slice %arg10[%dma_start3A_363] : memref<8x!tpu.dma_semaphore, #tpu.memory_space<semaphore_mem>> -> memref<1x!tpu.dma_semaphore, #tpu.memory_space<semaphore_mem>>
      %dma_start3A_375 = tpu.memref_squeeze %dma_start3A_374 : memref<1x!tpu.dma_semaphore, #tpu.memory_space<semaphore_mem>> -> memref<!tpu.dma_semaphore, #tpu.memory_space<semaphore_mem>>
      tpu.enqueue_indirect_dma source(%dma_start3A_373 : memref<10112x32xf32, #tpu.memory_space<hbm>>) target(%dma_start3A_367 : memref<128x32xf32, #tpu.memory_space<vmem>>) offsets(%dma_start3A_370 : memref<128xi32, #tpu.memory_space<vmem>>) semaphore(%dma_start3A_375 : memref<!tpu.dma_semaphore, #tpu.memory_space<semaphore_mem>>)
      %mul3A_376 = arith.constant 8 : i32
      %mul3A_377 = arith.muli %scan3A_270, %mul3A_376 : i32
      %add3A_378 = arith.constant 3 : i32
      %add3A_379 = arith.addi %mul3A_377, %add3A_378 : i32
      %dma_wait3A_380 = arith.constant 3 : i32
      %dma_wait3A_381 = arith.constant 3 : i32
      %dma_wait3A_382 = arith.constant 0 : i32
      %dma_wait3A_383 = arith.constant 0 : i32
      %dma_wait3A_384 = tpu.memref_slice %arg8[%dma_wait3A_380, %dma_wait3A_382, %dma_wait3A_383] : memref<8x128x32xf32, #tpu.memory_space<vmem>> -> memref<1x128x32xf32, #tpu.memory_space<vmem>>
      %dma_wait3A_385 = tpu.memref_squeeze %dma_wait3A_384 : memref<1x128x32xf32, #tpu.memory_space<vmem>> -> memref<128x32xf32, #tpu.memory_space<vmem>>
      %dma_wait3A_386 = arith.constant 0 : i32
      %dma_wait3A_387 = tpu.memref_slice %arg6[%add3A_379, %dma_wait3A_386] : memref<80x128xi32, #tpu.memory_space<vmem>> -> memref<1x128xi32, #tpu.memory_space<vmem>>
      %dma_wait3A_388 = tpu.memref_squeeze %dma_wait3A_387 : memref<1x128xi32, #tpu.memory_space<vmem>> -> memref<128xi32, #tpu.memory_space<vmem>>
      %dma_wait3A_389 = arith.constant 0 : i32
      %dma_wait3A_390 = arith.constant 0 : i32
      %dma_wait3A_391 = tpu.memref_slice %arg2[%dma_wait3A_389, %dma_wait3A_390] : memref<10112x32xf32, #tpu.memory_space<hbm>> -> memref<10112x32xf32, #tpu.memory_space<hbm>>
      %dma_wait3A_392 = tpu.memref_slice %arg10[%dma_wait3A_381] : memref<8x!tpu.dma_semaphore, #tpu.memory_space<semaphore_mem>> -> memref<1x!tpu.dma_semaphore, #tpu.memory_space<semaphore_mem>>
      %dma_wait3A_393 = tpu.memref_squeeze %dma_wait3A_392 : memref<1x!tpu.dma_semaphore, #tpu.memory_space<semaphore_mem>> -> memref<!tpu.dma_semaphore, #tpu.memory_space<semaphore_mem>>
      tpu.wait_indirect_dma semaphore(%dma_wait3A_393 : memref<!tpu.dma_semaphore, #tpu.memory_space<semaphore_mem>>) src(%dma_wait3A_391 : memref<10112x32xf32, #tpu.memory_space<hbm>>) dst(%dma_wait3A_385 : memref<128x32xf32, #tpu.memory_space<vmem>>)
      %run_scoped3A_394 = arith.constant 3 : i32
      "tpu.region"() ({
        %run_scoped3A_551 = tpu.sem_alloc : memref<!tpu.dma_semaphore, #tpu.memory_space<semaphore_mem>>
        %dma_start3A_552 = arith.constant 0 : i32
        %dma_start3A_553 = arith.constant 0 : i32
        %dma_start3A_554 = tpu.memref_slice %arg8[%run_scoped3A_394, %dma_start3A_552, %dma_start3A_553] : memref<8x128x32xf32, #tpu.memory_space<vmem>> -> memref<1x128x32xf32, #tpu.memory_space<vmem>>
        %dma_start3A_555 = tpu.memref_squeeze %dma_start3A_554 : memref<1x128x32xf32, #tpu.memory_space<vmem>> -> memref<128x32xf32, #tpu.memory_space<vmem>>
        %dma_start3A_556 = arith.constant 0 : i32
        %dma_start3A_557 = tpu.memref_slice %arg7[%add3A_379, %dma_start3A_556] : memref<80x128xi32, #tpu.memory_space<vmem>> -> memref<1x128xi32, #tpu.memory_space<vmem>>
        %dma_start3A_558 = tpu.memref_squeeze %dma_start3A_557 : memref<1x128xi32, #tpu.memory_space<vmem>> -> memref<128xi32, #tpu.memory_space<vmem>>
        %dma_start3A_559 = arith.constant 0 : i32
        %dma_start3A_560 = arith.constant 0 : i32
        %dma_start3A_561 = tpu.memref_slice %arg9[%dma_start3A_559, %dma_start3A_560] : memref<10112x32xf32, #tpu.memory_space<vmem_shared>> -> memref<10112x32xf32, #tpu.memory_space<vmem_shared>>
        tpu.enqueue_indirect_dma source(%dma_start3A_555 : memref<128x32xf32, #tpu.memory_space<vmem>>) target(%dma_start3A_561 : memref<10112x32xf32, #tpu.memory_space<vmem_shared>>) offsets(%dma_start3A_558 : memref<128xi32, #tpu.memory_space<vmem>>) semaphore(%run_scoped3A_551 : memref<!tpu.dma_semaphore, #tpu.memory_space<semaphore_mem>>) {add = true}
        %dma_wait3A_562 = arith.constant 0 : i32
        %dma_wait3A_563 = arith.constant 0 : i32
        %dma_wait3A_564 = tpu.memref_slice %arg8[%run_scoped3A_394, %dma_wait3A_562, %dma_wait3A_563] : memref<8x128x32xf32, #tpu.memory_space<vmem>> -> memref<1x128x32xf32, #tpu.memory_space<vmem>>
        %dma_wait3A_565 = tpu.memref_squeeze %dma_wait3A_564 : memref<1x128x32xf32, #tpu.memory_space<vmem>> -> memref<128x32xf32, #tpu.memory_space<vmem>>
        %dma_wait3A_566 = arith.constant 0 : i32
        %dma_wait3A_567 = tpu.memref_slice %arg7[%add3A_379, %dma_wait3A_566] : memref<80x128xi32, #tpu.memory_space<vmem>> -> memref<1x128xi32, #tpu.memory_space<vmem>>
        %dma_wait3A_568 = tpu.memref_squeeze %dma_wait3A_567 : memref<1x128xi32, #tpu.memory_space<vmem>> -> memref<128xi32, #tpu.memory_space<vmem>>
        %dma_wait3A_569 = arith.constant 0 : i32
        %dma_wait3A_570 = arith.constant 0 : i32
        %dma_wait3A_571 = tpu.memref_slice %arg9[%dma_wait3A_569, %dma_wait3A_570] : memref<10112x32xf32, #tpu.memory_space<vmem_shared>> -> memref<10112x32xf32, #tpu.memory_space<vmem_shared>>
        tpu.wait_indirect_dma semaphore(%run_scoped3A_551 : memref<!tpu.dma_semaphore, #tpu.memory_space<semaphore_mem>>) src(%dma_wait3A_565 : memref<128x32xf32, #tpu.memory_space<vmem>>) dst(%dma_wait3A_571 : memref<10112x32xf32, #tpu.memory_space<vmem_shared>>)
        tpu.yield
      }) : () -> ()
      %add3A_395 = arith.constant 8 : i32
      %add3A_396 = arith.addi %add3A_379, %add3A_395 : i32
      %dma_start3A_397 = arith.constant 3 : i32
      %dma_start3A_398 = arith.constant 3 : i32
      %dma_start3A_399 = arith.constant 0 : i32
      %dma_start3A_400 = arith.constant 0 : i32
      %dma_start3A_401 = tpu.memref_slice %arg8[%dma_start3A_397, %dma_start3A_399, %dma_start3A_400] : memref<8x128x32xf32, #tpu.memory_space<vmem>> -> memref<1x128x32xf32, #tpu.memory_space<vmem>>
      %dma_start3A_402 = tpu.memref_squeeze %dma_start3A_401 : memref<1x128x32xf32, #tpu.memory_space<vmem>> -> memref<128x32xf32, #tpu.memory_space<vmem>>
      %dma_start3A_403 = arith.constant 0 : i32
      %dma_start3A_404 = tpu.memref_slice %arg6[%add3A_396, %dma_start3A_403] : memref<80x128xi32, #tpu.memory_space<vmem>> -> memref<1x128xi32, #tpu.memory_space<vmem>>
      %dma_start3A_405 = tpu.memref_squeeze %dma_start3A_404 : memref<1x128xi32, #tpu.memory_space<vmem>> -> memref<128xi32, #tpu.memory_space<vmem>>
      %dma_start3A_406 = arith.constant 0 : i32
      %dma_start3A_407 = arith.constant 0 : i32
      %dma_start3A_408 = tpu.memref_slice %arg2[%dma_start3A_406, %dma_start3A_407] : memref<10112x32xf32, #tpu.memory_space<hbm>> -> memref<10112x32xf32, #tpu.memory_space<hbm>>
      %dma_start3A_409 = tpu.memref_slice %arg10[%dma_start3A_398] : memref<8x!tpu.dma_semaphore, #tpu.memory_space<semaphore_mem>> -> memref<1x!tpu.dma_semaphore, #tpu.memory_space<semaphore_mem>>
      %dma_start3A_410 = tpu.memref_squeeze %dma_start3A_409 : memref<1x!tpu.dma_semaphore, #tpu.memory_space<semaphore_mem>> -> memref<!tpu.dma_semaphore, #tpu.memory_space<semaphore_mem>>
      tpu.enqueue_indirect_dma source(%dma_start3A_408 : memref<10112x32xf32, #tpu.memory_space<hbm>>) target(%dma_start3A_402 : memref<128x32xf32, #tpu.memory_space<vmem>>) offsets(%dma_start3A_405 : memref<128xi32, #tpu.memory_space<vmem>>) semaphore(%dma_start3A_410 : memref<!tpu.dma_semaphore, #tpu.memory_space<semaphore_mem>>)
      %mul3A_411 = arith.constant 8 : i32
      %mul3A_412 = arith.muli %scan3A_270, %mul3A_411 : i32
      %add3A_413 = arith.constant 4 : i32
      %add3A_414 = arith.addi %mul3A_412, %add3A_413 : i32
      %dma_wait3A_415 = arith.constant 4 : i32
      %dma_wait3A_416 = arith.constant 4 : i32
      %dma_wait3A_417 = arith.constant 0 : i32
      %dma_wait3A_418 = arith.constant 0 : i32
      %dma_wait3A_419 = tpu.memref_slice %arg8[%dma_wait3A_415, %dma_wait3A_417, %dma_wait3A_418] : memref<8x128x32xf32, #tpu.memory_space<vmem>> -> memref<1x128x32xf32, #tpu.memory_space<vmem>>
      %dma_wait3A_420 = tpu.memref_squeeze %dma_wait3A_419 : memref<1x128x32xf32, #tpu.memory_space<vmem>> -> memref<128x32xf32, #tpu.memory_space<vmem>>
      %dma_wait3A_421 = arith.constant 0 : i32
      %dma_wait3A_422 = tpu.memref_slice %arg6[%add3A_414, %dma_wait3A_421] : memref<80x128xi32, #tpu.memory_space<vmem>> -> memref<1x128xi32, #tpu.memory_space<vmem>>
      %dma_wait3A_423 = tpu.memref_squeeze %dma_wait3A_422 : memref<1x128xi32, #tpu.memory_space<vmem>> -> memref<128xi32, #tpu.memory_space<vmem>>
      %dma_wait3A_424 = arith.constant 0 : i32
      %dma_wait3A_425 = arith.constant 0 : i32
      %dma_wait3A_426 = tpu.memref_slice %arg2[%dma_wait3A_424, %dma_wait3A_425] : memref<10112x32xf32, #tpu.memory_space<hbm>> -> memref<10112x32xf32, #tpu.memory_space<hbm>>
      %dma_wait3A_427 = tpu.memref_slice %arg10[%dma_wait3A_416] : memref<8x!tpu.dma_semaphore, #tpu.memory_space<semaphore_mem>> -> memref<1x!tpu.dma_semaphore, #tpu.memory_space<semaphore_mem>>
      %dma_wait3A_428 = tpu.memref_squeeze %dma_wait3A_427 : memref<1x!tpu.dma_semaphore, #tpu.memory_space<semaphore_mem>> -> memref<!tpu.dma_semaphore, #tpu.memory_space<semaphore_mem>>
      tpu.wait_indirect_dma semaphore(%dma_wait3A_428 : memref<!tpu.dma_semaphore, #tpu.memory_space<semaphore_mem>>) src(%dma_wait3A_426 : memref<10112x32xf32, #tpu.memory_space<hbm>>) dst(%dma_wait3A_420 : memref<128x32xf32, #tpu.memory_space<vmem>>)
      %run_scoped3A_429 = arith.constant 4 : i32
      "tpu.region"() ({
        %run_scoped3A_551 = tpu.sem_alloc : memref<!tpu.dma_semaphore, #tpu.memory_space<semaphore_mem>>
        %dma_start3A_552 = arith.constant 0 : i32
        %dma_start3A_553 = arith.constant 0 : i32
        %dma_start3A_554 = tpu.memref_slice %arg8[%run_scoped3A_429, %dma_start3A_552, %dma_start3A_553] : memref<8x128x32xf32, #tpu.memory_space<vmem>> -> memref<1x128x32xf32, #tpu.memory_space<vmem>>
        %dma_start3A_555 = tpu.memref_squeeze %dma_start3A_554 : memref<1x128x32xf32, #tpu.memory_space<vmem>> -> memref<128x32xf32, #tpu.memory_space<vmem>>
        %dma_start3A_556 = arith.constant 0 : i32
        %dma_start3A_557 = tpu.memref_slice %arg7[%add3A_414, %dma_start3A_556] : memref<80x128xi32, #tpu.memory_space<vmem>> -> memref<1x128xi32, #tpu.memory_space<vmem>>
        %dma_start3A_558 = tpu.memref_squeeze %dma_start3A_557 : memref<1x128xi32, #tpu.memory_space<vmem>> -> memref<128xi32, #tpu.memory_space<vmem>>
        %dma_start3A_559 = arith.constant 0 : i32
        %dma_start3A_560 = arith.constant 0 : i32
        %dma_start3A_561 = tpu.memref_slice %arg9[%dma_start3A_559, %dma_start3A_560] : memref<10112x32xf32, #tpu.memory_space<vmem_shared>> -> memref<10112x32xf32, #tpu.memory_space<vmem_shared>>
        tpu.enqueue_indirect_dma source(%dma_start3A_555 : memref<128x32xf32, #tpu.memory_space<vmem>>) target(%dma_start3A_561 : memref<10112x32xf32, #tpu.memory_space<vmem_shared>>) offsets(%dma_start3A_558 : memref<128xi32, #tpu.memory_space<vmem>>) semaphore(%run_scoped3A_551 : memref<!tpu.dma_semaphore, #tpu.memory_space<semaphore_mem>>) {add = true}
        %dma_wait3A_562 = arith.constant 0 : i32
        %dma_wait3A_563 = arith.constant 0 : i32
        %dma_wait3A_564 = tpu.memref_slice %arg8[%run_scoped3A_429, %dma_wait3A_562, %dma_wait3A_563] : memref<8x128x32xf32, #tpu.memory_space<vmem>> -> memref<1x128x32xf32, #tpu.memory_space<vmem>>
        %dma_wait3A_565 = tpu.memref_squeeze %dma_wait3A_564 : memref<1x128x32xf32, #tpu.memory_space<vmem>> -> memref<128x32xf32, #tpu.memory_space<vmem>>
        %dma_wait3A_566 = arith.constant 0 : i32
        %dma_wait3A_567 = tpu.memref_slice %arg7[%add3A_414, %dma_wait3A_566] : memref<80x128xi32, #tpu.memory_space<vmem>> -> memref<1x128xi32, #tpu.memory_space<vmem>>
        %dma_wait3A_568 = tpu.memref_squeeze %dma_wait3A_567 : memref<1x128xi32, #tpu.memory_space<vmem>> -> memref<128xi32, #tpu.memory_space<vmem>>
        %dma_wait3A_569 = arith.constant 0 : i32
        %dma_wait3A_570 = arith.constant 0 : i32
        %dma_wait3A_571 = tpu.memref_slice %arg9[%dma_wait3A_569, %dma_wait3A_570] : memref<10112x32xf32, #tpu.memory_space<vmem_shared>> -> memref<10112x32xf32, #tpu.memory_space<vmem_shared>>
        tpu.wait_indirect_dma semaphore(%run_scoped3A_551 : memref<!tpu.dma_semaphore, #tpu.memory_space<semaphore_mem>>) src(%dma_wait3A_565 : memref<128x32xf32, #tpu.memory_space<vmem>>) dst(%dma_wait3A_571 : memref<10112x32xf32, #tpu.memory_space<vmem_shared>>)
        tpu.yield
      }) : () -> ()
      %add3A_430 = arith.constant 8 : i32
      %add3A_431 = arith.addi %add3A_414, %add3A_430 : i32
      %dma_start3A_432 = arith.constant 4 : i32
      %dma_start3A_433 = arith.constant 4 : i32
      %dma_start3A_434 = arith.constant 0 : i32
      %dma_start3A_435 = arith.constant 0 : i32
      %dma_start3A_436 = tpu.memref_slice %arg8[%dma_start3A_432, %dma_start3A_434, %dma_start3A_435] : memref<8x128x32xf32, #tpu.memory_space<vmem>> -> memref<1x128x32xf32, #tpu.memory_space<vmem>>
      %dma_start3A_437 = tpu.memref_squeeze %dma_start3A_436 : memref<1x128x32xf32, #tpu.memory_space<vmem>> -> memref<128x32xf32, #tpu.memory_space<vmem>>
      %dma_start3A_438 = arith.constant 0 : i32
      %dma_start3A_439 = tpu.memref_slice %arg6[%add3A_431, %dma_start3A_438] : memref<80x128xi32, #tpu.memory_space<vmem>> -> memref<1x128xi32, #tpu.memory_space<vmem>>
      %dma_start3A_440 = tpu.memref_squeeze %dma_start3A_439 : memref<1x128xi32, #tpu.memory_space<vmem>> -> memref<128xi32, #tpu.memory_space<vmem>>
      %dma_start3A_441 = arith.constant 0 : i32
      %dma_start3A_442 = arith.constant 0 : i32
      %dma_start3A_443 = tpu.memref_slice %arg2[%dma_start3A_441, %dma_start3A_442] : memref<10112x32xf32, #tpu.memory_space<hbm>> -> memref<10112x32xf32, #tpu.memory_space<hbm>>
      %dma_start3A_444 = tpu.memref_slice %arg10[%dma_start3A_433] : memref<8x!tpu.dma_semaphore, #tpu.memory_space<semaphore_mem>> -> memref<1x!tpu.dma_semaphore, #tpu.memory_space<semaphore_mem>>
      %dma_start3A_445 = tpu.memref_squeeze %dma_start3A_444 : memref<1x!tpu.dma_semaphore, #tpu.memory_space<semaphore_mem>> -> memref<!tpu.dma_semaphore, #tpu.memory_space<semaphore_mem>>
      tpu.enqueue_indirect_dma source(%dma_start3A_443 : memref<10112x32xf32, #tpu.memory_space<hbm>>) target(%dma_start3A_437 : memref<128x32xf32, #tpu.memory_space<vmem>>) offsets(%dma_start3A_440 : memref<128xi32, #tpu.memory_space<vmem>>) semaphore(%dma_start3A_445 : memref<!tpu.dma_semaphore, #tpu.memory_space<semaphore_mem>>)
      %mul3A_446 = arith.constant 8 : i32
      %mul3A_447 = arith.muli %scan3A_270, %mul3A_446 : i32
      %add3A_448 = arith.constant 5 : i32
      %add3A_449 = arith.addi %mul3A_447, %add3A_448 : i32
      %dma_wait3A_450 = arith.constant 5 : i32
      %dma_wait3A_451 = arith.constant 5 : i32
      %dma_wait3A_452 = arith.constant 0 : i32
      %dma_wait3A_453 = arith.constant 0 : i32
      %dma_wait3A_454 = tpu.memref_slice %arg8[%dma_wait3A_450, %dma_wait3A_452, %dma_wait3A_453] : memref<8x128x32xf32, #tpu.memory_space<vmem>> -> memref<1x128x32xf32, #tpu.memory_space<vmem>>
      %dma_wait3A_455 = tpu.memref_squeeze %dma_wait3A_454 : memref<1x128x32xf32, #tpu.memory_space<vmem>> -> memref<128x32xf32, #tpu.memory_space<vmem>>
      %dma_wait3A_456 = arith.constant 0 : i32
      %dma_wait3A_457 = tpu.memref_slice %arg6[%add3A_449, %dma_wait3A_456] : memref<80x128xi32, #tpu.memory_space<vmem>> -> memref<1x128xi32, #tpu.memory_space<vmem>>
      %dma_wait3A_458 = tpu.memref_squeeze %dma_wait3A_457 : memref<1x128xi32, #tpu.memory_space<vmem>> -> memref<128xi32, #tpu.memory_space<vmem>>
      %dma_wait3A_459 = arith.constant 0 : i32
      %dma_wait3A_460 = arith.constant 0 : i32
      %dma_wait3A_461 = tpu.memref_slice %arg2[%dma_wait3A_459, %dma_wait3A_460] : memref<10112x32xf32, #tpu.memory_space<hbm>> -> memref<10112x32xf32, #tpu.memory_space<hbm>>
      %dma_wait3A_462 = tpu.memref_slice %arg10[%dma_wait3A_451] : memref<8x!tpu.dma_semaphore, #tpu.memory_space<semaphore_mem>> -> memref<1x!tpu.dma_semaphore, #tpu.memory_space<semaphore_mem>>
      %dma_wait3A_463 = tpu.memref_squeeze %dma_wait3A_462 : memref<1x!tpu.dma_semaphore, #tpu.memory_space<semaphore_mem>> -> memref<!tpu.dma_semaphore, #tpu.memory_space<semaphore_mem>>
      tpu.wait_indirect_dma semaphore(%dma_wait3A_463 : memref<!tpu.dma_semaphore, #tpu.memory_space<semaphore_mem>>) src(%dma_wait3A_461 : memref<10112x32xf32, #tpu.memory_space<hbm>>) dst(%dma_wait3A_455 : memref<128x32xf32, #tpu.memory_space<vmem>>)
      %run_scoped3A_464 = arith.constant 5 : i32
      "tpu.region"() ({
        %run_scoped3A_551 = tpu.sem_alloc : memref<!tpu.dma_semaphore, #tpu.memory_space<semaphore_mem>>
        %dma_start3A_552 = arith.constant 0 : i32
        %dma_start3A_553 = arith.constant 0 : i32
        %dma_start3A_554 = tpu.memref_slice %arg8[%run_scoped3A_464, %dma_start3A_552, %dma_start3A_553] : memref<8x128x32xf32, #tpu.memory_space<vmem>> -> memref<1x128x32xf32, #tpu.memory_space<vmem>>
        %dma_start3A_555 = tpu.memref_squeeze %dma_start3A_554 : memref<1x128x32xf32, #tpu.memory_space<vmem>> -> memref<128x32xf32, #tpu.memory_space<vmem>>
        %dma_start3A_556 = arith.constant 0 : i32
        %dma_start3A_557 = tpu.memref_slice %arg7[%add3A_449, %dma_start3A_556] : memref<80x128xi32, #tpu.memory_space<vmem>> -> memref<1x128xi32, #tpu.memory_space<vmem>>
        %dma_start3A_558 = tpu.memref_squeeze %dma_start3A_557 : memref<1x128xi32, #tpu.memory_space<vmem>> -> memref<128xi32, #tpu.memory_space<vmem>>
        %dma_start3A_559 = arith.constant 0 : i32
        %dma_start3A_560 = arith.constant 0 : i32
        %dma_start3A_561 = tpu.memref_slice %arg9[%dma_start3A_559, %dma_start3A_560] : memref<10112x32xf32, #tpu.memory_space<vmem_shared>> -> memref<10112x32xf32, #tpu.memory_space<vmem_shared>>
        tpu.enqueue_indirect_dma source(%dma_start3A_555 : memref<128x32xf32, #tpu.memory_space<vmem>>) target(%dma_start3A_561 : memref<10112x32xf32, #tpu.memory_space<vmem_shared>>) offsets(%dma_start3A_558 : memref<128xi32, #tpu.memory_space<vmem>>) semaphore(%run_scoped3A_551 : memref<!tpu.dma_semaphore, #tpu.memory_space<semaphore_mem>>) {add = true}
        %dma_wait3A_562 = arith.constant 0 : i32
        %dma_wait3A_563 = arith.constant 0 : i32
        %dma_wait3A_564 = tpu.memref_slice %arg8[%run_scoped3A_464, %dma_wait3A_562, %dma_wait3A_563] : memref<8x128x32xf32, #tpu.memory_space<vmem>> -> memref<1x128x32xf32, #tpu.memory_space<vmem>>
        %dma_wait3A_565 = tpu.memref_squeeze %dma_wait3A_564 : memref<1x128x32xf32, #tpu.memory_space<vmem>> -> memref<128x32xf32, #tpu.memory_space<vmem>>
        %dma_wait3A_566 = arith.constant 0 : i32
        %dma_wait3A_567 = tpu.memref_slice %arg7[%add3A_449, %dma_wait3A_566] : memref<80x128xi32, #tpu.memory_space<vmem>> -> memref<1x128xi32, #tpu.memory_space<vmem>>
        %dma_wait3A_568 = tpu.memref_squeeze %dma_wait3A_567 : memref<1x128xi32, #tpu.memory_space<vmem>> -> memref<128xi32, #tpu.memory_space<vmem>>
        %dma_wait3A_569 = arith.constant 0 : i32
        %dma_wait3A_570 = arith.constant 0 : i32
        %dma_wait3A_571 = tpu.memref_slice %arg9[%dma_wait3A_569, %dma_wait3A_570] : memref<10112x32xf32, #tpu.memory_space<vmem_shared>> -> memref<10112x32xf32, #tpu.memory_space<vmem_shared>>
        tpu.wait_indirect_dma semaphore(%run_scoped3A_551 : memref<!tpu.dma_semaphore, #tpu.memory_space<semaphore_mem>>) src(%dma_wait3A_565 : memref<128x32xf32, #tpu.memory_space<vmem>>) dst(%dma_wait3A_571 : memref<10112x32xf32, #tpu.memory_space<vmem_shared>>)
        tpu.yield
      }) : () -> ()
      %add3A_465 = arith.constant 8 : i32
      %add3A_466 = arith.addi %add3A_449, %add3A_465 : i32
      %dma_start3A_467 = arith.constant 5 : i32
      %dma_start3A_468 = arith.constant 5 : i32
      %dma_start3A_469 = arith.constant 0 : i32
      %dma_start3A_470 = arith.constant 0 : i32
      %dma_start3A_471 = tpu.memref_slice %arg8[%dma_start3A_467, %dma_start3A_469, %dma_start3A_470] : memref<8x128x32xf32, #tpu.memory_space<vmem>> -> memref<1x128x32xf32, #tpu.memory_space<vmem>>
      %dma_start3A_472 = tpu.memref_squeeze %dma_start3A_471 : memref<1x128x32xf32, #tpu.memory_space<vmem>> -> memref<128x32xf32, #tpu.memory_space<vmem>>
      %dma_start3A_473 = arith.constant 0 : i32
      %dma_start3A_474 = tpu.memref_slice %arg6[%add3A_466, %dma_start3A_473] : memref<80x128xi32, #tpu.memory_space<vmem>> -> memref<1x128xi32, #tpu.memory_space<vmem>>
      %dma_start3A_475 = tpu.memref_squeeze %dma_start3A_474 : memref<1x128xi32, #tpu.memory_space<vmem>> -> memref<128xi32, #tpu.memory_space<vmem>>
      %dma_start3A_476 = arith.constant 0 : i32
      %dma_start3A_477 = arith.constant 0 : i32
      %dma_start3A_478 = tpu.memref_slice %arg2[%dma_start3A_476, %dma_start3A_477] : memref<10112x32xf32, #tpu.memory_space<hbm>> -> memref<10112x32xf32, #tpu.memory_space<hbm>>
      %dma_start3A_479 = tpu.memref_slice %arg10[%dma_start3A_468] : memref<8x!tpu.dma_semaphore, #tpu.memory_space<semaphore_mem>> -> memref<1x!tpu.dma_semaphore, #tpu.memory_space<semaphore_mem>>
      %dma_start3A_480 = tpu.memref_squeeze %dma_start3A_479 : memref<1x!tpu.dma_semaphore, #tpu.memory_space<semaphore_mem>> -> memref<!tpu.dma_semaphore, #tpu.memory_space<semaphore_mem>>
      tpu.enqueue_indirect_dma source(%dma_start3A_478 : memref<10112x32xf32, #tpu.memory_space<hbm>>) target(%dma_start3A_472 : memref<128x32xf32, #tpu.memory_space<vmem>>) offsets(%dma_start3A_475 : memref<128xi32, #tpu.memory_space<vmem>>) semaphore(%dma_start3A_480 : memref<!tpu.dma_semaphore, #tpu.memory_space<semaphore_mem>>)
      %mul3A_481 = arith.constant 8 : i32
      %mul3A_482 = arith.muli %scan3A_270, %mul3A_481 : i32
      %add3A_483 = arith.constant 6 : i32
      %add3A_484 = arith.addi %mul3A_482, %add3A_483 : i32
      %dma_wait3A_485 = arith.constant 6 : i32
      %dma_wait3A_486 = arith.constant 6 : i32
      %dma_wait3A_487 = arith.constant 0 : i32
      %dma_wait3A_488 = arith.constant 0 : i32
      %dma_wait3A_489 = tpu.memref_slice %arg8[%dma_wait3A_485, %dma_wait3A_487, %dma_wait3A_488] : memref<8x128x32xf32, #tpu.memory_space<vmem>> -> memref<1x128x32xf32, #tpu.memory_space<vmem>>
      %dma_wait3A_490 = tpu.memref_squeeze %dma_wait3A_489 : memref<1x128x32xf32, #tpu.memory_space<vmem>> -> memref<128x32xf32, #tpu.memory_space<vmem>>
      %dma_wait3A_491 = arith.constant 0 : i32
      %dma_wait3A_492 = tpu.memref_slice %arg6[%add3A_484, %dma_wait3A_491] : memref<80x128xi32, #tpu.memory_space<vmem>> -> memref<1x128xi32, #tpu.memory_space<vmem>>
      %dma_wait3A_493 = tpu.memref_squeeze %dma_wait3A_492 : memref<1x128xi32, #tpu.memory_space<vmem>> -> memref<128xi32, #tpu.memory_space<vmem>>
      %dma_wait3A_494 = arith.constant 0 : i32
      %dma_wait3A_495 = arith.constant 0 : i32
      %dma_wait3A_496 = tpu.memref_slice %arg2[%dma_wait3A_494, %dma_wait3A_495] : memref<10112x32xf32, #tpu.memory_space<hbm>> -> memref<10112x32xf32, #tpu.memory_space<hbm>>
      %dma_wait3A_497 = tpu.memref_slice %arg10[%dma_wait3A_486] : memref<8x!tpu.dma_semaphore, #tpu.memory_space<semaphore_mem>> -> memref<1x!tpu.dma_semaphore, #tpu.memory_space<semaphore_mem>>
      %dma_wait3A_498 = tpu.memref_squeeze %dma_wait3A_497 : memref<1x!tpu.dma_semaphore, #tpu.memory_space<semaphore_mem>> -> memref<!tpu.dma_semaphore, #tpu.memory_space<semaphore_mem>>
      tpu.wait_indirect_dma semaphore(%dma_wait3A_498 : memref<!tpu.dma_semaphore, #tpu.memory_space<semaphore_mem>>) src(%dma_wait3A_496 : memref<10112x32xf32, #tpu.memory_space<hbm>>) dst(%dma_wait3A_490 : memref<128x32xf32, #tpu.memory_space<vmem>>)
      %run_scoped3A_499 = arith.constant 6 : i32
      "tpu.region"() ({
        %run_scoped3A_551 = tpu.sem_alloc : memref<!tpu.dma_semaphore, #tpu.memory_space<semaphore_mem>>
        %dma_start3A_552 = arith.constant 0 : i32
        %dma_start3A_553 = arith.constant 0 : i32
        %dma_start3A_554 = tpu.memref_slice %arg8[%run_scoped3A_499, %dma_start3A_552, %dma_start3A_553] : memref<8x128x32xf32, #tpu.memory_space<vmem>> -> memref<1x128x32xf32, #tpu.memory_space<vmem>>
        %dma_start3A_555 = tpu.memref_squeeze %dma_start3A_554 : memref<1x128x32xf32, #tpu.memory_space<vmem>> -> memref<128x32xf32, #tpu.memory_space<vmem>>
        %dma_start3A_556 = arith.constant 0 : i32
        %dma_start3A_557 = tpu.memref_slice %arg7[%add3A_484, %dma_start3A_556] : memref<80x128xi32, #tpu.memory_space<vmem>> -> memref<1x128xi32, #tpu.memory_space<vmem>>
        %dma_start3A_558 = tpu.memref_squeeze %dma_start3A_557 : memref<1x128xi32, #tpu.memory_space<vmem>> -> memref<128xi32, #tpu.memory_space<vmem>>
        %dma_start3A_559 = arith.constant 0 : i32
        %dma_start3A_560 = arith.constant 0 : i32
        %dma_start3A_561 = tpu.memref_slice %arg9[%dma_start3A_559, %dma_start3A_560] : memref<10112x32xf32, #tpu.memory_space<vmem_shared>> -> memref<10112x32xf32, #tpu.memory_space<vmem_shared>>
        tpu.enqueue_indirect_dma source(%dma_start3A_555 : memref<128x32xf32, #tpu.memory_space<vmem>>) target(%dma_start3A_561 : memref<10112x32xf32, #tpu.memory_space<vmem_shared>>) offsets(%dma_start3A_558 : memref<128xi32, #tpu.memory_space<vmem>>) semaphore(%run_scoped3A_551 : memref<!tpu.dma_semaphore, #tpu.memory_space<semaphore_mem>>) {add = true}
        %dma_wait3A_562 = arith.constant 0 : i32
        %dma_wait3A_563 = arith.constant 0 : i32
        %dma_wait3A_564 = tpu.memref_slice %arg8[%run_scoped3A_499, %dma_wait3A_562, %dma_wait3A_563] : memref<8x128x32xf32, #tpu.memory_space<vmem>> -> memref<1x128x32xf32, #tpu.memory_space<vmem>>
        %dma_wait3A_565 = tpu.memref_squeeze %dma_wait3A_564 : memref<1x128x32xf32, #tpu.memory_space<vmem>> -> memref<128x32xf32, #tpu.memory_space<vmem>>
        %dma_wait3A_566 = arith.constant 0 : i32
        %dma_wait3A_567 = tpu.memref_slice %arg7[%add3A_484, %dma_wait3A_566] : memref<80x128xi32, #tpu.memory_space<vmem>> -> memref<1x128xi32, #tpu.memory_space<vmem>>
        %dma_wait3A_568 = tpu.memref_squeeze %dma_wait3A_567 : memref<1x128xi32, #tpu.memory_space<vmem>> -> memref<128xi32, #tpu.memory_space<vmem>>
        %dma_wait3A_569 = arith.constant 0 : i32
        %dma_wait3A_570 = arith.constant 0 : i32
        %dma_wait3A_571 = tpu.memref_slice %arg9[%dma_wait3A_569, %dma_wait3A_570] : memref<10112x32xf32, #tpu.memory_space<vmem_shared>> -> memref<10112x32xf32, #tpu.memory_space<vmem_shared>>
        tpu.wait_indirect_dma semaphore(%run_scoped3A_551 : memref<!tpu.dma_semaphore, #tpu.memory_space<semaphore_mem>>) src(%dma_wait3A_565 : memref<128x32xf32, #tpu.memory_space<vmem>>) dst(%dma_wait3A_571 : memref<10112x32xf32, #tpu.memory_space<vmem_shared>>)
        tpu.yield
      }) : () -> ()
      %add3A_500 = arith.constant 8 : i32
      %add3A_501 = arith.addi %add3A_484, %add3A_500 : i32
      %dma_start3A_502 = arith.constant 6 : i32
      %dma_start3A_503 = arith.constant 6 : i32
      %dma_start3A_504 = arith.constant 0 : i32
      %dma_start3A_505 = arith.constant 0 : i32
      %dma_start3A_506 = tpu.memref_slice %arg8[%dma_start3A_502, %dma_start3A_504, %dma_start3A_505] : memref<8x128x32xf32, #tpu.memory_space<vmem>> -> memref<1x128x32xf32, #tpu.memory_space<vmem>>
      %dma_start3A_507 = tpu.memref_squeeze %dma_start3A_506 : memref<1x128x32xf32, #tpu.memory_space<vmem>> -> memref<128x32xf32, #tpu.memory_space<vmem>>
      %dma_start3A_508 = arith.constant 0 : i32
      %dma_start3A_509 = tpu.memref_slice %arg6[%add3A_501, %dma_start3A_508] : memref<80x128xi32, #tpu.memory_space<vmem>> -> memref<1x128xi32, #tpu.memory_space<vmem>>
      %dma_start3A_510 = tpu.memref_squeeze %dma_start3A_509 : memref<1x128xi32, #tpu.memory_space<vmem>> -> memref<128xi32, #tpu.memory_space<vmem>>
      %dma_start3A_511 = arith.constant 0 : i32
      %dma_start3A_512 = arith.constant 0 : i32
      %dma_start3A_513 = tpu.memref_slice %arg2[%dma_start3A_511, %dma_start3A_512] : memref<10112x32xf32, #tpu.memory_space<hbm>> -> memref<10112x32xf32, #tpu.memory_space<hbm>>
      %dma_start3A_514 = tpu.memref_slice %arg10[%dma_start3A_503] : memref<8x!tpu.dma_semaphore, #tpu.memory_space<semaphore_mem>> -> memref<1x!tpu.dma_semaphore, #tpu.memory_space<semaphore_mem>>
      %dma_start3A_515 = tpu.memref_squeeze %dma_start3A_514 : memref<1x!tpu.dma_semaphore, #tpu.memory_space<semaphore_mem>> -> memref<!tpu.dma_semaphore, #tpu.memory_space<semaphore_mem>>
      tpu.enqueue_indirect_dma source(%dma_start3A_513 : memref<10112x32xf32, #tpu.memory_space<hbm>>) target(%dma_start3A_507 : memref<128x32xf32, #tpu.memory_space<vmem>>) offsets(%dma_start3A_510 : memref<128xi32, #tpu.memory_space<vmem>>) semaphore(%dma_start3A_515 : memref<!tpu.dma_semaphore, #tpu.memory_space<semaphore_mem>>)
      %mul3A_516 = arith.constant 8 : i32
      %mul3A_517 = arith.muli %scan3A_270, %mul3A_516 : i32
      %add3A_518 = arith.constant 7 : i32
      %add3A_519 = arith.addi %mul3A_517, %add3A_518 : i32
      %dma_wait3A_520 = arith.constant 7 : i32
      %dma_wait3A_521 = arith.constant 7 : i32
      %dma_wait3A_522 = arith.constant 0 : i32
      %dma_wait3A_523 = arith.constant 0 : i32
      %dma_wait3A_524 = tpu.memref_slice %arg8[%dma_wait3A_520, %dma_wait3A_522, %dma_wait3A_523] : memref<8x128x32xf32, #tpu.memory_space<vmem>> -> memref<1x128x32xf32, #tpu.memory_space<vmem>>
      %dma_wait3A_525 = tpu.memref_squeeze %dma_wait3A_524 : memref<1x128x32xf32, #tpu.memory_space<vmem>> -> memref<128x32xf32, #tpu.memory_space<vmem>>
      %dma_wait3A_526 = arith.constant 0 : i32
      %dma_wait3A_527 = tpu.memref_slice %arg6[%add3A_519, %dma_wait3A_526] : memref<80x128xi32, #tpu.memory_space<vmem>> -> memref<1x128xi32, #tpu.memory_space<vmem>>
      %dma_wait3A_528 = tpu.memref_squeeze %dma_wait3A_527 : memref<1x128xi32, #tpu.memory_space<vmem>> -> memref<128xi32, #tpu.memory_space<vmem>>
      %dma_wait3A_529 = arith.constant 0 : i32
      %dma_wait3A_530 = arith.constant 0 : i32
      %dma_wait3A_531 = tpu.memref_slice %arg2[%dma_wait3A_529, %dma_wait3A_530] : memref<10112x32xf32, #tpu.memory_space<hbm>> -> memref<10112x32xf32, #tpu.memory_space<hbm>>
      %dma_wait3A_532 = tpu.memref_slice %arg10[%dma_wait3A_521] : memref<8x!tpu.dma_semaphore, #tpu.memory_space<semaphore_mem>> -> memref<1x!tpu.dma_semaphore, #tpu.memory_space<semaphore_mem>>
      %dma_wait3A_533 = tpu.memref_squeeze %dma_wait3A_532 : memref<1x!tpu.dma_semaphore, #tpu.memory_space<semaphore_mem>> -> memref<!tpu.dma_semaphore, #tpu.memory_space<semaphore_mem>>
      tpu.wait_indirect_dma semaphore(%dma_wait3A_533 : memref<!tpu.dma_semaphore, #tpu.memory_space<semaphore_mem>>) src(%dma_wait3A_531 : memref<10112x32xf32, #tpu.memory_space<hbm>>) dst(%dma_wait3A_525 : memref<128x32xf32, #tpu.memory_space<vmem>>)
      %run_scoped3A_534 = arith.constant 7 : i32
      "tpu.region"() ({
        %run_scoped3A_551 = tpu.sem_alloc : memref<!tpu.dma_semaphore, #tpu.memory_space<semaphore_mem>>
        %dma_start3A_552 = arith.constant 0 : i32
        %dma_start3A_553 = arith.constant 0 : i32
        %dma_start3A_554 = tpu.memref_slice %arg8[%run_scoped3A_534, %dma_start3A_552, %dma_start3A_553] : memref<8x128x32xf32, #tpu.memory_space<vmem>> -> memref<1x128x32xf32, #tpu.memory_space<vmem>>
        %dma_start3A_555 = tpu.memref_squeeze %dma_start3A_554 : memref<1x128x32xf32, #tpu.memory_space<vmem>> -> memref<128x32xf32, #tpu.memory_space<vmem>>
        %dma_start3A_556 = arith.constant 0 : i32
        %dma_start3A_557 = tpu.memref_slice %arg7[%add3A_519, %dma_start3A_556] : memref<80x128xi32, #tpu.memory_space<vmem>> -> memref<1x128xi32, #tpu.memory_space<vmem>>
        %dma_start3A_558 = tpu.memref_squeeze %dma_start3A_557 : memref<1x128xi32, #tpu.memory_space<vmem>> -> memref<128xi32, #tpu.memory_space<vmem>>
        %dma_start3A_559 = arith.constant 0 : i32
        %dma_start3A_560 = arith.constant 0 : i32
        %dma_start3A_561 = tpu.memref_slice %arg9[%dma_start3A_559, %dma_start3A_560] : memref<10112x32xf32, #tpu.memory_space<vmem_shared>> -> memref<10112x32xf32, #tpu.memory_space<vmem_shared>>
        tpu.enqueue_indirect_dma source(%dma_start3A_555 : memref<128x32xf32, #tpu.memory_space<vmem>>) target(%dma_start3A_561 : memref<10112x32xf32, #tpu.memory_space<vmem_shared>>) offsets(%dma_start3A_558 : memref<128xi32, #tpu.memory_space<vmem>>) semaphore(%run_scoped3A_551 : memref<!tpu.dma_semaphore, #tpu.memory_space<semaphore_mem>>) {add = true}
        %dma_wait3A_562 = arith.constant 0 : i32
        %dma_wait3A_563 = arith.constant 0 : i32
        %dma_wait3A_564 = tpu.memref_slice %arg8[%run_scoped3A_534, %dma_wait3A_562, %dma_wait3A_563] : memref<8x128x32xf32, #tpu.memory_space<vmem>> -> memref<1x128x32xf32, #tpu.memory_space<vmem>>
        %dma_wait3A_565 = tpu.memref_squeeze %dma_wait3A_564 : memref<1x128x32xf32, #tpu.memory_space<vmem>> -> memref<128x32xf32, #tpu.memory_space<vmem>>
        %dma_wait3A_566 = arith.constant 0 : i32
        %dma_wait3A_567 = tpu.memref_slice %arg7[%add3A_519, %dma_wait3A_566] : memref<80x128xi32, #tpu.memory_space<vmem>> -> memref<1x128xi32, #tpu.memory_space<vmem>>
        %dma_wait3A_568 = tpu.memref_squeeze %dma_wait3A_567 : memref<1x128xi32, #tpu.memory_space<vmem>> -> memref<128xi32, #tpu.memory_space<vmem>>
        %dma_wait3A_569 = arith.constant 0 : i32
        %dma_wait3A_570 = arith.constant 0 : i32
        %dma_wait3A_571 = tpu.memref_slice %arg9[%dma_wait3A_569, %dma_wait3A_570] : memref<10112x32xf32, #tpu.memory_space<vmem_shared>> -> memref<10112x32xf32, #tpu.memory_space<vmem_shared>>
        tpu.wait_indirect_dma semaphore(%run_scoped3A_551 : memref<!tpu.dma_semaphore, #tpu.memory_space<semaphore_mem>>) src(%dma_wait3A_565 : memref<128x32xf32, #tpu.memory_space<vmem>>) dst(%dma_wait3A_571 : memref<10112x32xf32, #tpu.memory_space<vmem_shared>>)
        tpu.yield
      }) : () -> ()
      %add3A_535 = arith.constant 8 : i32
      %add3A_536 = arith.addi %add3A_519, %add3A_535 : i32
      %dma_start3A_537 = arith.constant 7 : i32
      %dma_start3A_538 = arith.constant 7 : i32
      %dma_start3A_539 = arith.constant 0 : i32
      %dma_start3A_540 = arith.constant 0 : i32
      %dma_start3A_541 = tpu.memref_slice %arg8[%dma_start3A_537, %dma_start3A_539, %dma_start3A_540] : memref<8x128x32xf32, #tpu.memory_space<vmem>> -> memref<1x128x32xf32, #tpu.memory_space<vmem>>
      %dma_start3A_542 = tpu.memref_squeeze %dma_start3A_541 : memref<1x128x32xf32, #tpu.memory_space<vmem>> -> memref<128x32xf32, #tpu.memory_space<vmem>>
      %dma_start3A_543 = arith.constant 0 : i32
      %dma_start3A_544 = tpu.memref_slice %arg6[%add3A_536, %dma_start3A_543] : memref<80x128xi32, #tpu.memory_space<vmem>> -> memref<1x128xi32, #tpu.memory_space<vmem>>
      %dma_start3A_545 = tpu.memref_squeeze %dma_start3A_544 : memref<1x128xi32, #tpu.memory_space<vmem>> -> memref<128xi32, #tpu.memory_space<vmem>>
      %dma_start3A_546 = arith.constant 0 : i32
      %dma_start3A_547 = arith.constant 0 : i32
      %dma_start3A_548 = tpu.memref_slice %arg2[%dma_start3A_546, %dma_start3A_547] : memref<10112x32xf32, #tpu.memory_space<hbm>> -> memref<10112x32xf32, #tpu.memory_space<hbm>>
      %dma_start3A_549 = tpu.memref_slice %arg10[%dma_start3A_538] : memref<8x!tpu.dma_semaphore, #tpu.memory_space<semaphore_mem>> -> memref<1x!tpu.dma_semaphore, #tpu.memory_space<semaphore_mem>>
      %dma_start3A_550 = tpu.memref_squeeze %dma_start3A_549 : memref<1x!tpu.dma_semaphore, #tpu.memory_space<semaphore_mem>> -> memref<!tpu.dma_semaphore, #tpu.memory_space<semaphore_mem>>
      tpu.enqueue_indirect_dma source(%dma_start3A_548 : memref<10112x32xf32, #tpu.memory_space<hbm>>) target(%dma_start3A_542 : memref<128x32xf32, #tpu.memory_space<vmem>>) offsets(%dma_start3A_545 : memref<128xi32, #tpu.memory_space<vmem>>) semaphore(%dma_start3A_550 : memref<!tpu.dma_semaphore, #tpu.memory_space<semaphore_mem>>)
    }
    %scan3A_129 = arith.constant 9 : i32
    %dma_wait3A = arith.constant 72 : i32
    %dma_wait3A_130 = arith.constant 0 : i32
    %dma_wait3A_131 = arith.constant 0 : i32
    %dma_wait3A_132 = arith.constant 0 : i32
    %dma_wait3A_133 = arith.constant 0 : i32
    %dma_wait3A_134 = tpu.memref_slice %arg8[%dma_wait3A_130, %dma_wait3A_132, %dma_wait3A_133] : memref<8x128x32xf32, #tpu.memory_space<vmem>> -> memref<1x128x32xf32, #tpu.memory_space<vmem>>
    %dma_wait3A_135 = tpu.memref_squeeze %dma_wait3A_134 : memref<1x128x32xf32, #tpu.memory_space<vmem>> -> memref<128x32xf32, #tpu.memory_space<vmem>>
    %dma_wait3A_136 = arith.constant 0 : i32
    %dma_wait3A_137 = tpu.memref_slice %arg6[%dma_wait3A, %dma_wait3A_136] : memref<80x128xi32, #tpu.memory_space<vmem>> -> memref<1x128xi32, #tpu.memory_space<vmem>>
    %dma_wait3A_138 = tpu.memref_squeeze %dma_wait3A_137 : memref<1x128xi32, #tpu.memory_space<vmem>> -> memref<128xi32, #tpu.memory_space<vmem>>
    %dma_wait3A_139 = arith.constant 0 : i32
    %dma_wait3A_140 = arith.constant 0 : i32
    %dma_wait3A_141 = tpu.memref_slice %arg2[%dma_wait3A_139, %dma_wait3A_140] : memref<10112x32xf32, #tpu.memory_space<hbm>> -> memref<10112x32xf32, #tpu.memory_space<hbm>>
    %dma_wait3A_142 = tpu.memref_slice %arg10[%dma_wait3A_131] : memref<8x!tpu.dma_semaphore, #tpu.memory_space<semaphore_mem>> -> memref<1x!tpu.dma_semaphore, #tpu.memory_space<semaphore_mem>>
    %dma_wait3A_143 = tpu.memref_squeeze %dma_wait3A_142 : memref<1x!tpu.dma_semaphore, #tpu.memory_space<semaphore_mem>> -> memref<!tpu.dma_semaphore, #tpu.memory_space<semaphore_mem>>
    tpu.wait_indirect_dma semaphore(%dma_wait3A_143 : memref<!tpu.dma_semaphore, #tpu.memory_space<semaphore_mem>>) src(%dma_wait3A_141 : memref<10112x32xf32, #tpu.memory_space<hbm>>) dst(%dma_wait3A_135 : memref<128x32xf32, #tpu.memory_space<vmem>>)
    %run_scoped3A_144 = arith.constant 0 : i32
    %run_scoped3A_145 = arith.constant 72 : i32
    "tpu.region"() ({
      %run_scoped3A_270 = tpu.sem_alloc : memref<!tpu.dma_semaphore, #tpu.memory_space<semaphore_mem>>
      %dma_start3A_271 = arith.constant 0 : i32
      %dma_start3A_272 = arith.constant 0 : i32
      %dma_start3A_273 = tpu.memref_slice %arg8[%run_scoped3A_144, %dma_start3A_271, %dma_start3A_272] : memref<8x128x32xf32, #tpu.memory_space<vmem>> -> memref<1x128x32xf32, #tpu.memory_space<vmem>>
      %dma_start3A_274 = tpu.memref_squeeze %dma_start3A_273 : memref<1x128x32xf32, #tpu.memory_space<vmem>> -> memref<128x32xf32, #tpu.memory_space<vmem>>
      %dma_start3A_275 = arith.constant 0 : i32
      %dma_start3A_276 = tpu.memref_slice %arg7[%run_scoped3A_145, %dma_start3A_275] : memref<80x128xi32, #tpu.memory_space<vmem>> -> memref<1x128xi32, #tpu.memory_space<vmem>>
      %dma_start3A_277 = tpu.memref_squeeze %dma_start3A_276 : memref<1x128xi32, #tpu.memory_space<vmem>> -> memref<128xi32, #tpu.memory_space<vmem>>
      %dma_start3A_278 = arith.constant 0 : i32
      %dma_start3A_279 = arith.constant 0 : i32
      %dma_start3A_280 = tpu.memref_slice %arg9[%dma_start3A_278, %dma_start3A_279] : memref<10112x32xf32, #tpu.memory_space<vmem_shared>> -> memref<10112x32xf32, #tpu.memory_space<vmem_shared>>
      tpu.enqueue_indirect_dma source(%dma_start3A_274 : memref<128x32xf32, #tpu.memory_space<vmem>>) target(%dma_start3A_280 : memref<10112x32xf32, #tpu.memory_space<vmem_shared>>) offsets(%dma_start3A_277 : memref<128xi32, #tpu.memory_space<vmem>>) semaphore(%run_scoped3A_270 : memref<!tpu.dma_semaphore, #tpu.memory_space<semaphore_mem>>) {add = true}
      %dma_wait3A_281 = arith.constant 0 : i32
      %dma_wait3A_282 = arith.constant 0 : i32
      %dma_wait3A_283 = tpu.memref_slice %arg8[%run_scoped3A_144, %dma_wait3A_281, %dma_wait3A_282] : memref<8x128x32xf32, #tpu.memory_space<vmem>> -> memref<1x128x32xf32, #tpu.memory_space<vmem>>
      %dma_wait3A_284 = tpu.memref_squeeze %dma_wait3A_283 : memref<1x128x32xf32, #tpu.memory_space<vmem>> -> memref<128x32xf32, #tpu.memory_space<vmem>>
      %dma_wait3A_285 = arith.constant 0 : i32
      %dma_wait3A_286 = tpu.memref_slice %arg7[%run_scoped3A_145, %dma_wait3A_285] : memref<80x128xi32, #tpu.memory_space<vmem>> -> memref<1x128xi32, #tpu.memory_space<vmem>>
      %dma_wait3A_287 = tpu.memref_squeeze %dma_wait3A_286 : memref<1x128xi32, #tpu.memory_space<vmem>> -> memref<128xi32, #tpu.memory_space<vmem>>
      %dma_wait3A_288 = arith.constant 0 : i32
      %dma_wait3A_289 = arith.constant 0 : i32
      %dma_wait3A_290 = tpu.memref_slice %arg9[%dma_wait3A_288, %dma_wait3A_289] : memref<10112x32xf32, #tpu.memory_space<vmem_shared>> -> memref<10112x32xf32, #tpu.memory_space<vmem_shared>>
      tpu.wait_indirect_dma semaphore(%run_scoped3A_270 : memref<!tpu.dma_semaphore, #tpu.memory_space<semaphore_mem>>) src(%dma_wait3A_284 : memref<128x32xf32, #tpu.memory_space<vmem>>) dst(%dma_wait3A_290 : memref<10112x32xf32, #tpu.memory_space<vmem_shared>>)
      tpu.yield
    }) : () -> ()
    %dma_wait3A_146 = arith.constant 73 : i32
    %dma_wait3A_147 = arith.constant 1 : i32
    %dma_wait3A_148 = arith.constant 1 : i32
    %dma_wait3A_149 = arith.constant 0 : i32
    %dma_wait3A_150 = arith.constant 0 : i32
    %dma_wait3A_151 = tpu.memref_slice %arg8[%dma_wait3A_147, %dma_wait3A_149, %dma_wait3A_150] : memref<8x128x32xf32, #tpu.memory_space<vmem>> -> memref<1x128x32xf32, #tpu.memory_space<vmem>>
    %dma_wait3A_152 = tpu.memref_squeeze %dma_wait3A_151 : memref<1x128x32xf32, #tpu.memory_space<vmem>> -> memref<128x32xf32, #tpu.memory_space<vmem>>
    %dma_wait3A_153 = arith.constant 0 : i32
    %dma_wait3A_154 = tpu.memref_slice %arg6[%dma_wait3A_146, %dma_wait3A_153] : memref<80x128xi32, #tpu.memory_space<vmem>> -> memref<1x128xi32, #tpu.memory_space<vmem>>
    %dma_wait3A_155 = tpu.memref_squeeze %dma_wait3A_154 : memref<1x128xi32, #tpu.memory_space<vmem>> -> memref<128xi32, #tpu.memory_space<vmem>>
    %dma_wait3A_156 = arith.constant 0 : i32
    %dma_wait3A_157 = arith.constant 0 : i32
    %dma_wait3A_158 = tpu.memref_slice %arg2[%dma_wait3A_156, %dma_wait3A_157] : memref<10112x32xf32, #tpu.memory_space<hbm>> -> memref<10112x32xf32, #tpu.memory_space<hbm>>
    %dma_wait3A_159 = tpu.memref_slice %arg10[%dma_wait3A_148] : memref<8x!tpu.dma_semaphore, #tpu.memory_space<semaphore_mem>> -> memref<1x!tpu.dma_semaphore, #tpu.memory_space<semaphore_mem>>
    %dma_wait3A_160 = tpu.memref_squeeze %dma_wait3A_159 : memref<1x!tpu.dma_semaphore, #tpu.memory_space<semaphore_mem>> -> memref<!tpu.dma_semaphore, #tpu.memory_space<semaphore_mem>>
    tpu.wait_indirect_dma semaphore(%dma_wait3A_160 : memref<!tpu.dma_semaphore, #tpu.memory_space<semaphore_mem>>) src(%dma_wait3A_158 : memref<10112x32xf32, #tpu.memory_space<hbm>>) dst(%dma_wait3A_152 : memref<128x32xf32, #tpu.memory_space<vmem>>)
    %run_scoped3A_161 = arith.constant 1 : i32
    %run_scoped3A_162 = arith.constant 73 : i32
    "tpu.region"() ({
      %run_scoped3A_270 = tpu.sem_alloc : memref<!tpu.dma_semaphore, #tpu.memory_space<semaphore_mem>>
      %dma_start3A_271 = arith.constant 0 : i32
      %dma_start3A_272 = arith.constant 0 : i32
      %dma_start3A_273 = tpu.memref_slice %arg8[%run_scoped3A_161, %dma_start3A_271, %dma_start3A_272] : memref<8x128x32xf32, #tpu.memory_space<vmem>> -> memref<1x128x32xf32, #tpu.memory_space<vmem>>
      %dma_start3A_274 = tpu.memref_squeeze %dma_start3A_273 : memref<1x128x32xf32, #tpu.memory_space<vmem>> -> memref<128x32xf32, #tpu.memory_space<vmem>>
      %dma_start3A_275 = arith.constant 0 : i32
      %dma_start3A_276 = tpu.memref_slice %arg7[%run_scoped3A_162, %dma_start3A_275] : memref<80x128xi32, #tpu.memory_space<vmem>> -> memref<1x128xi32, #tpu.memory_space<vmem>>
      %dma_start3A_277 = tpu.memref_squeeze %dma_start3A_276 : memref<1x128xi32, #tpu.memory_space<vmem>> -> memref<128xi32, #tpu.memory_space<vmem>>
      %dma_start3A_278 = arith.constant 0 : i32
      %dma_start3A_279 = arith.constant 0 : i32
      %dma_start3A_280 = tpu.memref_slice %arg9[%dma_start3A_278, %dma_start3A_279] : memref<10112x32xf32, #tpu.memory_space<vmem_shared>> -> memref<10112x32xf32, #tpu.memory_space<vmem_shared>>
      tpu.enqueue_indirect_dma source(%dma_start3A_274 : memref<128x32xf32, #tpu.memory_space<vmem>>) target(%dma_start3A_280 : memref<10112x32xf32, #tpu.memory_space<vmem_shared>>) offsets(%dma_start3A_277 : memref<128xi32, #tpu.memory_space<vmem>>) semaphore(%run_scoped3A_270 : memref<!tpu.dma_semaphore, #tpu.memory_space<semaphore_mem>>) {add = true}
      %dma_wait3A_281 = arith.constant 0 : i32
      %dma_wait3A_282 = arith.constant 0 : i32
      %dma_wait3A_283 = tpu.memref_slice %arg8[%run_scoped3A_161, %dma_wait3A_281, %dma_wait3A_282] : memref<8x128x32xf32, #tpu.memory_space<vmem>> -> memref<1x128x32xf32, #tpu.memory_space<vmem>>
      %dma_wait3A_284 = tpu.memref_squeeze %dma_wait3A_283 : memref<1x128x32xf32, #tpu.memory_space<vmem>> -> memref<128x32xf32, #tpu.memory_space<vmem>>
      %dma_wait3A_285 = arith.constant 0 : i32
      %dma_wait3A_286 = tpu.memref_slice %arg7[%run_scoped3A_162, %dma_wait3A_285] : memref<80x128xi32, #tpu.memory_space<vmem>> -> memref<1x128xi32, #tpu.memory_space<vmem>>
      %dma_wait3A_287 = tpu.memref_squeeze %dma_wait3A_286 : memref<1x128xi32, #tpu.memory_space<vmem>> -> memref<128xi32, #tpu.memory_space<vmem>>
      %dma_wait3A_288 = arith.constant 0 : i32
      %dma_wait3A_289 = arith.constant 0 : i32
      %dma_wait3A_290 = tpu.memref_slice %arg9[%dma_wait3A_288, %dma_wait3A_289] : memref<10112x32xf32, #tpu.memory_space<vmem_shared>> -> memref<10112x32xf32, #tpu.memory_space<vmem_shared>>
      tpu.wait_indirect_dma semaphore(%run_scoped3A_270 : memref<!tpu.dma_semaphore, #tpu.memory_space<semaphore_mem>>) src(%dma_wait3A_284 : memref<128x32xf32, #tpu.memory_space<vmem>>) dst(%dma_wait3A_290 : memref<10112x32xf32, #tpu.memory_space<vmem_shared>>)
      tpu.yield
    }) : () -> ()
    %dma_wait3A_163 = arith.constant 74 : i32
    %dma_wait3A_164 = arith.constant 2 : i32
    %dma_wait3A_165 = arith.constant 2 : i32
    %dma_wait3A_166 = arith.constant 0 : i32
    %dma_wait3A_167 = arith.constant 0 : i32
    %dma_wait3A_168 = tpu.memref_slice %arg8[%dma_wait3A_164, %dma_wait3A_166, %dma_wait3A_167] : memref<8x128x32xf32, #tpu.memory_space<vmem>> -> memref<1x128x32xf32, #tpu.memory_space<vmem>>
    %dma_wait3A_169 = tpu.memref_squeeze %dma_wait3A_168 : memref<1x128x32xf32, #tpu.memory_space<vmem>> -> memref<128x32xf32, #tpu.memory_space<vmem>>
    %dma_wait3A_170 = arith.constant 0 : i32
    %dma_wait3A_171 = tpu.memref_slice %arg6[%dma_wait3A_163, %dma_wait3A_170] : memref<80x128xi32, #tpu.memory_space<vmem>> -> memref<1x128xi32, #tpu.memory_space<vmem>>
    %dma_wait3A_172 = tpu.memref_squeeze %dma_wait3A_171 : memref<1x128xi32, #tpu.memory_space<vmem>> -> memref<128xi32, #tpu.memory_space<vmem>>
    %dma_wait3A_173 = arith.constant 0 : i32
    %dma_wait3A_174 = arith.constant 0 : i32
    %dma_wait3A_175 = tpu.memref_slice %arg2[%dma_wait3A_173, %dma_wait3A_174] : memref<10112x32xf32, #tpu.memory_space<hbm>> -> memref<10112x32xf32, #tpu.memory_space<hbm>>
    %dma_wait3A_176 = tpu.memref_slice %arg10[%dma_wait3A_165] : memref<8x!tpu.dma_semaphore, #tpu.memory_space<semaphore_mem>> -> memref<1x!tpu.dma_semaphore, #tpu.memory_space<semaphore_mem>>
    %dma_wait3A_177 = tpu.memref_squeeze %dma_wait3A_176 : memref<1x!tpu.dma_semaphore, #tpu.memory_space<semaphore_mem>> -> memref<!tpu.dma_semaphore, #tpu.memory_space<semaphore_mem>>
    tpu.wait_indirect_dma semaphore(%dma_wait3A_177 : memref<!tpu.dma_semaphore, #tpu.memory_space<semaphore_mem>>) src(%dma_wait3A_175 : memref<10112x32xf32, #tpu.memory_space<hbm>>) dst(%dma_wait3A_169 : memref<128x32xf32, #tpu.memory_space<vmem>>)
    %run_scoped3A_178 = arith.constant 2 : i32
    %run_scoped3A_179 = arith.constant 74 : i32
    "tpu.region"() ({
      %run_scoped3A_270 = tpu.sem_alloc : memref<!tpu.dma_semaphore, #tpu.memory_space<semaphore_mem>>
      %dma_start3A_271 = arith.constant 0 : i32
      %dma_start3A_272 = arith.constant 0 : i32
      %dma_start3A_273 = tpu.memref_slice %arg8[%run_scoped3A_178, %dma_start3A_271, %dma_start3A_272] : memref<8x128x32xf32, #tpu.memory_space<vmem>> -> memref<1x128x32xf32, #tpu.memory_space<vmem>>
      %dma_start3A_274 = tpu.memref_squeeze %dma_start3A_273 : memref<1x128x32xf32, #tpu.memory_space<vmem>> -> memref<128x32xf32, #tpu.memory_space<vmem>>
      %dma_start3A_275 = arith.constant 0 : i32
      %dma_start3A_276 = tpu.memref_slice %arg7[%run_scoped3A_179, %dma_start3A_275] : memref<80x128xi32, #tpu.memory_space<vmem>> -> memref<1x128xi32, #tpu.memory_space<vmem>>
      %dma_start3A_277 = tpu.memref_squeeze %dma_start3A_276 : memref<1x128xi32, #tpu.memory_space<vmem>> -> memref<128xi32, #tpu.memory_space<vmem>>
      %dma_start3A_278 = arith.constant 0 : i32
      %dma_start3A_279 = arith.constant 0 : i32
      %dma_start3A_280 = tpu.memref_slice %arg9[%dma_start3A_278, %dma_start3A_279] : memref<10112x32xf32, #tpu.memory_space<vmem_shared>> -> memref<10112x32xf32, #tpu.memory_space<vmem_shared>>
      tpu.enqueue_indirect_dma source(%dma_start3A_274 : memref<128x32xf32, #tpu.memory_space<vmem>>) target(%dma_start3A_280 : memref<10112x32xf32, #tpu.memory_space<vmem_shared>>) offsets(%dma_start3A_277 : memref<128xi32, #tpu.memory_space<vmem>>) semaphore(%run_scoped3A_270 : memref<!tpu.dma_semaphore, #tpu.memory_space<semaphore_mem>>) {add = true}
      %dma_wait3A_281 = arith.constant 0 : i32
      %dma_wait3A_282 = arith.constant 0 : i32
      %dma_wait3A_283 = tpu.memref_slice %arg8[%run_scoped3A_178, %dma_wait3A_281, %dma_wait3A_282] : memref<8x128x32xf32, #tpu.memory_space<vmem>> -> memref<1x128x32xf32, #tpu.memory_space<vmem>>
      %dma_wait3A_284 = tpu.memref_squeeze %dma_wait3A_283 : memref<1x128x32xf32, #tpu.memory_space<vmem>> -> memref<128x32xf32, #tpu.memory_space<vmem>>
      %dma_wait3A_285 = arith.constant 0 : i32
      %dma_wait3A_286 = tpu.memref_slice %arg7[%run_scoped3A_179, %dma_wait3A_285] : memref<80x128xi32, #tpu.memory_space<vmem>> -> memref<1x128xi32, #tpu.memory_space<vmem>>
      %dma_wait3A_287 = tpu.memref_squeeze %dma_wait3A_286 : memref<1x128xi32, #tpu.memory_space<vmem>> -> memref<128xi32, #tpu.memory_space<vmem>>
      %dma_wait3A_288 = arith.constant 0 : i32
      %dma_wait3A_289 = arith.constant 0 : i32
      %dma_wait3A_290 = tpu.memref_slice %arg9[%dma_wait3A_288, %dma_wait3A_289] : memref<10112x32xf32, #tpu.memory_space<vmem_shared>> -> memref<10112x32xf32, #tpu.memory_space<vmem_shared>>
      tpu.wait_indirect_dma semaphore(%run_scoped3A_270 : memref<!tpu.dma_semaphore, #tpu.memory_space<semaphore_mem>>) src(%dma_wait3A_284 : memref<128x32xf32, #tpu.memory_space<vmem>>) dst(%dma_wait3A_290 : memref<10112x32xf32, #tpu.memory_space<vmem_shared>>)
      tpu.yield
    }) : () -> ()
    %dma_wait3A_180 = arith.constant 75 : i32
    %dma_wait3A_181 = arith.constant 3 : i32
    %dma_wait3A_182 = arith.constant 3 : i32
    %dma_wait3A_183 = arith.constant 0 : i32
    %dma_wait3A_184 = arith.constant 0 : i32
    %dma_wait3A_185 = tpu.memref_slice %arg8[%dma_wait3A_181, %dma_wait3A_183, %dma_wait3A_184] : memref<8x128x32xf32, #tpu.memory_space<vmem>> -> memref<1x128x32xf32, #tpu.memory_space<vmem>>
    %dma_wait3A_186 = tpu.memref_squeeze %dma_wait3A_185 : memref<1x128x32xf32, #tpu.memory_space<vmem>> -> memref<128x32xf32, #tpu.memory_space<vmem>>
    %dma_wait3A_187 = arith.constant 0 : i32
    %dma_wait3A_188 = tpu.memref_slice %arg6[%dma_wait3A_180, %dma_wait3A_187] : memref<80x128xi32, #tpu.memory_space<vmem>> -> memref<1x128xi32, #tpu.memory_space<vmem>>
    %dma_wait3A_189 = tpu.memref_squeeze %dma_wait3A_188 : memref<1x128xi32, #tpu.memory_space<vmem>> -> memref<128xi32, #tpu.memory_space<vmem>>
    %dma_wait3A_190 = arith.constant 0 : i32
    %dma_wait3A_191 = arith.constant 0 : i32
    %dma_wait3A_192 = tpu.memref_slice %arg2[%dma_wait3A_190, %dma_wait3A_191] : memref<10112x32xf32, #tpu.memory_space<hbm>> -> memref<10112x32xf32, #tpu.memory_space<hbm>>
    %dma_wait3A_193 = tpu.memref_slice %arg10[%dma_wait3A_182] : memref<8x!tpu.dma_semaphore, #tpu.memory_space<semaphore_mem>> -> memref<1x!tpu.dma_semaphore, #tpu.memory_space<semaphore_mem>>
    %dma_wait3A_194 = tpu.memref_squeeze %dma_wait3A_193 : memref<1x!tpu.dma_semaphore, #tpu.memory_space<semaphore_mem>> -> memref<!tpu.dma_semaphore, #tpu.memory_space<semaphore_mem>>
    tpu.wait_indirect_dma semaphore(%dma_wait3A_194 : memref<!tpu.dma_semaphore, #tpu.memory_space<semaphore_mem>>) src(%dma_wait3A_192 : memref<10112x32xf32, #tpu.memory_space<hbm>>) dst(%dma_wait3A_186 : memref<128x32xf32, #tpu.memory_space<vmem>>)
    %run_scoped3A_195 = arith.constant 3 : i32
    %run_scoped3A_196 = arith.constant 75 : i32
    "tpu.region"() ({
      %run_scoped3A_270 = tpu.sem_alloc : memref<!tpu.dma_semaphore, #tpu.memory_space<semaphore_mem>>
      %dma_start3A_271 = arith.constant 0 : i32
      %dma_start3A_272 = arith.constant 0 : i32
      %dma_start3A_273 = tpu.memref_slice %arg8[%run_scoped3A_195, %dma_start3A_271, %dma_start3A_272] : memref<8x128x32xf32, #tpu.memory_space<vmem>> -> memref<1x128x32xf32, #tpu.memory_space<vmem>>
      %dma_start3A_274 = tpu.memref_squeeze %dma_start3A_273 : memref<1x128x32xf32, #tpu.memory_space<vmem>> -> memref<128x32xf32, #tpu.memory_space<vmem>>
      %dma_start3A_275 = arith.constant 0 : i32
      %dma_start3A_276 = tpu.memref_slice %arg7[%run_scoped3A_196, %dma_start3A_275] : memref<80x128xi32, #tpu.memory_space<vmem>> -> memref<1x128xi32, #tpu.memory_space<vmem>>
      %dma_start3A_277 = tpu.memref_squeeze %dma_start3A_276 : memref<1x128xi32, #tpu.memory_space<vmem>> -> memref<128xi32, #tpu.memory_space<vmem>>
      %dma_start3A_278 = arith.constant 0 : i32
      %dma_start3A_279 = arith.constant 0 : i32
      %dma_start3A_280 = tpu.memref_slice %arg9[%dma_start3A_278, %dma_start3A_279] : memref<10112x32xf32, #tpu.memory_space<vmem_shared>> -> memref<10112x32xf32, #tpu.memory_space<vmem_shared>>
      tpu.enqueue_indirect_dma source(%dma_start3A_274 : memref<128x32xf32, #tpu.memory_space<vmem>>) target(%dma_start3A_280 : memref<10112x32xf32, #tpu.memory_space<vmem_shared>>) offsets(%dma_start3A_277 : memref<128xi32, #tpu.memory_space<vmem>>) semaphore(%run_scoped3A_270 : memref<!tpu.dma_semaphore, #tpu.memory_space<semaphore_mem>>) {add = true}
      %dma_wait3A_281 = arith.constant 0 : i32
      %dma_wait3A_282 = arith.constant 0 : i32
      %dma_wait3A_283 = tpu.memref_slice %arg8[%run_scoped3A_195, %dma_wait3A_281, %dma_wait3A_282] : memref<8x128x32xf32, #tpu.memory_space<vmem>> -> memref<1x128x32xf32, #tpu.memory_space<vmem>>
      %dma_wait3A_284 = tpu.memref_squeeze %dma_wait3A_283 : memref<1x128x32xf32, #tpu.memory_space<vmem>> -> memref<128x32xf32, #tpu.memory_space<vmem>>
      %dma_wait3A_285 = arith.constant 0 : i32
      %dma_wait3A_286 = tpu.memref_slice %arg7[%run_scoped3A_196, %dma_wait3A_285] : memref<80x128xi32, #tpu.memory_space<vmem>> -> memref<1x128xi32, #tpu.memory_space<vmem>>
      %dma_wait3A_287 = tpu.memref_squeeze %dma_wait3A_286 : memref<1x128xi32, #tpu.memory_space<vmem>> -> memref<128xi32, #tpu.memory_space<vmem>>
      %dma_wait3A_288 = arith.constant 0 : i32
      %dma_wait3A_289 = arith.constant 0 : i32
      %dma_wait3A_290 = tpu.memref_slice %arg9[%dma_wait3A_288, %dma_wait3A_289] : memref<10112x32xf32, #tpu.memory_space<vmem_shared>> -> memref<10112x32xf32, #tpu.memory_space<vmem_shared>>
      tpu.wait_indirect_dma semaphore(%run_scoped3A_270 : memref<!tpu.dma_semaphore, #tpu.memory_space<semaphore_mem>>) src(%dma_wait3A_284 : memref<128x32xf32, #tpu.memory_space<vmem>>) dst(%dma_wait3A_290 : memref<10112x32xf32, #tpu.memory_space<vmem_shared>>)
      tpu.yield
    }) : () -> ()
    %dma_wait3A_197 = arith.constant 76 : i32
    %dma_wait3A_198 = arith.constant 4 : i32
    %dma_wait3A_199 = arith.constant 4 : i32
    %dma_wait3A_200 = arith.constant 0 : i32
    %dma_wait3A_201 = arith.constant 0 : i32
    %dma_wait3A_202 = tpu.memref_slice %arg8[%dma_wait3A_198, %dma_wait3A_200, %dma_wait3A_201] : memref<8x128x32xf32, #tpu.memory_space<vmem>> -> memref<1x128x32xf32, #tpu.memory_space<vmem>>
    %dma_wait3A_203 = tpu.memref_squeeze %dma_wait3A_202 : memref<1x128x32xf32, #tpu.memory_space<vmem>> -> memref<128x32xf32, #tpu.memory_space<vmem>>
    %dma_wait3A_204 = arith.constant 0 : i32
    %dma_wait3A_205 = tpu.memref_slice %arg6[%dma_wait3A_197, %dma_wait3A_204] : memref<80x128xi32, #tpu.memory_space<vmem>> -> memref<1x128xi32, #tpu.memory_space<vmem>>
    %dma_wait3A_206 = tpu.memref_squeeze %dma_wait3A_205 : memref<1x128xi32, #tpu.memory_space<vmem>> -> memref<128xi32, #tpu.memory_space<vmem>>
    %dma_wait3A_207 = arith.constant 0 : i32
    %dma_wait3A_208 = arith.constant 0 : i32
    %dma_wait3A_209 = tpu.memref_slice %arg2[%dma_wait3A_207, %dma_wait3A_208] : memref<10112x32xf32, #tpu.memory_space<hbm>> -> memref<10112x32xf32, #tpu.memory_space<hbm>>
    %dma_wait3A_210 = tpu.memref_slice %arg10[%dma_wait3A_199] : memref<8x!tpu.dma_semaphore, #tpu.memory_space<semaphore_mem>> -> memref<1x!tpu.dma_semaphore, #tpu.memory_space<semaphore_mem>>
    %dma_wait3A_211 = tpu.memref_squeeze %dma_wait3A_210 : memref<1x!tpu.dma_semaphore, #tpu.memory_space<semaphore_mem>> -> memref<!tpu.dma_semaphore, #tpu.memory_space<semaphore_mem>>
    tpu.wait_indirect_dma semaphore(%dma_wait3A_211 : memref<!tpu.dma_semaphore, #tpu.memory_space<semaphore_mem>>) src(%dma_wait3A_209 : memref<10112x32xf32, #tpu.memory_space<hbm>>) dst(%dma_wait3A_203 : memref<128x32xf32, #tpu.memory_space<vmem>>)
    %run_scoped3A_212 = arith.constant 4 : i32
    %run_scoped3A_213 = arith.constant 76 : i32
    "tpu.region"() ({
      %run_scoped3A_270 = tpu.sem_alloc : memref<!tpu.dma_semaphore, #tpu.memory_space<semaphore_mem>>
      %dma_start3A_271 = arith.constant 0 : i32
      %dma_start3A_272 = arith.constant 0 : i32
      %dma_start3A_273 = tpu.memref_slice %arg8[%run_scoped3A_212, %dma_start3A_271, %dma_start3A_272] : memref<8x128x32xf32, #tpu.memory_space<vmem>> -> memref<1x128x32xf32, #tpu.memory_space<vmem>>
      %dma_start3A_274 = tpu.memref_squeeze %dma_start3A_273 : memref<1x128x32xf32, #tpu.memory_space<vmem>> -> memref<128x32xf32, #tpu.memory_space<vmem>>
      %dma_start3A_275 = arith.constant 0 : i32
      %dma_start3A_276 = tpu.memref_slice %arg7[%run_scoped3A_213, %dma_start3A_275] : memref<80x128xi32, #tpu.memory_space<vmem>> -> memref<1x128xi32, #tpu.memory_space<vmem>>
      %dma_start3A_277 = tpu.memref_squeeze %dma_start3A_276 : memref<1x128xi32, #tpu.memory_space<vmem>> -> memref<128xi32, #tpu.memory_space<vmem>>
      %dma_start3A_278 = arith.constant 0 : i32
      %dma_start3A_279 = arith.constant 0 : i32
      %dma_start3A_280 = tpu.memref_slice %arg9[%dma_start3A_278, %dma_start3A_279] : memref<10112x32xf32, #tpu.memory_space<vmem_shared>> -> memref<10112x32xf32, #tpu.memory_space<vmem_shared>>
      tpu.enqueue_indirect_dma source(%dma_start3A_274 : memref<128x32xf32, #tpu.memory_space<vmem>>) target(%dma_start3A_280 : memref<10112x32xf32, #tpu.memory_space<vmem_shared>>) offsets(%dma_start3A_277 : memref<128xi32, #tpu.memory_space<vmem>>) semaphore(%run_scoped3A_270 : memref<!tpu.dma_semaphore, #tpu.memory_space<semaphore_mem>>) {add = true}
      %dma_wait3A_281 = arith.constant 0 : i32
      %dma_wait3A_282 = arith.constant 0 : i32
      %dma_wait3A_283 = tpu.memref_slice %arg8[%run_scoped3A_212, %dma_wait3A_281, %dma_wait3A_282] : memref<8x128x32xf32, #tpu.memory_space<vmem>> -> memref<1x128x32xf32, #tpu.memory_space<vmem>>
      %dma_wait3A_284 = tpu.memref_squeeze %dma_wait3A_283 : memref<1x128x32xf32, #tpu.memory_space<vmem>> -> memref<128x32xf32, #tpu.memory_space<vmem>>
      %dma_wait3A_285 = arith.constant 0 : i32
      %dma_wait3A_286 = tpu.memref_slice %arg7[%run_scoped3A_213, %dma_wait3A_285] : memref<80x128xi32, #tpu.memory_space<vmem>> -> memref<1x128xi32, #tpu.memory_space<vmem>>
      %dma_wait3A_287 = tpu.memref_squeeze %dma_wait3A_286 : memref<1x128xi32, #tpu.memory_space<vmem>> -> memref<128xi32, #tpu.memory_space<vmem>>
      %dma_wait3A_288 = arith.constant 0 : i32
      %dma_wait3A_289 = arith.constant 0 : i32
      %dma_wait3A_290 = tpu.memref_slice %arg9[%dma_wait3A_288, %dma_wait3A_289] : memref<10112x32xf32, #tpu.memory_space<vmem_shared>> -> memref<10112x32xf32, #tpu.memory_space<vmem_shared>>
      tpu.wait_indirect_dma semaphore(%run_scoped3A_270 : memref<!tpu.dma_semaphore, #tpu.memory_space<semaphore_mem>>) src(%dma_wait3A_284 : memref<128x32xf32, #tpu.memory_space<vmem>>) dst(%dma_wait3A_290 : memref<10112x32xf32, #tpu.memory_space<vmem_shared>>)
      tpu.yield
    }) : () -> ()
    %dma_wait3A_214 = arith.constant 77 : i32
    %dma_wait3A_215 = arith.constant 5 : i32
    %dma_wait3A_216 = arith.constant 5 : i32
    %dma_wait3A_217 = arith.constant 0 : i32
    %dma_wait3A_218 = arith.constant 0 : i32
    %dma_wait3A_219 = tpu.memref_slice %arg8[%dma_wait3A_215, %dma_wait3A_217, %dma_wait3A_218] : memref<8x128x32xf32, #tpu.memory_space<vmem>> -> memref<1x128x32xf32, #tpu.memory_space<vmem>>
    %dma_wait3A_220 = tpu.memref_squeeze %dma_wait3A_219 : memref<1x128x32xf32, #tpu.memory_space<vmem>> -> memref<128x32xf32, #tpu.memory_space<vmem>>
    %dma_wait3A_221 = arith.constant 0 : i32
    %dma_wait3A_222 = tpu.memref_slice %arg6[%dma_wait3A_214, %dma_wait3A_221] : memref<80x128xi32, #tpu.memory_space<vmem>> -> memref<1x128xi32, #tpu.memory_space<vmem>>
    %dma_wait3A_223 = tpu.memref_squeeze %dma_wait3A_222 : memref<1x128xi32, #tpu.memory_space<vmem>> -> memref<128xi32, #tpu.memory_space<vmem>>
    %dma_wait3A_224 = arith.constant 0 : i32
    %dma_wait3A_225 = arith.constant 0 : i32
    %dma_wait3A_226 = tpu.memref_slice %arg2[%dma_wait3A_224, %dma_wait3A_225] : memref<10112x32xf32, #tpu.memory_space<hbm>> -> memref<10112x32xf32, #tpu.memory_space<hbm>>
    %dma_wait3A_227 = tpu.memref_slice %arg10[%dma_wait3A_216] : memref<8x!tpu.dma_semaphore, #tpu.memory_space<semaphore_mem>> -> memref<1x!tpu.dma_semaphore, #tpu.memory_space<semaphore_mem>>
    %dma_wait3A_228 = tpu.memref_squeeze %dma_wait3A_227 : memref<1x!tpu.dma_semaphore, #tpu.memory_space<semaphore_mem>> -> memref<!tpu.dma_semaphore, #tpu.memory_space<semaphore_mem>>
    tpu.wait_indirect_dma semaphore(%dma_wait3A_228 : memref<!tpu.dma_semaphore, #tpu.memory_space<semaphore_mem>>) src(%dma_wait3A_226 : memref<10112x32xf32, #tpu.memory_space<hbm>>) dst(%dma_wait3A_220 : memref<128x32xf32, #tpu.memory_space<vmem>>)
    %run_scoped3A_229 = arith.constant 5 : i32
    %run_scoped3A_230 = arith.constant 77 : i32
    "tpu.region"() ({
      %run_scoped3A_270 = tpu.sem_alloc : memref<!tpu.dma_semaphore, #tpu.memory_space<semaphore_mem>>
      %dma_start3A_271 = arith.constant 0 : i32
      %dma_start3A_272 = arith.constant 0 : i32
      %dma_start3A_273 = tpu.memref_slice %arg8[%run_scoped3A_229, %dma_start3A_271, %dma_start3A_272] : memref<8x128x32xf32, #tpu.memory_space<vmem>> -> memref<1x128x32xf32, #tpu.memory_space<vmem>>
      %dma_start3A_274 = tpu.memref_squeeze %dma_start3A_273 : memref<1x128x32xf32, #tpu.memory_space<vmem>> -> memref<128x32xf32, #tpu.memory_space<vmem>>
      %dma_start3A_275 = arith.constant 0 : i32
      %dma_start3A_276 = tpu.memref_slice %arg7[%run_scoped3A_230, %dma_start3A_275] : memref<80x128xi32, #tpu.memory_space<vmem>> -> memref<1x128xi32, #tpu.memory_space<vmem>>
      %dma_start3A_277 = tpu.memref_squeeze %dma_start3A_276 : memref<1x128xi32, #tpu.memory_space<vmem>> -> memref<128xi32, #tpu.memory_space<vmem>>
      %dma_start3A_278 = arith.constant 0 : i32
      %dma_start3A_279 = arith.constant 0 : i32
      %dma_start3A_280 = tpu.memref_slice %arg9[%dma_start3A_278, %dma_start3A_279] : memref<10112x32xf32, #tpu.memory_space<vmem_shared>> -> memref<10112x32xf32, #tpu.memory_space<vmem_shared>>
      tpu.enqueue_indirect_dma source(%dma_start3A_274 : memref<128x32xf32, #tpu.memory_space<vmem>>) target(%dma_start3A_280 : memref<10112x32xf32, #tpu.memory_space<vmem_shared>>) offsets(%dma_start3A_277 : memref<128xi32, #tpu.memory_space<vmem>>) semaphore(%run_scoped3A_270 : memref<!tpu.dma_semaphore, #tpu.memory_space<semaphore_mem>>) {add = true}
      %dma_wait3A_281 = arith.constant 0 : i32
      %dma_wait3A_282 = arith.constant 0 : i32
      %dma_wait3A_283 = tpu.memref_slice %arg8[%run_scoped3A_229, %dma_wait3A_281, %dma_wait3A_282] : memref<8x128x32xf32, #tpu.memory_space<vmem>> -> memref<1x128x32xf32, #tpu.memory_space<vmem>>
      %dma_wait3A_284 = tpu.memref_squeeze %dma_wait3A_283 : memref<1x128x32xf32, #tpu.memory_space<vmem>> -> memref<128x32xf32, #tpu.memory_space<vmem>>
      %dma_wait3A_285 = arith.constant 0 : i32
      %dma_wait3A_286 = tpu.memref_slice %arg7[%run_scoped3A_230, %dma_wait3A_285] : memref<80x128xi32, #tpu.memory_space<vmem>> -> memref<1x128xi32, #tpu.memory_space<vmem>>
      %dma_wait3A_287 = tpu.memref_squeeze %dma_wait3A_286 : memref<1x128xi32, #tpu.memory_space<vmem>> -> memref<128xi32, #tpu.memory_space<vmem>>
      %dma_wait3A_288 = arith.constant 0 : i32
      %dma_wait3A_289 = arith.constant 0 : i32
      %dma_wait3A_290 = tpu.memref_slice %arg9[%dma_wait3A_288, %dma_wait3A_289] : memref<10112x32xf32, #tpu.memory_space<vmem_shared>> -> memref<10112x32xf32, #tpu.memory_space<vmem_shared>>
      tpu.wait_indirect_dma semaphore(%run_scoped3A_270 : memref<!tpu.dma_semaphore, #tpu.memory_space<semaphore_mem>>) src(%dma_wait3A_284 : memref<128x32xf32, #tpu.memory_space<vmem>>) dst(%dma_wait3A_290 : memref<10112x32xf32, #tpu.memory_space<vmem_shared>>)
      tpu.yield
    }) : () -> ()
    %dma_wait3A_231 = arith.constant 78 : i32
    %dma_wait3A_232 = arith.constant 6 : i32
    %dma_wait3A_233 = arith.constant 6 : i32
    %dma_wait3A_234 = arith.constant 0 : i32
    %dma_wait3A_235 = arith.constant 0 : i32
    %dma_wait3A_236 = tpu.memref_slice %arg8[%dma_wait3A_232, %dma_wait3A_234, %dma_wait3A_235] : memref<8x128x32xf32, #tpu.memory_space<vmem>> -> memref<1x128x32xf32, #tpu.memory_space<vmem>>
    %dma_wait3A_237 = tpu.memref_squeeze %dma_wait3A_236 : memref<1x128x32xf32, #tpu.memory_space<vmem>> -> memref<128x32xf32, #tpu.memory_space<vmem>>
    %dma_wait3A_238 = arith.constant 0 : i32
    %dma_wait3A_239 = tpu.memref_slice %arg6[%dma_wait3A_231, %dma_wait3A_238] : memref<80x128xi32, #tpu.memory_space<vmem>> -> memref<1x128xi32, #tpu.memory_space<vmem>>
    %dma_wait3A_240 = tpu.memref_squeeze %dma_wait3A_239 : memref<1x128xi32, #tpu.memory_space<vmem>> -> memref<128xi32, #tpu.memory_space<vmem>>
    %dma_wait3A_241 = arith.constant 0 : i32
    %dma_wait3A_242 = arith.constant 0 : i32
    %dma_wait3A_243 = tpu.memref_slice %arg2[%dma_wait3A_241, %dma_wait3A_242] : memref<10112x32xf32, #tpu.memory_space<hbm>> -> memref<10112x32xf32, #tpu.memory_space<hbm>>
    %dma_wait3A_244 = tpu.memref_slice %arg10[%dma_wait3A_233] : memref<8x!tpu.dma_semaphore, #tpu.memory_space<semaphore_mem>> -> memref<1x!tpu.dma_semaphore, #tpu.memory_space<semaphore_mem>>
    %dma_wait3A_245 = tpu.memref_squeeze %dma_wait3A_244 : memref<1x!tpu.dma_semaphore, #tpu.memory_space<semaphore_mem>> -> memref<!tpu.dma_semaphore, #tpu.memory_space<semaphore_mem>>
    tpu.wait_indirect_dma semaphore(%dma_wait3A_245 : memref<!tpu.dma_semaphore, #tpu.memory_space<semaphore_mem>>) src(%dma_wait3A_243 : memref<10112x32xf32, #tpu.memory_space<hbm>>) dst(%dma_wait3A_237 : memref<128x32xf32, #tpu.memory_space<vmem>>)
    %run_scoped3A_246 = arith.constant 6 : i32
    %run_scoped3A_247 = arith.constant 78 : i32
    "tpu.region"() ({
      %run_scoped3A_270 = tpu.sem_alloc : memref<!tpu.dma_semaphore, #tpu.memory_space<semaphore_mem>>
      %dma_start3A_271 = arith.constant 0 : i32
      %dma_start3A_272 = arith.constant 0 : i32
      %dma_start3A_273 = tpu.memref_slice %arg8[%run_scoped3A_246, %dma_start3A_271, %dma_start3A_272] : memref<8x128x32xf32, #tpu.memory_space<vmem>> -> memref<1x128x32xf32, #tpu.memory_space<vmem>>
      %dma_start3A_274 = tpu.memref_squeeze %dma_start3A_273 : memref<1x128x32xf32, #tpu.memory_space<vmem>> -> memref<128x32xf32, #tpu.memory_space<vmem>>
      %dma_start3A_275 = arith.constant 0 : i32
      %dma_start3A_276 = tpu.memref_slice %arg7[%run_scoped3A_247, %dma_start3A_275] : memref<80x128xi32, #tpu.memory_space<vmem>> -> memref<1x128xi32, #tpu.memory_space<vmem>>
      %dma_start3A_277 = tpu.memref_squeeze %dma_start3A_276 : memref<1x128xi32, #tpu.memory_space<vmem>> -> memref<128xi32, #tpu.memory_space<vmem>>
      %dma_start3A_278 = arith.constant 0 : i32
      %dma_start3A_279 = arith.constant 0 : i32
      %dma_start3A_280 = tpu.memref_slice %arg9[%dma_start3A_278, %dma_start3A_279] : memref<10112x32xf32, #tpu.memory_space<vmem_shared>> -> memref<10112x32xf32, #tpu.memory_space<vmem_shared>>
      tpu.enqueue_indirect_dma source(%dma_start3A_274 : memref<128x32xf32, #tpu.memory_space<vmem>>) target(%dma_start3A_280 : memref<10112x32xf32, #tpu.memory_space<vmem_shared>>) offsets(%dma_start3A_277 : memref<128xi32, #tpu.memory_space<vmem>>) semaphore(%run_scoped3A_270 : memref<!tpu.dma_semaphore, #tpu.memory_space<semaphore_mem>>) {add = true}
      %dma_wait3A_281 = arith.constant 0 : i32
      %dma_wait3A_282 = arith.constant 0 : i32
      %dma_wait3A_283 = tpu.memref_slice %arg8[%run_scoped3A_246, %dma_wait3A_281, %dma_wait3A_282] : memref<8x128x32xf32, #tpu.memory_space<vmem>> -> memref<1x128x32xf32, #tpu.memory_space<vmem>>
      %dma_wait3A_284 = tpu.memref_squeeze %dma_wait3A_283 : memref<1x128x32xf32, #tpu.memory_space<vmem>> -> memref<128x32xf32, #tpu.memory_space<vmem>>
      %dma_wait3A_285 = arith.constant 0 : i32
      %dma_wait3A_286 = tpu.memref_slice %arg7[%run_scoped3A_247, %dma_wait3A_285] : memref<80x128xi32, #tpu.memory_space<vmem>> -> memref<1x128xi32, #tpu.memory_space<vmem>>
      %dma_wait3A_287 = tpu.memref_squeeze %dma_wait3A_286 : memref<1x128xi32, #tpu.memory_space<vmem>> -> memref<128xi32, #tpu.memory_space<vmem>>
      %dma_wait3A_288 = arith.constant 0 : i32
      %dma_wait3A_289 = arith.constant 0 : i32
      %dma_wait3A_290 = tpu.memref_slice %arg9[%dma_wait3A_288, %dma_wait3A_289] : memref<10112x32xf32, #tpu.memory_space<vmem_shared>> -> memref<10112x32xf32, #tpu.memory_space<vmem_shared>>
      tpu.wait_indirect_dma semaphore(%run_scoped3A_270 : memref<!tpu.dma_semaphore, #tpu.memory_space<semaphore_mem>>) src(%dma_wait3A_284 : memref<128x32xf32, #tpu.memory_space<vmem>>) dst(%dma_wait3A_290 : memref<10112x32xf32, #tpu.memory_space<vmem_shared>>)
      tpu.yield
    }) : () -> ()
    %dma_wait3A_248 = arith.constant 79 : i32
    %dma_wait3A_249 = arith.constant 7 : i32
    %dma_wait3A_250 = arith.constant 7 : i32
    %dma_wait3A_251 = arith.constant 0 : i32
    %dma_wait3A_252 = arith.constant 0 : i32
    %dma_wait3A_253 = tpu.memref_slice %arg8[%dma_wait3A_249, %dma_wait3A_251, %dma_wait3A_252] : memref<8x128x32xf32, #tpu.memory_space<vmem>> -> memref<1x128x32xf32, #tpu.memory_space<vmem>>
    %dma_wait3A_254 = tpu.memref_squeeze %dma_wait3A_253 : memref<1x128x32xf32, #tpu.memory_space<vmem>> -> memref<128x32xf32, #tpu.memory_space<vmem>>
    %dma_wait3A_255 = arith.constant 0 : i32
    %dma_wait3A_256 = tpu.memref_slice %arg6[%dma_wait3A_248, %dma_wait3A_255] : memref<80x128xi32, #tpu.memory_space<vmem>> -> memref<1x128xi32, #tpu.memory_space<vmem>>
    %dma_wait3A_257 = tpu.memref_squeeze %dma_wait3A_256 : memref<1x128xi32, #tpu.memory_space<vmem>> -> memref<128xi32, #tpu.memory_space<vmem>>
    %dma_wait3A_258 = arith.constant 0 : i32
    %dma_wait3A_259 = arith.constant 0 : i32
    %dma_wait3A_260 = tpu.memref_slice %arg2[%dma_wait3A_258, %dma_wait3A_259] : memref<10112x32xf32, #tpu.memory_space<hbm>> -> memref<10112x32xf32, #tpu.memory_space<hbm>>
    %dma_wait3A_261 = tpu.memref_slice %arg10[%dma_wait3A_250] : memref<8x!tpu.dma_semaphore, #tpu.memory_space<semaphore_mem>> -> memref<1x!tpu.dma_semaphore, #tpu.memory_space<semaphore_mem>>
    %dma_wait3A_262 = tpu.memref_squeeze %dma_wait3A_261 : memref<1x!tpu.dma_semaphore, #tpu.memory_space<semaphore_mem>> -> memref<!tpu.dma_semaphore, #tpu.memory_space<semaphore_mem>>
    tpu.wait_indirect_dma semaphore(%dma_wait3A_262 : memref<!tpu.dma_semaphore, #tpu.memory_space<semaphore_mem>>) src(%dma_wait3A_260 : memref<10112x32xf32, #tpu.memory_space<hbm>>) dst(%dma_wait3A_254 : memref<128x32xf32, #tpu.memory_space<vmem>>)
    %run_scoped3A_263 = arith.constant 7 : i32
    %run_scoped3A_264 = arith.constant 79 : i32
    "tpu.region"() ({
      %run_scoped3A_270 = tpu.sem_alloc : memref<!tpu.dma_semaphore, #tpu.memory_space<semaphore_mem>>
      %dma_start3A_271 = arith.constant 0 : i32
      %dma_start3A_272 = arith.constant 0 : i32
      %dma_start3A_273 = tpu.memref_slice %arg8[%run_scoped3A_263, %dma_start3A_271, %dma_start3A_272] : memref<8x128x32xf32, #tpu.memory_space<vmem>> -> memref<1x128x32xf32, #tpu.memory_space<vmem>>
      %dma_start3A_274 = tpu.memref_squeeze %dma_start3A_273 : memref<1x128x32xf32, #tpu.memory_space<vmem>> -> memref<128x32xf32, #tpu.memory_space<vmem>>
      %dma_start3A_275 = arith.constant 0 : i32
      %dma_start3A_276 = tpu.memref_slice %arg7[%run_scoped3A_264, %dma_start3A_275] : memref<80x128xi32, #tpu.memory_space<vmem>> -> memref<1x128xi32, #tpu.memory_space<vmem>>
      %dma_start3A_277 = tpu.memref_squeeze %dma_start3A_276 : memref<1x128xi32, #tpu.memory_space<vmem>> -> memref<128xi32, #tpu.memory_space<vmem>>
      %dma_start3A_278 = arith.constant 0 : i32
      %dma_start3A_279 = arith.constant 0 : i32
      %dma_start3A_280 = tpu.memref_slice %arg9[%dma_start3A_278, %dma_start3A_279] : memref<10112x32xf32, #tpu.memory_space<vmem_shared>> -> memref<10112x32xf32, #tpu.memory_space<vmem_shared>>
      tpu.enqueue_indirect_dma source(%dma_start3A_274 : memref<128x32xf32, #tpu.memory_space<vmem>>) target(%dma_start3A_280 : memref<10112x32xf32, #tpu.memory_space<vmem_shared>>) offsets(%dma_start3A_277 : memref<128xi32, #tpu.memory_space<vmem>>) semaphore(%run_scoped3A_270 : memref<!tpu.dma_semaphore, #tpu.memory_space<semaphore_mem>>) {add = true}
      %dma_wait3A_281 = arith.constant 0 : i32
      %dma_wait3A_282 = arith.constant 0 : i32
      %dma_wait3A_283 = tpu.memref_slice %arg8[%run_scoped3A_263, %dma_wait3A_281, %dma_wait3A_282] : memref<8x128x32xf32, #tpu.memory_space<vmem>> -> memref<1x128x32xf32, #tpu.memory_space<vmem>>
      %dma_wait3A_284 = tpu.memref_squeeze %dma_wait3A_283 : memref<1x128x32xf32, #tpu.memory_space<vmem>> -> memref<128x32xf32, #tpu.memory_space<vmem>>
      %dma_wait3A_285 = arith.constant 0 : i32
      %dma_wait3A_286 = tpu.memref_slice %arg7[%run_scoped3A_264, %dma_wait3A_285] : memref<80x128xi32, #tpu.memory_space<vmem>> -> memref<1x128xi32, #tpu.memory_space<vmem>>
      %dma_wait3A_287 = tpu.memref_squeeze %dma_wait3A_286 : memref<1x128xi32, #tpu.memory_space<vmem>> -> memref<128xi32, #tpu.memory_space<vmem>>
      %dma_wait3A_288 = arith.constant 0 : i32
      %dma_wait3A_289 = arith.constant 0 : i32
      %dma_wait3A_290 = tpu.memref_slice %arg9[%dma_wait3A_288, %dma_wait3A_289] : memref<10112x32xf32, #tpu.memory_space<vmem_shared>> -> memref<10112x32xf32, #tpu.memory_space<vmem_shared>>
      tpu.wait_indirect_dma semaphore(%run_scoped3A_270 : memref<!tpu.dma_semaphore, #tpu.memory_space<semaphore_mem>>) src(%dma_wait3A_284 : memref<128x32xf32, #tpu.memory_space<vmem>>) dst(%dma_wait3A_290 : memref<10112x32xf32, #tpu.memory_space<vmem_shared>>)
      tpu.yield
    }) : () -> ()
    %barrier3A_265 = arith.constant 0 : index
    tpu.barrier barrier_id(%barrier3A_265)
    %mul3A_266 = arith.constant 632 : i32
    %mul3A_267 = arith.muli %arg1, %mul3A_266 : i32
    %mul3A_268 = arith.constant 632 : i32
    %mul3A_269 = arith.muli %arg1, %mul3A_268 : i32
    "tpu.region"() ({
      %run_scoped3A_270 = tpu.sem_alloc : memref<!tpu.dma_semaphore, #tpu.memory_space<semaphore_mem>>
      %dma_start3A_271 = arith.constant 0 : i32
      %dma_start3A_272 = tpu.memref_slice %arg5[%arg0, %mul3A_269, %dma_start3A_271] : memref<2x10112x32xf32, #tpu.memory_space<hbm>> -> memref<1x632x32xf32, #tpu.memory_space<hbm>>
      %dma_start3A_273 = tpu.memref_squeeze %dma_start3A_272 : memref<1x632x32xf32, #tpu.memory_space<hbm>> -> memref<632x32xf32, #tpu.memory_space<hbm>>
      %dma_start3A_274 = arith.constant 0 : i32
      %dma_start3A_275 = tpu.memref_slice %arg9[%mul3A_267, %dma_start3A_274] : memref<10112x32xf32, #tpu.memory_space<vmem_shared>> -> memref<632x32xf32, #tpu.memory_space<vmem_shared>>
      tpu.enqueue_dma source(%dma_start3A_275 : memref<632x32xf32, #tpu.memory_space<vmem_shared>>) target(%dma_start3A_273 : memref<632x32xf32, #tpu.memory_space<hbm>>) target_semaphore(%run_scoped3A_270 : memref<!tpu.dma_semaphore, #tpu.memory_space<semaphore_mem>>)
      %dma_wait3A_276 = arith.constant 0 : i32
      %dma_wait3A_277 = tpu.memref_slice %arg5[%arg0, %mul3A_269, %dma_wait3A_276] : memref<2x10112x32xf32, #tpu.memory_space<hbm>> -> memref<1x632x32xf32, #tpu.memory_space<hbm>>
      %dma_wait3A_278 = tpu.memref_squeeze %dma_wait3A_277 : memref<1x632x32xf32, #tpu.memory_space<hbm>> -> memref<632x32xf32, #tpu.memory_space<hbm>>
      %dma_wait3A_279 = arith.constant 0 : i32
      %dma_wait3A_280 = tpu.memref_slice %arg9[%mul3A_267, %dma_wait3A_279] : memref<10112x32xf32, #tpu.memory_space<vmem_shared>> -> memref<632x32xf32, #tpu.memory_space<vmem_shared>>
      tpu.wait_dma2 semaphore(%run_scoped3A_270 : memref<!tpu.dma_semaphore, #tpu.memory_space<semaphore_mem>>) src(%dma_wait3A_280 : memref<632x32xf32, #tpu.memory_space<vmem_shared>>) dst(%dma_wait3A_278 : memref<632x32xf32, #tpu.memory_space<hbm>>)
      tpu.yield
    }) : () -> ()
    return
  }
}

module attributes {stable_mosaic.version = 14 : i64} {
  func.func @_proj_body(%arg0: memref<10000x128xf32, #tpu.memory_space<vmem>>, %arg1: memref<128x32xf32, #tpu.memory_space<vmem>>, %arg2: memref<2528x128xf32, #tpu.memory_space<vmem>>) attributes {dimension_semantics = [], scalar_prefetch = 0 : i64, scratch_operands = 0 : i64, tpu.core_type = #tpu.core_type<tc>} {
    %get3A = arith.constant 0 : index
    %get3A_0 = arith.constant 0 : index
    %get3A_1 = tpu.strided_load %arg0[%get3A, %get3A_0] {strides = array<i32: 4, 1>} : memref<10000x128xf32, #tpu.memory_space<vmem>>, vector<2500x128xf32>
    %get3A_2 = arith.constant 0 : index
    %get3A_3 = arith.constant 0 : index
    %get3A_4 = vector.load %arg1[%get3A_2, %get3A_3] : memref<128x32xf32, #tpu.memory_space<vmem>>, vector<128x32xf32>
    %dot_general3A = arith.constant dense<0.000000e+00> : vector<2500x32xf32>
    %dot_general3A_5 = tpu.matmul %get3A_1, %get3A_4, %dot_general3A {dimension_numbers = #tpu.dot_dimension_numbers<[1], [0], [0], [1], [0, 0, 1, 1], [], []>, transpose_lhs_hint = false} : vector<2500x128xf32>, vector<128x32xf32>, vector<2500x32xf32> -> vector<2500x32xf32>
    %swap3A = arith.constant 0 : index
    %swap3A_6 = arith.constant 0 : index
    %swap3A_7 = vector.load %arg2[%swap3A, %swap3A_6] : memref<2528x128xf32, #tpu.memory_space<vmem>>, vector<2500x32xf32>
    tpu.vector_store %arg2[%swap3A, %swap3A_6], %dot_general3A_5 {strides = array<i32>} : memref<2528x128xf32, #tpu.memory_space<vmem>>, vector<2500x32xf32>,
    %get3A_8 = arith.constant 1 : index
    %get3A_9 = arith.constant 0 : index
    %get3A_10 = tpu.strided_load %arg0[%get3A_8, %get3A_9] {strides = array<i32: 4, 1>} : memref<10000x128xf32, #tpu.memory_space<vmem>>, vector<2500x128xf32>
    %get3A_11 = arith.constant 0 : index
    %get3A_12 = arith.constant 0 : index
    %get3A_13 = vector.load %arg1[%get3A_11, %get3A_12] : memref<128x32xf32, #tpu.memory_space<vmem>>, vector<128x32xf32>
    %dot_general3A_14 = arith.constant dense<0.000000e+00> : vector<2500x32xf32>
    %dot_general3A_15 = tpu.matmul %get3A_10, %get3A_13, %dot_general3A_14 {dimension_numbers = #tpu.dot_dimension_numbers<[1], [0], [0], [1], [0, 0, 1, 1], [], []>, transpose_lhs_hint = false} : vector<2500x128xf32>, vector<128x32xf32>, vector<2500x32xf32> -> vector<2500x32xf32>
    %swap3A_16 = arith.constant 0 : index
    %swap3A_17 = arith.constant 32 : index
    %swap3A_18 = vector.load %arg2[%swap3A_16, %swap3A_17] : memref<2528x128xf32, #tpu.memory_space<vmem>>, vector<2500x32xf32>
    tpu.vector_store %arg2[%swap3A_16, %swap3A_17], %dot_general3A_15 {strides = array<i32>} : memref<2528x128xf32, #tpu.memory_space<vmem>>, vector<2500x32xf32>,
    %get3A_19 = arith.constant 2 : index
    %get3A_20 = arith.constant 0 : index
    %get3A_21 = tpu.strided_load %arg0[%get3A_19, %get3A_20] {strides = array<i32: 4, 1>} : memref<10000x128xf32, #tpu.memory_space<vmem>>, vector<2500x128xf32>
    %get3A_22 = arith.constant 0 : index
    %get3A_23 = arith.constant 0 : index
    %get3A_24 = vector.load %arg1[%get3A_22, %get3A_23] : memref<128x32xf32, #tpu.memory_space<vmem>>, vector<128x32xf32>
    %dot_general3A_25 = arith.constant dense<0.000000e+00> : vector<2500x32xf32>
    %dot_general3A_26 = tpu.matmul %get3A_21, %get3A_24, %dot_general3A_25 {dimension_numbers = #tpu.dot_dimension_numbers<[1], [0], [0], [1], [0, 0, 1, 1], [], []>, transpose_lhs_hint = false} : vector<2500x128xf32>, vector<128x32xf32>, vector<2500x32xf32> -> vector<2500x32xf32>
    %swap3A_27 = arith.constant 0 : index
    %swap3A_28 = arith.constant 64 : index
    %swap3A_29 = vector.load %arg2[%swap3A_27, %swap3A_28] : memref<2528x128xf32, #tpu.memory_space<vmem>>, vector<2500x32xf32>
    tpu.vector_store %arg2[%swap3A_27, %swap3A_28], %dot_general3A_26 {strides = array<i32>} : memref<2528x128xf32, #tpu.memory_space<vmem>>, vector<2500x32xf32>,
    %get3A_30 = arith.constant 3 : index
    %get3A_31 = arith.constant 0 : index
    %get3A_32 = tpu.strided_load %arg0[%get3A_30, %get3A_31] {strides = array<i32: 4, 1>} : memref<10000x128xf32, #tpu.memory_space<vmem>>, vector<2500x128xf32>
    %get3A_33 = arith.constant 0 : index
    %get3A_34 = arith.constant 0 : index
    %get3A_35 = vector.load %arg1[%get3A_33, %get3A_34] : memref<128x32xf32, #tpu.memory_space<vmem>>, vector<128x32xf32>
    %dot_general3A_36 = arith.constant dense<0.000000e+00> : vector<2500x32xf32>
    %dot_general3A_37 = tpu.matmul %get3A_32, %get3A_35, %dot_general3A_36 {dimension_numbers = #tpu.dot_dimension_numbers<[1], [0], [0], [1], [0, 0, 1, 1], [], []>, transpose_lhs_hint = false} : vector<2500x128xf32>, vector<128x32xf32>, vector<2500x32xf32> -> vector<2500x32xf32>
    %swap3A_38 = arith.constant 0 : index
    %swap3A_39 = arith.constant 96 : index
    %swap3A_40 = vector.load %arg2[%swap3A_38, %swap3A_39] : memref<2528x128xf32, #tpu.memory_space<vmem>>, vector<2500x32xf32>
    tpu.vector_store %arg2[%swap3A_38, %swap3A_39], %dot_general3A_37 {strides = array<i32>} : memref<2528x128xf32, #tpu.memory_space<vmem>>, vector<2500x32xf32>,
    %broadcast_in_dim3A = arith.constant 0.000000e+00 : f32
    %broadcast_in_dim3A_41 = vector.broadcast %broadcast_in_dim3A : f32 to vector<28x128xf32>
    %swap3A_42 = arith.constant 2500 : index
    %swap3A_43 = arith.constant 0 : index
    %swap3A_44 = vector.load %arg2[%swap3A_42, %swap3A_43] : memref<2528x128xf32, #tpu.memory_space<vmem>>, vector<28x128xf32>
    tpu.vector_store %arg2[%swap3A_42, %swap3A_43], %broadcast_in_dim3A_41 {strides = array<i32>} : memref<2528x128xf32, #tpu.memory_space<vmem>>, vector<28x128xf32>,
    return
  }
}

module attributes {stable_mosaic.version = 14 : i64} {
  func.func @_mid_body(%arg0: memref<2528x128xf32, #tpu.memory_space<vmem>>, %arg1: memref<5056x128xf32, #tpu.memory_space<vmem>>, %arg2: memref<1x32xf32, #tpu.memory_space<vmem>>, %arg3: memref<1x32xf32, #tpu.memory_space<vmem>>, %arg4: memref<32x32xf32, #tpu.memory_space<vmem>>, %arg5: memref<1x32xf32, #tpu.memory_space<vmem>>, %arg6: memref<32x32xf32, #tpu.memory_space<vmem>>, %arg7: memref<2528x128xf32, #tpu.memory_space<vmem>>, %arg8: memref<2528x128xf32, #tpu.memory_space<vmem>>) attributes {dimension_semantics = [], scalar_prefetch = 0 : i64, scratch_operands = 0 : i64, tpu.core_type = #tpu.core_type<tc>} {
    %get3A = arith.constant 0 : index
    %get3A_0 = arith.constant 0 : index
    %get3A_1 = vector.load %arg0[%get3A, %get3A_0] : memref<2528x128xf32, #tpu.memory_space<vmem>>, vector<2528x128xf32>
    %get3A_2 = arith.constant 0 : index
    %get3A_3 = arith.constant 0 : index
    %get3A_4 = vector.load %arg1[%get3A_2, %get3A_3] : memref<5056x128xf32, #tpu.memory_space<vmem>>, vector<2528x128xf32>
    %add3A = arith.addf %get3A_1, %get3A_4 : vector<2528x128xf32>
    %get3A_5 = arith.constant 2528 : index
    %get3A_6 = arith.constant 0 : index
    %get3A_7 = vector.load %arg1[%get3A_5, %get3A_6] : memref<5056x128xf32, #tpu.memory_space<vmem>>, vector<2528x128xf32>
    %add3A_8 = arith.addf %add3A, %get3A_7 : vector<2528x128xf32>
    %reduce_sum3A = arith.constant dense<0.000000e+00> : vector<128xf32>
    %reduce_sum3A_9 = vector.multi_reduction <add>, %add3A_8, %reduce_sum3A [0] : vector<2528x128xf32> to vector<128xf32>
    %broadcast_in_dim3A = vector.shape_cast %reduce_sum3A_9 : vector<128xf32> to vector<1x128xf32>
    %slice3A = vector.extract_strided_slice %broadcast_in_dim3A {offsets = [0, 0], sizes = [1, 32], strides = [1, 1]} : vector<1x128xf32> to vector<1x32xf32>
    %slice3A_10 = vector.extract_strided_slice %broadcast_in_dim3A {offsets = [0, 32], sizes = [1, 32], strides = [1, 1]} : vector<1x128xf32> to vector<1x32xf32>
    %add3A_11 = arith.addf %slice3A, %slice3A_10 : vector<1x32xf32>
    %slice3A_12 = vector.extract_strided_slice %broadcast_in_dim3A {offsets = [0, 64], sizes = [1, 32], strides = [1, 1]} : vector<1x128xf32> to vector<1x32xf32>
    %add3A_13 = arith.addf %add3A_11, %slice3A_12 : vector<1x32xf32>
    %slice3A_14 = vector.extract_strided_slice %broadcast_in_dim3A {offsets = [0, 96], sizes = [1, 32], strides = [1, 1]} : vector<1x128xf32> to vector<1x32xf32>
    %add3A_15 = arith.addf %add3A_13, %slice3A_14 : vector<1x32xf32>
    %mul3A = arith.constant 9.99999974E-5 : f32
    %mul3A_16 = vector.broadcast %mul3A : f32 to vector<1x32xf32>
    %mul3A_17 = arith.mulf %add3A_15, %mul3A_16 : vector<1x32xf32>
    %concatenate3A = tpu.concatenate %mul3A_17, %mul3A_17, %mul3A_17, %mul3A_17 in 1 : vector<1x32xf32>, vector<1x32xf32>, vector<1x32xf32>, vector<1x32xf32> -> vector<1x128xf32>
    %sub3A = vector.broadcast %concatenate3A : vector<1x128xf32> to vector<2528x128xf32>
    %sub3A_18 = arith.subf %add3A_8, %sub3A : vector<2528x128xf32>
    %mul3A_19 = arith.mulf %sub3A_18, %sub3A_18 : vector<2528x128xf32>
    %reduce_sum3A_20 = arith.constant dense<0.000000e+00> : vector<128xf32>
    %reduce_sum3A_21 = vector.multi_reduction <add>, %mul3A_19, %reduce_sum3A_20 [0] : vector<2528x128xf32> to vector<128xf32>
    %broadcast_in_dim3A_22 = vector.shape_cast %reduce_sum3A_21 : vector<128xf32> to vector<1x128xf32>
    %slice3A_23 = vector.extract_strided_slice %broadcast_in_dim3A_22 {offsets = [0, 0], sizes = [1, 32], strides = [1, 1]} : vector<1x128xf32> to vector<1x32xf32>
    %slice3A_24 = vector.extract_strided_slice %broadcast_in_dim3A_22 {offsets = [0, 32], sizes = [1, 32], strides = [1, 1]} : vector<1x128xf32> to vector<1x32xf32>
    %add3A_25 = arith.addf %slice3A_23, %slice3A_24 : vector<1x32xf32>
    %slice3A_26 = vector.extract_strided_slice %broadcast_in_dim3A_22 {offsets = [0, 64], sizes = [1, 32], strides = [1, 1]} : vector<1x128xf32> to vector<1x32xf32>
    %add3A_27 = arith.addf %add3A_25, %slice3A_26 : vector<1x32xf32>
    %slice3A_28 = vector.extract_strided_slice %broadcast_in_dim3A_22 {offsets = [0, 96], sizes = [1, 32], strides = [1, 1]} : vector<1x128xf32> to vector<1x32xf32>
    %add3A_29 = arith.addf %add3A_27, %slice3A_28 : vector<1x32xf32>
    %mul3A_30 = arith.constant 1.120000e+02 : f32
    %mul3A_31 = vector.broadcast %mul3A_30 : f32 to vector<1x32xf32>
    %mul3A_32 = arith.mulf %mul3A_31, %mul3A_17 : vector<1x32xf32>
    %mul3A_33 = arith.mulf %mul3A_32, %mul3A_17 : vector<1x32xf32>
    %sub3A_34 = arith.subf %add3A_29, %mul3A_33 : vector<1x32xf32>
    %mul3A_35 = arith.constant 9.99999974E-5 : f32
    %mul3A_36 = vector.broadcast %mul3A_35 : f32 to vector<1x32xf32>
    %mul3A_37 = arith.mulf %sub3A_34, %mul3A_36 : vector<1x32xf32>
    %add3A_38 = arith.constant 9.99999974E-6 : f32
    %add3A_39 = vector.broadcast %add3A_38 : f32 to vector<1x32xf32>
    %add3A_40 = arith.addf %mul3A_37, %add3A_39 : vector<1x32xf32>
    %rsqrt3A = math.rsqrt %add3A_40 : vector<1x32xf32>
    %get3A_41 = arith.constant 0 : index
    %get3A_42 = arith.constant 0 : index
    %get3A_43 = vector.load %arg2[%get3A_41, %get3A_42] : memref<1x32xf32, #tpu.memory_space<vmem>>, vector<1x32xf32>
    %concatenate3A_44 = tpu.concatenate %get3A_43, %get3A_43, %get3A_43, %get3A_43 in 1 : vector<1x32xf32>, vector<1x32xf32>, vector<1x32xf32>, vector<1x32xf32> -> vector<1x128xf32>
    %mul3A_45 = vector.broadcast %concatenate3A_44 : vector<1x128xf32> to vector<2528x128xf32>
    %mul3A_46 = arith.mulf %mul3A_45, %sub3A_18 : vector<2528x128xf32>
    %concatenate3A_47 = tpu.concatenate %rsqrt3A, %rsqrt3A, %rsqrt3A, %rsqrt3A in 1 : vector<1x32xf32>, vector<1x32xf32>, vector<1x32xf32>, vector<1x32xf32> -> vector<1x128xf32>
    %mul3A_48 = vector.broadcast %concatenate3A_47 : vector<1x128xf32> to vector<2528x128xf32>
    %mul3A_49 = arith.mulf %mul3A_46, %mul3A_48 : vector<2528x128xf32>
    %get3A_50 = arith.constant 0 : index
    %get3A_51 = arith.constant 0 : index
    %get3A_52 = vector.load %arg3[%get3A_50, %get3A_51] : memref<1x32xf32, #tpu.memory_space<vmem>>, vector<1x32xf32>
    %concatenate3A_53 = tpu.concatenate %get3A_52, %get3A_52, %get3A_52, %get3A_52 in 1 : vector<1x32xf32>, vector<1x32xf32>, vector<1x32xf32>, vector<1x32xf32> -> vector<1x128xf32>
    %add3A_54 = vector.broadcast %concatenate3A_53 : vector<1x128xf32> to vector<2528x128xf32>
    %add3A_55 = arith.addf %mul3A_49, %add3A_54 : vector<2528x128xf32>
    %max3A = arith.constant 0.000000e+00 : f32
    %max3A_56 = vector.broadcast %max3A : f32 to vector<2528x128xf32>
    %max3A_57 = arith.maximumf %add3A_55, %max3A_56 : vector<2528x128xf32>
    %get3A_58 = arith.constant 0 : index
    %get3A_59 = arith.constant 0 : index
    %get3A_60 = vector.load %arg4[%get3A_58, %get3A_59] : memref<32x32xf32, #tpu.memory_space<vmem>>, vector<32x32xf32>
    %broadcast_in_dim3A_61 = arith.constant 0.000000e+00 : f32
    %broadcast_in_dim3A_62 = vector.broadcast %broadcast_in_dim3A_61 : f32 to vector<32x32xf32>
    %concatenate3A_63 = tpu.concatenate %get3A_60, %broadcast_in_dim3A_62, %broadcast_in_dim3A_62, %broadcast_in_dim3A_62 in 1 : vector<32x32xf32>, vector<32x32xf32>, vector<32x32xf32>, vector<32x32xf32> -> vector<32x128xf32>
    %concatenate3A_64 = tpu.concatenate %broadcast_in_dim3A_62, %get3A_60, %broadcast_in_dim3A_62, %broadcast_in_dim3A_62 in 1 : vector<32x32xf32>, vector<32x32xf32>, vector<32x32xf32>, vector<32x32xf32> -> vector<32x128xf32>
    %concatenate3A_65 = tpu.concatenate %broadcast_in_dim3A_62, %broadcast_in_dim3A_62, %get3A_60, %broadcast_in_dim3A_62 in 1 : vector<32x32xf32>, vector<32x32xf32>, vector<32x32xf32>, vector<32x32xf32> -> vector<32x128xf32>
    %concatenate3A_66 = tpu.concatenate %broadcast_in_dim3A_62, %broadcast_in_dim3A_62, %broadcast_in_dim3A_62, %get3A_60 in 1 : vector<32x32xf32>, vector<32x32xf32>, vector<32x32xf32>, vector<32x32xf32> -> vector<32x128xf32>
    %concatenate3A_67 = tpu.concatenate %concatenate3A_63, %concatenate3A_64, %concatenate3A_65, %concatenate3A_66 in 0 : vector<32x128xf32>, vector<32x128xf32>, vector<32x128xf32>, vector<32x128xf32> -> vector<128x128xf32>
    %dot_general3A = arith.constant dense<0.000000e+00> : vector<2528x128xf32>
    %dot_general3A_68 = tpu.matmul %max3A_57, %concatenate3A_67, %dot_general3A {dimension_numbers = #tpu.dot_dimension_numbers<[1], [0], [0], [1], [0, 0, 1, 1], [], []>, transpose_lhs_hint = false} : vector<2528x128xf32>, vector<128x128xf32>, vector<2528x128xf32> -> vector<2528x128xf32>
    %get3A_69 = arith.constant 0 : index
    %get3A_70 = arith.constant 0 : index
    %get3A_71 = vector.load %arg5[%get3A_69, %get3A_70] : memref<1x32xf32, #tpu.memory_space<vmem>>, vector<1x32xf32>
    %concatenate3A_72 = tpu.concatenate %get3A_71, %get3A_71, %get3A_71, %get3A_71 in 1 : vector<1x32xf32>, vector<1x32xf32>, vector<1x32xf32>, vector<1x32xf32> -> vector<1x128xf32>
    %add3A_73 = vector.broadcast %concatenate3A_72 : vector<1x128xf32> to vector<2528x128xf32>
    %add3A_74 = arith.addf %dot_general3A_68, %add3A_73 : vector<2528x128xf32>
    %max3A_75 = arith.constant 0.000000e+00 : f32
    %max3A_76 = vector.broadcast %max3A_75 : f32 to vector<2528x128xf32>
    %max3A_77 = arith.maximumf %add3A_74, %max3A_76 : vector<2528x128xf32>
    %swap3A = arith.constant 0 : index
    %swap3A_78 = arith.constant 0 : index
    %swap3A_79 = vector.load %arg7[%swap3A, %swap3A_78] : memref<2528x128xf32, #tpu.memory_space<vmem>>, vector<2528x128xf32>
    tpu.vector_store %arg7[%swap3A, %swap3A_78], %max3A_77 {strides = array<i32>} : memref<2528x128xf32, #tpu.memory_space<vmem>>, vector<2528x128xf32>,
    %slice3A_80 = vector.extract_strided_slice %max3A_77 {offsets = [0, 0], sizes = [2500, 128], strides = [1, 1]} : vector<2528x128xf32> to vector<2500x128xf32>
    %get3A_81 = arith.constant 0 : index
    %get3A_82 = arith.constant 0 : index
    %get3A_83 = vector.load %arg6[%get3A_81, %get3A_82] : memref<32x32xf32, #tpu.memory_space<vmem>>, vector<32x32xf32>
    %broadcast_in_dim3A_84 = arith.constant 0.000000e+00 : f32
    %broadcast_in_dim3A_85 = vector.broadcast %broadcast_in_dim3A_84 : f32 to vector<32x32xf32>
    %concatenate3A_86 = tpu.concatenate %get3A_83, %broadcast_in_dim3A_85, %broadcast_in_dim3A_85, %broadcast_in_dim3A_85 in 1 : vector<32x32xf32>, vector<32x32xf32>, vector<32x32xf32>, vector<32x32xf32> -> vector<32x128xf32>
    %concatenate3A_87 = tpu.concatenate %broadcast_in_dim3A_85, %get3A_83, %broadcast_in_dim3A_85, %broadcast_in_dim3A_85 in 1 : vector<32x32xf32>, vector<32x32xf32>, vector<32x32xf32>, vector<32x32xf32> -> vector<32x128xf32>
    %concatenate3A_88 = tpu.concatenate %broadcast_in_dim3A_85, %broadcast_in_dim3A_85, %get3A_83, %broadcast_in_dim3A_85 in 1 : vector<32x32xf32>, vector<32x32xf32>, vector<32x32xf32>, vector<32x32xf32> -> vector<32x128xf32>
    %concatenate3A_89 = tpu.concatenate %broadcast_in_dim3A_85, %broadcast_in_dim3A_85, %broadcast_in_dim3A_85, %get3A_83 in 1 : vector<32x32xf32>, vector<32x32xf32>, vector<32x32xf32>, vector<32x32xf32> -> vector<32x128xf32>
    %concatenate3A_90 = tpu.concatenate %concatenate3A_86, %concatenate3A_87, %concatenate3A_88, %concatenate3A_89 in 0 : vector<32x128xf32>, vector<32x128xf32>, vector<32x128xf32>, vector<32x128xf32> -> vector<128x128xf32>
    %dot_general3A_91 = arith.constant dense<0.000000e+00> : vector<2500x128xf32>
    %dot_general3A_92 = tpu.matmul %slice3A_80, %concatenate3A_90, %dot_general3A_91 {dimension_numbers = #tpu.dot_dimension_numbers<[1], [0], [0], [1], [0, 0, 1, 1], [], []>, transpose_lhs_hint = false} : vector<2500x128xf32>, vector<128x128xf32>, vector<2500x128xf32> -> vector<2500x128xf32>
    %swap3A_93 = arith.constant 0 : index
    %swap3A_94 = arith.constant 0 : index
    %swap3A_95 = vector.load %arg8[%swap3A_93, %swap3A_94] : memref<2528x128xf32, #tpu.memory_space<vmem>>, vector<2500x128xf32>
    tpu.vector_store %arg8[%swap3A_93, %swap3A_94], %dot_general3A_92 {strides = array<i32>} : memref<2528x128xf32, #tpu.memory_space<vmem>>, vector<2500x128xf32>,
    %broadcast_in_dim3A_96 = arith.constant 0.000000e+00 : f32
    %broadcast_in_dim3A_97 = vector.broadcast %broadcast_in_dim3A_96 : f32 to vector<28x128xf32>
    %swap3A_98 = arith.constant 2500 : index
    %swap3A_99 = arith.constant 0 : index
    %swap3A_100 = vector.load %arg8[%swap3A_98, %swap3A_99] : memref<2528x128xf32, #tpu.memory_space<vmem>>, vector<28x128xf32>
    tpu.vector_store %arg8[%swap3A_98, %swap3A_99], %broadcast_in_dim3A_97 {strides = array<i32>} : memref<2528x128xf32, #tpu.memory_space<vmem>>, vector<28x128xf32>,
    return
  }
}

module attributes {stable_mosaic.version = 14 : i64} {
  func.func @_fin_body(%arg0: memref<2528x128xf32, #tpu.memory_space<vmem>>, %arg1: memref<5056x128xf32, #tpu.memory_space<vmem>>, %arg2: memref<1x32xf32, #tpu.memory_space<vmem>>, %arg3: memref<1x32xf32, #tpu.memory_space<vmem>>, %arg4: memref<32x32xf32, #tpu.memory_space<vmem>>, %arg5: memref<1x32xf32, #tpu.memory_space<vmem>>, %arg6: memref<2528x128xf32, #tpu.memory_space<vmem>>, %arg7: memref<2528x128xf32, #tpu.memory_space<vmem>>, %arg8: memref<96x10xf32, #tpu.memory_space<vmem>>, %arg9: memref<1x10xf32, #tpu.memory_space<vmem>>, %arg10: memref<4x2528xi32, #tpu.memory_space<vmem>>, %arg11: memref<128x10xf32, #tpu.memory_space<vmem>>) attributes {dimension_semantics = [], scalar_prefetch = 0 : i64, scratch_operands = 0 : i64, tpu.core_type = #tpu.core_type<tc>} {
    %get3A = arith.constant 0 : index
    %get3A_0 = arith.constant 0 : index
    %get3A_1 = vector.load %arg0[%get3A, %get3A_0] : memref<2528x128xf32, #tpu.memory_space<vmem>>, vector<2528x128xf32>
    %get3A_2 = arith.constant 0 : index
    %get3A_3 = arith.constant 0 : index
    %get3A_4 = vector.load %arg1[%get3A_2, %get3A_3] : memref<5056x128xf32, #tpu.memory_space<vmem>>, vector<2528x128xf32>
    %add3A = arith.addf %get3A_1, %get3A_4 : vector<2528x128xf32>
    %get3A_5 = arith.constant 2528 : index
    %get3A_6 = arith.constant 0 : index
    %get3A_7 = vector.load %arg1[%get3A_5, %get3A_6] : memref<5056x128xf32, #tpu.memory_space<vmem>>, vector<2528x128xf32>
    %add3A_8 = arith.addf %add3A, %get3A_7 : vector<2528x128xf32>
    %reduce_sum3A = arith.constant dense<0.000000e+00> : vector<128xf32>
    %reduce_sum3A_9 = vector.multi_reduction <add>, %add3A_8, %reduce_sum3A [0] : vector<2528x128xf32> to vector<128xf32>
    %broadcast_in_dim3A = vector.shape_cast %reduce_sum3A_9 : vector<128xf32> to vector<1x128xf32>
    %slice3A = vector.extract_strided_slice %broadcast_in_dim3A {offsets = [0, 0], sizes = [1, 32], strides = [1, 1]} : vector<1x128xf32> to vector<1x32xf32>
    %slice3A_10 = vector.extract_strided_slice %broadcast_in_dim3A {offsets = [0, 32], sizes = [1, 32], strides = [1, 1]} : vector<1x128xf32> to vector<1x32xf32>
    %add3A_11 = arith.addf %slice3A, %slice3A_10 : vector<1x32xf32>
    %slice3A_12 = vector.extract_strided_slice %broadcast_in_dim3A {offsets = [0, 64], sizes = [1, 32], strides = [1, 1]} : vector<1x128xf32> to vector<1x32xf32>
    %add3A_13 = arith.addf %add3A_11, %slice3A_12 : vector<1x32xf32>
    %slice3A_14 = vector.extract_strided_slice %broadcast_in_dim3A {offsets = [0, 96], sizes = [1, 32], strides = [1, 1]} : vector<1x128xf32> to vector<1x32xf32>
    %add3A_15 = arith.addf %add3A_13, %slice3A_14 : vector<1x32xf32>
    %mul3A = arith.constant 9.99999974E-5 : f32
    %mul3A_16 = vector.broadcast %mul3A : f32 to vector<1x32xf32>
    %mul3A_17 = arith.mulf %add3A_15, %mul3A_16 : vector<1x32xf32>
    %concatenate3A = tpu.concatenate %mul3A_17, %mul3A_17, %mul3A_17, %mul3A_17 in 1 : vector<1x32xf32>, vector<1x32xf32>, vector<1x32xf32>, vector<1x32xf32> -> vector<1x128xf32>
    %sub3A = vector.broadcast %concatenate3A : vector<1x128xf32> to vector<2528x128xf32>
    %sub3A_18 = arith.subf %add3A_8, %sub3A : vector<2528x128xf32>
    %mul3A_19 = arith.mulf %sub3A_18, %sub3A_18 : vector<2528x128xf32>
    %reduce_sum3A_20 = arith.constant dense<0.000000e+00> : vector<128xf32>
    %reduce_sum3A_21 = vector.multi_reduction <add>, %mul3A_19, %reduce_sum3A_20 [0] : vector<2528x128xf32> to vector<128xf32>
    %broadcast_in_dim3A_22 = vector.shape_cast %reduce_sum3A_21 : vector<128xf32> to vector<1x128xf32>
    %slice3A_23 = vector.extract_strided_slice %broadcast_in_dim3A_22 {offsets = [0, 0], sizes = [1, 32], strides = [1, 1]} : vector<1x128xf32> to vector<1x32xf32>
    %slice3A_24 = vector.extract_strided_slice %broadcast_in_dim3A_22 {offsets = [0, 32], sizes = [1, 32], strides = [1, 1]} : vector<1x128xf32> to vector<1x32xf32>
    %add3A_25 = arith.addf %slice3A_23, %slice3A_24 : vector<1x32xf32>
    %slice3A_26 = vector.extract_strided_slice %broadcast_in_dim3A_22 {offsets = [0, 64], sizes = [1, 32], strides = [1, 1]} : vector<1x128xf32> to vector<1x32xf32>
    %add3A_27 = arith.addf %add3A_25, %slice3A_26 : vector<1x32xf32>
    %slice3A_28 = vector.extract_strided_slice %broadcast_in_dim3A_22 {offsets = [0, 96], sizes = [1, 32], strides = [1, 1]} : vector<1x128xf32> to vector<1x32xf32>
    %add3A_29 = arith.addf %add3A_27, %slice3A_28 : vector<1x32xf32>
    %mul3A_30 = arith.constant 1.120000e+02 : f32
    %mul3A_31 = vector.broadcast %mul3A_30 : f32 to vector<1x32xf32>
    %mul3A_32 = arith.mulf %mul3A_31, %mul3A_17 : vector<1x32xf32>
    %mul3A_33 = arith.mulf %mul3A_32, %mul3A_17 : vector<1x32xf32>
    %sub3A_34 = arith.subf %add3A_29, %mul3A_33 : vector<1x32xf32>
    %mul3A_35 = arith.constant 9.99999974E-5 : f32
    %mul3A_36 = vector.broadcast %mul3A_35 : f32 to vector<1x32xf32>
    %mul3A_37 = arith.mulf %sub3A_34, %mul3A_36 : vector<1x32xf32>
    %add3A_38 = arith.constant 9.99999974E-6 : f32
    %add3A_39 = vector.broadcast %add3A_38 : f32 to vector<1x32xf32>
    %add3A_40 = arith.addf %mul3A_37, %add3A_39 : vector<1x32xf32>
    %rsqrt3A = math.rsqrt %add3A_40 : vector<1x32xf32>
    %get3A_41 = arith.constant 0 : index
    %get3A_42 = arith.constant 0 : index
    %get3A_43 = vector.load %arg2[%get3A_41, %get3A_42] : memref<1x32xf32, #tpu.memory_space<vmem>>, vector<1x32xf32>
    %concatenate3A_44 = tpu.concatenate %get3A_43, %get3A_43, %get3A_43, %get3A_43 in 1 : vector<1x32xf32>, vector<1x32xf32>, vector<1x32xf32>, vector<1x32xf32> -> vector<1x128xf32>
    %mul3A_45 = vector.broadcast %concatenate3A_44 : vector<1x128xf32> to vector<2528x128xf32>
    %mul3A_46 = arith.mulf %mul3A_45, %sub3A_18 : vector<2528x128xf32>
    %concatenate3A_47 = tpu.concatenate %rsqrt3A, %rsqrt3A, %rsqrt3A, %rsqrt3A in 1 : vector<1x32xf32>, vector<1x32xf32>, vector<1x32xf32>, vector<1x32xf32> -> vector<1x128xf32>
    %mul3A_48 = vector.broadcast %concatenate3A_47 : vector<1x128xf32> to vector<2528x128xf32>
    %mul3A_49 = arith.mulf %mul3A_46, %mul3A_48 : vector<2528x128xf32>
    %get3A_50 = arith.constant 0 : index
    %get3A_51 = arith.constant 0 : index
    %get3A_52 = vector.load %arg3[%get3A_50, %get3A_51] : memref<1x32xf32, #tpu.memory_space<vmem>>, vector<1x32xf32>
    %concatenate3A_53 = tpu.concatenate %get3A_52, %get3A_52, %get3A_52, %get3A_52 in 1 : vector<1x32xf32>, vector<1x32xf32>, vector<1x32xf32>, vector<1x32xf32> -> vector<1x128xf32>
    %add3A_54 = vector.broadcast %concatenate3A_53 : vector<1x128xf32> to vector<2528x128xf32>
    %add3A_55 = arith.addf %mul3A_49, %add3A_54 : vector<2528x128xf32>
    %max3A = arith.constant 0.000000e+00 : f32
    %max3A_56 = vector.broadcast %max3A : f32 to vector<2528x128xf32>
    %max3A_57 = arith.maximumf %add3A_55, %max3A_56 : vector<2528x128xf32>
    %get3A_58 = arith.constant 0 : index
    %get3A_59 = arith.constant 0 : index
    %get3A_60 = vector.load %arg4[%get3A_58, %get3A_59] : memref<32x32xf32, #tpu.memory_space<vmem>>, vector<32x32xf32>
    %broadcast_in_dim3A_61 = arith.constant 0.000000e+00 : f32
    %broadcast_in_dim3A_62 = vector.broadcast %broadcast_in_dim3A_61 : f32 to vector<32x32xf32>
    %concatenate3A_63 = tpu.concatenate %get3A_60, %broadcast_in_dim3A_62, %broadcast_in_dim3A_62, %broadcast_in_dim3A_62 in 1 : vector<32x32xf32>, vector<32x32xf32>, vector<32x32xf32>, vector<32x32xf32> -> vector<32x128xf32>
    %concatenate3A_64 = tpu.concatenate %broadcast_in_dim3A_62, %get3A_60, %broadcast_in_dim3A_62, %broadcast_in_dim3A_62 in 1 : vector<32x32xf32>, vector<32x32xf32>, vector<32x32xf32>, vector<32x32xf32> -> vector<32x128xf32>
    %concatenate3A_65 = tpu.concatenate %broadcast_in_dim3A_62, %broadcast_in_dim3A_62, %get3A_60, %broadcast_in_dim3A_62 in 1 : vector<32x32xf32>, vector<32x32xf32>, vector<32x32xf32>, vector<32x32xf32> -> vector<32x128xf32>
    %concatenate3A_66 = tpu.concatenate %broadcast_in_dim3A_62, %broadcast_in_dim3A_62, %broadcast_in_dim3A_62, %get3A_60 in 1 : vector<32x32xf32>, vector<32x32xf32>, vector<32x32xf32>, vector<32x32xf32> -> vector<32x128xf32>
    %concatenate3A_67 = tpu.concatenate %concatenate3A_63, %concatenate3A_64, %concatenate3A_65, %concatenate3A_66 in 0 : vector<32x128xf32>, vector<32x128xf32>, vector<32x128xf32>, vector<32x128xf32> -> vector<128x128xf32>
    %dot_general3A = arith.constant dense<0.000000e+00> : vector<2528x128xf32>
    %dot_general3A_68 = tpu.matmul %max3A_57, %concatenate3A_67, %dot_general3A {dimension_numbers = #tpu.dot_dimension_numbers<[1], [0], [0], [1], [0, 0, 1, 1], [], []>, transpose_lhs_hint = false} : vector<2528x128xf32>, vector<128x128xf32>, vector<2528x128xf32> -> vector<2528x128xf32>
    %get3A_69 = arith.constant 0 : index
    %get3A_70 = arith.constant 0 : index
    %get3A_71 = vector.load %arg5[%get3A_69, %get3A_70] : memref<1x32xf32, #tpu.memory_space<vmem>>, vector<1x32xf32>
    %concatenate3A_72 = tpu.concatenate %get3A_71, %get3A_71, %get3A_71, %get3A_71 in 1 : vector<1x32xf32>, vector<1x32xf32>, vector<1x32xf32>, vector<1x32xf32> -> vector<1x128xf32>
    %add3A_73 = vector.broadcast %concatenate3A_72 : vector<1x128xf32> to vector<2528x128xf32>
    %add3A_74 = arith.addf %dot_general3A_68, %add3A_73 : vector<2528x128xf32>
    %max3A_75 = arith.constant 0.000000e+00 : f32
    %max3A_76 = vector.broadcast %max3A_75 : f32 to vector<2528x128xf32>
    %max3A_77 = arith.maximumf %add3A_74, %max3A_76 : vector<2528x128xf32>
    %get3A_78 = arith.constant 0 : index
    %get3A_79 = arith.constant 0 : index
    %get3A_80 = vector.load %arg9[%get3A_78, %get3A_79] : memref<1x10xf32, #tpu.memory_space<vmem>>, vector<1x10xf32>
    %broadcast_in_dim3A_81 = vector.shape_cast %get3A_80 : vector<1x10xf32> to vector<1x10xf32>
    %broadcast_in_dim3A_82 = vector.broadcast %broadcast_in_dim3A_81 : vector<1x10xf32> to vector<128x10xf32>
    %get3A_83 = arith.constant 0 : index
    %get3A_84 = arith.constant 0 : index
    %get3A_85 = vector.load %arg6[%get3A_83, %get3A_84] : memref<2528x128xf32, #tpu.memory_space<vmem>>, vector<2528x32xf32>
    %get3A_86 = arith.constant 0 : index
    %get3A_87 = arith.constant 0 : index
    %get3A_88 = vector.load %arg8[%get3A_86, %get3A_87] : memref<96x10xf32, #tpu.memory_space<vmem>>, vector<32x10xf32>
    %dot_general3A_89 = arith.constant dense<0.000000e+00> : vector<2528x10xf32>
    %dot_general3A_90 = tpu.matmul %get3A_85, %get3A_88, %dot_general3A_89 {dimension_numbers = #tpu.dot_dimension_numbers<[1], [0], [0], [1], [0, 0, 1, 1], [], []>, transpose_lhs_hint = false} : vector<2528x32xf32>, vector<32x10xf32>, vector<2528x10xf32> -> vector<2528x10xf32>
    %get3A_91 = arith.constant 0 : index
    %get3A_92 = arith.constant 0 : index
    %get3A_93 = vector.load %arg7[%get3A_91, %get3A_92] : memref<2528x128xf32, #tpu.memory_space<vmem>>, vector<2528x32xf32>
    %get3A_94 = arith.constant 32 : index
    %get3A_95 = arith.constant 0 : index
    %get3A_96 = vector.load %arg8[%get3A_94, %get3A_95] : memref<96x10xf32, #tpu.memory_space<vmem>>, vector<32x10xf32>
    %dot_general3A_97 = arith.constant dense<0.000000e+00> : vector<2528x10xf32>
    %dot_general3A_98 = tpu.matmul %get3A_93, %get3A_96, %dot_general3A_97 {dimension_numbers = #tpu.dot_dimension_numbers<[1], [0], [0], [1], [0, 0, 1, 1], [], []>, transpose_lhs_hint = false} : vector<2528x32xf32>, vector<32x10xf32>, vector<2528x10xf32> -> vector<2528x10xf32>
    %add3A_99 = arith.addf %dot_general3A_90, %dot_general3A_98 : vector<2528x10xf32>
    %slice3A_100 = vector.extract_strided_slice %max3A_77 {offsets = [0, 0], sizes = [2528, 32], strides = [1, 1]} : vector<2528x128xf32> to vector<2528x32xf32>
    %get3A_101 = arith.constant 64 : index
    %get3A_102 = arith.constant 0 : index
    %get3A_103 = vector.load %arg8[%get3A_101, %get3A_102] : memref<96x10xf32, #tpu.memory_space<vmem>>, vector<32x10xf32>
    %dot_general3A_104 = arith.constant dense<0.000000e+00> : vector<2528x10xf32>
    %dot_general3A_105 = tpu.matmul %slice3A_100, %get3A_103, %dot_general3A_104 {dimension_numbers = #tpu.dot_dimension_numbers<[1], [0], [0], [1], [0, 0, 1, 1], [], []>, transpose_lhs_hint = false} : vector<2528x32xf32>, vector<32x10xf32>, vector<2528x10xf32> -> vector<2528x10xf32>
    %add3A_106 = arith.addf %add3A_99, %dot_general3A_105 : vector<2528x10xf32>
    %iota3A = tpu.iota {dimensions = array<i32: 0>} : vector<128x2528xi32>
    %get3A_107 = arith.constant 0 : index
    %get3A_108 = arith.constant 0 : index
    %get3A_109 = vector.load %arg10[%get3A_107, %get3A_108] : memref<4x2528xi32, #tpu.memory_space<vmem>>, vector<1x2528xi32>
    %eq3A = vector.broadcast %get3A_109 : vector<1x2528xi32> to vector<128x2528xi32>
    %eq3A_110 = arith.cmpi eq, %iota3A, %eq3A : vector<128x2528xi32>
    %convert_element_type3A = arith.extui %eq3A_110 : vector<128x2528xi1> to vector<128x2528xi32>
    %convert_element_type3A_111 = arith.sitofp %convert_element_type3A : vector<128x2528xi32> to vector<128x2528xf32>
    %dot_general3A_112 = arith.constant dense<0.000000e+00> : vector<128x10xf32>
    %dot_general3A_113 = tpu.matmul %convert_element_type3A_111, %add3A_106, %dot_general3A_112 {dimension_numbers = #tpu.dot_dimension_numbers<[1], [0], [0], [1], [0, 0, 1, 1], [], []>, transpose_lhs_hint = false} : vector<128x2528xf32>, vector<2528x10xf32>, vector<128x10xf32> -> vector<128x10xf32>
    %add3A_114 = arith.addf %broadcast_in_dim3A_82, %dot_general3A_113 : vector<128x10xf32>
    %get3A_115 = arith.constant 0 : index
    %get3A_116 = arith.constant 32 : index
    %get3A_117 = vector.load %arg6[%get3A_115, %get3A_116] : memref<2528x128xf32, #tpu.memory_space<vmem>>, vector<2528x32xf32>
    %get3A_118 = arith.constant 0 : index
    %get3A_119 = arith.constant 0 : index
    %get3A_120 = vector.load %arg8[%get3A_118, %get3A_119] : memref<96x10xf32, #tpu.memory_space<vmem>>, vector<32x10xf32>
    %dot_general3A_121 = arith.constant dense<0.000000e+00> : vector<2528x10xf32>
    %dot_general3A_122 = tpu.matmul %get3A_117, %get3A_120, %dot_general3A_121 {dimension_numbers = #tpu.dot_dimension_numbers<[1], [0], [0], [1], [0, 0, 1, 1], [], []>, transpose_lhs_hint = false} : vector<2528x32xf32>, vector<32x10xf32>, vector<2528x10xf32> -> vector<2528x10xf32>
    %get3A_123 = arith.constant 0 : index
    %get3A_124 = arith.constant 32 : index
    %get3A_125 = vector.load %arg7[%get3A_123, %get3A_124] : memref<2528x128xf32, #tpu.memory_space<vmem>>, vector<2528x32xf32>
    %get3A_126 = arith.constant 32 : index
    %get3A_127 = arith.constant 0 : index
    %get3A_128 = vector.load %arg8[%get3A_126, %get3A_127] : memref<96x10xf32, #tpu.memory_space<vmem>>, vector<32x10xf32>
    %dot_general3A_129 = arith.constant dense<0.000000e+00> : vector<2528x10xf32>
    %dot_general3A_130 = tpu.matmul %get3A_125, %get3A_128, %dot_general3A_129 {dimension_numbers = #tpu.dot_dimension_numbers<[1], [0], [0], [1], [0, 0, 1, 1], [], []>, transpose_lhs_hint = false} : vector<2528x32xf32>, vector<32x10xf32>, vector<2528x10xf32> -> vector<2528x10xf32>
    %add3A_131 = arith.addf %dot_general3A_122, %dot_general3A_130 : vector<2528x10xf32>
    %slice3A_132 = vector.extract_strided_slice %max3A_77 {offsets = [0, 32], sizes = [2528, 32], strides = [1, 1]} : vector<2528x128xf32> to vector<2528x32xf32>
    %get3A_133 = arith.constant 64 : index
    %get3A_134 = arith.constant 0 : index
    %get3A_135 = vector.load %arg8[%get3A_133, %get3A_134] : memref<96x10xf32, #tpu.memory_space<vmem>>, vector<32x10xf32>
    %dot_general3A_136 = arith.constant dense<0.000000e+00> : vector<2528x10xf32>
    %dot_general3A_137 = tpu.matmul %slice3A_132, %get3A_135, %dot_general3A_136 {dimension_numbers = #tpu.dot_dimension_numbers<[1], [0], [0], [1], [0, 0, 1, 1], [], []>, transpose_lhs_hint = false} : vector<2528x32xf32>, vector<32x10xf32>, vector<2528x10xf32> -> vector<2528x10xf32>
    %add3A_138 = arith.addf %add3A_131, %dot_general3A_137 : vector<2528x10xf32>
    %iota3A_139 = tpu.iota {dimensions = array<i32: 0>} : vector<128x2528xi32>
    %get3A_140 = arith.constant 1 : index
    %get3A_141 = arith.constant 0 : index
    %get3A_142 = vector.load %arg10[%get3A_140, %get3A_141] : memref<4x2528xi32, #tpu.memory_space<vmem>>, vector<1x2528xi32>
    %eq3A_143 = vector.broadcast %get3A_142 : vector<1x2528xi32> to vector<128x2528xi32>
    %eq3A_144 = arith.cmpi eq, %iota3A_139, %eq3A_143 : vector<128x2528xi32>
    %convert_element_type3A_145 = arith.extui %eq3A_144 : vector<128x2528xi1> to vector<128x2528xi32>
    %convert_element_type3A_146 = arith.sitofp %convert_element_type3A_145 : vector<128x2528xi32> to vector<128x2528xf32>
    %dot_general3A_147 = arith.constant dense<0.000000e+00> : vector<128x10xf32>
    %dot_general3A_148 = tpu.matmul %convert_element_type3A_146, %add3A_138, %dot_general3A_147 {dimension_numbers = #tpu.dot_dimension_numbers<[1], [0], [0], [1], [0, 0, 1, 1], [], []>, transpose_lhs_hint = false} : vector<128x2528xf32>, vector<2528x10xf32>, vector<128x10xf32> -> vector<128x10xf32>
    %add3A_149 = arith.addf %add3A_114, %dot_general3A_148 : vector<128x10xf32>
    %get3A_150 = arith.constant 0 : index
    %get3A_151 = arith.constant 64 : index
    %get3A_152 = vector.load %arg6[%get3A_150, %get3A_151] : memref<2528x128xf32, #tpu.memory_space<vmem>>, vector<2528x32xf32>
    %get3A_153 = arith.constant 0 : index
    %get3A_154 = arith.constant 0 : index
    %get3A_155 = vector.load %arg8[%get3A_153, %get3A_154] : memref<96x10xf32, #tpu.memory_space<vmem>>, vector<32x10xf32>
    %dot_general3A_156 = arith.constant dense<0.000000e+00> : vector<2528x10xf32>
    %dot_general3A_157 = tpu.matmul %get3A_152, %get3A_155, %dot_general3A_156 {dimension_numbers = #tpu.dot_dimension_numbers<[1], [0], [0], [1], [0, 0, 1, 1], [], []>, transpose_lhs_hint = false} : vector<2528x32xf32>, vector<32x10xf32>, vector<2528x10xf32> -> vector<2528x10xf32>
    %get3A_158 = arith.constant 0 : index
    %get3A_159 = arith.constant 64 : index
    %get3A_160 = vector.load %arg7[%get3A_158, %get3A_159] : memref<2528x128xf32, #tpu.memory_space<vmem>>, vector<2528x32xf32>
    %get3A_161 = arith.constant 32 : index
    %get3A_162 = arith.constant 0 : index
    %get3A_163 = vector.load %arg8[%get3A_161, %get3A_162] : memref<96x10xf32, #tpu.memory_space<vmem>>, vector<32x10xf32>
    %dot_general3A_164 = arith.constant dense<0.000000e+00> : vector<2528x10xf32>
    %dot_general3A_165 = tpu.matmul %get3A_160, %get3A_163, %dot_general3A_164 {dimension_numbers = #tpu.dot_dimension_numbers<[1], [0], [0], [1], [0, 0, 1, 1], [], []>, transpose_lhs_hint = false} : vector<2528x32xf32>, vector<32x10xf32>, vector<2528x10xf32> -> vector<2528x10xf32>
    %add3A_166 = arith.addf %dot_general3A_157, %dot_general3A_165 : vector<2528x10xf32>
    %slice3A_167 = vector.extract_strided_slice %max3A_77 {offsets = [0, 64], sizes = [2528, 32], strides = [1, 1]} : vector<2528x128xf32> to vector<2528x32xf32>
    %get3A_168 = arith.constant 64 : index
    %get3A_169 = arith.constant 0 : index
    %get3A_170 = vector.load %arg8[%get3A_168, %get3A_169] : memref<96x10xf32, #tpu.memory_space<vmem>>, vector<32x10xf32>
    %dot_general3A_171 = arith.constant dense<0.000000e+00> : vector<2528x10xf32>
    %dot_general3A_172 = tpu.matmul %slice3A_167, %get3A_170, %dot_general3A_171 {dimension_numbers = #tpu.dot_dimension_numbers<[1], [0], [0], [1], [0, 0, 1, 1], [], []>, transpose_lhs_hint = false} : vector<2528x32xf32>, vector<32x10xf32>, vector<2528x10xf32> -> vector<2528x10xf32>
    %add3A_173 = arith.addf %add3A_166, %dot_general3A_172 : vector<2528x10xf32>
    %iota3A_174 = tpu.iota {dimensions = array<i32: 0>} : vector<128x2528xi32>
    %get3A_175 = arith.constant 2 : index
    %get3A_176 = arith.constant 0 : index
    %get3A_177 = vector.load %arg10[%get3A_175, %get3A_176] : memref<4x2528xi32, #tpu.memory_space<vmem>>, vector<1x2528xi32>
    %eq3A_178 = vector.broadcast %get3A_177 : vector<1x2528xi32> to vector<128x2528xi32>
    %eq3A_179 = arith.cmpi eq, %iota3A_174, %eq3A_178 : vector<128x2528xi32>
    %convert_element_type3A_180 = arith.extui %eq3A_179 : vector<128x2528xi1> to vector<128x2528xi32>
    %convert_element_type3A_181 = arith.sitofp %convert_element_type3A_180 : vector<128x2528xi32> to vector<128x2528xf32>
    %dot_general3A_182 = arith.constant dense<0.000000e+00> : vector<128x10xf32>
    %dot_general3A_183 = tpu.matmul %convert_element_type3A_181, %add3A_173, %dot_general3A_182 {dimension_numbers = #tpu.dot_dimension_numbers<[1], [0], [0], [1], [0, 0, 1, 1], [], []>, transpose_lhs_hint = false} : vector<128x2528xf32>, vector<2528x10xf32>, vector<128x10xf32> -> vector<128x10xf32>
    %add3A_184 = arith.addf %add3A_149, %dot_general3A_183 : vector<128x10xf32>
    %get3A_185 = arith.constant 0 : index
    %get3A_186 = arith.constant 96 : index
    %get3A_187 = vector.load %arg6[%get3A_185, %get3A_186] : memref<2528x128xf32, #tpu.memory_space<vmem>>, vector<2528x32xf32>
    %get3A_188 = arith.constant 0 : index
    %get3A_189 = arith.constant 0 : index
    %get3A_190 = vector.load %arg8[%get3A_188, %get3A_189] : memref<96x10xf32, #tpu.memory_space<vmem>>, vector<32x10xf32>
    %dot_general3A_191 = arith.constant dense<0.000000e+00> : vector<2528x10xf32>
    %dot_general3A_192 = tpu.matmul %get3A_187, %get3A_190, %dot_general3A_191 {dimension_numbers = #tpu.dot_dimension_numbers<[1], [0], [0], [1], [0, 0, 1, 1], [], []>, transpose_lhs_hint = false} : vector<2528x32xf32>, vector<32x10xf32>, vector<2528x10xf32> -> vector<2528x10xf32>
    %get3A_193 = arith.constant 0 : index
    %get3A_194 = arith.constant 96 : index
    %get3A_195 = vector.load %arg7[%get3A_193, %get3A_194] : memref<2528x128xf32, #tpu.memory_space<vmem>>, vector<2528x32xf32>
    %get3A_196 = arith.constant 32 : index
    %get3A_197 = arith.constant 0 : index
    %get3A_198 = vector.load %arg8[%get3A_196, %get3A_197] : memref<96x10xf32, #tpu.memory_space<vmem>>, vector<32x10xf32>
    %dot_general3A_199 = arith.constant dense<0.000000e+00> : vector<2528x10xf32>
    %dot_general3A_200 = tpu.matmul %get3A_195, %get3A_198, %dot_general3A_199 {dimension_numbers = #tpu.dot_dimension_numbers<[1], [0], [0], [1], [0, 0, 1, 1], [], []>, transpose_lhs_hint = false} : vector<2528x32xf32>, vector<32x10xf32>, vector<2528x10xf32> -> vector<2528x10xf32>
    %add3A_201 = arith.addf %dot_general3A_192, %dot_general3A_200 : vector<2528x10xf32>
    %slice3A_202 = vector.extract_strided_slice %max3A_77 {offsets = [0, 96], sizes = [2528, 32], strides = [1, 1]} : vector<2528x128xf32> to vector<2528x32xf32>
    %get3A_203 = arith.constant 64 : index
    %get3A_204 = arith.constant 0 : index
    %get3A_205 = vector.load %arg8[%get3A_203, %get3A_204] : memref<96x10xf32, #tpu.memory_space<vmem>>, vector<32x10xf32>
    %dot_general3A_206 = arith.constant dense<0.000000e+00> : vector<2528x10xf32>
    %dot_general3A_207 = tpu.matmul %slice3A_202, %get3A_205, %dot_general3A_206 {dimension_numbers = #tpu.dot_dimension_numbers<[1], [0], [0], [1], [0, 0, 1, 1], [], []>, transpose_lhs_hint = false} : vector<2528x32xf32>, vector<32x10xf32>, vector<2528x10xf32> -> vector<2528x10xf32>
    %add3A_208 = arith.addf %add3A_201, %dot_general3A_207 : vector<2528x10xf32>
    %iota3A_209 = tpu.iota {dimensions = array<i32: 0>} : vector<128x2528xi32>
    %get3A_210 = arith.constant 3 : index
    %get3A_211 = arith.constant 0 : index
    %get3A_212 = vector.load %arg10[%get3A_210, %get3A_211] : memref<4x2528xi32, #tpu.memory_space<vmem>>, vector<1x2528xi32>
    %eq3A_213 = vector.broadcast %get3A_212 : vector<1x2528xi32> to vector<128x2528xi32>
    %eq3A_214 = arith.cmpi eq, %iota3A_209, %eq3A_213 : vector<128x2528xi32>
    %convert_element_type3A_215 = arith.extui %eq3A_214 : vector<128x2528xi1> to vector<128x2528xi32>
    %convert_element_type3A_216 = arith.sitofp %convert_element_type3A_215 : vector<128x2528xi32> to vector<128x2528xf32>
    %dot_general3A_217 = arith.constant dense<0.000000e+00> : vector<128x10xf32>
    %dot_general3A_218 = tpu.matmul %convert_element_type3A_216, %add3A_208, %dot_general3A_217 {dimension_numbers = #tpu.dot_dimension_numbers<[1], [0], [0], [1], [0, 0, 1, 1], [], []>, transpose_lhs_hint = false} : vector<128x2528xf32>, vector<2528x10xf32>, vector<128x10xf32> -> vector<128x10xf32>
    %add3A_219 = arith.addf %add3A_184, %dot_general3A_218 : vector<128x10xf32>
    %swap3A = arith.constant 0 : index
    %swap3A_220 = arith.constant 0 : index
    %swap3A_221 = vector.load %arg11[%swap3A, %swap3A_220] : memref<128x10xf32, #tpu.memory_space<vmem>>, vector<128x10xf32>
    tpu.vector_store %arg11[%swap3A, %swap3A_220], %add3A_219 {strides = array<i32>} : memref<128x10xf32, #tpu.memory_space<vmem>>, vector<128x10xf32>,
    return
  }
}

</mosaic_0001>

<sc_bundles>
// kernel: kernel.12.cloned.1.call-start
scs
__scs_entry_jumppad:
0x0: {  	(pc) =	sbr.rel $0x88, $3  }
0x1: {  	(tag) =	ssettag $0x0;
	lr =	simm.s32 $0x1  }
0x2: {  	[smem:$0x3F8D] =	sst lr;
	_ =	strace $0xD0000000  }
0x3: {  	_ = 	snop  }
0x4: {  	_ = 	snop  }
0x5: {  	_ = 	snop  }
0x6: {  	_ = 	snop  }
0x7: {  	_ = 	snop  }
__scs_overlays_trampoline_lowered:
0x8: {  	[smem:$0x3F9C] =	sst s0  }
0x9: {  	[smem:$0x3F9D] =	sst s1  }
0xa: {  	[smem:$0x3F9E] =	sst s2  }
0xb: {  	[smem:$0x3F9F] =	sst s3  }
0xc: {  	[smem:$0x3FA0] =	sst s4  }
0xd: {  	[smem:$0x3FA1] =	sst s5  }
0xe: {  	[smem:$0x3FA2] =	sst s6  }
0xf: {  	[smem:$0x3FA3] =	sst s7  }
0x10: {  	[smem:$0x3FA4] =	sst s8  }
0x11: {  	[smem:$0x3FA5] =	sst s9;
	s0 =	simm.s32 @!p0 $0x0  }
0x12: {  	s1 =	sld [smem:$0x3F8B];
	s0 =	simm.s32 @p0 $0x1  }
0x13: {  	[smem:$0x3FA6] =	sst s0;
	s0 =	simm.s32 @!p1 $0x0  }
0x14: {  	s2 =	sld [smem:$0x3F8A];
	s0 =	simm.s32 @p1 $0x1  }
0x15: {  	[smem:$0x3FA7] =	sst s0;
	s0 =	simm.s32 @!p2 $0x0  }
0x16: {  	s3 =	sld [smem:$0x3FDB];
	s0 =	simm.s32 @p2 $0x1  }
0x17: {  	s4 =	simm.s32 $0x1BF5;
	[smem:$0x3FA9] =	sst s0  }
0x18: {  	s0 =	sld [smem:$0x3F8C];
	_ =	swait.ge [sflag:s4], $0x0  }
0x19: {  	s7 =	sld [smem:$0x3F8D]  }
0x1a: {  	s8 =	sadd.s32 $0xFFFFE003, lr  }
0x1b: {  	s9 =	sadd.s32 $0xFFFFFEF7, lr;
	s5 =	simm.s32 $0xFFFFFFFF;
	p2 =	slt.u32 s8, $0xFFFFF086  }
0x1c: {  	p1 =	slt.u32 s9, $0xF7A;
	s5 =	simm.s32 @!p2 $0x0  }
0x1d: {  	s5 =	simm.s32 @p1 $0x1;
	p0 =	seq.s32 s7, s2  }
0x1e: {  	s7 =	smul.u32 @!p0 $0xF7A, s2;
	p2 =	seq.s32 @!p0 s5, $0x0  }
0x1f: {  	s9 =	smul.u32 $0xF7A, s1;
	s8 =	simm.s32 @!p0 $0x1BF5;
	p2 =	por !p2, p0  }
0x20: {  	[sflag:s8] =	ssyncset.s32 @!p0 $0xFFFFF086;
	s6 =	sadd.s32 @!p0 s3, s7;
	s7 =	simm.s32 @!p0 $0x108  }
0x21: {  	s3 =	sadd.s32 s3, s9;
	s6 =	sadd.s32 @!p0 $0x88, s6;
	s7 =	simm.s32 @p2 $0x1082  }
0x22: {  	[simem:s7], [sflag:s8] =	dma.local @!p0 [hbm:s6], $0xF7A  }
0x23: {  	s9 =	sor.u32 $0xD0000000, s2;
	s6 =	simm.s32 $0x108;
	_ =	swait.ge @!p0 [sflag:s8], $0x0  }
0x24: {  	s3 =	sadd.s32 $0x88, s3;
	s6 =	simm.s32 @!p1 $0x1082;
	[sflag:s4] =	ssyncset.s32 $0xFFFFF086  }
0x25: {  	[simem:s6], [sflag:s4] =	dma.local [hbm:s3], $0xF7A  }
0x26: {  	[smem:$0x3F8D] =	sst s1;
	(tag) =	ssettag s2;
	_ =	strace s9  }
0x27: {  	s1 =	sld [smem:$0x3F9D]  }
0x28: {  	s2 =	sld [smem:$0x3F9E]  }
0x29: {  	s4 =	sld [smem:$0x3FA0]  }
0x2a: {  	p0 =	seq.s32 s5, $0x0;
	s5 =	sld [smem:$0x3FA1]  }
0x2b: {  	s6 =	sld [smem:$0x3FA2]  }
0x2c: {  	s7 =	sld [smem:$0x3FA3]  }
0x2d: {  	s3 =	simm.s32 $0x108;
	s8 =	sld [smem:$0x3FA4]  }
0x2e: {  	s3 =	simm.s32 @!p0 $0x1082;
	s9 =	sld [smem:$0x3FA5]  }
0x2f: {  	lr =	sadd.s32 s0, s3;
	s0 =	sld [smem:$0x3F9C]  }
0x30: {  	s3 =	sld [smem:$0x3F9F]  }
0x31: {  	[smem:$0x3FA8] =	sst s10  }
0x32: {  	s10 =	sld [smem:$0x3FA6];
	_ =	sdelay $0x3  }
0x33: {  	p0 =	seq.s32 s10, $0x1;
	s10 =	sld [smem:$0x3FA8];
	_ =	sdelay $0x3  }
0x34: {  	[smem:$0x3FA8] =	sst s10  }
0x35: {  	s10 =	sld [smem:$0x3FA7];
	_ =	sdelay $0x3  }
0x36: {  	p1 =	seq.s32 s10, $0x1;
	s10 =	sld [smem:$0x3FA8];
	_ =	sdelay $0x3  }
0x37: {  	[smem:$0x3FA8] =	sst s10  }
0x38: {  	s10 =	sld [smem:$0x3FA9]  }
0x39: {  	_ = 	snop;
	(pc) =	sbr.ind lr, $3  }
0x3a: {  	_ = 	snop  }
0x3b: {  	_ = 	snop  }
0x3c: {  	p2 =	seq.s32 s10, $0x1;
	s10 =	sld [smem:$0x3FA8]  }
0x3d: {  	_ =	shalt  }
0x3e: {  	_ =	shalt  }
0x3f: {  	_ =	shalt  }
0x40: {  	_ =	shalt  }
0x41: {  	_ =	shalt  }
0x42: {  	_ =	shalt  }
0x43: {  	_ =	shalt  }
0x44: {  	_ =	shalt  }
0x45: {  	_ =	shalt  }
0x46: {  	_ =	shalt  }
0x47: {  	_ =	shalt  }
0x48: {  	_ =	shalt  }
0x49: {  	_ =	shalt  }
0x4a: {  	_ =	shalt  }
0x4b: {  	_ =	shalt  }
0x4c: {  	_ =	shalt  }
0x4d: {  	_ =	shalt  }
0x4e: {  	_ =	shalt  }
0x4f: {  	_ =	shalt  }
0x50: {  	_ =	shalt  }
0x51: {  	_ =	shalt  }
0x52: {  	_ =	shalt  }
0x53: {  	_ =	shalt  }
0x54: {  	_ =	shalt  }
0x55: {  	_ =	shalt  }
0x56: {  	_ =	shalt  }
0x57: {  	_ =	shalt  }
0x58: {  	_ =	shalt  }
0x59: {  	_ =	shalt  }
0x5a: {  	_ =	shalt  }
0x5b: {  	_ =	shalt  }
0x5c: {  	_ =	shalt  }
0x5d: {  	_ =	shalt  }
0x5e: {  	_ =	shalt  }
0x5f: {  	_ =	shalt  }
0x60: {  	_ =	shalt  }
0x61: {  	_ =	shalt  }
0x62: {  	_ =	shalt  }
0x63: {  	_ =	shalt  }
0x64: {  	_ =	shalt  }
0x65: {  	_ =	shalt  }
0x66: {  	_ =	shalt  }
0x67: {  	_ =	shalt  }
0x68: {  	_ =	shalt  }
0x69: {  	_ =	shalt  }
0x6a: {  	_ =	shalt  }
0x6b: {  	_ =	shalt  }
0x6c: {  	_ =	shalt  }
0x6d: {  	_ =	shalt  }
0x6e: {  	_ =	shalt  }
0x6f: {  	_ =	shalt  }
0x70: {  	_ =	shalt  }
0x71: {  	_ =	shalt  }
0x72: {  	_ =	shalt  }
0x73: {  	_ =	shalt  }
0x74: {  	_ =	shalt  }
0x75: {  	_ =	shalt  }
0x76: {  	_ =	shalt  }
0x77: {  	_ =	shalt  }
0x78: {  	_ =	shalt  }
0x79: {  	_ =	shalt  }
0x7a: {  	_ =	shalt  }
0x7b: {  	_ =	shalt  }
0x7c: {  	_ =	shalt  }
0x7d: {  	_ =	shalt  }
0x7e: {  	_ =	shalt  }
0x7f: {  	_ =	shalt  }
0x80: {  	_ =	shalt  }
0x81: {  	_ =	shalt  }
0x82: {  	_ =	shalt  }
0x83: {  	_ =	shalt  }
0x84: {  	_ =	shalt  }
0x85: {  	_ =	shalt  }
0x86: {  	_ =	shalt  }
0x87: {  	_ =	shalt  }
.Lfunc_end0:
.L_simem_size_0:
called_computation.1_lowered:
.L_overlay_start_0:
0x88: {  	s2 =	sld [smem:$0x3FD9]  }
0x89: {  	s3 =	sld [smem:$0x3FFE];
	_ =	sdelay $0x1  }
0x8a: {  	s1 =	srdreg.scid  }
0x8b: {  	s0 =	sand.u32 $0x1, s1  }
0x8c: {  	s16 =	sshll.u32 s0, $0xA;
	s2 =	sadd.s32 s3, s2  }
0x8d: {  	s2 =	sadd.s32 s2, s16  }
0x8e: {  	[smem:$0x3FB4] =	sst s2  }
0x8f: {  	_ = 	snop  }
0x90: {  	(tm) =	ssettm $0x1  }
0x91: {  	s17 =	sld [smem:$0x3FFB];
	_ =	sdelay $0x3  }
0x92: {  	_ =	strace s17  }
0x93: {  	s2 =	sld [smem:$0x3FFC];
	_ =	sdelay $0x3  }
0x94: {  	_ =	strace s2  }
0x95: {  	s2 =	sld [smem:$0x3FFD];
	_ =	sdelay $0x3  }
0x96: {  	_ =	strace s2  }
0x97: {  	_ =	strace $0x8FFFFFFF  }
0x98: {  	s18 =	sld [smem:$0x3FDB];
	_ =	sdelay $0x1  }
0x99: {  	s19 =	simm.s32 $_scs_section_size  }
0x9a: {  	s4 =	simm.s32 $_size__tile_overlayer_lowered;
	s5 =	simm.s32 $_tile_overlayer_lowered  }
0x9b: {  	s22 =	simm.s32 $0x1BFF;
	s21 =	sshll.u32 s5, $0x1;
	s2 =	sadd.s32 s19, s18  }
0x9c: {  	s6 =	simm.s32 $0x0;
	s20 =	sshll.u32 s4, $0x1;
	s4 =	sadd.s32 s21, s2  }
0x9d: {  	[timem:s6], [sflag:s22] =	dma.local [hbm:s4], s20  }
0x9e: {  	_ =	swait.ge [sflag:s22], s20  }
0x9f: {  	s3 =	ssub.s32 $0x0, s20;
	[sflag:s22] =	ssyncset.done $0x0  }
0xa0: {  	[sflag:s22] =	ssyncadd.s32 s3;
	_ =	sdelay $0x1  }
0xa1: {  	s23 =	simm.s32 $0x1B8B  }
0xa2: {  	_ =	swait.ge [sflag:s23], $0x1  }
0xa3: {  	[sflag:s23] =	ssyncset.done $0x0  }
0xa4: {  	s25 =	simm.s32 $0x1B8E;
	s24 =	sld [smem:$0x3FFE];
	[sflag:s23] =	ssyncadd.s32 $0xFFFFFFFF  }
0xa5: {  	s26 =	simm.s32 $execute0_lowered;
	[smem:$0x3FD2] =	sst s25  }
0xa6: {  	s4 =	sshll.u32 s26, $0x1;
	_ =	strace $0x80000049;
	[dreg:$0x1] =	wrdreg $0xFFFFFFFF  }
0xa7: {  	s28 =	simm.s32 $_size_execute0_lowered;
	s2 =	sadd.s32 s2, s4;
	[dreg:$0x0] =	wrdreg $0x0  }
0xa8: {  	s4 =	sshll.u32 s28, $0x1;
	[dreg:$0x2] =	wrdreg s2  }
0xa9: {  	[dreg:$0x3] =	wrdreg s4  }
0xaa: {  	[dreg:$0x4] =	wrdreg $0xC0  }
0xab: {  	_ =	task [dreg:s6], $0x5FFFF  }
0xac: {  	[dreg:$0x1] =	wrdreg $0xFFFFFFFF  }
0xad: {  	[dreg:$0x0] =	wrdreg $0x60  }
0xae: {  	[dreg:$0x2] =	wrdreg s24  }
0xaf: {  	[dreg:$0x3] =	wrdreg $0xD0000  }
0xb0: {  	[dreg:$0x4] =	wrdreg $0x9  }
0xb1: {  	_ =	task.clear_ibuf [dreg:s6], $0x5FFFF;
	_ =	strace $0x90000049  }
0xb2: {  	s29 =	simm.s32 $0x9;
	_ =	strace $0x8000004B  }
0xb3: {  	_ =	swait.ge [sflag:s29], $0x1  }
0xb4: {  	[sflag:s29] =	ssyncadd.s32 $0xFFFFFFFF  }
0xb5: {  	_ =	strace $0x9000004B  }
0xb6: {  	_ =	sfence  }
0xb7: {  	s30 =	sld [smem:$0x0];
	_ =	sdelay $0x2  }
0xb8: {  	s31 =	sshll.u32 s1, $0xD;
	s1 =	sshrl.u32 s1, $0x2  }
0xb9: {  	s3 =	sand.u32 $0x4000, s31;
	s1 =	sadd.s32 s1, s30  }
0xba: {  	s0 =	sor.u32 s3, s0;
	s1 =	sshll.u32 s1, $0x11  }
0xbb: {  	s0 =	sor.u32 s1, s0  }
0xbc: {  	s0 =	sadd.s32 $0x8F2B, s0  }
0xbd: {  	[sflag:s0] =	ssyncadd.remote.s32 $0x1  }
0xbe: {  	_ =	sfence.sel $0xFFFF  }
0xbf: {  	[dreg:$0x0] =	wrdreg $0xFFFFFFFF;
	(pc) =	sbr.abs _section_cstart, $3  }
0xc0: {  	[dreg:$0x1] =	wrdreg $0xFFFFFFFF  }
0xc1: {  	_ =	task.clear_ibuf [dreg:s6], $0x2FFFF;
	_ =	strace $0x9FFFFFFF  }
0xc2: {  	(tm) =	ssettm $0x7FFFFFFF  }
0xc3: {  	_ =	shalt  }
tec
execute0_lowered:
.L_overlay_start_1:
0x0: {  	(tag) =	ssettag $0x1  }
0x1: {  	s0 =	srdreg.scid  }
0x2: {  	s4 =	stileid.u32;
	s5 =	rddreg [dreg:$0x0]  }
0x3: {  	s2 =	rddreg [dreg:$0x1];
	s3 =	simm.s32 $0x0;
	s11 =	simm.s32 $0x9  }
0x4: {  	s12 =	simm.s32 $0x80;
	s13 =	simm.s32 $0x5000;
	s14 =	simm.s32 $0x6000  }
0x5: {  	s16 =	simm.s32 $0x7000;
	s18 =	simm.s32 $0x8000;
	s20 =	simm.s32 $0x9000  }
0x6: {  	s22 =	simm.s32 $0xA000;
	s24 =	simm.s32 $0xB000;
	s26 =	simm.s32 $0xC000  }
0x7: {  	s29 =	simm.s32 $0x1;
	s30 =	simm.s32 $0x2;
	s31 =	simm.s32 $0x3  }
0x8: {  	s15 =	simm.s32 $0x6;
	s17 =	simm.s32 $0x7;
	s19 =	simm.s32 $0x8  }
0x9: {  	s21 =	simm.s32 $0x0;
	s0 =	sand.u32 $0x1, s0;
	s7 =	smul.u32 $0x4F00, s4  }
0xa: {  	[smem:$0x7FF] =	sst s3;
	s1 =	sshll.u32 s0, $0x4;
	s6 =	smul.u32 $0x4F000, s0  }
0xb: {  	_ =	strace $0x8000004A;
	s0 =	ssub.s32 $0x2, s0;
	s1 =	sor.u32 s4, s1  }
0xc: {  	s4 =	sadd.s32 $0x18E00, s5;
	s8 =	sshrl.u32 s7, $0x3;
	s1 =	smul.u32 $0x2800, s1  }
0xd: {  	s9 =	sshrl.u32 s0, $0x1;
	s6 =	sadd.s32 s7, s6;
	s8 =	sadd.s32 s8, s5  }
0xe: {  	s0 =	ssub.s32 s0, s9;
	s7 =	sadd.s32 s7, s2;
	s1 =	sshrl.u32 s1, $0x3  }
0xf: {  	s6 =	sshrl.u32 s6, $0x3;
	s8 =	sadd.s32 $0x22C00, s8;
	s1 =	sadd.s32 s1, s5  }
0x10: {  	s10 =	smax.u32 s0, $0x1;
	s0 =	simm.s32 $0x5;
	s28 =	sadd.s32 $0x4E00, s1  }
0x11: {  	s5 =	sadd.s32 s6, s5;
	s1 =	sadd.s32 $0xEE00, s1;
	[dreg:$0x3] =	wrdreg s28  }
0x12: {  	s9 =	sadd.s32 $0x2CA00, s5;
	[dreg:$0x4] =	wrdreg s1;
	s1 =	simm.s32 $0x4  }
.LBB2_1:
0x13: {  	s5 =	rddreg [dreg:$0x3]  }
0x14: {  	[tilespmem:s3], [sflag:$0x9] =	stream.linear.gather [hbm4b:s5+s3], $0x2800, $0x38;
	[tilespmem:$0x11F00] =	vst v63  }
0x15: {  	_ =	swait.ge [sflag:s11], $0x2800  }
0x16: {  	[sflag:s11] =	ssyncset.done $0x0  }
0x17: {  	[sflag:s11] =	ssyncadd.s32 $0xFFFFD800  }
0x18: {  	[tilespmem:s13], [sflag:$0x1] =	stream.indirect.gather [hbm4b:s4+s12], $0x20, s3, s12, $0xb8;
	[tilespmem:$0x11F00] =	vst v63  }
0x19: {  	_ = 	snop  }
0x1a: {  	[tilespmem:s14], [sflag:$0x2] =	stream.indirect.gather [hbm4b:s4+s12], $0x20, s12, s12, $0xb8;
	[tilespmem:$0x11F00] =	vst v63  }
0x1b: {  	s23 =	simm.s32 $0x100  }
0x1c: {  	[tilespmem:s16], [sflag:$0x3] =	stream.indirect.gather [hbm4b:s4+s12], $0x20, s23, s12, $0xb8;
	[tilespmem:$0x11F00] =	vst v63  }
0x1d: {  	s25 =	simm.s32 $0x180  }
0x1e: {  	[tilespmem:s18], [sflag:$0x4] =	stream.indirect.gather [hbm4b:s4+s12], $0x20, s25, s12, $0xb8;
	[tilespmem:$0x11F00] =	vst v63  }
0x1f: {  	s6 =	simm.s32 $0x200  }
0x20: {  	[tilespmem:s20], [sflag:$0x5] =	stream.indirect.gather [hbm4b:s4+s12], $0x20, s6, s12, $0xb8;
	[tilespmem:$0x11F00] =	vst v63  }
0x21: {  	s23 =	simm.s32 $0x280  }
0x22: {  	[tilespmem:s22], [sflag:$0x6] =	stream.indirect.gather [hbm4b:s4+s12], $0x20, s23, s12, $0xb8;
	[tilespmem:$0x11F00] =	vst v63  }
0x23: {  	s25 =	simm.s32 $0x300  }
0x24: {  	[tilespmem:s24], [sflag:$0x7] =	stream.indirect.gather [hbm4b:s4+s12], $0x20, s25, s12, $0xb8;
	[tilespmem:$0x11F00] =	vst v63  }
0x25: {  	s6 =	simm.s32 $0x380  }
0x26: {  	[tilespmem:s26], [sflag:$0x8] =	stream.indirect.gather [hbm4b:s4+s12], $0x20, s6, s12, $0xb8;
	[tilespmem:$0x11F00] =	vst v63  }
0x27: {  	s23 =	rddreg [dreg:$0x4];
	s6 =	simm.s32 $0x2800  }
0x28: {  	[tilespmem:s6], [sflag:$0x9] =	stream.linear.gather [hbm4b:s23+s3], $0x2800, $0x38;
	[tilespmem:$0x11F00] =	vst v63  }
0x29: {  	s25 =	stileid.u32;
	_ =	swait.ge [sflag:s11], $0x2800  }
0x2a: {  	s5 =	sshll.u32 s25, $0x6;
	[sflag:s11] =	ssyncset.done $0x0  }
0x2b: {  	s25 =	sshrl.u32 s7, $0x3;
	s23 =	sor.u32 $0x1C09, s5;
	[sflag:s11] =	ssyncadd.s32 $0xFFFFD800  }
0x2c: {  	[spmem:s25], [sflag:s23] =	dma.local [hbm:s8], $0x9E0  }
0x2d: {  	_ =	swait.ge [sflag:s11], $0x9E0  }
0x2e: {  	[sflag:s11] =	ssyncset.done $0x0  }
0x2f: {  	[sflag:s11] =	ssyncadd.s32 $0xFFFFF620  }
0x30: {  	[bflag:$0x0] =	sbarrier.arrive $0xFFFF  }
0x31: {  	_ =	swait.ge [sflag:s29], $0x1000  }
0x32: {  	[sflag:s29] =	ssyncset.done $0x0  }
0x33: {  	s6 =	simm.s32 $0x2800;
	[sflag:s29] =	ssyncadd.s32 $0xFFFFF000  }
0x34: {  	[spmem:s2] =	stream.indirect.scatter.add.f32 [tilespmem:s13], [sflag:$0x9], $0x20, s6, s12, $0xb8;
	[tilespmem:$0x11F00] =	vst v63  }
0x35: {  	_ =	swait.ge [sflag:s11], $0x1000  }
0x36: {  	[sflag:s11] =	ssyncset.done $0x0  }
0x37: {  	s6 =	simm.s32 $0x400;
	[sflag:s11] =	ssyncadd.s32 $0xFFFFF000  }
0x38: {  	[tilespmem:s13], [sflag:$0x1] =	stream.indirect.gather [hbm4b:s4+s12], $0x20, s6, s12, $0xb8;
	[tilespmem:$0x11F00] =	vst v63  }
0x39: {  	_ =	swait.ge [sflag:s30], $0x1000  }
0x3a: {  	[sflag:s30] =	ssyncset.done $0x0  }
0x3b: {  	s6 =	simm.s32 $0x2880;
	[sflag:s30] =	ssyncadd.s32 $0xFFFFF000  }
0x3c: {  	[spmem:s2] =	stream.indirect.scatter.add.f32 [tilespmem:s14], [sflag:$0x9], $0x20, s6, s12, $0xb8;
	[tilespmem:$0x11F00] =	vst v63  }
0x3d: {  	_ =	swait.ge [sflag:s11], $0x1000  }
0x3e: {  	[sflag:s11] =	ssyncset.done $0x0  }
0x3f: {  	s6 =	simm.s32 $0x480;
	[sflag:s11] =	ssyncadd.s32 $0xFFFFF000  }
0x40: {  	[tilespmem:s14], [sflag:$0x2] =	stream.indirect.gather [hbm4b:s4+s12], $0x20, s6, s12, $0xb8;
	[tilespmem:$0x11F00] =	vst v63  }
0x41: {  	_ =	swait.ge [sflag:s31], $0x1000  }
0x42: {  	[sflag:s31] =	ssyncset.done $0x0  }
0x43: {  	s6 =	simm.s32 $0x2900;
	[sflag:s31] =	ssyncadd.s32 $0xFFFFF000  }
0x44: {  	[spmem:s2] =	stream.indirect.scatter.add.f32 [tilespmem:s16], [sflag:$0x9], $0x20, s6, s12, $0xb8;
	[tilespmem:$0x11F00] =	vst v63  }
0x45: {  	_ =	swait.ge [sflag:s11], $0x1000  }
0x46: {  	[sflag:s11] =	ssyncset.done $0x0  }
0x47: {  	s6 =	simm.s32 $0x500;
	[sflag:s11] =	ssyncadd.s32 $0xFFFFF000  }
0x48: {  	[tilespmem:s16], [sflag:$0x3] =	stream.indirect.gather [hbm4b:s4+s12], $0x20, s6, s12, $0xb8;
	[tilespmem:$0x11F00] =	vst v63  }
0x49: {  	_ =	swait.ge [sflag:s1], $0x1000  }
0x4a: {  	[sflag:s1] =	ssyncset.done $0x0  }
0x4b: {  	s6 =	simm.s32 $0x2980;
	[sflag:s1] =	ssyncadd.s32 $0xFFFFF000  }
0x4c: {  	[spmem:s2] =	stream.indirect.scatter.add.f32 [tilespmem:s18], [sflag:$0x9], $0x20, s6, s12, $0xb8;
	[tilespmem:$0x11F00] =	vst v63  }
0x4d: {  	_ =	swait.ge [sflag:s11], $0x1000  }
0x4e: {  	[sflag:s11] =	ssyncset.done $0x0  }
0x4f: {  	s6 =	simm.s32 $0x580;
	[sflag:s11] =	ssyncadd.s32 $0xFFFFF000  }
0x50: {  	[tilespmem:s18], [sflag:$0x4] =	stream.indirect.gather [hbm4b:s4+s12], $0x20, s6, s12, $0xb8;
	[tilespmem:$0x11F00] =	vst v63  }
0x51: {  	_ =	swait.ge [sflag:s0], $0x1000  }
0x52: {  	[sflag:s0] =	ssyncset.done $0x0  }
0x53: {  	s6 =	simm.s32 $0x2A00;
	[sflag:s0] =	ssyncadd.s32 $0xFFFFF000  }
0x54: {  	[spmem:s2] =	stream.indirect.scatter.add.f32 [tilespmem:s20], [sflag:$0x9], $0x20, s6, s12, $0xb8;
	[tilespmem:$0x11F00] =	vst v63  }
0x55: {  	_ =	swait.ge [sflag:s11], $0x1000  }
0x56: {  	[sflag:s11] =	ssyncset.done $0x0  }
0x57: {  	s6 =	simm.s32 $0x600;
	[sflag:s11] =	ssyncadd.s32 $0xFFFFF000  }
0x58: {  	[tilespmem:s20], [sflag:$0x5] =	stream.indirect.gather [hbm4b:s4+s12], $0x20, s6, s12, $0xb8;
	[tilespmem:$0x11F00] =	vst v63  }
0x59: {  	_ =	swait.ge [sflag:s15], $0x1000  }
0x5a: {  	[sflag:s15] =	ssyncset.done $0x0  }
0x5b: {  	s6 =	simm.s32 $0x2A80;
	[sflag:s15] =	ssyncadd.s32 $0xFFFFF000  }
0x5c: {  	[spmem:s2] =	stream.indirect.scatter.add.f32 [tilespmem:s22], [sflag:$0x9], $0x20, s6, s12, $0xb8;
	[tilespmem:$0x11F00] =	vst v63  }
0x5d: {  	_ =	swait.ge [sflag:s11], $0x1000  }
0x5e: {  	[sflag:s11] =	ssyncset.done $0x0  }
0x5f: {  	s6 =	simm.s32 $0x680;
	[sflag:s11] =	ssyncadd.s32 $0xFFFFF000  }
0x60: {  	[tilespmem:s22], [sflag:$0x6] =	stream.indirect.gather [hbm4b:s4+s12], $0x20, s6, s12, $0xb8;
	[tilespmem:$0x11F00] =	vst v63  }
0x61: {  	_ =	swait.ge [sflag:s17], $0x1000  }
0x62: {  	[sflag:s17] =	ssyncset.done $0x0  }
0x63: {  	s6 =	simm.s32 $0x2B00;
	[sflag:s17] =	ssyncadd.s32 $0xFFFFF000  }
0x64: {  	[spmem:s2] =	stream.indirect.scatter.add.f32 [tilespmem:s24], [sflag:$0x9], $0x20, s6, s12, $0xb8;
	[tilespmem:$0x11F00] =	vst v63  }
0x65: {  	_ =	swait.ge [sflag:s11], $0x1000  }
0x66: {  	[sflag:s11] =	ssyncset.done $0x0  }
0x67: {  	s6 =	simm.s32 $0x700;
	[sflag:s11] =	ssyncadd.s32 $0xFFFFF000  }
0x68: {  	[tilespmem:s24], [sflag:$0x7] =	stream.indirect.gather [hbm4b:s4+s12], $0x20, s6, s12, $0xb8;
	[tilespmem:$0x11F00] =	vst v63  }
0x69: {  	_ =	swait.ge [sflag:s19], $0x1000  }
0x6a: {  	[sflag:s19] =	ssyncset.done $0x0  }
0x6b: {  	s6 =	simm.s32 $0x2B80;
	[sflag:s19] =	ssyncadd.s32 $0xFFFFF000  }
0x6c: {  	[spmem:s2] =	stream.indirect.scatter.add.f32 [tilespmem:s26], [sflag:$0x9], $0x20, s6, s12, $0xb8;
	[tilespmem:$0x11F00] =	vst v63  }
0x6d: {  	_ =	swait.ge [sflag:s11], $0x1000  }
0x6e: {  	[sflag:s11] =	ssyncset.done $0x0  }
0x6f: {  	s28 =	simm.s32 $0x1000;
	s5 =	simm.s32 $0x780;
	[sflag:s11] =	ssyncadd.s32 $0xFFFFF000  }
.LBB2_2:
0x70: {  	[tilespmem:s26], [sflag:$0x8] =	stream.indirect.gather [hbm4b:s4+s12], $0x20, s5, s12, $0xb8;
	[tilespmem:$0x11F00] =	vst v63  }
0x71: {  	s5 =	smov.u32 s28  }
0x72: {  	p0 =	sne.s32 s28, $0x8000;
	s28 =	sadd.s32 $0x1000, s28;
	_ =	swait.ge [sflag:s29], $0x1000  }
0x73: {  	s5 =	sshra.s32 s5, $0x2;
	[sflag:s29] =	ssyncset.done $0x0  }
0x74: {  	s6 =	sadd.s32 $0x2800, s5;
	[sflag:s29] =	ssyncadd.s32 $0xFFFFF000  }
0x75: {  	[spmem:s2] =	stream.indirect.scatter.add.f32 [tilespmem:s13], [sflag:$0x9], $0x20, s6, s12, $0xb8;
	[tilespmem:$0x11F00] =	vst v63  }
0x76: {  	_ =	swait.ge [sflag:s11], $0x1000  }
0x77: {  	[sflag:s11] =	ssyncset.done $0x0  }
0x78: {  	s6 =	sadd.s32 $0x400, s5;
	[sflag:s11] =	ssyncadd.s32 $0xFFFFF000  }
0x79: {  	[tilespmem:s13], [sflag:$0x1] =	stream.indirect.gather [hbm4b:s4+s12], $0x20, s6, s12, $0xb8;
	[tilespmem:$0x11F00] =	vst v63  }
0x7a: {  	_ =	swait.ge [sflag:s30], $0x1000  }
0x7b: {  	[sflag:s30] =	ssyncset.done $0x0  }
0x7c: {  	s6 =	sadd.s32 $0x2880, s5;
	[sflag:s30] =	ssyncadd.s32 $0xFFFFF000  }
0x7d: {  	[spmem:s2] =	stream.indirect.scatter.add.f32 [tilespmem:s14], [sflag:$0x9], $0x20, s6, s12, $0xb8;
	[tilespmem:$0x11F00] =	vst v63  }
0x7e: {  	_ =	swait.ge [sflag:s11], $0x1000  }
0x7f: {  	[sflag:s11] =	ssyncset.done $0x0  }
0x80: {  	s6 =	sadd.s32 $0x480, s5;
	[sflag:s11] =	ssyncadd.s32 $0xFFFFF000  }
0x81: {  	[tilespmem:s14], [sflag:$0x2] =	stream.indirect.gather [hbm4b:s4+s12], $0x20, s6, s12, $0xb8;
	[tilespmem:$0x11F00] =	vst v63  }
0x82: {  	_ =	swait.ge [sflag:s31], $0x1000  }
0x83: {  	[sflag:s31] =	ssyncset.done $0x0  }
0x84: {  	s6 =	sadd.s32 $0x2900, s5;
	[sflag:s31] =	ssyncadd.s32 $0xFFFFF000  }
0x85: {  	[spmem:s2] =	stream.indirect.scatter.add.f32 [tilespmem:s16], [sflag:$0x9], $0x20, s6, s12, $0xb8;
	[tilespmem:$0x11F00] =	vst v63  }
0x86: {  	_ =	swait.ge [sflag:s11], $0x1000  }
0x87: {  	[sflag:s11] =	ssyncset.done $0x0  }
0x88: {  	s6 =	sadd.s32 $0x500, s5;
	[sflag:s11] =	ssyncadd.s32 $0xFFFFF000  }
0x89: {  	[tilespmem:s16], [sflag:$0x3] =	stream.indirect.gather [hbm4b:s4+s12], $0x20, s6, s12, $0xb8;
	[tilespmem:$0x11F00] =	vst v63  }
0x8a: {  	_ =	swait.ge [sflag:s1], $0x1000  }
0x8b: {  	[sflag:s1] =	ssyncset.done $0x0  }
0x8c: {  	s6 =	sadd.s32 $0x2980, s5;
	[sflag:s1] =	ssyncadd.s32 $0xFFFFF000  }
0x8d: {  	[spmem:s2] =	stream.indirect.scatter.add.f32 [tilespmem:s18], [sflag:$0x9], $0x20, s6, s12, $0xb8;
	[tilespmem:$0x11F00] =	vst v63  }
0x8e: {  	_ =	swait.ge [sflag:s11], $0x1000  }
0x8f: {  	[sflag:s11] =	ssyncset.done $0x0  }
0x90: {  	s6 =	sadd.s32 $0x580, s5;
	[sflag:s11] =	ssyncadd.s32 $0xFFFFF000  }
0x91: {  	[tilespmem:s18], [sflag:$0x4] =	stream.indirect.gather [hbm4b:s4+s12], $0x20, s6, s12, $0xb8;
	[tilespmem:$0x11F00] =	vst v63  }
0x92: {  	_ =	swait.ge [sflag:s0], $0x1000  }
0x93: {  	[sflag:s0] =	ssyncset.done $0x0  }
0x94: {  	s6 =	sadd.s32 $0x2A00, s5;
	[sflag:s0] =	ssyncadd.s32 $0xFFFFF000  }
0x95: {  	[spmem:s2] =	stream.indirect.scatter.add.f32 [tilespmem:s20], [sflag:$0x9], $0x20, s6, s12, $0xb8;
	[tilespmem:$0x11F00] =	vst v63  }
0x96: {  	_ =	swait.ge [sflag:s11], $0x1000  }
0x97: {  	[sflag:s11] =	ssyncset.done $0x0  }
0x98: {  	s6 =	sadd.s32 $0x600, s5;
	[sflag:s11] =	ssyncadd.s32 $0xFFFFF000  }
0x99: {  	[tilespmem:s20], [sflag:$0x5] =	stream.indirect.gather [hbm4b:s4+s12], $0x20, s6, s12, $0xb8;
	[tilespmem:$0x11F00] =	vst v63  }
0x9a: {  	_ =	swait.ge [sflag:s15], $0x1000  }
0x9b: {  	[sflag:s15] =	ssyncset.done $0x0  }
0x9c: {  	s6 =	sadd.s32 $0x2A80, s5;
	[sflag:s15] =	ssyncadd.s32 $0xFFFFF000  }
0x9d: {  	[spmem:s2] =	stream.indirect.scatter.add.f32 [tilespmem:s22], [sflag:$0x9], $0x20, s6, s12, $0xb8;
	[tilespmem:$0x11F00] =	vst v63  }
0x9e: {  	_ =	swait.ge [sflag:s11], $0x1000  }
0x9f: {  	[sflag:s11] =	ssyncset.done $0x0  }
0xa0: {  	s6 =	sadd.s32 $0x680, s5;
	[sflag:s11] =	ssyncadd.s32 $0xFFFFF000  }
0xa1: {  	[tilespmem:s22], [sflag:$0x6] =	stream.indirect.gather [hbm4b:s4+s12], $0x20, s6, s12, $0xb8;
	[tilespmem:$0x11F00] =	vst v63  }
0xa2: {  	_ =	swait.ge [sflag:s17], $0x1000  }
0xa3: {  	[sflag:s17] =	ssyncset.done $0x0  }
0xa4: {  	s6 =	sadd.s32 $0x2B00, s5;
	[sflag:s17] =	ssyncadd.s32 $0xFFFFF000  }
0xa5: {  	[spmem:s2] =	stream.indirect.scatter.add.f32 [tilespmem:s24], [sflag:$0x9], $0x20, s6, s12, $0xb8;
	[tilespmem:$0x11F00] =	vst v63  }
0xa6: {  	_ =	swait.ge [sflag:s11], $0x1000  }
0xa7: {  	[sflag:s11] =	ssyncset.done $0x0  }
0xa8: {  	s6 =	sadd.s32 $0x700, s5;
	[sflag:s11] =	ssyncadd.s32 $0xFFFFF000  }
0xa9: {  	[tilespmem:s24], [sflag:$0x7] =	stream.indirect.gather [hbm4b:s4+s12], $0x20, s6, s12, $0xb8;
	[tilespmem:$0x11F00] =	vst v63  }
0xaa: {  	_ =	swait.ge [sflag:s19], $0x1000  }
0xab: {  	[sflag:s19] =	ssyncset.done $0x0  }
.Ltmp0:
0xac: {  	s6 =	sadd.s32 $0x2B80, s5;
	[sflag:s19] =	ssyncadd.s32 $0xFFFFF000;
	(pc) =	sbr.rel @p0 .LBB2_2-.Ltmp0, $4  }
0xad: {  	[spmem:s2] =	stream.indirect.scatter.add.f32 [tilespmem:s26], [sflag:$0x9], $0x20, s6, s12, $0xb8;
	[tilespmem:$0x11F00] =	vst v63  }
0xae: {  	_ =	swait.ge [sflag:s11], $0x1000  }
0xaf: {  	[sflag:s11] =	ssyncset.done $0x0  }
0xb0: {  	s5 =	sadd.s32 $0x780, s5;
	[sflag:s11] =	ssyncadd.s32 $0xFFFFF000  }
0xb1: {  	[tilespmem:s26], [sflag:$0x8] =	stream.indirect.gather [hbm4b:s4+s12], $0x20, s5, s12, $0xb8;
	[tilespmem:$0x11F00] =	vst v63  }
0xb2: {  	_ =	swait.ge [sflag:s29], $0x1000  }
0xb3: {  	[sflag:s29] =	ssyncset.done $0x0  }
0xb4: {  	s6 =	simm.s32 $0x4C00;
	[sflag:s29] =	ssyncadd.s32 $0xFFFFF000  }
0xb5: {  	[spmem:s2] =	stream.indirect.scatter.add.f32 [tilespmem:s13], [sflag:$0x9], $0x20, s6, s12, $0xb8;
	[tilespmem:$0x11F00] =	vst v63  }
0xb6: {  	_ =	swait.ge [sflag:s11], $0x1000  }
0xb7: {  	[sflag:s11] =	ssyncset.done $0x0  }
0xb8: {  	[sflag:s11] =	ssyncadd.s32 $0xFFFFF000  }
0xb9: {  	_ =	swait.ge [sflag:s30], $0x1000  }
0xba: {  	[sflag:s30] =	ssyncset.done $0x0  }
0xbb: {  	s28 =	simm.s32 $0x4C80;
	[sflag:s30] =	ssyncadd.s32 $0xFFFFF000  }
0xbc: {  	[spmem:s2] =	stream.indirect.scatter.add.f32 [tilespmem:s14], [sflag:$0x9], $0x20, s28, s12, $0xb8;
	[tilespmem:$0x11F00] =	vst v63  }
0xbd: {  	_ =	swait.ge [sflag:s11], $0x1000  }
0xbe: {  	[sflag:s11] =	ssyncset.done $0x0  }
0xbf: {  	[sflag:s11] =	ssyncadd.s32 $0xFFFFF000  }
0xc0: {  	_ =	swait.ge [sflag:s31], $0x1000  }
0xc1: {  	[sflag:s31] =	ssyncset.done $0x0  }
0xc2: {  	s6 =	simm.s32 $0x4D00;
	[sflag:s31] =	ssyncadd.s32 $0xFFFFF000  }
0xc3: {  	[spmem:s2] =	stream.indirect.scatter.add.f32 [tilespmem:s16], [sflag:$0x9], $0x20, s6, s12, $0xb8;
	[tilespmem:$0x11F00] =	vst v63  }
0xc4: {  	_ =	swait.ge [sflag:s11], $0x1000  }
0xc5: {  	[sflag:s11] =	ssyncset.done $0x0  }
0xc6: {  	[sflag:s11] =	ssyncadd.s32 $0xFFFFF000  }
0xc7: {  	_ =	swait.ge [sflag:s1], $0x1000  }
0xc8: {  	[sflag:s1] =	ssyncset.done $0x0  }
0xc9: {  	s28 =	simm.s32 $0x4D80;
	[sflag:s1] =	ssyncadd.s32 $0xFFFFF000  }
0xca: {  	[spmem:s2] =	stream.indirect.scatter.add.f32 [tilespmem:s18], [sflag:$0x9], $0x20, s28, s12, $0xb8;
	[tilespmem:$0x11F00] =	vst v63  }
0xcb: {  	_ =	swait.ge [sflag:s11], $0x1000  }
0xcc: {  	[sflag:s11] =	ssyncset.done $0x0  }
0xcd: {  	[sflag:s11] =	ssyncadd.s32 $0xFFFFF000  }
0xce: {  	_ =	swait.ge [sflag:s0], $0x1000  }
0xcf: {  	[sflag:s0] =	ssyncset.done $0x0  }
0xd0: {  	s6 =	simm.s32 $0x4E00;
	[sflag:s0] =	ssyncadd.s32 $0xFFFFF000  }
0xd1: {  	[spmem:s2] =	stream.indirect.scatter.add.f32 [tilespmem:s20], [sflag:$0x9], $0x20, s6, s12, $0xb8;
	[tilespmem:$0x11F00] =	vst v63  }
0xd2: {  	_ =	swait.ge [sflag:s11], $0x1000  }
0xd3: {  	[sflag:s11] =	ssyncset.done $0x0  }
0xd4: {  	[sflag:s11] =	ssyncadd.s32 $0xFFFFF000  }
0xd5: {  	_ =	swait.ge [sflag:s15], $0x1000  }
0xd6: {  	[sflag:s15] =	ssyncset.done $0x0  }
0xd7: {  	s28 =	simm.s32 $0x4E80;
	[sflag:s15] =	ssyncadd.s32 $0xFFFFF000  }
0xd8: {  	[spmem:s2] =	stream.indirect.scatter.add.f32 [tilespmem:s22], [sflag:$0x9], $0x20, s28, s12, $0xb8;
	[tilespmem:$0x11F00] =	vst v63  }
0xd9: {  	_ =	swait.ge [sflag:s11], $0x1000  }
0xda: {  	[sflag:s11] =	ssyncset.done $0x0  }
0xdb: {  	[sflag:s11] =	ssyncadd.s32 $0xFFFFF000  }
0xdc: {  	_ =	swait.ge [sflag:s17], $0x1000  }
0xdd: {  	[sflag:s17] =	ssyncset.done $0x0  }
0xde: {  	s6 =	simm.s32 $0x4F00;
	[sflag:s17] =	ssyncadd.s32 $0xFFFFF000  }
0xdf: {  	[spmem:s2] =	stream.indirect.scatter.add.f32 [tilespmem:s24], [sflag:$0x9], $0x20, s6, s12, $0xb8;
	[tilespmem:$0x11F00] =	vst v63  }
0xe0: {  	_ =	swait.ge [sflag:s11], $0x1000  }
0xe1: {  	[sflag:s11] =	ssyncset.done $0x0  }
0xe2: {  	[sflag:s11] =	ssyncadd.s32 $0xFFFFF000  }
0xe3: {  	_ =	swait.ge [sflag:s19], $0x1000  }
0xe4: {  	[sflag:s19] =	ssyncset.done $0x0  }
0xe5: {  	s28 =	simm.s32 $0x4F80;
	[sflag:s19] =	ssyncadd.s32 $0xFFFFF000  }
0xe6: {  	[spmem:s2] =	stream.indirect.scatter.add.f32 [tilespmem:s26], [sflag:$0x9], $0x20, s28, s12, $0xb8;
	[tilespmem:$0x11F00] =	vst v63  }
0xe7: {  	_ =	swait.ge [sflag:s11], $0x1000  }
0xe8: {  	s21 =	sadd.s32 $0x1, s21;
	[sflag:s11] =	ssyncset.done $0x0  }
0xe9: {  	p0 =	sne.s32 s21, s10;
	[sflag:s11] =	ssyncadd.s32 $0xFFFFF000  }
.Ltmp1:
0xea: {  	[bflag:$0x0] =	sbarrier.arrive $0xFFFF;
	(pc) =	sbr.rel @p0 .LBB2_1-.Ltmp1, $4  }
0xeb: {  	[hbm:s9], [sflag:s23] =	dma.local [spmem:s25], $0x9E0  }
0xec: {  	_ =	swait.ge [sflag:s11], $0x9E0  }
0xed: {  	[sflag:s11] =	ssyncset.done $0x0  }
0xee: {  	[sflag:s11] =	ssyncadd.s32 $0xFFFFF620  }
0xef: {  	_ =	sfence.sel $0x180000  }
0xf0: {  	[bflag:$0x0] =	sbarrier.arrive $0xFFFF  }
0xf1: {  	_ =	strace $0x9000004A  }
0xf2: {  	s0 =	stileid.u32;
	[bflag:$0x2] =	sbarrier.arrive $0xFFFF  }
0xf3: {  	p0 =	sne.s32 s0, $0x0;
	s0 =	rddreg [dreg:$0x2]  }
0xf4: {  	s0 =	sadd.s32 @!p0 $0x100000, s0  }
0xf5: {  	[sflag:s0] =	ssyncadd.tile.s32 @!p0 $0x1;
	_ =	shalt  }
.Lfunc_end2:
_tile_overlayer_lowered:
.L_overlay_start_2:
0xf6: {  	(tag) =	ssettag $0x2  }
0xf7: {  	s0 =	rddreg [dreg:$0x0];
	s2 =	stileid.u32  }
0xf8: {  	s1 =	rddreg [dreg:$0x1];
	p0 =	sne.s32 s2, $0x0  }
0xf9: {  	s3 =	rddreg [dreg:$0x2];
	[bflag:$0x3] =	sbarrier.arrive $0xFFFF;
	s2 =	simm.s32 @!p0 $0x1C09  }
0xfa: {  	[timem:s3], [sflag:s2] =	dma.local @!p0 [hbm:s0], s1  }
0xfb: {  	s0 =	simm.s32 @!p0 $0x9  }
0xfc: {  	_ =	swait.ge @!p0 [sflag:s0], s1  }
0xfd: {  	s1 =	ssub.s32 @!p0 $0x0, s1;
	[sflag:s0] =	ssyncset.done @!p0 $0x0  }
0xfe: {  	[sflag:s0] =	ssyncadd.s32 @!p0 s1  }
0xff: {  	[bflag:$0x3] =	sbarrier.arrive $0xFFFF  }
0x100: {  	_ =	shalt  }

// kernel: kernel.15.cloned.1.call-start
scs
__scs_entry_jumppad:
0x0: {  	(pc) =	sbr.rel $0x88, $3  }
0x1: {  	(tag) =	ssettag $0x0;
	lr =	simm.s32 $0x1  }
0x2: {  	[smem:$0x3F8D] =	sst lr;
	_ =	strace $0xD0000000  }
0x3: {  	_ = 	snop  }
0x4: {  	_ = 	snop  }
0x5: {  	_ = 	snop  }
0x6: {  	_ = 	snop  }
0x7: {  	_ = 	snop  }
__scs_overlays_trampoline_lowered:
0x8: {  	[smem:$0x3F9C] =	sst s0  }
0x9: {  	[smem:$0x3F9D] =	sst s1  }
0xa: {  	[smem:$0x3F9E] =	sst s2  }
0xb: {  	[smem:$0x3F9F] =	sst s3  }
0xc: {  	[smem:$0x3FA0] =	sst s4  }
0xd: {  	[smem:$0x3FA1] =	sst s5  }
0xe: {  	[smem:$0x3FA2] =	sst s6  }
0xf: {  	[smem:$0x3FA3] =	sst s7  }
0x10: {  	[smem:$0x3FA4] =	sst s8  }
0x11: {  	[smem:$0x3FA5] =	sst s9;
	s0 =	simm.s32 @!p0 $0x0  }
0x12: {  	s1 =	sld [smem:$0x3F8B];
	s0 =	simm.s32 @p0 $0x1  }
0x13: {  	[smem:$0x3FA6] =	sst s0;
	s0 =	simm.s32 @!p1 $0x0  }
0x14: {  	s2 =	sld [smem:$0x3F8A];
	s0 =	simm.s32 @p1 $0x1  }
0x15: {  	[smem:$0x3FA7] =	sst s0;
	s0 =	simm.s32 @!p2 $0x0  }
0x16: {  	s3 =	sld [smem:$0x3FDB];
	s0 =	simm.s32 @p2 $0x1  }
0x17: {  	s4 =	simm.s32 $0x1BF5;
	[smem:$0x3FA9] =	sst s0  }
0x18: {  	s0 =	sld [smem:$0x3F8C];
	_ =	swait.ge [sflag:s4], $0x0  }
0x19: {  	s7 =	sld [smem:$0x3F8D]  }
0x1a: {  	s8 =	sadd.s32 $0xFFFFE003, lr  }
0x1b: {  	s9 =	sadd.s32 $0xFFFFFEF7, lr;
	s5 =	simm.s32 $0xFFFFFFFF;
	p2 =	slt.u32 s8, $0xFFFFF086  }
0x1c: {  	p1 =	slt.u32 s9, $0xF7A;
	s5 =	simm.s32 @!p2 $0x0  }
0x1d: {  	s5 =	simm.s32 @p1 $0x1;
	p0 =	seq.s32 s7, s2  }
0x1e: {  	s7 =	smul.u32 @!p0 $0xF7A, s2;
	p2 =	seq.s32 @!p0 s5, $0x0  }
0x1f: {  	s9 =	smul.u32 $0xF7A, s1;
	s8 =	simm.s32 @!p0 $0x1BF5;
	p2 =	por !p2, p0  }
0x20: {  	[sflag:s8] =	ssyncset.s32 @!p0 $0xFFFFF086;
	s6 =	sadd.s32 @!p0 s3, s7;
	s7 =	simm.s32 @!p0 $0x108  }
0x21: {  	s3 =	sadd.s32 s3, s9;
	s6 =	sadd.s32 @!p0 $0x88, s6;
	s7 =	simm.s32 @p2 $0x1082  }
0x22: {  	[simem:s7], [sflag:s8] =	dma.local @!p0 [hbm:s6], $0xF7A  }
0x23: {  	s9 =	sor.u32 $0xD0000000, s2;
	s6 =	simm.s32 $0x108;
	_ =	swait.ge @!p0 [sflag:s8], $0x0  }
0x24: {  	s3 =	sadd.s32 $0x88, s3;
	s6 =	simm.s32 @!p1 $0x1082;
	[sflag:s4] =	ssyncset.s32 $0xFFFFF086  }
0x25: {  	[simem:s6], [sflag:s4] =	dma.local [hbm:s3], $0xF7A  }
0x26: {  	[smem:$0x3F8D] =	sst s1;
	(tag) =	ssettag s2;
	_ =	strace s9  }
0x27: {  	s1 =	sld [smem:$0x3F9D]  }
0x28: {  	s2 =	sld [smem:$0x3F9E]  }
0x29: {  	s4 =	sld [smem:$0x3FA0]  }
0x2a: {  	p0 =	seq.s32 s5, $0x0;
	s5 =	sld [smem:$0x3FA1]  }
0x2b: {  	s6 =	sld [smem:$0x3FA2]  }
0x2c: {  	s7 =	sld [smem:$0x3FA3]  }
0x2d: {  	s3 =	simm.s32 $0x108;
	s8 =	sld [smem:$0x3FA4]  }
0x2e: {  	s3 =	simm.s32 @!p0 $0x1082;
	s9 =	sld [smem:$0x3FA5]  }
0x2f: {  	lr =	sadd.s32 s0, s3;
	s0 =	sld [smem:$0x3F9C]  }
0x30: {  	s3 =	sld [smem:$0x3F9F]  }
0x31: {  	[smem:$0x3FA8] =	sst s10  }
0x32: {  	s10 =	sld [smem:$0x3FA6];
	_ =	sdelay $0x3  }
0x33: {  	p0 =	seq.s32 s10, $0x1;
	s10 =	sld [smem:$0x3FA8];
	_ =	sdelay $0x3  }
0x34: {  	[smem:$0x3FA8] =	sst s10  }
0x35: {  	s10 =	sld [smem:$0x3FA7];
	_ =	sdelay $0x3  }
0x36: {  	p1 =	seq.s32 s10, $0x1;
	s10 =	sld [smem:$0x3FA8];
	_ =	sdelay $0x3  }
0x37: {  	[smem:$0x3FA8] =	sst s10  }
0x38: {  	s10 =	sld [smem:$0x3FA9]  }
0x39: {  	_ = 	snop;
	(pc) =	sbr.ind lr, $3  }
0x3a: {  	_ = 	snop  }
0x3b: {  	_ = 	snop  }
0x3c: {  	p2 =	seq.s32 s10, $0x1;
	s10 =	sld [smem:$0x3FA8]  }
0x3d: {  	_ =	shalt  }
0x3e: {  	_ =	shalt  }
0x3f: {  	_ =	shalt  }
0x40: {  	_ =	shalt  }
0x41: {  	_ =	shalt  }
0x42: {  	_ =	shalt  }
0x43: {  	_ =	shalt  }
0x44: {  	_ =	shalt  }
0x45: {  	_ =	shalt  }
0x46: {  	_ =	shalt  }
0x47: {  	_ =	shalt  }
0x48: {  	_ =	shalt  }
0x49: {  	_ =	shalt  }
0x4a: {  	_ =	shalt  }
0x4b: {  	_ =	shalt  }
0x4c: {  	_ =	shalt  }
0x4d: {  	_ =	shalt  }
0x4e: {  	_ =	shalt  }
0x4f: {  	_ =	shalt  }
0x50: {  	_ =	shalt  }
0x51: {  	_ =	shalt  }
0x52: {  	_ =	shalt  }
0x53: {  	_ =	shalt  }
0x54: {  	_ =	shalt  }
0x55: {  	_ =	shalt  }
0x56: {  	_ =	shalt  }
0x57: {  	_ =	shalt  }
0x58: {  	_ =	shalt  }
0x59: {  	_ =	shalt  }
0x5a: {  	_ =	shalt  }
0x5b: {  	_ =	shalt  }
0x5c: {  	_ =	shalt  }
0x5d: {  	_ =	shalt  }
0x5e: {  	_ =	shalt  }
0x5f: {  	_ =	shalt  }
0x60: {  	_ =	shalt  }
0x61: {  	_ =	shalt  }
0x62: {  	_ =	shalt  }
0x63: {  	_ =	shalt  }
0x64: {  	_ =	shalt  }
0x65: {  	_ =	shalt  }
0x66: {  	_ =	shalt  }
0x67: {  	_ =	shalt  }
0x68: {  	_ =	shalt  }
0x69: {  	_ =	shalt  }
0x6a: {  	_ =	shalt  }
0x6b: {  	_ =	shalt  }
0x6c: {  	_ =	shalt  }
0x6d: {  	_ =	shalt  }
0x6e: {  	_ =	shalt  }
0x6f: {  	_ =	shalt  }
0x70: {  	_ =	shalt  }
0x71: {  	_ =	shalt  }
0x72: {  	_ =	shalt  }
0x73: {  	_ =	shalt  }
0x74: {  	_ =	shalt  }
0x75: {  	_ =	shalt  }
0x76: {  	_ =	shalt  }
0x77: {  	_ =	shalt  }
0x78: {  	_ =	shalt  }
0x79: {  	_ =	shalt  }
0x7a: {  	_ =	shalt  }
0x7b: {  	_ =	shalt  }
0x7c: {  	_ =	shalt  }
0x7d: {  	_ =	shalt  }
0x7e: {  	_ =	shalt  }
0x7f: {  	_ =	shalt  }
0x80: {  	_ =	shalt  }
0x81: {  	_ =	shalt  }
0x82: {  	_ =	shalt  }
0x83: {  	_ =	shalt  }
0x84: {  	_ =	shalt  }
0x85: {  	_ =	shalt  }
0x86: {  	_ =	shalt  }
0x87: {  	_ =	shalt  }
.Lfunc_end0:
.L_simem_size_0:
called_computation.2_lowered:
.L_overlay_start_0:
0x88: {  	s2 =	sld [smem:$0x3FD9]  }
0x89: {  	s3 =	sld [smem:$0x3FFE];
	_ =	sdelay $0x1  }
0x8a: {  	s1 =	srdreg.scid  }
0x8b: {  	s0 =	sand.u32 $0x1, s1  }
0x8c: {  	s16 =	sshll.u32 s0, $0xA;
	s2 =	sadd.s32 s3, s2  }
0x8d: {  	s2 =	sadd.s32 s2, s16  }
0x8e: {  	[smem:$0x3FB4] =	sst s2  }
0x8f: {  	_ = 	snop  }
0x90: {  	(tm) =	ssettm $0x1  }
0x91: {  	s17 =	sld [smem:$0x3FFB];
	_ =	sdelay $0x3  }
0x92: {  	_ =	strace s17  }
0x93: {  	s2 =	sld [smem:$0x3FFC];
	_ =	sdelay $0x3  }
0x94: {  	_ =	strace s2  }
0x95: {  	s2 =	sld [smem:$0x3FFD];
	_ =	sdelay $0x3  }
0x96: {  	_ =	strace s2  }
0x97: {  	_ =	strace $0x8FFFFFFF  }
0x98: {  	s18 =	sld [smem:$0x3FDB];
	_ =	sdelay $0x1  }
0x99: {  	s19 =	simm.s32 $_scs_section_size  }
0x9a: {  	s4 =	simm.s32 $_size__tile_overlayer_lowered;
	s5 =	simm.s32 $_tile_overlayer_lowered  }
0x9b: {  	s22 =	simm.s32 $0x1BFF;
	s21 =	sshll.u32 s5, $0x1;
	s2 =	sadd.s32 s19, s18  }
0x9c: {  	s6 =	simm.s32 $0x0;
	s20 =	sshll.u32 s4, $0x1;
	s4 =	sadd.s32 s21, s2  }
0x9d: {  	[timem:s6], [sflag:s22] =	dma.local [hbm:s4], s20  }
0x9e: {  	_ =	swait.ge [sflag:s22], s20  }
0x9f: {  	s3 =	ssub.s32 $0x0, s20;
	[sflag:s22] =	ssyncset.done $0x0  }
0xa0: {  	[sflag:s22] =	ssyncadd.s32 s3;
	_ =	sdelay $0x1  }
0xa1: {  	s23 =	simm.s32 $0x1B8B  }
0xa2: {  	_ =	swait.ge [sflag:s23], $0x1  }
0xa3: {  	[sflag:s23] =	ssyncset.done $0x0  }
0xa4: {  	s25 =	simm.s32 $0x1B8E;
	s24 =	sld [smem:$0x3FFE];
	[sflag:s23] =	ssyncadd.s32 $0xFFFFFFFF  }
0xa5: {  	s26 =	simm.s32 $execute0_lowered;
	[smem:$0x3FD2] =	sst s25  }
0xa6: {  	s4 =	sshll.u32 s26, $0x1;
	_ =	strace $0x8000004C;
	[dreg:$0x1] =	wrdreg $0xFFFFFFFF  }
0xa7: {  	s28 =	simm.s32 $_size_execute0_lowered;
	s2 =	sadd.s32 s2, s4;
	[dreg:$0x0] =	wrdreg $0x0  }
0xa8: {  	s4 =	sshll.u32 s28, $0x1;
	[dreg:$0x2] =	wrdreg s2  }
0xa9: {  	[dreg:$0x3] =	wrdreg s4  }
0xaa: {  	[dreg:$0x4] =	wrdreg $0xC0  }
0xab: {  	_ =	task [dreg:s6], $0x5FFFF  }
0xac: {  	[dreg:$0x1] =	wrdreg $0xFFFFFFFF  }
0xad: {  	[dreg:$0x0] =	wrdreg $0x60  }
0xae: {  	[dreg:$0x2] =	wrdreg s24  }
0xaf: {  	[dreg:$0x3] =	wrdreg $0xD0000  }
0xb0: {  	[dreg:$0x4] =	wrdreg $0x9  }
0xb1: {  	_ =	task.clear_ibuf [dreg:s6], $0x5FFFF;
	_ =	strace $0x9000004C  }
0xb2: {  	s29 =	simm.s32 $0x9;
	_ =	strace $0x8000004E  }
0xb3: {  	_ =	swait.ge [sflag:s29], $0x1  }
0xb4: {  	[sflag:s29] =	ssyncadd.s32 $0xFFFFFFFF  }
0xb5: {  	_ =	strace $0x9000004E  }
0xb6: {  	_ =	sfence  }
0xb7: {  	s30 =	sld [smem:$0x0];
	_ =	sdelay $0x2  }
0xb8: {  	s31 =	sshll.u32 s1, $0xD;
	s1 =	sshrl.u32 s1, $0x2  }
0xb9: {  	s3 =	sand.u32 $0x4000, s31;
	s1 =	sadd.s32 s1, s30  }
0xba: {  	s0 =	sor.u32 s3, s0;
	s1 =	sshll.u32 s1, $0x11  }
0xbb: {  	s0 =	sor.u32 s1, s0  }
0xbc: {  	s0 =	sadd.s32 $0x8F2B, s0  }
0xbd: {  	[sflag:s0] =	ssyncadd.remote.s32 $0x1  }
0xbe: {  	_ =	sfence.sel $0xFFFF  }
0xbf: {  	[dreg:$0x0] =	wrdreg $0xFFFFFFFF;
	(pc) =	sbr.abs _section_cstart, $3  }
0xc0: {  	[dreg:$0x1] =	wrdreg $0xFFFFFFFF  }
0xc1: {  	_ =	task.clear_ibuf [dreg:s6], $0x2FFFF;
	_ =	strace $0x9FFFFFFF  }
0xc2: {  	(tm) =	ssettm $0x7FFFFFFF  }
0xc3: {  	_ =	shalt  }
tec
execute0_lowered:
.L_overlay_start_1:
0x0: {  	(tag) =	ssettag $0x1  }
0x1: {  	s0 =	srdreg.scid  }
0x2: {  	s4 =	stileid.u32;
	s5 =	rddreg [dreg:$0x0]  }
0x3: {  	s2 =	rddreg [dreg:$0x1];
	s3 =	simm.s32 $0x0;
	s11 =	simm.s32 $0x9  }
0x4: {  	s12 =	simm.s32 $0x80;
	s13 =	simm.s32 $0x5000;
	s14 =	simm.s32 $0x6000  }
0x5: {  	s16 =	simm.s32 $0x7000;
	s18 =	simm.s32 $0x8000;
	s20 =	simm.s32 $0x9000  }
0x6: {  	s22 =	simm.s32 $0xA000;
	s24 =	simm.s32 $0xB000;
	s26 =	simm.s32 $0xC000  }
0x7: {  	s29 =	simm.s32 $0x1;
	s30 =	simm.s32 $0x2;
	s31 =	simm.s32 $0x3  }
0x8: {  	s15 =	simm.s32 $0x6;
	s17 =	simm.s32 $0x7;
	s19 =	simm.s32 $0x8  }
0x9: {  	s21 =	simm.s32 $0x0;
	s0 =	sand.u32 $0x1, s0;
	s7 =	smul.u32 $0x4F00, s4  }
0xa: {  	[smem:$0x7FF] =	sst s3;
	s1 =	sshll.u32 s0, $0x4;
	s6 =	smul.u32 $0x4F000, s0  }
0xb: {  	_ =	strace $0x8000004D;
	s0 =	ssub.s32 $0x2, s0;
	s1 =	sor.u32 s4, s1  }
0xc: {  	s4 =	sadd.s32 $0x18E00, s5;
	s8 =	sshrl.u32 s7, $0x3;
	s1 =	smul.u32 $0x2800, s1  }
0xd: {  	s9 =	sshrl.u32 s0, $0x1;
	s6 =	sadd.s32 s7, s6;
	s8 =	sadd.s32 s8, s5  }
0xe: {  	s0 =	ssub.s32 s0, s9;
	s7 =	sadd.s32 s7, s2;
	s1 =	sshrl.u32 s1, $0x3  }
0xf: {  	s6 =	sshrl.u32 s6, $0x3;
	s8 =	sadd.s32 $0x22C00, s8;
	s1 =	sadd.s32 s1, s5  }
0x10: {  	s10 =	smax.u32 s0, $0x1;
	s0 =	simm.s32 $0x5;
	s28 =	sadd.s32 $0x4E00, s1  }
0x11: {  	s5 =	sadd.s32 s6, s5;
	s1 =	sadd.s32 $0xEE00, s1;
	[dreg:$0x3] =	wrdreg s28  }
0x12: {  	s9 =	sadd.s32 $0x2CA00, s5;
	[dreg:$0x4] =	wrdreg s1;
	s1 =	simm.s32 $0x4  }
.LBB2_1:
0x13: {  	s5 =	rddreg [dreg:$0x3]  }
0x14: {  	[tilespmem:s3], [sflag:$0x9] =	stream.linear.gather [hbm4b:s5+s3], $0x2800, $0x38;
	[tilespmem:$0x11F00] =	vst v63  }
0x15: {  	_ =	swait.ge [sflag:s11], $0x2800  }
0x16: {  	[sflag:s11] =	ssyncset.done $0x0  }
0x17: {  	[sflag:s11] =	ssyncadd.s32 $0xFFFFD800  }
0x18: {  	[tilespmem:s13], [sflag:$0x1] =	stream.indirect.gather [hbm4b:s4+s12], $0x20, s3, s12, $0xb8;
	[tilespmem:$0x11F00] =	vst v63  }
0x19: {  	_ = 	snop  }
0x1a: {  	[tilespmem:s14], [sflag:$0x2] =	stream.indirect.gather [hbm4b:s4+s12], $0x20, s12, s12, $0xb8;
	[tilespmem:$0x11F00] =	vst v63  }
0x1b: {  	s23 =	simm.s32 $0x100  }
0x1c: {  	[tilespmem:s16], [sflag:$0x3] =	stream.indirect.gather [hbm4b:s4+s12], $0x20, s23, s12, $0xb8;
	[tilespmem:$0x11F00] =	vst v63  }
0x1d: {  	s25 =	simm.s32 $0x180  }
0x1e: {  	[tilespmem:s18], [sflag:$0x4] =	stream.indirect.gather [hbm4b:s4+s12], $0x20, s25, s12, $0xb8;
	[tilespmem:$0x11F00] =	vst v63  }
0x1f: {  	s6 =	simm.s32 $0x200  }
0x20: {  	[tilespmem:s20], [sflag:$0x5] =	stream.indirect.gather [hbm4b:s4+s12], $0x20, s6, s12, $0xb8;
	[tilespmem:$0x11F00] =	vst v63  }
0x21: {  	s23 =	simm.s32 $0x280  }
0x22: {  	[tilespmem:s22], [sflag:$0x6] =	stream.indirect.gather [hbm4b:s4+s12], $0x20, s23, s12, $0xb8;
	[tilespmem:$0x11F00] =	vst v63  }
0x23: {  	s25 =	simm.s32 $0x300  }
0x24: {  	[tilespmem:s24], [sflag:$0x7] =	stream.indirect.gather [hbm4b:s4+s12], $0x20, s25, s12, $0xb8;
	[tilespmem:$0x11F00] =	vst v63  }
0x25: {  	s6 =	simm.s32 $0x380  }
0x26: {  	[tilespmem:s26], [sflag:$0x8] =	stream.indirect.gather [hbm4b:s4+s12], $0x20, s6, s12, $0xb8;
	[tilespmem:$0x11F00] =	vst v63  }
0x27: {  	s23 =	rddreg [dreg:$0x4];
	s6 =	simm.s32 $0x2800  }
0x28: {  	[tilespmem:s6], [sflag:$0x9] =	stream.linear.gather [hbm4b:s23+s3], $0x2800, $0x38;
	[tilespmem:$0x11F00] =	vst v63  }
0x29: {  	s25 =	stileid.u32;
	_ =	swait.ge [sflag:s11], $0x2800  }
0x2a: {  	s5 =	sshll.u32 s25, $0x6;
	[sflag:s11] =	ssyncset.done $0x0  }
0x2b: {  	s25 =	sshrl.u32 s7, $0x3;
	s23 =	sor.u32 $0x1C09, s5;
	[sflag:s11] =	ssyncadd.s32 $0xFFFFD800  }
0x2c: {  	[spmem:s25], [sflag:s23] =	dma.local [hbm:s8], $0x9E0  }
0x2d: {  	_ =	swait.ge [sflag:s11], $0x9E0  }
0x2e: {  	[sflag:s11] =	ssyncset.done $0x0  }
0x2f: {  	[sflag:s11] =	ssyncadd.s32 $0xFFFFF620  }
0x30: {  	[bflag:$0x0] =	sbarrier.arrive $0xFFFF  }
0x31: {  	_ =	swait.ge [sflag:s29], $0x1000  }
0x32: {  	[sflag:s29] =	ssyncset.done $0x0  }
0x33: {  	s6 =	simm.s32 $0x2800;
	[sflag:s29] =	ssyncadd.s32 $0xFFFFF000  }
0x34: {  	[spmem:s2] =	stream.indirect.scatter.add.f32 [tilespmem:s13], [sflag:$0x9], $0x20, s6, s12, $0xb8;
	[tilespmem:$0x11F00] =	vst v63  }
0x35: {  	_ =	swait.ge [sflag:s11], $0x1000  }
0x36: {  	[sflag:s11] =	ssyncset.done $0x0  }
0x37: {  	s6 =	simm.s32 $0x400;
	[sflag:s11] =	ssyncadd.s32 $0xFFFFF000  }
0x38: {  	[tilespmem:s13], [sflag:$0x1] =	stream.indirect.gather [hbm4b:s4+s12], $0x20, s6, s12, $0xb8;
	[tilespmem:$0x11F00] =	vst v63  }
0x39: {  	_ =	swait.ge [sflag:s30], $0x1000  }
0x3a: {  	[sflag:s30] =	ssyncset.done $0x0  }
0x3b: {  	s6 =	simm.s32 $0x2880;
	[sflag:s30] =	ssyncadd.s32 $0xFFFFF000  }
0x3c: {  	[spmem:s2] =	stream.indirect.scatter.add.f32 [tilespmem:s14], [sflag:$0x9], $0x20, s6, s12, $0xb8;
	[tilespmem:$0x11F00] =	vst v63  }
0x3d: {  	_ =	swait.ge [sflag:s11], $0x1000  }
0x3e: {  	[sflag:s11] =	ssyncset.done $0x0  }
0x3f: {  	s6 =	simm.s32 $0x480;
	[sflag:s11] =	ssyncadd.s32 $0xFFFFF000  }
0x40: {  	[tilespmem:s14], [sflag:$0x2] =	stream.indirect.gather [hbm4b:s4+s12], $0x20, s6, s12, $0xb8;
	[tilespmem:$0x11F00] =	vst v63  }
0x41: {  	_ =	swait.ge [sflag:s31], $0x1000  }
0x42: {  	[sflag:s31] =	ssyncset.done $0x0  }
0x43: {  	s6 =	simm.s32 $0x2900;
	[sflag:s31] =	ssyncadd.s32 $0xFFFFF000  }
0x44: {  	[spmem:s2] =	stream.indirect.scatter.add.f32 [tilespmem:s16], [sflag:$0x9], $0x20, s6, s12, $0xb8;
	[tilespmem:$0x11F00] =	vst v63  }
0x45: {  	_ =	swait.ge [sflag:s11], $0x1000  }
0x46: {  	[sflag:s11] =	ssyncset.done $0x0  }
0x47: {  	s6 =	simm.s32 $0x500;
	[sflag:s11] =	ssyncadd.s32 $0xFFFFF000  }
0x48: {  	[tilespmem:s16], [sflag:$0x3] =	stream.indirect.gather [hbm4b:s4+s12], $0x20, s6, s12, $0xb8;
	[tilespmem:$0x11F00] =	vst v63  }
0x49: {  	_ =	swait.ge [sflag:s1], $0x1000  }
0x4a: {  	[sflag:s1] =	ssyncset.done $0x0  }
0x4b: {  	s6 =	simm.s32 $0x2980;
	[sflag:s1] =	ssyncadd.s32 $0xFFFFF000  }
0x4c: {  	[spmem:s2] =	stream.indirect.scatter.add.f32 [tilespmem:s18], [sflag:$0x9], $0x20, s6, s12, $0xb8;
	[tilespmem:$0x11F00] =	vst v63  }
0x4d: {  	_ =	swait.ge [sflag:s11], $0x1000  }
0x4e: {  	[sflag:s11] =	ssyncset.done $0x0  }
0x4f: {  	s6 =	simm.s32 $0x580;
	[sflag:s11] =	ssyncadd.s32 $0xFFFFF000  }
0x50: {  	[tilespmem:s18], [sflag:$0x4] =	stream.indirect.gather [hbm4b:s4+s12], $0x20, s6, s12, $0xb8;
	[tilespmem:$0x11F00] =	vst v63  }
0x51: {  	_ =	swait.ge [sflag:s0], $0x1000  }
0x52: {  	[sflag:s0] =	ssyncset.done $0x0  }
0x53: {  	s6 =	simm.s32 $0x2A00;
	[sflag:s0] =	ssyncadd.s32 $0xFFFFF000  }
0x54: {  	[spmem:s2] =	stream.indirect.scatter.add.f32 [tilespmem:s20], [sflag:$0x9], $0x20, s6, s12, $0xb8;
	[tilespmem:$0x11F00] =	vst v63  }
0x55: {  	_ =	swait.ge [sflag:s11], $0x1000  }
0x56: {  	[sflag:s11] =	ssyncset.done $0x0  }
0x57: {  	s6 =	simm.s32 $0x600;
	[sflag:s11] =	ssyncadd.s32 $0xFFFFF000  }
0x58: {  	[tilespmem:s20], [sflag:$0x5] =	stream.indirect.gather [hbm4b:s4+s12], $0x20, s6, s12, $0xb8;
	[tilespmem:$0x11F00] =	vst v63  }
0x59: {  	_ =	swait.ge [sflag:s15], $0x1000  }
0x5a: {  	[sflag:s15] =	ssyncset.done $0x0  }
0x5b: {  	s6 =	simm.s32 $0x2A80;
	[sflag:s15] =	ssyncadd.s32 $0xFFFFF000  }
0x5c: {  	[spmem:s2] =	stream.indirect.scatter.add.f32 [tilespmem:s22], [sflag:$0x9], $0x20, s6, s12, $0xb8;
	[tilespmem:$0x11F00] =	vst v63  }
0x5d: {  	_ =	swait.ge [sflag:s11], $0x1000  }
0x5e: {  	[sflag:s11] =	ssyncset.done $0x0  }
0x5f: {  	s6 =	simm.s32 $0x680;
	[sflag:s11] =	ssyncadd.s32 $0xFFFFF000  }
0x60: {  	[tilespmem:s22], [sflag:$0x6] =	stream.indirect.gather [hbm4b:s4+s12], $0x20, s6, s12, $0xb8;
	[tilespmem:$0x11F00] =	vst v63  }
0x61: {  	_ =	swait.ge [sflag:s17], $0x1000  }
0x62: {  	[sflag:s17] =	ssyncset.done $0x0  }
0x63: {  	s6 =	simm.s32 $0x2B00;
	[sflag:s17] =	ssyncadd.s32 $0xFFFFF000  }
0x64: {  	[spmem:s2] =	stream.indirect.scatter.add.f32 [tilespmem:s24], [sflag:$0x9], $0x20, s6, s12, $0xb8;
	[tilespmem:$0x11F00] =	vst v63  }
0x65: {  	_ =	swait.ge [sflag:s11], $0x1000  }
0x66: {  	[sflag:s11] =	ssyncset.done $0x0  }
0x67: {  	s6 =	simm.s32 $0x700;
	[sflag:s11] =	ssyncadd.s32 $0xFFFFF000  }
0x68: {  	[tilespmem:s24], [sflag:$0x7] =	stream.indirect.gather [hbm4b:s4+s12], $0x20, s6, s12, $0xb8;
	[tilespmem:$0x11F00] =	vst v63  }
0x69: {  	_ =	swait.ge [sflag:s19], $0x1000  }
0x6a: {  	[sflag:s19] =	ssyncset.done $0x0  }
0x6b: {  	s6 =	simm.s32 $0x2B80;
	[sflag:s19] =	ssyncadd.s32 $0xFFFFF000  }
0x6c: {  	[spmem:s2] =	stream.indirect.scatter.add.f32 [tilespmem:s26], [sflag:$0x9], $0x20, s6, s12, $0xb8;
	[tilespmem:$0x11F00] =	vst v63  }
0x6d: {  	_ =	swait.ge [sflag:s11], $0x1000  }
0x6e: {  	[sflag:s11] =	ssyncset.done $0x0  }
0x6f: {  	s28 =	simm.s32 $0x1000;
	s5 =	simm.s32 $0x780;
	[sflag:s11] =	ssyncadd.s32 $0xFFFFF000  }
.LBB2_2:
0x70: {  	[tilespmem:s26], [sflag:$0x8] =	stream.indirect.gather [hbm4b:s4+s12], $0x20, s5, s12, $0xb8;
	[tilespmem:$0x11F00] =	vst v63  }
0x71: {  	s5 =	smov.u32 s28  }
0x72: {  	p0 =	sne.s32 s28, $0x8000;
	s28 =	sadd.s32 $0x1000, s28;
	_ =	swait.ge [sflag:s29], $0x1000  }
0x73: {  	s5 =	sshra.s32 s5, $0x2;
	[sflag:s29] =	ssyncset.done $0x0  }
0x74: {  	s6 =	sadd.s32 $0x2800, s5;
	[sflag:s29] =	ssyncadd.s32 $0xFFFFF000  }
0x75: {  	[spmem:s2] =	stream.indirect.scatter.add.f32 [tilespmem:s13], [sflag:$0x9], $0x20, s6, s12, $0xb8;
	[tilespmem:$0x11F00] =	vst v63  }
0x76: {  	_ =	swait.ge [sflag:s11], $0x1000  }
0x77: {  	[sflag:s11] =	ssyncset.done $0x0  }
0x78: {  	s6 =	sadd.s32 $0x400, s5;
	[sflag:s11] =	ssyncadd.s32 $0xFFFFF000  }
0x79: {  	[tilespmem:s13], [sflag:$0x1] =	stream.indirect.gather [hbm4b:s4+s12], $0x20, s6, s12, $0xb8;
	[tilespmem:$0x11F00] =	vst v63  }
0x7a: {  	_ =	swait.ge [sflag:s30], $0x1000  }
0x7b: {  	[sflag:s30] =	ssyncset.done $0x0  }
0x7c: {  	s6 =	sadd.s32 $0x2880, s5;
	[sflag:s30] =	ssyncadd.s32 $0xFFFFF000  }
0x7d: {  	[spmem:s2] =	stream.indirect.scatter.add.f32 [tilespmem:s14], [sflag:$0x9], $0x20, s6, s12, $0xb8;
	[tilespmem:$0x11F00] =	vst v63  }
0x7e: {  	_ =	swait.ge [sflag:s11], $0x1000  }
0x7f: {  	[sflag:s11] =	ssyncset.done $0x0  }
0x80: {  	s6 =	sadd.s32 $0x480, s5;
	[sflag:s11] =	ssyncadd.s32 $0xFFFFF000  }
0x81: {  	[tilespmem:s14], [sflag:$0x2] =	stream.indirect.gather [hbm4b:s4+s12], $0x20, s6, s12, $0xb8;
	[tilespmem:$0x11F00] =	vst v63  }
0x82: {  	_ =	swait.ge [sflag:s31], $0x1000  }
0x83: {  	[sflag:s31] =	ssyncset.done $0x0  }
0x84: {  	s6 =	sadd.s32 $0x2900, s5;
	[sflag:s31] =	ssyncadd.s32 $0xFFFFF000  }
0x85: {  	[spmem:s2] =	stream.indirect.scatter.add.f32 [tilespmem:s16], [sflag:$0x9], $0x20, s6, s12, $0xb8;
	[tilespmem:$0x11F00] =	vst v63  }
0x86: {  	_ =	swait.ge [sflag:s11], $0x1000  }
0x87: {  	[sflag:s11] =	ssyncset.done $0x0  }
0x88: {  	s6 =	sadd.s32 $0x500, s5;
	[sflag:s11] =	ssyncadd.s32 $0xFFFFF000  }
0x89: {  	[tilespmem:s16], [sflag:$0x3] =	stream.indirect.gather [hbm4b:s4+s12], $0x20, s6, s12, $0xb8;
	[tilespmem:$0x11F00] =	vst v63  }
0x8a: {  	_ =	swait.ge [sflag:s1], $0x1000  }
0x8b: {  	[sflag:s1] =	ssyncset.done $0x0  }
0x8c: {  	s6 =	sadd.s32 $0x2980, s5;
	[sflag:s1] =	ssyncadd.s32 $0xFFFFF000  }
0x8d: {  	[spmem:s2] =	stream.indirect.scatter.add.f32 [tilespmem:s18], [sflag:$0x9], $0x20, s6, s12, $0xb8;
	[tilespmem:$0x11F00] =	vst v63  }
0x8e: {  	_ =	swait.ge [sflag:s11], $0x1000  }
0x8f: {  	[sflag:s11] =	ssyncset.done $0x0  }
0x90: {  	s6 =	sadd.s32 $0x580, s5;
	[sflag:s11] =	ssyncadd.s32 $0xFFFFF000  }
0x91: {  	[tilespmem:s18], [sflag:$0x4] =	stream.indirect.gather [hbm4b:s4+s12], $0x20, s6, s12, $0xb8;
	[tilespmem:$0x11F00] =	vst v63  }
0x92: {  	_ =	swait.ge [sflag:s0], $0x1000  }
0x93: {  	[sflag:s0] =	ssyncset.done $0x0  }
0x94: {  	s6 =	sadd.s32 $0x2A00, s5;
	[sflag:s0] =	ssyncadd.s32 $0xFFFFF000  }
0x95: {  	[spmem:s2] =	stream.indirect.scatter.add.f32 [tilespmem:s20], [sflag:$0x9], $0x20, s6, s12, $0xb8;
	[tilespmem:$0x11F00] =	vst v63  }
0x96: {  	_ =	swait.ge [sflag:s11], $0x1000  }
0x97: {  	[sflag:s11] =	ssyncset.done $0x0  }
0x98: {  	s6 =	sadd.s32 $0x600, s5;
	[sflag:s11] =	ssyncadd.s32 $0xFFFFF000  }
0x99: {  	[tilespmem:s20], [sflag:$0x5] =	stream.indirect.gather [hbm4b:s4+s12], $0x20, s6, s12, $0xb8;
	[tilespmem:$0x11F00] =	vst v63  }
0x9a: {  	_ =	swait.ge [sflag:s15], $0x1000  }
0x9b: {  	[sflag:s15] =	ssyncset.done $0x0  }
0x9c: {  	s6 =	sadd.s32 $0x2A80, s5;
	[sflag:s15] =	ssyncadd.s32 $0xFFFFF000  }
0x9d: {  	[spmem:s2] =	stream.indirect.scatter.add.f32 [tilespmem:s22], [sflag:$0x9], $0x20, s6, s12, $0xb8;
	[tilespmem:$0x11F00] =	vst v63  }
0x9e: {  	_ =	swait.ge [sflag:s11], $0x1000  }
0x9f: {  	[sflag:s11] =	ssyncset.done $0x0  }
0xa0: {  	s6 =	sadd.s32 $0x680, s5;
	[sflag:s11] =	ssyncadd.s32 $0xFFFFF000  }
0xa1: {  	[tilespmem:s22], [sflag:$0x6] =	stream.indirect.gather [hbm4b:s4+s12], $0x20, s6, s12, $0xb8;
	[tilespmem:$0x11F00] =	vst v63  }
0xa2: {  	_ =	swait.ge [sflag:s17], $0x1000  }
0xa3: {  	[sflag:s17] =	ssyncset.done $0x0  }
0xa4: {  	s6 =	sadd.s32 $0x2B00, s5;
	[sflag:s17] =	ssyncadd.s32 $0xFFFFF000  }
0xa5: {  	[spmem:s2] =	stream.indirect.scatter.add.f32 [tilespmem:s24], [sflag:$0x9], $0x20, s6, s12, $0xb8;
	[tilespmem:$0x11F00] =	vst v63  }
0xa6: {  	_ =	swait.ge [sflag:s11], $0x1000  }
0xa7: {  	[sflag:s11] =	ssyncset.done $0x0  }
0xa8: {  	s6 =	sadd.s32 $0x700, s5;
	[sflag:s11] =	ssyncadd.s32 $0xFFFFF000  }
0xa9: {  	[tilespmem:s24], [sflag:$0x7] =	stream.indirect.gather [hbm4b:s4+s12], $0x20, s6, s12, $0xb8;
	[tilespmem:$0x11F00] =	vst v63  }
0xaa: {  	_ =	swait.ge [sflag:s19], $0x1000  }
0xab: {  	[sflag:s19] =	ssyncset.done $0x0  }
.Ltmp0:
0xac: {  	s6 =	sadd.s32 $0x2B80, s5;
	[sflag:s19] =	ssyncadd.s32 $0xFFFFF000;
	(pc) =	sbr.rel @p0 .LBB2_2-.Ltmp0, $4  }
0xad: {  	[spmem:s2] =	stream.indirect.scatter.add.f32 [tilespmem:s26], [sflag:$0x9], $0x20, s6, s12, $0xb8;
	[tilespmem:$0x11F00] =	vst v63  }
0xae: {  	_ =	swait.ge [sflag:s11], $0x1000  }
0xaf: {  	[sflag:s11] =	ssyncset.done $0x0  }
0xb0: {  	s5 =	sadd.s32 $0x780, s5;
	[sflag:s11] =	ssyncadd.s32 $0xFFFFF000  }
0xb1: {  	[tilespmem:s26], [sflag:$0x8] =	stream.indirect.gather [hbm4b:s4+s12], $0x20, s5, s12, $0xb8;
	[tilespmem:$0x11F00] =	vst v63  }
0xb2: {  	_ =	swait.ge [sflag:s29], $0x1000  }
0xb3: {  	[sflag:s29] =	ssyncset.done $0x0  }
0xb4: {  	s6 =	simm.s32 $0x4C00;
	[sflag:s29] =	ssyncadd.s32 $0xFFFFF000  }
0xb5: {  	[spmem:s2] =	stream.indirect.scatter.add.f32 [tilespmem:s13], [sflag:$0x9], $0x20, s6, s12, $0xb8;
	[tilespmem:$0x11F00] =	vst v63  }
0xb6: {  	_ =	swait.ge [sflag:s11], $0x1000  }
0xb7: {  	[sflag:s11] =	ssyncset.done $0x0  }
0xb8: {  	[sflag:s11] =	ssyncadd.s32 $0xFFFFF000  }
0xb9: {  	_ =	swait.ge [sflag:s30], $0x1000  }
0xba: {  	[sflag:s30] =	ssyncset.done $0x0  }
0xbb: {  	s28 =	simm.s32 $0x4C80;
	[sflag:s30] =	ssyncadd.s32 $0xFFFFF000  }
0xbc: {  	[spmem:s2] =	stream.indirect.scatter.add.f32 [tilespmem:s14], [sflag:$0x9], $0x20, s28, s12, $0xb8;
	[tilespmem:$0x11F00] =	vst v63  }
0xbd: {  	_ =	swait.ge [sflag:s11], $0x1000  }
0xbe: {  	[sflag:s11] =	ssyncset.done $0x0  }
0xbf: {  	[sflag:s11] =	ssyncadd.s32 $0xFFFFF000  }
0xc0: {  	_ =	swait.ge [sflag:s31], $0x1000  }
0xc1: {  	[sflag:s31] =	ssyncset.done $0x0  }
0xc2: {  	s6 =	simm.s32 $0x4D00;
	[sflag:s31] =	ssyncadd.s32 $0xFFFFF000  }
0xc3: {  	[spmem:s2] =	stream.indirect.scatter.add.f32 [tilespmem:s16], [sflag:$0x9], $0x20, s6, s12, $0xb8;
	[tilespmem:$0x11F00] =	vst v63  }
0xc4: {  	_ =	swait.ge [sflag:s11], $0x1000  }
0xc5: {  	[sflag:s11] =	ssyncset.done $0x0  }
0xc6: {  	[sflag:s11] =	ssyncadd.s32 $0xFFFFF000  }
0xc7: {  	_ =	swait.ge [sflag:s1], $0x1000  }
0xc8: {  	[sflag:s1] =	ssyncset.done $0x0  }
0xc9: {  	s28 =	simm.s32 $0x4D80;
	[sflag:s1] =	ssyncadd.s32 $0xFFFFF000  }
0xca: {  	[spmem:s2] =	stream.indirect.scatter.add.f32 [tilespmem:s18], [sflag:$0x9], $0x20, s28, s12, $0xb8;
	[tilespmem:$0x11F00] =	vst v63  }
0xcb: {  	_ =	swait.ge [sflag:s11], $0x1000  }
0xcc: {  	[sflag:s11] =	ssyncset.done $0x0  }
0xcd: {  	[sflag:s11] =	ssyncadd.s32 $0xFFFFF000  }
0xce: {  	_ =	swait.ge [sflag:s0], $0x1000  }
0xcf: {  	[sflag:s0] =	ssyncset.done $0x0  }
0xd0: {  	s6 =	simm.s32 $0x4E00;
	[sflag:s0] =	ssyncadd.s32 $0xFFFFF000  }
0xd1: {  	[spmem:s2] =	stream.indirect.scatter.add.f32 [tilespmem:s20], [sflag:$0x9], $0x20, s6, s12, $0xb8;
	[tilespmem:$0x11F00] =	vst v63  }
0xd2: {  	_ =	swait.ge [sflag:s11], $0x1000  }
0xd3: {  	[sflag:s11] =	ssyncset.done $0x0  }
0xd4: {  	[sflag:s11] =	ssyncadd.s32 $0xFFFFF000  }
0xd5: {  	_ =	swait.ge [sflag:s15], $0x1000  }
0xd6: {  	[sflag:s15] =	ssyncset.done $0x0  }
0xd7: {  	s28 =	simm.s32 $0x4E80;
	[sflag:s15] =	ssyncadd.s32 $0xFFFFF000  }
0xd8: {  	[spmem:s2] =	stream.indirect.scatter.add.f32 [tilespmem:s22], [sflag:$0x9], $0x20, s28, s12, $0xb8;
	[tilespmem:$0x11F00] =	vst v63  }
0xd9: {  	_ =	swait.ge [sflag:s11], $0x1000  }
0xda: {  	[sflag:s11] =	ssyncset.done $0x0  }
0xdb: {  	[sflag:s11] =	ssyncadd.s32 $0xFFFFF000  }
0xdc: {  	_ =	swait.ge [sflag:s17], $0x1000  }
0xdd: {  	[sflag:s17] =	ssyncset.done $0x0  }
0xde: {  	s6 =	simm.s32 $0x4F00;
	[sflag:s17] =	ssyncadd.s32 $0xFFFFF000  }
0xdf: {  	[spmem:s2] =	stream.indirect.scatter.add.f32 [tilespmem:s24], [sflag:$0x9], $0x20, s6, s12, $0xb8;
	[tilespmem:$0x11F00] =	vst v63  }
0xe0: {  	_ =	swait.ge [sflag:s11], $0x1000  }
0xe1: {  	[sflag:s11] =	ssyncset.done $0x0  }
0xe2: {  	[sflag:s11] =	ssyncadd.s32 $0xFFFFF000  }
0xe3: {  	_ =	swait.ge [sflag:s19], $0x1000  }
0xe4: {  	[sflag:s19] =	ssyncset.done $0x0  }
0xe5: {  	s28 =	simm.s32 $0x4F80;
	[sflag:s19] =	ssyncadd.s32 $0xFFFFF000  }
0xe6: {  	[spmem:s2] =	stream.indirect.scatter.add.f32 [tilespmem:s26], [sflag:$0x9], $0x20, s28, s12, $0xb8;
	[tilespmem:$0x11F00] =	vst v63  }
0xe7: {  	_ =	swait.ge [sflag:s11], $0x1000  }
0xe8: {  	s21 =	sadd.s32 $0x1, s21;
	[sflag:s11] =	ssyncset.done $0x0  }
0xe9: {  	p0 =	sne.s32 s21, s10;
	[sflag:s11] =	ssyncadd.s32 $0xFFFFF000  }
.Ltmp1:
0xea: {  	[bflag:$0x0] =	sbarrier.arrive $0xFFFF;
	(pc) =	sbr.rel @p0 .LBB2_1-.Ltmp1, $4  }
0xeb: {  	[hbm:s9], [sflag:s23] =	dma.local [spmem:s25], $0x9E0  }
0xec: {  	_ =	swait.ge [sflag:s11], $0x9E0  }
0xed: {  	[sflag:s11] =	ssyncset.done $0x0  }
0xee: {  	[sflag:s11] =	ssyncadd.s32 $0xFFFFF620  }
0xef: {  	_ =	sfence.sel $0x180000  }
0xf0: {  	[bflag:$0x0] =	sbarrier.arrive $0xFFFF  }
0xf1: {  	_ =	strace $0x9000004D  }
0xf2: {  	s0 =	stileid.u32;
	[bflag:$0x2] =	sbarrier.arrive $0xFFFF  }
0xf3: {  	p0 =	sne.s32 s0, $0x0;
	s0 =	rddreg [dreg:$0x2]  }
0xf4: {  	s0 =	sadd.s32 @!p0 $0x100000, s0  }
0xf5: {  	[sflag:s0] =	ssyncadd.tile.s32 @!p0 $0x1;
	_ =	shalt  }
.Lfunc_end2:
_tile_overlayer_lowered:
.L_overlay_start_2:
0xf6: {  	(tag) =	ssettag $0x2  }
0xf7: {  	s0 =	rddreg [dreg:$0x0];
	s2 =	stileid.u32  }
0xf8: {  	s1 =	rddreg [dreg:$0x1];
	p0 =	sne.s32 s2, $0x0  }
0xf9: {  	s3 =	rddreg [dreg:$0x2];
	[bflag:$0x3] =	sbarrier.arrive $0xFFFF;
	s2 =	simm.s32 @!p0 $0x1C09  }
0xfa: {  	[timem:s3], [sflag:s2] =	dma.local @!p0 [hbm:s0], s1  }
0xfb: {  	s0 =	simm.s32 @!p0 $0x9  }
0xfc: {  	_ =	swait.ge @!p0 [sflag:s0], s1  }
0xfd: {  	s1 =	ssub.s32 @!p0 $0x0, s1;
	[sflag:s0] =	ssyncset.done @!p0 $0x0  }
0xfe: {  	[sflag:s0] =	ssyncadd.s32 @!p0 s1  }
0xff: {  	[bflag:$0x3] =	sbarrier.arrive $0xFFFF  }
0x100: {  	_ =	shalt  }

// kernel: kernel.9.cloned.1.call-start
scs
__scs_entry_jumppad:
0x0: {  	(pc) =	sbr.rel $0x88, $3  }
0x1: {  	(tag) =	ssettag $0x0;
	lr =	simm.s32 $0x1  }
0x2: {  	[smem:$0x3F8D] =	sst lr;
	_ =	strace $0xD0000000  }
0x3: {  	_ = 	snop  }
0x4: {  	_ = 	snop  }
0x5: {  	_ = 	snop  }
0x6: {  	_ = 	snop  }
0x7: {  	_ = 	snop  }
__scs_overlays_trampoline_lowered:
0x8: {  	[smem:$0x3F9C] =	sst s0  }
0x9: {  	[smem:$0x3F9D] =	sst s1  }
0xa: {  	[smem:$0x3F9E] =	sst s2  }
0xb: {  	[smem:$0x3F9F] =	sst s3  }
0xc: {  	[smem:$0x3FA0] =	sst s4  }
0xd: {  	[smem:$0x3FA1] =	sst s5  }
0xe: {  	[smem:$0x3FA2] =	sst s6  }
0xf: {  	[smem:$0x3FA3] =	sst s7  }
0x10: {  	[smem:$0x3FA4] =	sst s8  }
0x11: {  	[smem:$0x3FA5] =	sst s9;
	s0 =	simm.s32 @!p0 $0x0  }
0x12: {  	s1 =	sld [smem:$0x3F8B];
	s0 =	simm.s32 @p0 $0x1  }
0x13: {  	[smem:$0x3FA6] =	sst s0;
	s0 =	simm.s32 @!p1 $0x0  }
0x14: {  	s2 =	sld [smem:$0x3F8A];
	s0 =	simm.s32 @p1 $0x1  }
0x15: {  	[smem:$0x3FA7] =	sst s0;
	s0 =	simm.s32 @!p2 $0x0  }
0x16: {  	s3 =	sld [smem:$0x3FDB];
	s0 =	simm.s32 @p2 $0x1  }
0x17: {  	s4 =	simm.s32 $0x1BF5;
	[smem:$0x3FA9] =	sst s0  }
0x18: {  	s0 =	sld [smem:$0x3F8C];
	_ =	swait.ge [sflag:s4], $0x0  }
0x19: {  	s7 =	sld [smem:$0x3F8D]  }
0x1a: {  	s8 =	sadd.s32 $0xFFFFE003, lr  }
0x1b: {  	s9 =	sadd.s32 $0xFFFFFEF7, lr;
	s5 =	simm.s32 $0xFFFFFFFF;
	p2 =	slt.u32 s8, $0xFFFFF086  }
0x1c: {  	p1 =	slt.u32 s9, $0xF7A;
	s5 =	simm.s32 @!p2 $0x0  }
0x1d: {  	s5 =	simm.s32 @p1 $0x1;
	p0 =	seq.s32 s7, s2  }
0x1e: {  	s7 =	smul.u32 @!p0 $0xF7A, s2;
	p2 =	seq.s32 @!p0 s5, $0x0  }
0x1f: {  	s9 =	smul.u32 $0xF7A, s1;
	s8 =	simm.s32 @!p0 $0x1BF5;
	p2 =	por !p2, p0  }
0x20: {  	[sflag:s8] =	ssyncset.s32 @!p0 $0xFFFFF086;
	s6 =	sadd.s32 @!p0 s3, s7;
	s7 =	simm.s32 @!p0 $0x108  }
0x21: {  	s3 =	sadd.s32 s3, s9;
	s6 =	sadd.s32 @!p0 $0x88, s6;
	s7 =	simm.s32 @p2 $0x1082  }
0x22: {  	[simem:s7], [sflag:s8] =	dma.local @!p0 [hbm:s6], $0xF7A  }
0x23: {  	s9 =	sor.u32 $0xD0000000, s2;
	s6 =	simm.s32 $0x108;
	_ =	swait.ge @!p0 [sflag:s8], $0x0  }
0x24: {  	s3 =	sadd.s32 $0x88, s3;
	s6 =	simm.s32 @!p1 $0x1082;
	[sflag:s4] =	ssyncset.s32 $0xFFFFF086  }
0x25: {  	[simem:s6], [sflag:s4] =	dma.local [hbm:s3], $0xF7A  }
0x26: {  	[smem:$0x3F8D] =	sst s1;
	(tag) =	ssettag s2;
	_ =	strace s9  }
0x27: {  	s1 =	sld [smem:$0x3F9D]  }
0x28: {  	s2 =	sld [smem:$0x3F9E]  }
0x29: {  	s4 =	sld [smem:$0x3FA0]  }
0x2a: {  	p0 =	seq.s32 s5, $0x0;
	s5 =	sld [smem:$0x3FA1]  }
0x2b: {  	s6 =	sld [smem:$0x3FA2]  }
0x2c: {  	s7 =	sld [smem:$0x3FA3]  }
0x2d: {  	s3 =	simm.s32 $0x108;
	s8 =	sld [smem:$0x3FA4]  }
0x2e: {  	s3 =	simm.s32 @!p0 $0x1082;
	s9 =	sld [smem:$0x3FA5]  }
0x2f: {  	lr =	sadd.s32 s0, s3;
	s0 =	sld [smem:$0x3F9C]  }
0x30: {  	s3 =	sld [smem:$0x3F9F]  }
0x31: {  	[smem:$0x3FA8] =	sst s10  }
0x32: {  	s10 =	sld [smem:$0x3FA6];
	_ =	sdelay $0x3  }
0x33: {  	p0 =	seq.s32 s10, $0x1;
	s10 =	sld [smem:$0x3FA8];
	_ =	sdelay $0x3  }
0x34: {  	[smem:$0x3FA8] =	sst s10  }
0x35: {  	s10 =	sld [smem:$0x3FA7];
	_ =	sdelay $0x3  }
0x36: {  	p1 =	seq.s32 s10, $0x1;
	s10 =	sld [smem:$0x3FA8];
	_ =	sdelay $0x3  }
0x37: {  	[smem:$0x3FA8] =	sst s10  }
0x38: {  	s10 =	sld [smem:$0x3FA9]  }
0x39: {  	_ = 	snop;
	(pc) =	sbr.ind lr, $3  }
0x3a: {  	_ = 	snop  }
0x3b: {  	_ = 	snop  }
0x3c: {  	p2 =	seq.s32 s10, $0x1;
	s10 =	sld [smem:$0x3FA8]  }
0x3d: {  	_ =	shalt  }
0x3e: {  	_ =	shalt  }
0x3f: {  	_ =	shalt  }
0x40: {  	_ =	shalt  }
0x41: {  	_ =	shalt  }
0x42: {  	_ =	shalt  }
0x43: {  	_ =	shalt  }
0x44: {  	_ =	shalt  }
0x45: {  	_ =	shalt  }
0x46: {  	_ =	shalt  }
0x47: {  	_ =	shalt  }
0x48: {  	_ =	shalt  }
0x49: {  	_ =	shalt  }
0x4a: {  	_ =	shalt  }
0x4b: {  	_ =	shalt  }
0x4c: {  	_ =	shalt  }
0x4d: {  	_ =	shalt  }
0x4e: {  	_ =	shalt  }
0x4f: {  	_ =	shalt  }
0x50: {  	_ =	shalt  }
0x51: {  	_ =	shalt  }
0x52: {  	_ =	shalt  }
0x53: {  	_ =	shalt  }
0x54: {  	_ =	shalt  }
0x55: {  	_ =	shalt  }
0x56: {  	_ =	shalt  }
0x57: {  	_ =	shalt  }
0x58: {  	_ =	shalt  }
0x59: {  	_ =	shalt  }
0x5a: {  	_ =	shalt  }
0x5b: {  	_ =	shalt  }
0x5c: {  	_ =	shalt  }
0x5d: {  	_ =	shalt  }
0x5e: {  	_ =	shalt  }
0x5f: {  	_ =	shalt  }
0x60: {  	_ =	shalt  }
0x61: {  	_ =	shalt  }
0x62: {  	_ =	shalt  }
0x63: {  	_ =	shalt  }
0x64: {  	_ =	shalt  }
0x65: {  	_ =	shalt  }
0x66: {  	_ =	shalt  }
0x67: {  	_ =	shalt  }
0x68: {  	_ =	shalt  }
0x69: {  	_ =	shalt  }
0x6a: {  	_ =	shalt  }
0x6b: {  	_ =	shalt  }
0x6c: {  	_ =	shalt  }
0x6d: {  	_ =	shalt  }
0x6e: {  	_ =	shalt  }
0x6f: {  	_ =	shalt  }
0x70: {  	_ =	shalt  }
0x71: {  	_ =	shalt  }
0x72: {  	_ =	shalt  }
0x73: {  	_ =	shalt  }
0x74: {  	_ =	shalt  }
0x75: {  	_ =	shalt  }
0x76: {  	_ =	shalt  }
0x77: {  	_ =	shalt  }
0x78: {  	_ =	shalt  }
0x79: {  	_ =	shalt  }
0x7a: {  	_ =	shalt  }
0x7b: {  	_ =	shalt  }
0x7c: {  	_ =	shalt  }
0x7d: {  	_ =	shalt  }
0x7e: {  	_ =	shalt  }
0x7f: {  	_ =	shalt  }
0x80: {  	_ =	shalt  }
0x81: {  	_ =	shalt  }
0x82: {  	_ =	shalt  }
0x83: {  	_ =	shalt  }
0x84: {  	_ =	shalt  }
0x85: {  	_ =	shalt  }
0x86: {  	_ =	shalt  }
0x87: {  	_ =	shalt  }
.Lfunc_end0:
.L_simem_size_0:
called_computation_lowered:
.L_overlay_start_0:
0x88: {  	s2 =	sld [smem:$0x3FD9]  }
0x89: {  	s3 =	sld [smem:$0x3FFE];
	_ =	sdelay $0x1  }
0x8a: {  	s1 =	srdreg.scid  }
0x8b: {  	s0 =	sand.u32 $0x1, s1  }
0x8c: {  	s16 =	sshll.u32 s0, $0xA;
	s2 =	sadd.s32 s3, s2  }
0x8d: {  	s2 =	sadd.s32 s2, s16  }
0x8e: {  	[smem:$0x3FB4] =	sst s2  }
0x8f: {  	_ = 	snop  }
0x90: {  	(tm) =	ssettm $0x1  }
0x91: {  	s17 =	sld [smem:$0x3FFB];
	_ =	sdelay $0x3  }
0x92: {  	_ =	strace s17  }
0x93: {  	s2 =	sld [smem:$0x3FFC];
	_ =	sdelay $0x3  }
0x94: {  	_ =	strace s2  }
0x95: {  	s2 =	sld [smem:$0x3FFD];
	_ =	sdelay $0x3  }
0x96: {  	_ =	strace s2  }
0x97: {  	_ =	strace $0x8FFFFFFF  }
0x98: {  	s18 =	sld [smem:$0x3FDB];
	_ =	sdelay $0x1  }
0x99: {  	s19 =	simm.s32 $_scs_section_size  }
0x9a: {  	s4 =	simm.s32 $_size__tile_overlayer_lowered;
	s5 =	simm.s32 $_tile_overlayer_lowered  }
0x9b: {  	s22 =	simm.s32 $0x1BFF;
	s21 =	sshll.u32 s5, $0x1;
	s2 =	sadd.s32 s19, s18  }
0x9c: {  	s6 =	simm.s32 $0x0;
	s20 =	sshll.u32 s4, $0x1;
	s4 =	sadd.s32 s21, s2  }
0x9d: {  	[timem:s6], [sflag:s22] =	dma.local [hbm:s4], s20  }
0x9e: {  	_ =	swait.ge [sflag:s22], s20  }
0x9f: {  	s3 =	ssub.s32 $0x0, s20;
	[sflag:s22] =	ssyncset.done $0x0  }
0xa0: {  	[sflag:s22] =	ssyncadd.s32 s3;
	_ =	sdelay $0x1  }
0xa1: {  	s23 =	simm.s32 $0x1B8B  }
0xa2: {  	_ =	swait.ge [sflag:s23], $0x1  }
0xa3: {  	[sflag:s23] =	ssyncset.done $0x0  }
0xa4: {  	s25 =	simm.s32 $0x1B8E;
	s24 =	sld [smem:$0x3FFE];
	[sflag:s23] =	ssyncadd.s32 $0xFFFFFFFF  }
0xa5: {  	s26 =	simm.s32 $execute0_lowered;
	[smem:$0x3FD2] =	sst s25  }
0xa6: {  	s4 =	sshll.u32 s26, $0x1;
	_ =	strace $0x80000046;
	[dreg:$0x1] =	wrdreg $0xFFFFFFFF  }
0xa7: {  	s28 =	simm.s32 $_size_execute0_lowered;
	s2 =	sadd.s32 s2, s4;
	[dreg:$0x0] =	wrdreg $0x0  }
0xa8: {  	s4 =	sshll.u32 s28, $0x1;
	[dreg:$0x2] =	wrdreg s2  }
0xa9: {  	[dreg:$0x3] =	wrdreg s4  }
0xaa: {  	[dreg:$0x4] =	wrdreg $0xC0  }
0xab: {  	_ =	task [dreg:s6], $0x5FFFF  }
0xac: {  	[dreg:$0x1] =	wrdreg $0xFFFFFFFF  }
0xad: {  	[dreg:$0x0] =	wrdreg $0x60  }
0xae: {  	[dreg:$0x2] =	wrdreg s24  }
0xaf: {  	[dreg:$0x3] =	wrdreg $0xD0000  }
0xb0: {  	[dreg:$0x4] =	wrdreg $0x9  }
0xb1: {  	_ =	task.clear_ibuf [dreg:s6], $0x5FFFF;
	_ =	strace $0x90000046  }
0xb2: {  	s29 =	simm.s32 $0x9;
	_ =	strace $0x80000048  }
0xb3: {  	_ =	swait.ge [sflag:s29], $0x1  }
0xb4: {  	[sflag:s29] =	ssyncadd.s32 $0xFFFFFFFF  }
0xb5: {  	_ =	strace $0x90000048  }
0xb6: {  	_ =	sfence  }
0xb7: {  	s30 =	sld [smem:$0x0];
	_ =	sdelay $0x2  }
0xb8: {  	s31 =	sshll.u32 s1, $0xD;
	s1 =	sshrl.u32 s1, $0x2  }
0xb9: {  	s3 =	sand.u32 $0x4000, s31;
	s1 =	sadd.s32 s1, s30  }
0xba: {  	s0 =	sor.u32 s3, s0;
	s1 =	sshll.u32 s1, $0x11  }
0xbb: {  	s0 =	sor.u32 s1, s0  }
0xbc: {  	s0 =	sadd.s32 $0x8F2B, s0  }
0xbd: {  	[sflag:s0] =	ssyncadd.remote.s32 $0x1  }
0xbe: {  	_ =	sfence.sel $0xFFFF  }
0xbf: {  	[dreg:$0x0] =	wrdreg $0xFFFFFFFF;
	(pc) =	sbr.abs _section_cstart, $3  }
0xc0: {  	[dreg:$0x1] =	wrdreg $0xFFFFFFFF  }
0xc1: {  	_ =	task.clear_ibuf [dreg:s6], $0x2FFFF;
	_ =	strace $0x9FFFFFFF  }
0xc2: {  	(tm) =	ssettm $0x7FFFFFFF  }
0xc3: {  	_ =	shalt  }
tec
execute0_lowered:
.L_overlay_start_1:
0x0: {  	(tag) =	ssettag $0x1  }
0x1: {  	s0 =	srdreg.scid  }
0x2: {  	s4 =	stileid.u32;
	s5 =	rddreg [dreg:$0x0]  }
0x3: {  	s2 =	rddreg [dreg:$0x1];
	s3 =	simm.s32 $0x0;
	s11 =	simm.s32 $0x9  }
0x4: {  	s12 =	simm.s32 $0x80;
	s13 =	simm.s32 $0x5000;
	s14 =	simm.s32 $0x6000  }
0x5: {  	s16 =	simm.s32 $0x7000;
	s18 =	simm.s32 $0x8000;
	s20 =	simm.s32 $0x9000  }
0x6: {  	s22 =	simm.s32 $0xA000;
	s24 =	simm.s32 $0xB000;
	s26 =	simm.s32 $0xC000  }
0x7: {  	s29 =	simm.s32 $0x1;
	s30 =	simm.s32 $0x2;
	s31 =	simm.s32 $0x3  }
0x8: {  	s15 =	simm.s32 $0x6;
	s17 =	simm.s32 $0x7;
	s19 =	simm.s32 $0x8  }
0x9: {  	s21 =	simm.s32 $0x0;
	s0 =	sand.u32 $0x1, s0;
	s7 =	smul.u32 $0x4F00, s4  }
0xa: {  	[smem:$0x7FF] =	sst s3;
	s1 =	sshll.u32 s0, $0x4;
	s6 =	smul.u32 $0x4F000, s0  }
0xb: {  	_ =	strace $0x80000047;
	s0 =	ssub.s32 $0x2, s0;
	s1 =	sor.u32 s4, s1  }
0xc: {  	s4 =	sadd.s32 $0x18E00, s5;
	s8 =	sshrl.u32 s7, $0x3;
	s1 =	smul.u32 $0x2800, s1  }
0xd: {  	s9 =	sshrl.u32 s0, $0x1;
	s6 =	sadd.s32 s7, s6;
	s8 =	sadd.s32 s8, s5  }
0xe: {  	s0 =	ssub.s32 s0, s9;
	s7 =	sadd.s32 s7, s2;
	s1 =	sshrl.u32 s1, $0x3  }
0xf: {  	s6 =	sshrl.u32 s6, $0x3;
	s8 =	sadd.s32 $0x22C00, s8;
	s1 =	sadd.s32 s1, s5  }
0x10: {  	s10 =	smax.u32 s0, $0x1;
	s0 =	simm.s32 $0x5;
	s28 =	sadd.s32 $0x4E00, s1  }
0x11: {  	s5 =	sadd.s32 s6, s5;
	s1 =	sadd.s32 $0xEE00, s1;
	[dreg:$0x3] =	wrdreg s28  }
0x12: {  	s9 =	sadd.s32 $0x2CA00, s5;
	[dreg:$0x4] =	wrdreg s1;
	s1 =	simm.s32 $0x4  }
.LBB2_1:
0x13: {  	s5 =	rddreg [dreg:$0x3]  }
0x14: {  	[tilespmem:s3], [sflag:$0x9] =	stream.linear.gather [hbm4b:s5+s3], $0x2800, $0x38;
	[tilespmem:$0x11F00] =	vst v63  }
0x15: {  	_ =	swait.ge [sflag:s11], $0x2800  }
0x16: {  	[sflag:s11] =	ssyncset.done $0x0  }
0x17: {  	[sflag:s11] =	ssyncadd.s32 $0xFFFFD800  }
0x18: {  	[tilespmem:s13], [sflag:$0x1] =	stream.indirect.gather [hbm4b:s4+s12], $0x20, s3, s12, $0xb8;
	[tilespmem:$0x11F00] =	vst v63  }
0x19: {  	_ = 	snop  }
0x1a: {  	[tilespmem:s14], [sflag:$0x2] =	stream.indirect.gather [hbm4b:s4+s12], $0x20, s12, s12, $0xb8;
	[tilespmem:$0x11F00] =	vst v63  }
0x1b: {  	s23 =	simm.s32 $0x100  }
0x1c: {  	[tilespmem:s16], [sflag:$0x3] =	stream.indirect.gather [hbm4b:s4+s12], $0x20, s23, s12, $0xb8;
	[tilespmem:$0x11F00] =	vst v63  }
0x1d: {  	s25 =	simm.s32 $0x180  }
0x1e: {  	[tilespmem:s18], [sflag:$0x4] =	stream.indirect.gather [hbm4b:s4+s12], $0x20, s25, s12, $0xb8;
	[tilespmem:$0x11F00] =	vst v63  }
0x1f: {  	s6 =	simm.s32 $0x200  }
0x20: {  	[tilespmem:s20], [sflag:$0x5] =	stream.indirect.gather [hbm4b:s4+s12], $0x20, s6, s12, $0xb8;
	[tilespmem:$0x11F00] =	vst v63  }
0x21: {  	s23 =	simm.s32 $0x280  }
0x22: {  	[tilespmem:s22], [sflag:$0x6] =	stream.indirect.gather [hbm4b:s4+s12], $0x20, s23, s12, $0xb8;
	[tilespmem:$0x11F00] =	vst v63  }
0x23: {  	s25 =	simm.s32 $0x300  }
0x24: {  	[tilespmem:s24], [sflag:$0x7] =	stream.indirect.gather [hbm4b:s4+s12], $0x20, s25, s12, $0xb8;
	[tilespmem:$0x11F00] =	vst v63  }
0x25: {  	s6 =	simm.s32 $0x380  }
0x26: {  	[tilespmem:s26], [sflag:$0x8] =	stream.indirect.gather [hbm4b:s4+s12], $0x20, s6, s12, $0xb8;
	[tilespmem:$0x11F00] =	vst v63  }
0x27: {  	s23 =	rddreg [dreg:$0x4];
	s6 =	simm.s32 $0x2800  }
0x28: {  	[tilespmem:s6], [sflag:$0x9] =	stream.linear.gather [hbm4b:s23+s3], $0x2800, $0x38;
	[tilespmem:$0x11F00] =	vst v63  }
0x29: {  	s25 =	stileid.u32;
	_ =	swait.ge [sflag:s11], $0x2800  }
0x2a: {  	s5 =	sshll.u32 s25, $0x6;
	[sflag:s11] =	ssyncset.done $0x0  }
0x2b: {  	s25 =	sshrl.u32 s7, $0x3;
	s23 =	sor.u32 $0x1C09, s5;
	[sflag:s11] =	ssyncadd.s32 $0xFFFFD800  }
0x2c: {  	[spmem:s25], [sflag:s23] =	dma.local [hbm:s8], $0x9E0  }
0x2d: {  	_ =	swait.ge [sflag:s11], $0x9E0  }
0x2e: {  	[sflag:s11] =	ssyncset.done $0x0  }
0x2f: {  	[sflag:s11] =	ssyncadd.s32 $0xFFFFF620  }
0x30: {  	[bflag:$0x0] =	sbarrier.arrive $0xFFFF  }
0x31: {  	_ =	swait.ge [sflag:s29], $0x1000  }
0x32: {  	[sflag:s29] =	ssyncset.done $0x0  }
0x33: {  	s6 =	simm.s32 $0x2800;
	[sflag:s29] =	ssyncadd.s32 $0xFFFFF000  }
0x34: {  	[spmem:s2] =	stream.indirect.scatter.add.f32 [tilespmem:s13], [sflag:$0x9], $0x20, s6, s12, $0xb8;
	[tilespmem:$0x11F00] =	vst v63  }
0x35: {  	_ =	swait.ge [sflag:s11], $0x1000  }
0x36: {  	[sflag:s11] =	ssyncset.done $0x0  }
0x37: {  	s6 =	simm.s32 $0x400;
	[sflag:s11] =	ssyncadd.s32 $0xFFFFF000  }
0x38: {  	[tilespmem:s13], [sflag:$0x1] =	stream.indirect.gather [hbm4b:s4+s12], $0x20, s6, s12, $0xb8;
	[tilespmem:$0x11F00] =	vst v63  }
0x39: {  	_ =	swait.ge [sflag:s30], $0x1000  }
0x3a: {  	[sflag:s30] =	ssyncset.done $0x0  }
0x3b: {  	s6 =	simm.s32 $0x2880;
	[sflag:s30] =	ssyncadd.s32 $0xFFFFF000  }
0x3c: {  	[spmem:s2] =	stream.indirect.scatter.add.f32 [tilespmem:s14], [sflag:$0x9], $0x20, s6, s12, $0xb8;
	[tilespmem:$0x11F00] =	vst v63  }
0x3d: {  	_ =	swait.ge [sflag:s11], $0x1000  }
0x3e: {  	[sflag:s11] =	ssyncset.done $0x0  }
0x3f: {  	s6 =	simm.s32 $0x480;
	[sflag:s11] =	ssyncadd.s32 $0xFFFFF000  }
0x40: {  	[tilespmem:s14], [sflag:$0x2] =	stream.indirect.gather [hbm4b:s4+s12], $0x20, s6, s12, $0xb8;
	[tilespmem:$0x11F00] =	vst v63  }
0x41: {  	_ =	swait.ge [sflag:s31], $0x1000  }
0x42: {  	[sflag:s31] =	ssyncset.done $0x0  }
0x43: {  	s6 =	simm.s32 $0x2900;
	[sflag:s31] =	ssyncadd.s32 $0xFFFFF000  }
0x44: {  	[spmem:s2] =	stream.indirect.scatter.add.f32 [tilespmem:s16], [sflag:$0x9], $0x20, s6, s12, $0xb8;
	[tilespmem:$0x11F00] =	vst v63  }
0x45: {  	_ =	swait.ge [sflag:s11], $0x1000  }
0x46: {  	[sflag:s11] =	ssyncset.done $0x0  }
0x47: {  	s6 =	simm.s32 $0x500;
	[sflag:s11] =	ssyncadd.s32 $0xFFFFF000  }
0x48: {  	[tilespmem:s16], [sflag:$0x3] =	stream.indirect.gather [hbm4b:s4+s12], $0x20, s6, s12, $0xb8;
	[tilespmem:$0x11F00] =	vst v63  }
0x49: {  	_ =	swait.ge [sflag:s1], $0x1000  }
0x4a: {  	[sflag:s1] =	ssyncset.done $0x0  }
0x4b: {  	s6 =	simm.s32 $0x2980;
	[sflag:s1] =	ssyncadd.s32 $0xFFFFF000  }
0x4c: {  	[spmem:s2] =	stream.indirect.scatter.add.f32 [tilespmem:s18], [sflag:$0x9], $0x20, s6, s12, $0xb8;
	[tilespmem:$0x11F00] =	vst v63  }
0x4d: {  	_ =	swait.ge [sflag:s11], $0x1000  }
0x4e: {  	[sflag:s11] =	ssyncset.done $0x0  }
0x4f: {  	s6 =	simm.s32 $0x580;
	[sflag:s11] =	ssyncadd.s32 $0xFFFFF000  }
0x50: {  	[tilespmem:s18], [sflag:$0x4] =	stream.indirect.gather [hbm4b:s4+s12], $0x20, s6, s12, $0xb8;
	[tilespmem:$0x11F00] =	vst v63  }
0x51: {  	_ =	swait.ge [sflag:s0], $0x1000  }
0x52: {  	[sflag:s0] =	ssyncset.done $0x0  }
0x53: {  	s6 =	simm.s32 $0x2A00;
	[sflag:s0] =	ssyncadd.s32 $0xFFFFF000  }
0x54: {  	[spmem:s2] =	stream.indirect.scatter.add.f32 [tilespmem:s20], [sflag:$0x9], $0x20, s6, s12, $0xb8;
	[tilespmem:$0x11F00] =	vst v63  }
0x55: {  	_ =	swait.ge [sflag:s11], $0x1000  }
0x56: {  	[sflag:s11] =	ssyncset.done $0x0  }
0x57: {  	s6 =	simm.s32 $0x600;
	[sflag:s11] =	ssyncadd.s32 $0xFFFFF000  }
0x58: {  	[tilespmem:s20], [sflag:$0x5] =	stream.indirect.gather [hbm4b:s4+s12], $0x20, s6, s12, $0xb8;
	[tilespmem:$0x11F00] =	vst v63  }
0x59: {  	_ =	swait.ge [sflag:s15], $0x1000  }
0x5a: {  	[sflag:s15] =	ssyncset.done $0x0  }
0x5b: {  	s6 =	simm.s32 $0x2A80;
	[sflag:s15] =	ssyncadd.s32 $0xFFFFF000  }
0x5c: {  	[spmem:s2] =	stream.indirect.scatter.add.f32 [tilespmem:s22], [sflag:$0x9], $0x20, s6, s12, $0xb8;
	[tilespmem:$0x11F00] =	vst v63  }
0x5d: {  	_ =	swait.ge [sflag:s11], $0x1000  }
0x5e: {  	[sflag:s11] =	ssyncset.done $0x0  }
0x5f: {  	s6 =	simm.s32 $0x680;
	[sflag:s11] =	ssyncadd.s32 $0xFFFFF000  }
0x60: {  	[tilespmem:s22], [sflag:$0x6] =	stream.indirect.gather [hbm4b:s4+s12], $0x20, s6, s12, $0xb8;
	[tilespmem:$0x11F00] =	vst v63  }
0x61: {  	_ =	swait.ge [sflag:s17], $0x1000  }
0x62: {  	[sflag:s17] =	ssyncset.done $0x0  }
0x63: {  	s6 =	simm.s32 $0x2B00;
	[sflag:s17] =	ssyncadd.s32 $0xFFFFF000  }
0x64: {  	[spmem:s2] =	stream.indirect.scatter.add.f32 [tilespmem:s24], [sflag:$0x9], $0x20, s6, s12, $0xb8;
	[tilespmem:$0x11F00] =	vst v63  }
0x65: {  	_ =	swait.ge [sflag:s11], $0x1000  }
0x66: {  	[sflag:s11] =	ssyncset.done $0x0  }
0x67: {  	s6 =	simm.s32 $0x700;
	[sflag:s11] =	ssyncadd.s32 $0xFFFFF000  }
0x68: {  	[tilespmem:s24], [sflag:$0x7] =	stream.indirect.gather [hbm4b:s4+s12], $0x20, s6, s12, $0xb8;
	[tilespmem:$0x11F00] =	vst v63  }
0x69: {  	_ =	swait.ge [sflag:s19], $0x1000  }
0x6a: {  	[sflag:s19] =	ssyncset.done $0x0  }
0x6b: {  	s6 =	simm.s32 $0x2B80;
	[sflag:s19] =	ssyncadd.s32 $0xFFFFF000  }
0x6c: {  	[spmem:s2] =	stream.indirect.scatter.add.f32 [tilespmem:s26], [sflag:$0x9], $0x20, s6, s12, $0xb8;
	[tilespmem:$0x11F00] =	vst v63  }
0x6d: {  	_ =	swait.ge [sflag:s11], $0x1000  }
0x6e: {  	[sflag:s11] =	ssyncset.done $0x0  }
0x6f: {  	s28 =	simm.s32 $0x1000;
	s5 =	simm.s32 $0x780;
	[sflag:s11] =	ssyncadd.s32 $0xFFFFF000  }
.LBB2_2:
0x70: {  	[tilespmem:s26], [sflag:$0x8] =	stream.indirect.gather [hbm4b:s4+s12], $0x20, s5, s12, $0xb8;
	[tilespmem:$0x11F00] =	vst v63  }
0x71: {  	s5 =	smov.u32 s28  }
0x72: {  	p0 =	sne.s32 s28, $0x8000;
	s28 =	sadd.s32 $0x1000, s28;
	_ =	swait.ge [sflag:s29], $0x1000  }
0x73: {  	s5 =	sshra.s32 s5, $0x2;
	[sflag:s29] =	ssyncset.done $0x0  }
0x74: {  	s6 =	sadd.s32 $0x2800, s5;
	[sflag:s29] =	ssyncadd.s32 $0xFFFFF000  }
0x75: {  	[spmem:s2] =	stream.indirect.scatter.add.f32 [tilespmem:s13], [sflag:$0x9], $0x20, s6, s12, $0xb8;
	[tilespmem:$0x11F00] =	vst v63  }
0x76: {  	_ =	swait.ge [sflag:s11], $0x1000  }
0x77: {  	[sflag:s11] =	ssyncset.done $0x0  }
0x78: {  	s6 =	sadd.s32 $0x400, s5;
	[sflag:s11] =	ssyncadd.s32 $0xFFFFF000  }
0x79: {  	[tilespmem:s13], [sflag:$0x1] =	stream.indirect.gather [hbm4b:s4+s12], $0x20, s6, s12, $0xb8;
	[tilespmem:$0x11F00] =	vst v63  }
0x7a: {  	_ =	swait.ge [sflag:s30], $0x1000  }
0x7b: {  	[sflag:s30] =	ssyncset.done $0x0  }
0x7c: {  	s6 =	sadd.s32 $0x2880, s5;
	[sflag:s30] =	ssyncadd.s32 $0xFFFFF000  }
0x7d: {  	[spmem:s2] =	stream.indirect.scatter.add.f32 [tilespmem:s14], [sflag:$0x9], $0x20, s6, s12, $0xb8;
	[tilespmem:$0x11F00] =	vst v63  }
0x7e: {  	_ =	swait.ge [sflag:s11], $0x1000  }
0x7f: {  	[sflag:s11] =	ssyncset.done $0x0  }
0x80: {  	s6 =	sadd.s32 $0x480, s5;
	[sflag:s11] =	ssyncadd.s32 $0xFFFFF000  }
0x81: {  	[tilespmem:s14], [sflag:$0x2] =	stream.indirect.gather [hbm4b:s4+s12], $0x20, s6, s12, $0xb8;
	[tilespmem:$0x11F00] =	vst v63  }
0x82: {  	_ =	swait.ge [sflag:s31], $0x1000  }
0x83: {  	[sflag:s31] =	ssyncset.done $0x0  }
0x84: {  	s6 =	sadd.s32 $0x2900, s5;
	[sflag:s31] =	ssyncadd.s32 $0xFFFFF000  }
0x85: {  	[spmem:s2] =	stream.indirect.scatter.add.f32 [tilespmem:s16], [sflag:$0x9], $0x20, s6, s12, $0xb8;
	[tilespmem:$0x11F00] =	vst v63  }
0x86: {  	_ =	swait.ge [sflag:s11], $0x1000  }
0x87: {  	[sflag:s11] =	ssyncset.done $0x0  }
0x88: {  	s6 =	sadd.s32 $0x500, s5;
	[sflag:s11] =	ssyncadd.s32 $0xFFFFF000  }
0x89: {  	[tilespmem:s16], [sflag:$0x3] =	stream.indirect.gather [hbm4b:s4+s12], $0x20, s6, s12, $0xb8;
	[tilespmem:$0x11F00] =	vst v63  }
0x8a: {  	_ =	swait.ge [sflag:s1], $0x1000  }
0x8b: {  	[sflag:s1] =	ssyncset.done $0x0  }
0x8c: {  	s6 =	sadd.s32 $0x2980, s5;
	[sflag:s1] =	ssyncadd.s32 $0xFFFFF000  }
0x8d: {  	[spmem:s2] =	stream.indirect.scatter.add.f32 [tilespmem:s18], [sflag:$0x9], $0x20, s6, s12, $0xb8;
	[tilespmem:$0x11F00] =	vst v63  }
0x8e: {  	_ =	swait.ge [sflag:s11], $0x1000  }
0x8f: {  	[sflag:s11] =	ssyncset.done $0x0  }
0x90: {  	s6 =	sadd.s32 $0x580, s5;
	[sflag:s11] =	ssyncadd.s32 $0xFFFFF000  }
0x91: {  	[tilespmem:s18], [sflag:$0x4] =	stream.indirect.gather [hbm4b:s4+s12], $0x20, s6, s12, $0xb8;
	[tilespmem:$0x11F00] =	vst v63  }
0x92: {  	_ =	swait.ge [sflag:s0], $0x1000  }
0x93: {  	[sflag:s0] =	ssyncset.done $0x0  }
0x94: {  	s6 =	sadd.s32 $0x2A00, s5;
	[sflag:s0] =	ssyncadd.s32 $0xFFFFF000  }
0x95: {  	[spmem:s2] =	stream.indirect.scatter.add.f32 [tilespmem:s20], [sflag:$0x9], $0x20, s6, s12, $0xb8;
	[tilespmem:$0x11F00] =	vst v63  }
0x96: {  	_ =	swait.ge [sflag:s11], $0x1000  }
0x97: {  	[sflag:s11] =	ssyncset.done $0x0  }
0x98: {  	s6 =	sadd.s32 $0x600, s5;
	[sflag:s11] =	ssyncadd.s32 $0xFFFFF000  }
0x99: {  	[tilespmem:s20], [sflag:$0x5] =	stream.indirect.gather [hbm4b:s4+s12], $0x20, s6, s12, $0xb8;
	[tilespmem:$0x11F00] =	vst v63  }
0x9a: {  	_ =	swait.ge [sflag:s15], $0x1000  }
0x9b: {  	[sflag:s15] =	ssyncset.done $0x0  }
0x9c: {  	s6 =	sadd.s32 $0x2A80, s5;
	[sflag:s15] =	ssyncadd.s32 $0xFFFFF000  }
0x9d: {  	[spmem:s2] =	stream.indirect.scatter.add.f32 [tilespmem:s22], [sflag:$0x9], $0x20, s6, s12, $0xb8;
	[tilespmem:$0x11F00] =	vst v63  }
0x9e: {  	_ =	swait.ge [sflag:s11], $0x1000  }
0x9f: {  	[sflag:s11] =	ssyncset.done $0x0  }
0xa0: {  	s6 =	sadd.s32 $0x680, s5;
	[sflag:s11] =	ssyncadd.s32 $0xFFFFF000  }
0xa1: {  	[tilespmem:s22], [sflag:$0x6] =	stream.indirect.gather [hbm4b:s4+s12], $0x20, s6, s12, $0xb8;
	[tilespmem:$0x11F00] =	vst v63  }
0xa2: {  	_ =	swait.ge [sflag:s17], $0x1000  }
0xa3: {  	[sflag:s17] =	ssyncset.done $0x0  }
0xa4: {  	s6 =	sadd.s32 $0x2B00, s5;
	[sflag:s17] =	ssyncadd.s32 $0xFFFFF000  }
0xa5: {  	[spmem:s2] =	stream.indirect.scatter.add.f32 [tilespmem:s24], [sflag:$0x9], $0x20, s6, s12, $0xb8;
	[tilespmem:$0x11F00] =	vst v63  }
0xa6: {  	_ =	swait.ge [sflag:s11], $0x1000  }
0xa7: {  	[sflag:s11] =	ssyncset.done $0x0  }
0xa8: {  	s6 =	sadd.s32 $0x700, s5;
	[sflag:s11] =	ssyncadd.s32 $0xFFFFF000  }
0xa9: {  	[tilespmem:s24], [sflag:$0x7] =	stream.indirect.gather [hbm4b:s4+s12], $0x20, s6, s12, $0xb8;
	[tilespmem:$0x11F00] =	vst v63  }
0xaa: {  	_ =	swait.ge [sflag:s19], $0x1000  }
0xab: {  	[sflag:s19] =	ssyncset.done $0x0  }
.Ltmp0:
0xac: {  	s6 =	sadd.s32 $0x2B80, s5;
	[sflag:s19] =	ssyncadd.s32 $0xFFFFF000;
	(pc) =	sbr.rel @p0 .LBB2_2-.Ltmp0, $4  }
0xad: {  	[spmem:s2] =	stream.indirect.scatter.add.f32 [tilespmem:s26], [sflag:$0x9], $0x20, s6, s12, $0xb8;
	[tilespmem:$0x11F00] =	vst v63  }
0xae: {  	_ =	swait.ge [sflag:s11], $0x1000  }
0xaf: {  	[sflag:s11] =	ssyncset.done $0x0  }
0xb0: {  	s5 =	sadd.s32 $0x780, s5;
	[sflag:s11] =	ssyncadd.s32 $0xFFFFF000  }
0xb1: {  	[tilespmem:s26], [sflag:$0x8] =	stream.indirect.gather [hbm4b:s4+s12], $0x20, s5, s12, $0xb8;
	[tilespmem:$0x11F00] =	vst v63  }
0xb2: {  	_ =	swait.ge [sflag:s29], $0x1000  }
0xb3: {  	[sflag:s29] =	ssyncset.done $0x0  }
0xb4: {  	s6 =	simm.s32 $0x4C00;
	[sflag:s29] =	ssyncadd.s32 $0xFFFFF000  }
0xb5: {  	[spmem:s2] =	stream.indirect.scatter.add.f32 [tilespmem:s13], [sflag:$0x9], $0x20, s6, s12, $0xb8;
	[tilespmem:$0x11F00] =	vst v63  }
0xb6: {  	_ =	swait.ge [sflag:s11], $0x1000  }
0xb7: {  	[sflag:s11] =	ssyncset.done $0x0  }
0xb8: {  	[sflag:s11] =	ssyncadd.s32 $0xFFFFF000  }
0xb9: {  	_ =	swait.ge [sflag:s30], $0x1000  }
0xba: {  	[sflag:s30] =	ssyncset.done $0x0  }
0xbb: {  	s28 =	simm.s32 $0x4C80;
	[sflag:s30] =	ssyncadd.s32 $0xFFFFF000  }
0xbc: {  	[spmem:s2] =	stream.indirect.scatter.add.f32 [tilespmem:s14], [sflag:$0x9], $0x20, s28, s12, $0xb8;
	[tilespmem:$0x11F00] =	vst v63  }
0xbd: {  	_ =	swait.ge [sflag:s11], $0x1000  }
0xbe: {  	[sflag:s11] =	ssyncset.done $0x0  }
0xbf: {  	[sflag:s11] =	ssyncadd.s32 $0xFFFFF000  }
0xc0: {  	_ =	swait.ge [sflag:s31], $0x1000  }
0xc1: {  	[sflag:s31] =	ssyncset.done $0x0  }
0xc2: {  	s6 =	simm.s32 $0x4D00;
	[sflag:s31] =	ssyncadd.s32 $0xFFFFF000  }
0xc3: {  	[spmem:s2] =	stream.indirect.scatter.add.f32 [tilespmem:s16], [sflag:$0x9], $0x20, s6, s12, $0xb8;
	[tilespmem:$0x11F00] =	vst v63  }
0xc4: {  	_ =	swait.ge [sflag:s11], $0x1000  }
0xc5: {  	[sflag:s11] =	ssyncset.done $0x0  }
0xc6: {  	[sflag:s11] =	ssyncadd.s32 $0xFFFFF000  }
0xc7: {  	_ =	swait.ge [sflag:s1], $0x1000  }
0xc8: {  	[sflag:s1] =	ssyncset.done $0x0  }
0xc9: {  	s28 =	simm.s32 $0x4D80;
	[sflag:s1] =	ssyncadd.s32 $0xFFFFF000  }
0xca: {  	[spmem:s2] =	stream.indirect.scatter.add.f32 [tilespmem:s18], [sflag:$0x9], $0x20, s28, s12, $0xb8;
	[tilespmem:$0x11F00] =	vst v63  }
0xcb: {  	_ =	swait.ge [sflag:s11], $0x1000  }
0xcc: {  	[sflag:s11] =	ssyncset.done $0x0  }
0xcd: {  	[sflag:s11] =	ssyncadd.s32 $0xFFFFF000  }
0xce: {  	_ =	swait.ge [sflag:s0], $0x1000  }
0xcf: {  	[sflag:s0] =	ssyncset.done $0x0  }
0xd0: {  	s6 =	simm.s32 $0x4E00;
	[sflag:s0] =	ssyncadd.s32 $0xFFFFF000  }
0xd1: {  	[spmem:s2] =	stream.indirect.scatter.add.f32 [tilespmem:s20], [sflag:$0x9], $0x20, s6, s12, $0xb8;
	[tilespmem:$0x11F00] =	vst v63  }
0xd2: {  	_ =	swait.ge [sflag:s11], $0x1000  }
0xd3: {  	[sflag:s11] =	ssyncset.done $0x0  }
0xd4: {  	[sflag:s11] =	ssyncadd.s32 $0xFFFFF000  }
0xd5: {  	_ =	swait.ge [sflag:s15], $0x1000  }
0xd6: {  	[sflag:s15] =	ssyncset.done $0x0  }
0xd7: {  	s28 =	simm.s32 $0x4E80;
	[sflag:s15] =	ssyncadd.s32 $0xFFFFF000  }
0xd8: {  	[spmem:s2] =	stream.indirect.scatter.add.f32 [tilespmem:s22], [sflag:$0x9], $0x20, s28, s12, $0xb8;
	[tilespmem:$0x11F00] =	vst v63  }
0xd9: {  	_ =	swait.ge [sflag:s11], $0x1000  }
0xda: {  	[sflag:s11] =	ssyncset.done $0x0  }
0xdb: {  	[sflag:s11] =	ssyncadd.s32 $0xFFFFF000  }
0xdc: {  	_ =	swait.ge [sflag:s17], $0x1000  }
0xdd: {  	[sflag:s17] =	ssyncset.done $0x0  }
0xde: {  	s6 =	simm.s32 $0x4F00;
	[sflag:s17] =	ssyncadd.s32 $0xFFFFF000  }
0xdf: {  	[spmem:s2] =	stream.indirect.scatter.add.f32 [tilespmem:s24], [sflag:$0x9], $0x20, s6, s12, $0xb8;
	[tilespmem:$0x11F00] =	vst v63  }
0xe0: {  	_ =	swait.ge [sflag:s11], $0x1000  }
0xe1: {  	[sflag:s11] =	ssyncset.done $0x0  }
0xe2: {  	[sflag:s11] =	ssyncadd.s32 $0xFFFFF000  }
0xe3: {  	_ =	swait.ge [sflag:s19], $0x1000  }
0xe4: {  	[sflag:s19] =	ssyncset.done $0x0  }
0xe5: {  	s28 =	simm.s32 $0x4F80;
	[sflag:s19] =	ssyncadd.s32 $0xFFFFF000  }
0xe6: {  	[spmem:s2] =	stream.indirect.scatter.add.f32 [tilespmem:s26], [sflag:$0x9], $0x20, s28, s12, $0xb8;
	[tilespmem:$0x11F00] =	vst v63  }
0xe7: {  	_ =	swait.ge [sflag:s11], $0x1000  }
0xe8: {  	s21 =	sadd.s32 $0x1, s21;
	[sflag:s11] =	ssyncset.done $0x0  }
0xe9: {  	p0 =	sne.s32 s21, s10;
	[sflag:s11] =	ssyncadd.s32 $0xFFFFF000  }
.Ltmp1:
0xea: {  	[bflag:$0x0] =	sbarrier.arrive $0xFFFF;
	(pc) =	sbr.rel @p0 .LBB2_1-.Ltmp1, $4  }
0xeb: {  	[hbm:s9], [sflag:s23] =	dma.local [spmem:s25], $0x9E0  }
0xec: {  	_ =	swait.ge [sflag:s11], $0x9E0  }
0xed: {  	[sflag:s11] =	ssyncset.done $0x0  }
0xee: {  	[sflag:s11] =	ssyncadd.s32 $0xFFFFF620  }
0xef: {  	_ =	sfence.sel $0x180000  }
0xf0: {  	[bflag:$0x0] =	sbarrier.arrive $0xFFFF  }
0xf1: {  	_ =	strace $0x90000047  }
0xf2: {  	s0 =	stileid.u32;
	[bflag:$0x2] =	sbarrier.arrive $0xFFFF  }
0xf3: {  	p0 =	sne.s32 s0, $0x0;
	s0 =	rddreg [dreg:$0x2]  }
0xf4: {  	s0 =	sadd.s32 @!p0 $0x100000, s0  }
0xf5: {  	[sflag:s0] =	ssyncadd.tile.s32 @!p0 $0x1;
	_ =	shalt  }
.Lfunc_end2:
_tile_overlayer_lowered:
.L_overlay_start_2:
0xf6: {  	(tag) =	ssettag $0x2  }
0xf7: {  	s0 =	rddreg [dreg:$0x0];
	s2 =	stileid.u32  }
0xf8: {  	s1 =	rddreg [dreg:$0x1];
	p0 =	sne.s32 s2, $0x0  }
0xf9: {  	s3 =	rddreg [dreg:$0x2];
	[bflag:$0x3] =	sbarrier.arrive $0xFFFF;
	s2 =	simm.s32 @!p0 $0x1C09  }
0xfa: {  	[timem:s3], [sflag:s2] =	dma.local @!p0 [hbm:s0], s1  }
0xfb: {  	s0 =	simm.s32 @!p0 $0x9  }
0xfc: {  	_ =	swait.ge @!p0 [sflag:s0], s1  }
0xfd: {  	s1 =	ssub.s32 @!p0 $0x0, s1;
	[sflag:s0] =	ssyncset.done @!p0 $0x0  }
0xfe: {  	[sflag:s0] =	ssyncadd.s32 @!p0 s1  }
0xff: {  	[bflag:$0x3] =	sbarrier.arrive $0xFFFF  }
0x100: {  	_ =	shalt  }

</sc_bundles>
